<compile_context>
chip_gen: v7x
topology: tpu7x:2x2x1
jax: 0.10.2.dev20260603
libtpu: 0.0.44.dev20260713+nightly
codegen_flags: <defaults>
</compile_context>

<pallas_src>
import functools

import jax
import jax.numpy as jnp
from jax import lax
from jax.experimental import pallas as pl
from jax.experimental.pallas import tpu as pltpu
from jax.experimental.pallas import tpu_sc as plsc

_B = 16
_N = 20000
_L = 12
_HALF = _N // 2
_STEPS = _HALF // 16

_UNROLL = 5
_NUM_NEG_RATIO = 3
_UPPER_CONF = 0.8
_LOWER_CONF = 0.3
_UPPER_IOU = 0.5
_LOWER_IOU = 0.35
_REG_COEFF = 1.0
_MAX_NUM_OBJS = 10

_REC = 144


def _splat(v, dtype=jnp.int32):
    return jnp.full((16,), v, dtype)


def _sc_body(outs_hbm, labels_hbm, outf_hbm, cx_s, cy_s, w_s, h_s, lg_s,
             cxc, cyc, wc, hc, lgc, flgc, flgt, slotlog, outv, labv, dsem,
             dsem2):
    img = lax.axis_index("s")
    half = lax.axis_index("c")
    sl = pl.ds(half * _HALF, _HALF)
    cp_lg = pltpu.async_copy(outs_hbm.at[4, img, sl], lg_s, dsem2)
    cps = [
        pltpu.async_copy(outs_hbm.at[0, img, sl], cx_s, dsem),
        pltpu.async_copy(outs_hbm.at[1, img, sl], cy_s, dsem),
        pltpu.async_copy(outs_hbm.at[2, img, sl], w_s, dsem),
        pltpu.async_copy(outs_hbm.at[3, img, sl], h_s, dsem),
    ]
    pltpu.sync_copy(labels_hbm.at[img], labv)
    cp_lg.wait()

    iot = lax.iota(jnp.int32, 16)
    zeros16 = jnp.zeros((16,), jnp.float32)
    for r in range(9):
        outv[pl.ds(r * 16, 16)] = zeros16

    fill = lg_s[pl.ds(_HALF - 16, 16)][15]
    slotlog[...] = jnp.full((16,), fill)

    def p0a(t, _):
        b0 = t * (16 * _UNROLL)
        for u in range(_UNROLL):
            b = b0 + u * 16
            lg = lg_s[pl.ds(b, 16)]
            conf = 1.0 / (1.0 + jnp.exp(-lg))
            up = conf > _UPPER_CONF
            low = conf < _LOWER_CONF
            flgt[pl.ds(b, 16)] = (
                up.astype(jnp.int32) + 2 * low.astype(jnp.int32)
            )
        return 0

    lax.fori_loop(0, _STEPS // _UNROLL, p0a, 0)
    for cp in cps:
        cp.wait()

    def p0b(t, carry):
        cu, ck = carry
        b0 = t * (16 * _UNROLL)
        for u in range(_UNROLL):
            b = b0 + u * 16
            src = pl.ds(b, 16)
            fl = flgt[src]
            sel = fl != 0
            dst = pl.ds(ck, 16)
            plsc.store_compressed(cxc.at[dst], cx_s[src], mask=sel)
            plsc.store_compressed(cyc.at[dst], cy_s[src], mask=sel)
            plsc.store_compressed(wc.at[dst], w_s[src], mask=sel)
            plsc.store_compressed(hc.at[dst], h_s[src], mask=sel)
            plsc.store_compressed(lgc.at[dst], lg_s[src], mask=sel)
            plsc.store_compressed(flgc.at[dst], fl, mask=sel)
            cu = cu + plsc.all_reduce_population_count((fl & 1) != 0)[0]
            ck = ck + plsc.all_reduce_population_count(sel)[0]
        return cu, ck

    cu, ck = lax.fori_loop(
        0, _STEPS // _UNROLL, p0b, (jnp.int32(0), jnp.int32(0))
    )
    zpad = pl.ds(ck, 16)
    cxc[zpad] = zeros16
    cyc[zpad] = zeros16
    wc[zpad] = zeros16
    hc[zpad] = zeros16
    lgc[zpad] = zeros16
    flgc[zpad] = jnp.zeros((16,), jnp.int32)
    nblk = (ck + 15) >> 4

    def bcond(st):
        t, cnt = st
        return (t < nblk) & (cnt < 12)

    def bbody(st):
        t, cnt = st
        fl = flgc[pl.ds(t * 16, 16)]
        lowm = (fl & 2) != 0
        li = lowm.astype(jnp.int32)
        cs = plsc.cumsum(li)
        rr = (cnt - li) + cs
        scm = lowm & (rr < 12)
        lgv = lgc[pl.ds(t * 16, 16)]
        plsc.store_scatter(slotlog, [jnp.minimum(rr, 15)], lgv, mask=scm)
        return t + 1, cnt + plsc.all_reduce_population_count(lowm)[0]

    _, cl = lax.while_loop(bcond, bbody, (jnp.int32(0), jnp.int32(0)))
    cl = jnp.minimum(cl, jnp.int32(12))

    l12 = jnp.minimum(iot, 11)
    lbx = plsc.load_gather(labv, [l12, _splat(0)])
    lby = plsc.load_gather(labv, [l12, _splat(1)])
    lbw = plsc.load_gather(labv, [l12, _splat(2)])
    lbh = plsc.load_gather(labv, [l12, _splat(3)])
    bxlov = lbx - lbw * 0.5
    bxhiv = lbx + lbw * 0.5
    bylov = lby - lbh * 0.5
    byhiv = lby + lbh * 0.5
    bav = lbw * lbh

    zlane = (lbh == 0.0) & (iot < _L)
    last_idx = jnp.min(jnp.where(zlane, iot, jnp.int32(_L)))
    nlab = jnp.where(last_idx <= _MAX_NUM_OBJS, last_idx, jnp.int32(0))

    def _label_iou(j, b, iot_, xlo, xhi, ylo, yhi, ar, upm, lom, m, g, ml):
        tlx = jnp.maximum(xlo, bxlov[j])
        brx = jnp.minimum(xhi, bxhiv[j])
        tly = jnp.maximum(ylo, bylov[j])
        bry = jnp.minimum(yhi, byhiv[j])
        en = (tlx < brx) & (tly < bry)
        inter = jnp.where(en, (brx - tlx) * (bry - tly), 0.0)
        iou = inter / ((ar + bav[j]) - inter)
        iu = jnp.where(upm, iou, -1.0)
        il = jnp.where(lom, iou, -1.0)
        upd = iu > m
        return (
            jnp.where(upd, iu, m),
            jnp.where(upd, b + iot_, g),
            jnp.maximum(ml, il),
        )

    def _emit_row(j, m, g, ml):
        mstar = jnp.max(m)
        gstar = jnp.min(jnp.where(m == mstar, g, jnp.int32(_HALF)))
        gv = jnp.full((16,), gstar, jnp.int32)
        wlg = jnp.max(plsc.load_gather(lgc, [gv]))
        wcx = jnp.max(plsc.load_gather(cxc, [gv]))
        wcy = jnp.max(plsc.load_gather(cyc, [gv]))
        ww = jnp.max(plsc.load_gather(wc, [gv]))
        wh = jnp.max(plsc.load_gather(hc, [gv]))
        vals = (
            jnp.where(iot == 0, mstar, 0.0)
            + jnp.where(iot == 1, jnp.max(ml), 0.0)
            + jnp.where(iot == 2, wlg, 0.0)
            + jnp.where(iot == 3, wcx, 0.0)
            + jnp.where(iot == 4, wcy, 0.0)
            + jnp.where(iot == 5, ww, 0.0)
            + jnp.where(iot == 6, wh, 0.0)
        )
        plsc.store_scatter(
            outv, [jnp.minimum(iot, 8) * 16 + j], vals, mask=iot < 7
        )

    _init1 = (
        jnp.full((16,), -2.0, jnp.float32),
        jnp.zeros((16,), jnp.int32),
        jnp.full((16,), -1.0, jnp.float32),
    )

    for p in range(_L // 3):
        j0 = 3 * p

        @pl.when(jnp.int32(j0) < nlab)
        def _(j0=j0):
            v1 = jnp.int32(j0 + 1) < nlab
            v2 = jnp.int32(j0 + 2) < nlab

            def lbody(t, carry):
                b = t * 16
                cx = cxc[pl.ds(b, 16)]
                cy = cyc[pl.ds(b, 16)]
                w = wc[pl.ds(b, 16)]
                h = hc[pl.ds(b, 16)]
                xlo = cx - w * 0.5
                xhi = cx + w * 0.5
                ylo = cy - h * 0.5
                yhi = cy + h * 0.5
                ar = w * h
                fl = flgc[pl.ds(b, 16)]
                upm = (fl & 1) != 0
                lom = (fl & 2) != 0
                a = _label_iou(
                    j0, b, iot, xlo, xhi, ylo, yhi, ar, upm, lom, *carry[0:3]
                )
                bb = _label_iou(
                    j0 + 1, b, iot, xlo, xhi, ylo, yhi, ar, upm & v1,
                    lom & v1, *carry[3:6]
                )
                cc = _label_iou(
                    j0 + 2, b, iot, xlo, xhi, ylo, yhi, ar, upm & v2,
                    lom & v2, *carry[6:9]
                )
                return a + bb + cc

            acc = lax.fori_loop(0, nblk, lbody, _init1 * 3)
            _emit_row(j0, acc[0], acc[1], acc[2])

            @pl.when(v1)
            def _():
                _emit_row(j0 + 1, acc[3], acc[4], acc[5])

            @pl.when(v2)
            def _():
                _emit_row(j0 + 2, acc[6], acc[7], acc[8])

    outv[pl.ds(7 * 16, 16)] = slotlog[...]
    outv[pl.ds(8 * 16, 16)] = jnp.where(
        iot == 0, cu.astype(jnp.float32), 0.0
    ) + jnp.where(iot == 1, cl.astype(jnp.float32), 0.0)
    pltpu.sync_copy(outv, outf_hbm.at[half, img])


@functools.cache
def _get_sc_pass():
    return pl.kernel(
        _sc_body,
        out_type=jax.ShapeDtypeStruct((2, _B, _REC), jnp.float32),
        mesh=plsc.VectorSubcoreMesh(
            core_axis_name="c", subcore_axis_name="s", num_cores=2, num_subcores=16
        ),
        compiler_params=pltpu.CompilerParams(
            needs_layout_passes=False, use_tc_tiling_on_sc=False
        ),
        scratch_types=[
            pltpu.VMEM((_HALF,), jnp.float32),
            pltpu.VMEM((_HALF,), jnp.float32),
            pltpu.VMEM((_HALF,), jnp.float32),
            pltpu.VMEM((_HALF,), jnp.float32),
            pltpu.VMEM((_HALF,), jnp.float32),
            pltpu.VMEM((_HALF + 16,), jnp.float32),
            pltpu.VMEM((_HALF + 16,), jnp.float32),
            pltpu.VMEM((_HALF + 16,), jnp.float32),
            pltpu.VMEM((_HALF + 16,), jnp.float32),
            pltpu.VMEM((_HALF + 16,), jnp.float32),
            pltpu.VMEM((_HALF + 16,), jnp.int32),
            pltpu.VMEM((_HALF,), jnp.int32),
            pltpu.VMEM((16,), jnp.float32),
            pltpu.VMEM((_REC,), jnp.float32),
            pltpu.VMEM((_L, 4), jnp.float32),
            pltpu.SemaphoreType.DMA,
            pltpu.SemaphoreType.DMA,
        ],
    )


def _bce(x, t):
    return jnp.maximum(x, 0.0) - x * t + jnp.log1p(jnp.exp(-jnp.abs(x)))


def _sl1(d):
    ad = jnp.abs(d)
    return jnp.where(ad < 1.0, 0.5 * d * d, ad - 0.5)


def _epi_body(lab_ref, f_ref, out_ref):
    l0 = lab_ref[0]
    l1 = lab_ref[1]
    l2 = lab_ref[2]
    l3 = lab_ref[3]
    A = f_ref[0]
    Bh = f_ref[1]
    iotl = lax.broadcasted_iota(jnp.int32, (_B, _L), 1)
    zero = l3 == 0.0
    last_idx = jnp.min(jnp.where(zero, iotl, _L), axis=1)
    gt_valid = iotl < last_idx[:, None]

    muA = A[:, 0:_L]
    muB = Bh[:, 0:_L]
    mlA = A[:, 16 : 16 + _L]
    mlB = Bh[:, 16 : 16 + _L]
    lgA = A[:, 32 : 32 + _L]
    lgB = Bh[:, 32 : 32 + _L]
    slA = A[:, 112 : 112 + _L]
    slB = Bh[:, 112 : 112 + _L]
    cuA = A[:, 128]
    cuB = Bh[:, 128]
    clA = A[:, 129]
    clB = Bh[:, 129]

    condA = muA >= muB
    pos_ious = jnp.where(condA, muA, muB)
    pos_logit = jnp.where(condA, lgA, lgB)
    neg_ious = jnp.maximum(mlA, mlB)
    any_up = (cuA + cuB) > 0.0
    any_low = (clA + clB) > 0.0
    img_ok = (last_idx <= _MAX_NUM_OBJS) & any_up & any_low

    pos_mask = (pos_ious >= _UPPER_IOU) & gt_valid & img_ok[:, None]
    pos_f = pos_mask.astype(jnp.float32)
    num_poses = jnp.sum(pos_f, axis=1)

    cAc = jnp.minimum(clA, 12.0)
    sidx = iotl.astype(jnp.float32)
    shift = sidx - cAc[:, None]
    tio = lax.broadcasted_iota(jnp.int32, (_B, _L, _L), 2).astype(jnp.float32)
    bsel = jnp.sum(
        jnp.where(tio == shift[:, :, None], slB[:, None, :], 0.0), axis=2
    )
    slot_logit = jnp.where(sidx < cAc[:, None], slA, bsel)
    slot_conf = 1.0 / (1.0 + jnp.exp(-slot_logit))

    cand_mask = (
        (neg_ious <= _LOWER_IOU)
        & gt_valid
        & img_ok[:, None]
        & (num_poses > 0.0)[:, None]
    )
    key = jnp.where(cand_mask, -slot_conf, jnp.inf)
    kj = key[:, :, None]
    kk = key[:, None, :]
    jj = lax.broadcasted_iota(jnp.int32, (_B, _L, _L), 1)
    kkx = lax.broadcasted_iota(jnp.int32, (_B, _L, _L), 2)
    rank = jnp.sum(
        ((kk < kj) | ((kk == kj) & (kkx < jj))).astype(jnp.float32), axis=2
    )
    neg_sel = cand_mask & (rank < _NUM_NEG_RATIO * num_poses[:, None])

    conf_loss = jnp.sum(_bce(pos_logit, 1.0) * pos_f) + jnp.sum(
        _bce(slot_logit, 0.0) * neg_sel.astype(jnp.float32)
    )

    max_lens = jnp.maximum(l2, l3)
    safe = jnp.where(pos_mask, max_lens, 1.0)
    reg = (
        _sl1(jnp.where(condA, A[:, 48 : 48 + _L], Bh[:, 48 : 48 + _L]) - l0)
        + _sl1(jnp.where(condA, A[:, 64 : 64 + _L], Bh[:, 64 : 64 + _L]) - l1)
        + _sl1(jnp.where(condA, A[:, 80 : 80 + _L], Bh[:, 80 : 80 + _L]) - l2)
        + _sl1(jnp.where(condA, A[:, 96 : 96 + _L], Bh[:, 96 : 96 + _L]) - l3)
    )
    reg_loss = jnp.sum(reg / safe * pos_f)

    ps = jnp.sum(num_poses)
    has_pos = ps >= 1.0
    denom = jnp.maximum(ps, 1.0)
    loss = (conf_loss + _REG_COEFF * reg_loss) / denom
    z = jnp.float32(0.0)
    o0 = jnp.where(has_pos, loss, z)
    o1 = jnp.where(has_pos, conf_loss / denom, z)
    o2 = jnp.where(has_pos, reg_loss / denom, z)
    o3 = jnp.where(has_pos, ps, z)

    li = lax.broadcasted_iota(jnp.int32, (8, 128), 1)
    out_ref[...] = (
        jnp.where(li == 0, o0, 0.0)
        + jnp.where(li == 1, o1, 0.0)
        + jnp.where(li == 2, o2, 0.0)
        + jnp.where(li == 3, o3, 0.0)
    )


def kernel(labels, outputs):
    outs_t = outputs.transpose(2, 0, 1)
    outf = _get_sc_pass()(outs_t, labels)
    lab_t = labels.transpose(2, 0, 1)
    o = pl.pallas_call(
        _epi_body,
        out_shape=jax.ShapeDtypeStruct((8, 128), jnp.float32),
    )(lab_t, outf)
    return o[0, 0], o[0, 1], o[0, 2], o[0, 3]

# --- scband reference (transcript-rebuilt; emitter-appended) ---
"""Pipeline reference for scband-ohemloss-75359496175834 (READ-ONLY COPY).

The authoritative reference and input builder live on the scoring server;
editing this copy changes nothing except your own understanding.
"""

import jax, jax.numpy as jnp
import numpy as np

NUM_NEG_RATIO = 3
UPPER_CONF = 0.8
LOWER_CONF = 0.3
UPPER_IOU = 0.5
LOWER_IOU = 0.35
REG_COEFF = 1.0
MAX_NUM_OBJS = 10

B, N, L, N_VALID = 16, 20000, 12, 6


def setup_inputs(seed: int = 0):
    key = jax.random.key(seed)
    k1, k2, k3, k4, k5 = jax.random.split(key, 5)
    cxy = jax.random.uniform(k1, (B, L, 2)) * 64.0
    wh = jax.random.uniform(k2, (B, L, 2)) * 16.0 + 8.0
    labels = jnp.concatenate([cxy, wh], axis=-1)
    valid_mask = (jnp.arange(L) < N_VALID)[None, :, None].astype(jnp.float32)
    labels = labels * valid_mask
    pc = jax.random.uniform(k3, (B, N, 2)) * 64.0
    pwh = jax.random.uniform(k4, (B, N, 2)) * 16.0 + 8.0
    logits = jax.random.normal(k5, (B, N, 1)) * 2.0
    outputs = jnp.concatenate([pc, pwh, logits], axis=-1)
    # plant matching high-confidence priors so positives are guaranteed
    outputs = outputs.at[:, :N_VALID, :4].set(labels[:, :N_VALID, :4])
    outputs = outputs.at[:, :N_VALID, 4].set(3.0)
    return {"labels": labels, "outputs": outputs}


def _bboxes_iou_cxcywh(a, b):
    tl = jnp.maximum(a[:, None, :2] - a[:, None, 2:] / 2.0, b[None, :, :2] - b[None, :, 2:] / 2.0)
    br = jnp.minimum(a[:, None, :2] + a[:, None, 2:] / 2.0, b[None, :, :2] + b[None, :, 2:] / 2.0)
    area_a = jnp.prod(a[:, 2:], axis=1)
    area_b = jnp.prod(b[:, 2:], axis=1)
    en = jnp.all(tl < br, axis=2).astype(a.dtype)
    inter = jnp.prod(br - tl, axis=2) * en
    return inter / (area_a[:, None] + area_b[None, :] - inter)


def _bce_logits(x, t):
    return jnp.maximum(x, 0.0) - x * t + jnp.log1p(jnp.exp(-jnp.abs(x)))


def _smooth_l1(x, t):
    d = x - t
    ad = jnp.abs(d)
    return jnp.where(ad < 1.0, 0.5 * d * d, ad - 0.5)


def reference(labels, outputs):
    Bsz = labels.shape[0]
    Lg = labels.shape[1]
    Np = outputs.shape[1]
    arange_l = jnp.arange(Lg)
    pos_selected = jnp.int32(0)
    conf_loss = jnp.float32(0.0)
    reg_loss = jnp.float32(0.0)
    for i in range(Bsz):
        label = labels[i]
        zero_mask = label[:, 3] == 0
        last_idx = jnp.where(jnp.any(zero_mask), jnp.argmax(zero_mask), Lg)
        gt_valid = arange_l < last_idx
        pred_conf = jax.nn.sigmoid(outputs[i, :, 4])
        pred_coords = outputs[i, :, :4]
        up = pred_conf > UPPER_CONF
        low = pred_conf < LOWER_CONF
        img_ok = (last_idx <= MAX_NUM_OBJS) & jnp.any(up) & jnp.any(low)
        iou = _bboxes_iou_cxcywh(pred_coords, label[:, :4])
        iou_up = jnp.where(up[:, None], iou, -1.0)
        pos_ious = jnp.max(iou_up, axis=0)
        pos_prior = jnp.argmax(iou_up, axis=0)
        iou_low = jnp.where(low[:, None], iou, -1.0)
        neg_ious = jnp.max(iou_low, axis=0)
        pos_mask = (pos_ious >= UPPER_IOU) & gt_valid & img_ok
        num_poses = jnp.sum(pos_mask.astype(jnp.int32))
        low_first = jnp.sort(jnp.where(low, jnp.arange(Np), Np))[:Lg]
        low_first = jnp.clip(low_first, 0, Np - 1)
        cand_mask = (neg_ious <= LOWER_IOU) & gt_valid & img_ok & (num_poses > 0)
        sort_key = jnp.where(cand_mask, -pred_conf[low_first], jnp.inf)
        order = jnp.argsort(sort_key, stable=True)
        neg_sorted = low_first[order]
        neg_valid = cand_mask[order]
        neg_sel = neg_valid & (arange_l < NUM_NEG_RATIO * num_poses)
        pos_terms = _bce_logits(outputs[i, pos_prior, 4], jnp.ones((Lg,), jnp.float32))
        pos_terms = pos_terms * pos_mask.astype(jnp.float32)
        neg_terms = _bce_logits(outputs[i, neg_sorted, 4], jnp.zeros((Lg,), jnp.float32))
        neg_terms = neg_terms * neg_sel.astype(jnp.float32)
        conf_loss = conf_loss + pos_terms.sum() + neg_terms.sum()
        pos_selected = pos_selected + num_poses
        if REG_COEFF > 0:
            max_lens = jnp.max(label[:, 2:], axis=1)
            max_lens_safe = jnp.where(pos_mask, max_lens, 1.0)[:, None]
            reg_terms = _smooth_l1(outputs[i, pos_prior, :4], label[:, :4]) / max_lens_safe
            reg_terms = reg_terms * pos_mask.astype(jnp.float32)[:, None]
            reg_loss = reg_loss + reg_terms.sum()
    has_pos = pos_selected >= 1
    ps = pos_selected.astype(jnp.float32)
    denom = jnp.maximum(ps, 1.0)
    loss = (conf_loss + REG_COEFF * reg_loss) / denom
    zero = jnp.float32(0.0)
    return (
        jnp.where(has_pos, loss, zero),
        jnp.where(has_pos, conf_loss / denom, zero),
        jnp.where(has_pos, reg_loss / denom, zero),
        jnp.where(has_pos, ps, zero),
    )

if __name__ == "__main__":
    import jax
    _d = setup_inputs()
    print(jax.jit(kernel)(*tuple(_d.values())))

</pallas_src>

<mosaic_0001>
#map = affine_map<(d0, d1) -> (0, 0, 0)>
module attributes {stable_mosaic.version = 14 : i64} {
  func.func @_sc_body(%arg0: i32, %arg1: i32, %arg2: memref<5x16x20000xf32, #tpu.memory_space<hbm>>, %arg3: memref<16x12x4xf32, #tpu.memory_space<hbm>>, %arg4: memref<2x16x144xf32, #tpu.memory_space<hbm>>, %arg5: memref<10000xf32, #tpu.memory_space<vmem>>, %arg6: memref<10000xf32, #tpu.memory_space<vmem>>, %arg7: memref<10000xf32, #tpu.memory_space<vmem>>, %arg8: memref<10000xf32, #tpu.memory_space<vmem>>, %arg9: memref<10000xf32, #tpu.memory_space<vmem>>, %arg10: memref<10016xf32, #tpu.memory_space<vmem>>, %arg11: memref<10016xf32, #tpu.memory_space<vmem>>, %arg12: memref<10016xf32, #tpu.memory_space<vmem>>, %arg13: memref<10016xf32, #tpu.memory_space<vmem>>, %arg14: memref<10016xf32, #tpu.memory_space<vmem>>, %arg15: memref<10016xi32, #tpu.memory_space<vmem>>, %arg16: memref<10000xi32, #tpu.memory_space<vmem>>, %arg17: memref<16xf32, #tpu.memory_space<vmem>>, %arg18: memref<144xf32, #tpu.memory_space<vmem>>, %arg19: memref<12x4xf32, #tpu.memory_space<vmem>>, %arg20: memref<!tpu.dma_semaphore, #tpu.memory_space<semaphore_mem>>, %arg21: memref<!tpu.dma_semaphore, #tpu.memory_space<semaphore_mem>>) attributes {dimension_semantics = [#tpu.dimension_semantics<core_parallel>, #tpu.dimension_semantics<subcore_parallel>], iteration_bounds = array<i64: 2, 16>, scalar_prefetch = 0 : i64, scratch_operands = 17 : i64, tpu.core_type = #tpu.core_type<sc_vector_subcore>, window_params = [{transform_indices = #map}, {transform_indices = #map}, {transform_indices = #map}]} {
    %mul3A = arith.constant 10000 : i32
    %mul3A_0 = arith.muli %arg0, %mul3A : i32
    %dma_start3A = arith.constant 4 : i32
    %dma_start3A_1 = tpu.memref_slice %arg2[%dma_start3A, %arg1, %mul3A_0] : memref<5x16x20000xf32, #tpu.memory_space<hbm>> -> memref<1x1x10000xf32, #tpu.memory_space<hbm>>
    %dma_start3A_2 = tpu.memref_squeeze %dma_start3A_1 : memref<1x1x10000xf32, #tpu.memory_space<hbm>> -> memref<10000xf32, #tpu.memory_space<hbm>>
    %dma_start3A_3 = tpu.memref_slice %arg2[%dma_start3A, %arg1, %mul3A_0] : memref<5x16x20000xf32, #tpu.memory_space<hbm>> -> memref<1x1x10000xf32, #tpu.memory_space<hbm>>
    %dma_start3A_4 = tpu.memref_squeeze %dma_start3A_3 : memref<1x1x10000xf32, #tpu.memory_space<hbm>> -> memref<10000xf32, #tpu.memory_space<hbm>>
    tpu.enqueue_dma source(%dma_start3A_4 : memref<10000xf32, #tpu.memory_space<hbm>>) target(%arg9 : memref<10000xf32, #tpu.memory_space<vmem>>) target_semaphore(%arg21 : memref<!tpu.dma_semaphore, #tpu.memory_space<semaphore_mem>>)
    %dma_start3A_5 = arith.constant 0 : i32
    %dma_start3A_6 = tpu.memref_slice %arg2[%dma_start3A_5, %arg1, %mul3A_0] : memref<5x16x20000xf32, #tpu.memory_space<hbm>> -> memref<1x1x10000xf32, #tpu.memory_space<hbm>>
    %dma_start3A_7 = tpu.memref_squeeze %dma_start3A_6 : memref<1x1x10000xf32, #tpu.memory_space<hbm>> -> memref<10000xf32, #tpu.memory_space<hbm>>
    %dma_start3A_8 = tpu.memref_slice %arg2[%dma_start3A_5, %arg1, %mul3A_0] : memref<5x16x20000xf32, #tpu.memory_space<hbm>> -> memref<1x1x10000xf32, #tpu.memory_space<hbm>>
    %dma_start3A_9 = tpu.memref_squeeze %dma_start3A_8 : memref<1x1x10000xf32, #tpu.memory_space<hbm>> -> memref<10000xf32, #tpu.memory_space<hbm>>
    tpu.enqueue_dma source(%dma_start3A_9 : memref<10000xf32, #tpu.memory_space<hbm>>) target(%arg5 : memref<10000xf32, #tpu.memory_space<vmem>>) target_semaphore(%arg20 : memref<!tpu.dma_semaphore, #tpu.memory_space<semaphore_mem>>)
    %dma_start3A_10 = arith.constant 1 : i32
    %dma_start3A_11 = tpu.memref_slice %arg2[%dma_start3A_10, %arg1, %mul3A_0] : memref<5x16x20000xf32, #tpu.memory_space<hbm>> -> memref<1x1x10000xf32, #tpu.memory_space<hbm>>
    %dma_start3A_12 = tpu.memref_squeeze %dma_start3A_11 : memref<1x1x10000xf32, #tpu.memory_space<hbm>> -> memref<10000xf32, #tpu.memory_space<hbm>>
    %dma_start3A_13 = tpu.memref_slice %arg2[%dma_start3A_10, %arg1, %mul3A_0] : memref<5x16x20000xf32, #tpu.memory_space<hbm>> -> memref<1x1x10000xf32, #tpu.memory_space<hbm>>
    %dma_start3A_14 = tpu.memref_squeeze %dma_start3A_13 : memref<1x1x10000xf32, #tpu.memory_space<hbm>> -> memref<10000xf32, #tpu.memory_space<hbm>>
    tpu.enqueue_dma source(%dma_start3A_14 : memref<10000xf32, #tpu.memory_space<hbm>>) target(%arg6 : memref<10000xf32, #tpu.memory_space<vmem>>) target_semaphore(%arg20 : memref<!tpu.dma_semaphore, #tpu.memory_space<semaphore_mem>>)
    %dma_start3A_15 = arith.constant 2 : i32
    %dma_start3A_16 = tpu.memref_slice %arg2[%dma_start3A_15, %arg1, %mul3A_0] : memref<5x16x20000xf32, #tpu.memory_space<hbm>> -> memref<1x1x10000xf32, #tpu.memory_space<hbm>>
    %dma_start3A_17 = tpu.memref_squeeze %dma_start3A_16 : memref<1x1x10000xf32, #tpu.memory_space<hbm>> -> memref<10000xf32, #tpu.memory_space<hbm>>
    %dma_start3A_18 = tpu.memref_slice %arg2[%dma_start3A_15, %arg1, %mul3A_0] : memref<5x16x20000xf32, #tpu.memory_space<hbm>> -> memref<1x1x10000xf32, #tpu.memory_space<hbm>>
    %dma_start3A_19 = tpu.memref_squeeze %dma_start3A_18 : memref<1x1x10000xf32, #tpu.memory_space<hbm>> -> memref<10000xf32, #tpu.memory_space<hbm>>
    tpu.enqueue_dma source(%dma_start3A_19 : memref<10000xf32, #tpu.memory_space<hbm>>) target(%arg7 : memref<10000xf32, #tpu.memory_space<vmem>>) target_semaphore(%arg20 : memref<!tpu.dma_semaphore, #tpu.memory_space<semaphore_mem>>)
    %dma_start3A_20 = arith.constant 3 : i32
    %dma_start3A_21 = tpu.memref_slice %arg2[%dma_start3A_20, %arg1, %mul3A_0] : memref<5x16x20000xf32, #tpu.memory_space<hbm>> -> memref<1x1x10000xf32, #tpu.memory_space<hbm>>
    %dma_start3A_22 = tpu.memref_squeeze %dma_start3A_21 : memref<1x1x10000xf32, #tpu.memory_space<hbm>> -> memref<10000xf32, #tpu.memory_space<hbm>>
    %dma_start3A_23 = tpu.memref_slice %arg2[%dma_start3A_20, %arg1, %mul3A_0] : memref<5x16x20000xf32, #tpu.memory_space<hbm>> -> memref<1x1x10000xf32, #tpu.memory_space<hbm>>
    %dma_start3A_24 = tpu.memref_squeeze %dma_start3A_23 : memref<1x1x10000xf32, #tpu.memory_space<hbm>> -> memref<10000xf32, #tpu.memory_space<hbm>>
    tpu.enqueue_dma source(%dma_start3A_24 : memref<10000xf32, #tpu.memory_space<hbm>>) target(%arg8 : memref<10000xf32, #tpu.memory_space<vmem>>) target_semaphore(%arg20 : memref<!tpu.dma_semaphore, #tpu.memory_space<semaphore_mem>>)
    "tpu.region"() ({
      %run_scoped3A = tpu.sem_alloc : memref<!tpu.dma_semaphore, #tpu.memory_space<semaphore_mem>>
      %dma_start3A_196 = arith.constant 0 : i32
      %dma_start3A_197 = arith.constant 0 : i32
      %dma_start3A_198 = tpu.memref_slice %arg3[%arg1, %dma_start3A_196, %dma_start3A_197] : memref<16x12x4xf32, #tpu.memory_space<hbm>> -> memref<1x12x4xf32, #tpu.memory_space<hbm>>
      %dma_start3A_199 = tpu.memref_squeeze %dma_start3A_198 : memref<1x12x4xf32, #tpu.memory_space<hbm>> -> memref<12x4xf32, #tpu.memory_space<hbm>>
      %dma_start3A_200 = arith.constant 0 : i32
      %dma_start3A_201 = arith.constant 0 : i32
      %dma_start3A_202 = tpu.memref_slice %arg3[%arg1, %dma_start3A_200, %dma_start3A_201] : memref<16x12x4xf32, #tpu.memory_space<hbm>> -> memref<1x12x4xf32, #tpu.memory_space<hbm>>
      %dma_start3A_203 = tpu.memref_squeeze %dma_start3A_202 : memref<1x12x4xf32, #tpu.memory_space<hbm>> -> memref<12x4xf32, #tpu.memory_space<hbm>>
      tpu.enqueue_dma source(%dma_start3A_203 : memref<12x4xf32, #tpu.memory_space<hbm>>) target(%arg19 : memref<12x4xf32, #tpu.memory_space<vmem>>) target_semaphore(%run_scoped3A : memref<!tpu.dma_semaphore, #tpu.memory_space<semaphore_mem>>)
      %dma_wait3A_204 = arith.constant 0 : i32
      %dma_wait3A_205 = arith.constant 0 : i32
      %dma_wait3A_206 = tpu.memref_slice %arg3[%arg1, %dma_wait3A_204, %dma_wait3A_205] : memref<16x12x4xf32, #tpu.memory_space<hbm>> -> memref<1x12x4xf32, #tpu.memory_space<hbm>>
      %dma_wait3A_207 = tpu.memref_squeeze %dma_wait3A_206 : memref<1x12x4xf32, #tpu.memory_space<hbm>> -> memref<12x4xf32, #tpu.memory_space<hbm>>
      %dma_wait3A_208 = arith.constant 0 : i32
      %dma_wait3A_209 = arith.constant 0 : i32
      %dma_wait3A_210 = tpu.memref_slice %arg3[%arg1, %dma_wait3A_208, %dma_wait3A_209] : memref<16x12x4xf32, #tpu.memory_space<hbm>> -> memref<1x12x4xf32, #tpu.memory_space<hbm>>
      %dma_wait3A_211 = tpu.memref_squeeze %dma_wait3A_210 : memref<1x12x4xf32, #tpu.memory_space<hbm>> -> memref<12x4xf32, #tpu.memory_space<hbm>>
      tpu.wait_dma2 semaphore(%run_scoped3A : memref<!tpu.dma_semaphore, #tpu.memory_space<semaphore_mem>>) src(%dma_wait3A_211 : memref<12x4xf32, #tpu.memory_space<hbm>>) dst(%arg19 : memref<12x4xf32, #tpu.memory_space<vmem>>)
      tpu.yield
    }) : () -> ()
    %dma_wait3A = arith.constant 4 : i32
    %dma_wait3A_25 = tpu.memref_slice %arg2[%dma_wait3A, %arg1, %mul3A_0] : memref<5x16x20000xf32, #tpu.memory_space<hbm>> -> memref<1x1x10000xf32, #tpu.memory_space<hbm>>
    %dma_wait3A_26 = tpu.memref_squeeze %dma_wait3A_25 : memref<1x1x10000xf32, #tpu.memory_space<hbm>> -> memref<10000xf32, #tpu.memory_space<hbm>>
    %dma_wait3A_27 = tpu.memref_slice %arg2[%dma_wait3A, %arg1, %mul3A_0] : memref<5x16x20000xf32, #tpu.memory_space<hbm>> -> memref<1x1x10000xf32, #tpu.memory_space<hbm>>
    %dma_wait3A_28 = tpu.memref_squeeze %dma_wait3A_27 : memref<1x1x10000xf32, #tpu.memory_space<hbm>> -> memref<10000xf32, #tpu.memory_space<hbm>>
    tpu.wait_dma2 semaphore(%arg21 : memref<!tpu.dma_semaphore, #tpu.memory_space<semaphore_mem>>) src(%dma_wait3A_28 : memref<10000xf32, #tpu.memory_space<hbm>>) dst(%arg9 : memref<10000xf32, #tpu.memory_space<vmem>>)
    %iota3A = tpu.iota {dimensions = array<i32: 0>} : vector<16xi32>
    %broadcast_in_dim3A = arith.constant 0.000000e+00 : f32
    %broadcast_in_dim3A_29 = vector.broadcast %broadcast_in_dim3A : f32 to vector<16xf32>
    %swap3A = arith.constant 0 : index
    %swap3A_30 = tpu.vector_load %arg18[%swap3A] {strides = array<i32>} : memref<144xf32, #tpu.memory_space<vmem>>, vector<16xf32>,
    tpu.vector_store %arg18[%swap3A], %broadcast_in_dim3A_29 {strides = array<i32>} : memref<144xf32, #tpu.memory_space<vmem>>, vector<16xf32>,
    %swap3A_31 = arith.constant 16 : index
    %swap3A_32 = tpu.vector_load %arg18[%swap3A_31] {strides = array<i32>} : memref<144xf32, #tpu.memory_space<vmem>>, vector<16xf32>,
    tpu.vector_store %arg18[%swap3A_31], %broadcast_in_dim3A_29 {strides = array<i32>} : memref<144xf32, #tpu.memory_space<vmem>>, vector<16xf32>,
    %swap3A_33 = arith.constant 32 : index
    %swap3A_34 = tpu.vector_load %arg18[%swap3A_33] {strides = array<i32>} : memref<144xf32, #tpu.memory_space<vmem>>, vector<16xf32>,
    tpu.vector_store %arg18[%swap3A_33], %broadcast_in_dim3A_29 {strides = array<i32>} : memref<144xf32, #tpu.memory_space<vmem>>, vector<16xf32>,
    %swap3A_35 = arith.constant 48 : index
    %swap3A_36 = tpu.vector_load %arg18[%swap3A_35] {strides = array<i32>} : memref<144xf32, #tpu.memory_space<vmem>>, vector<16xf32>,
    tpu.vector_store %arg18[%swap3A_35], %broadcast_in_dim3A_29 {strides = array<i32>} : memref<144xf32, #tpu.memory_space<vmem>>, vector<16xf32>,
    %swap3A_37 = arith.constant 64 : index
    %swap3A_38 = tpu.vector_load %arg18[%swap3A_37] {strides = array<i32>} : memref<144xf32, #tpu.memory_space<vmem>>, vector<16xf32>,
    tpu.vector_store %arg18[%swap3A_37], %broadcast_in_dim3A_29 {strides = array<i32>} : memref<144xf32, #tpu.memory_space<vmem>>, vector<16xf32>,
    %swap3A_39 = arith.constant 80 : index
    %swap3A_40 = tpu.vector_load %arg18[%swap3A_39] {strides = array<i32>} : memref<144xf32, #tpu.memory_space<vmem>>, vector<16xf32>,
    tpu.vector_store %arg18[%swap3A_39], %broadcast_in_dim3A_29 {strides = array<i32>} : memref<144xf32, #tpu.memory_space<vmem>>, vector<16xf32>,
    %swap3A_41 = arith.constant 96 : index
    %swap3A_42 = tpu.vector_load %arg18[%swap3A_41] {strides = array<i32>} : memref<144xf32, #tpu.memory_space<vmem>>, vector<16xf32>,
    tpu.vector_store %arg18[%swap3A_41], %broadcast_in_dim3A_29 {strides = array<i32>} : memref<144xf32, #tpu.memory_space<vmem>>, vector<16xf32>,
    %swap3A_43 = arith.constant 112 : index
    %swap3A_44 = tpu.vector_load %arg18[%swap3A_43] {strides = array<i32>} : memref<144xf32, #tpu.memory_space<vmem>>, vector<16xf32>,
    tpu.vector_store %arg18[%swap3A_43], %broadcast_in_dim3A_29 {strides = array<i32>} : memref<144xf32, #tpu.memory_space<vmem>>, vector<16xf32>,
    %swap3A_45 = arith.constant 128 : index
    %swap3A_46 = tpu.vector_load %arg18[%swap3A_45] {strides = array<i32>} : memref<144xf32, #tpu.memory_space<vmem>>, vector<16xf32>,
    tpu.vector_store %arg18[%swap3A_45], %broadcast_in_dim3A_29 {strides = array<i32>} : memref<144xf32, #tpu.memory_space<vmem>>, vector<16xf32>,
    %get3A = arith.constant 9984 : index
    %get3A_47 = tpu.vector_load %arg9[%get3A] {strides = array<i32>} : memref<10000xf32, #tpu.memory_space<vmem>>, vector<16xf32>,
    %slice3A = vector.extract_strided_slice %get3A_47 {offsets = [15], sizes = [1], strides = [1]} : vector<16xf32> to vector<1xf32>
    %squeeze3A = vector.extract %slice3A[0] : f32 from vector<1xf32>
    %broadcast_in_dim3A_48 = vector.broadcast %squeeze3A : f32 to vector<16xf32>
    %swap3A_49 = arith.constant 0 : index
    %swap3A_50 = tpu.vector_load %arg17[%swap3A_49] {strides = array<i32>} : memref<16xf32, #tpu.memory_space<vmem>>, vector<16xf32>,
    tpu.vector_store %arg17[%swap3A_49], %broadcast_in_dim3A_48 {strides = array<i32>} : memref<16xf32, #tpu.memory_space<vmem>>, vector<16xf32>,
    %scan3A = arith.constant 0 : i32
    %scan3A_51 = arith.constant 0 : i32
    %scan3A_52 = arith.constant 125 : i32
    %scan3A_53 = arith.addi %scan3A_51, %scan3A_52 : i32
    %scan3A_54 = arith.constant 1 : i32
    %scan3A_55 = scf.for %scan3A_196 = %scan3A_51 to %scan3A_53 step %scan3A_54 iter_args(%scan3A_197 = %scan3A) -> (i32)  : i32 {
      %mul3A_198 = arith.constant 80 : i32
      %mul3A_199 = arith.muli %scan3A_196, %mul3A_198 : i32
      %add3A_200 = arith.constant 0 : i32
      %add3A_201 = arith.addi %mul3A_199, %add3A_200 : i32
      %get3A_202 = arith.index_cast %add3A_201 : i32 to index
      %get3A_203 = tpu.vector_load %arg9[%get3A_202] {strides = array<i32>} : memref<10000xf32, #tpu.memory_space<vmem>>, vector<16xf32>,
      %neg3A = arith.constant 0.000000e+00 : f32
      %neg3A_204 = vector.broadcast %neg3A : f32 to vector<16xf32>
      %neg3A_205 = arith.subf %neg3A_204, %get3A_203 : vector<16xf32>
      %exp3A = math.exp %neg3A_205 : vector<16xf32>
      %add3A_206 = arith.constant 1.000000e+00 : f32
      %add3A_207 = vector.broadcast %add3A_206 : f32 to vector<16xf32>
      %add3A_208 = arith.addf %add3A_207, %exp3A : vector<16xf32>
      %div3A = arith.constant 1.000000e+00 : f32
      %div3A_209 = vector.broadcast %div3A : f32 to vector<16xf32>
      %div3A_210 = arith.divf %div3A_209, %add3A_208 : vector<16xf32>
      %gt3A = arith.constant 8.000000e-01 : f32
      %gt3A_211 = vector.broadcast %gt3A : f32 to vector<16xf32>
      %gt3A_212 = arith.cmpf ogt, %div3A_210, %gt3A_211 : vector<16xf32>
      %lt3A_213 = arith.constant 3.000000e-01 : f32
      %lt3A_214 = vector.broadcast %lt3A_213 : f32 to vector<16xf32>
      %lt3A_215 = arith.cmpf olt, %div3A_210, %lt3A_214 : vector<16xf32>
      %convert_element_type3A_216 = arith.extui %gt3A_212 : vector<16xi1> to vector<16xi32>
      %convert_element_type3A_217 = arith.extui %lt3A_215 : vector<16xi1> to vector<16xi32>
      %mul3A_218 = arith.constant 2 : i32
      %mul3A_219 = vector.broadcast %mul3A_218 : i32 to vector<16xi32>
      %mul3A_220 = arith.muli %mul3A_219, %convert_element_type3A_217 : vector<16xi32>
      %add3A_221 = arith.addi %convert_element_type3A_216, %mul3A_220 : vector<16xi32>
      %swap3A_222 = arith.index_cast %add3A_201 : i32 to index
      %swap3A_223 = tpu.vector_load %arg16[%swap3A_222] {strides = array<i32>} : memref<10000xi32, #tpu.memory_space<vmem>>, vector<16xi32>,
      tpu.vector_store %arg16[%swap3A_222], %add3A_221 {strides = array<i32>} : memref<10000xi32, #tpu.memory_space<vmem>>, vector<16xi32>,
      %add3A_224 = arith.constant 16 : i32
      %add3A_225 = arith.addi %mul3A_199, %add3A_224 : i32
      %get3A_226 = arith.index_cast %add3A_225 : i32 to index
      %get3A_227 = tpu.vector_load %arg9[%get3A_226] {strides = array<i32>} : memref<10000xf32, #tpu.memory_space<vmem>>, vector<16xf32>,
      %neg3A_228 = arith.constant 0.000000e+00 : f32
      %neg3A_229 = vector.broadcast %neg3A_228 : f32 to vector<16xf32>
      %neg3A_230 = arith.subf %neg3A_229, %get3A_227 : vector<16xf32>
      %exp3A_231 = math.exp %neg3A_230 : vector<16xf32>
      %add3A_232 = arith.constant 1.000000e+00 : f32
      %add3A_233 = vector.broadcast %add3A_232 : f32 to vector<16xf32>
      %add3A_234 = arith.addf %add3A_233, %exp3A_231 : vector<16xf32>
      %div3A_235 = arith.constant 1.000000e+00 : f32
      %div3A_236 = vector.broadcast %div3A_235 : f32 to vector<16xf32>
      %div3A_237 = arith.divf %div3A_236, %add3A_234 : vector<16xf32>
      %gt3A_238 = arith.constant 8.000000e-01 : f32
      %gt3A_239 = vector.broadcast %gt3A_238 : f32 to vector<16xf32>
      %gt3A_240 = arith.cmpf ogt, %div3A_237, %gt3A_239 : vector<16xf32>
      %lt3A_241 = arith.constant 3.000000e-01 : f32
      %lt3A_242 = vector.broadcast %lt3A_241 : f32 to vector<16xf32>
      %lt3A_243 = arith.cmpf olt, %div3A_237, %lt3A_242 : vector<16xf32>
      %convert_element_type3A_244 = arith.extui %gt3A_240 : vector<16xi1> to vector<16xi32>
      %convert_element_type3A_245 = arith.extui %lt3A_243 : vector<16xi1> to vector<16xi32>
      %mul3A_246 = arith.constant 2 : i32
      %mul3A_247 = vector.broadcast %mul3A_246 : i32 to vector<16xi32>
      %mul3A_248 = arith.muli %mul3A_247, %convert_element_type3A_245 : vector<16xi32>
      %add3A_249 = arith.addi %convert_element_type3A_244, %mul3A_248 : vector<16xi32>
      %swap3A_250 = arith.index_cast %add3A_225 : i32 to index
      %swap3A_251 = tpu.vector_load %arg16[%swap3A_250] {strides = array<i32>} : memref<10000xi32, #tpu.memory_space<vmem>>, vector<16xi32>,
      tpu.vector_store %arg16[%swap3A_250], %add3A_249 {strides = array<i32>} : memref<10000xi32, #tpu.memory_space<vmem>>, vector<16xi32>,
      %add3A_252 = arith.constant 32 : i32
      %add3A_253 = arith.addi %mul3A_199, %add3A_252 : i32
      %get3A_254 = arith.index_cast %add3A_253 : i32 to index
      %get3A_255 = tpu.vector_load %arg9[%get3A_254] {strides = array<i32>} : memref<10000xf32, #tpu.memory_space<vmem>>, vector<16xf32>,
      %neg3A_256 = arith.constant 0.000000e+00 : f32
      %neg3A_257 = vector.broadcast %neg3A_256 : f32 to vector<16xf32>
      %neg3A_258 = arith.subf %neg3A_257, %get3A_255 : vector<16xf32>
      %exp3A_259 = math.exp %neg3A_258 : vector<16xf32>
      %add3A_260 = arith.constant 1.000000e+00 : f32
      %add3A_261 = vector.broadcast %add3A_260 : f32 to vector<16xf32>
      %add3A_262 = arith.addf %add3A_261, %exp3A_259 : vector<16xf32>
      %div3A_263 = arith.constant 1.000000e+00 : f32
      %div3A_264 = vector.broadcast %div3A_263 : f32 to vector<16xf32>
      %div3A_265 = arith.divf %div3A_264, %add3A_262 : vector<16xf32>
      %gt3A_266 = arith.constant 8.000000e-01 : f32
      %gt3A_267 = vector.broadcast %gt3A_266 : f32 to vector<16xf32>
      %gt3A_268 = arith.cmpf ogt, %div3A_265, %gt3A_267 : vector<16xf32>
      %lt3A_269 = arith.constant 3.000000e-01 : f32
      %lt3A_270 = vector.broadcast %lt3A_269 : f32 to vector<16xf32>
      %lt3A_271 = arith.cmpf olt, %div3A_265, %lt3A_270 : vector<16xf32>
      %convert_element_type3A_272 = arith.extui %gt3A_268 : vector<16xi1> to vector<16xi32>
      %convert_element_type3A_273 = arith.extui %lt3A_271 : vector<16xi1> to vector<16xi32>
      %mul3A_274 = arith.constant 2 : i32
      %mul3A_275 = vector.broadcast %mul3A_274 : i32 to vector<16xi32>
      %mul3A_276 = arith.muli %mul3A_275, %convert_element_type3A_273 : vector<16xi32>
      %add3A_277 = arith.addi %convert_element_type3A_272, %mul3A_276 : vector<16xi32>
      %swap3A_278 = arith.index_cast %add3A_253 : i32 to index
      %swap3A_279 = tpu.vector_load %arg16[%swap3A_278] {strides = array<i32>} : memref<10000xi32, #tpu.memory_space<vmem>>, vector<16xi32>,
      tpu.vector_store %arg16[%swap3A_278], %add3A_277 {strides = array<i32>} : memref<10000xi32, #tpu.memory_space<vmem>>, vector<16xi32>,
      %add3A_280 = arith.constant 48 : i32
      %add3A_281 = arith.addi %mul3A_199, %add3A_280 : i32
      %get3A_282 = arith.index_cast %add3A_281 : i32 to index
      %get3A_283 = tpu.vector_load %arg9[%get3A_282] {strides = array<i32>} : memref<10000xf32, #tpu.memory_space<vmem>>, vector<16xf32>,
      %neg3A_284 = arith.constant 0.000000e+00 : f32
      %neg3A_285 = vector.broadcast %neg3A_284 : f32 to vector<16xf32>
      %neg3A_286 = arith.subf %neg3A_285, %get3A_283 : vector<16xf32>
      %exp3A_287 = math.exp %neg3A_286 : vector<16xf32>
      %add3A_288 = arith.constant 1.000000e+00 : f32
      %add3A_289 = vector.broadcast %add3A_288 : f32 to vector<16xf32>
      %add3A_290 = arith.addf %add3A_289, %exp3A_287 : vector<16xf32>
      %div3A_291 = arith.constant 1.000000e+00 : f32
      %div3A_292 = vector.broadcast %div3A_291 : f32 to vector<16xf32>
      %div3A_293 = arith.divf %div3A_292, %add3A_290 : vector<16xf32>
      %gt3A_294 = arith.constant 8.000000e-01 : f32
      %gt3A_295 = vector.broadcast %gt3A_294 : f32 to vector<16xf32>
      %gt3A_296 = arith.cmpf ogt, %div3A_293, %gt3A_295 : vector<16xf32>
      %lt3A_297 = arith.constant 3.000000e-01 : f32
      %lt3A_298 = vector.broadcast %lt3A_297 : f32 to vector<16xf32>
      %lt3A_299 = arith.cmpf olt, %div3A_293, %lt3A_298 : vector<16xf32>
      %convert_element_type3A_300 = arith.extui %gt3A_296 : vector<16xi1> to vector<16xi32>
      %convert_element_type3A_301 = arith.extui %lt3A_299 : vector<16xi1> to vector<16xi32>
      %mul3A_302 = arith.constant 2 : i32
      %mul3A_303 = vector.broadcast %mul3A_302 : i32 to vector<16xi32>
      %mul3A_304 = arith.muli %mul3A_303, %convert_element_type3A_301 : vector<16xi32>
      %add3A_305 = arith.addi %convert_element_type3A_300, %mul3A_304 : vector<16xi32>
      %swap3A_306 = arith.index_cast %add3A_281 : i32 to index
      %swap3A_307 = tpu.vector_load %arg16[%swap3A_306] {strides = array<i32>} : memref<10000xi32, #tpu.memory_space<vmem>>, vector<16xi32>,
      tpu.vector_store %arg16[%swap3A_306], %add3A_305 {strides = array<i32>} : memref<10000xi32, #tpu.memory_space<vmem>>, vector<16xi32>,
      %add3A_308 = arith.constant 64 : i32
      %add3A_309 = arith.addi %mul3A_199, %add3A_308 : i32
      %get3A_310 = arith.index_cast %add3A_309 : i32 to index
      %get3A_311 = tpu.vector_load %arg9[%get3A_310] {strides = array<i32>} : memref<10000xf32, #tpu.memory_space<vmem>>, vector<16xf32>,
      %neg3A_312 = arith.constant 0.000000e+00 : f32
      %neg3A_313 = vector.broadcast %neg3A_312 : f32 to vector<16xf32>
      %neg3A_314 = arith.subf %neg3A_313, %get3A_311 : vector<16xf32>
      %exp3A_315 = math.exp %neg3A_314 : vector<16xf32>
      %add3A_316 = arith.constant 1.000000e+00 : f32
      %add3A_317 = vector.broadcast %add3A_316 : f32 to vector<16xf32>
      %add3A_318 = arith.addf %add3A_317, %exp3A_315 : vector<16xf32>
      %div3A_319 = arith.constant 1.000000e+00 : f32
      %div3A_320 = vector.broadcast %div3A_319 : f32 to vector<16xf32>
      %div3A_321 = arith.divf %div3A_320, %add3A_318 : vector<16xf32>
      %gt3A_322 = arith.constant 8.000000e-01 : f32
      %gt3A_323 = vector.broadcast %gt3A_322 : f32 to vector<16xf32>
      %gt3A_324 = arith.cmpf ogt, %div3A_321, %gt3A_323 : vector<16xf32>
      %lt3A_325 = arith.constant 3.000000e-01 : f32
      %lt3A_326 = vector.broadcast %lt3A_325 : f32 to vector<16xf32>
      %lt3A_327 = arith.cmpf olt, %div3A_321, %lt3A_326 : vector<16xf32>
      %convert_element_type3A_328 = arith.extui %gt3A_324 : vector<16xi1> to vector<16xi32>
      %convert_element_type3A_329 = arith.extui %lt3A_327 : vector<16xi1> to vector<16xi32>
      %mul3A_330 = arith.constant 2 : i32
      %mul3A_331 = vector.broadcast %mul3A_330 : i32 to vector<16xi32>
      %mul3A_332 = arith.muli %mul3A_331, %convert_element_type3A_329 : vector<16xi32>
      %add3A_333 = arith.addi %convert_element_type3A_328, %mul3A_332 : vector<16xi32>
      %swap3A_334 = arith.index_cast %add3A_309 : i32 to index
      %swap3A_335 = tpu.vector_load %arg16[%swap3A_334] {strides = array<i32>} : memref<10000xi32, #tpu.memory_space<vmem>>, vector<16xi32>,
      tpu.vector_store %arg16[%swap3A_334], %add3A_333 {strides = array<i32>} : memref<10000xi32, #tpu.memory_space<vmem>>, vector<16xi32>,
      %scan3A_336 = arith.constant 0 : i32
      scf.yield %scan3A_336 : i32
    }
    %scan3A_56 = arith.constant 125 : i32
    %dma_wait3A_57 = arith.constant 0 : i32
    %dma_wait3A_58 = tpu.memref_slice %arg2[%dma_wait3A_57, %arg1, %mul3A_0] : memref<5x16x20000xf32, #tpu.memory_space<hbm>> -> memref<1x1x10000xf32, #tpu.memory_space<hbm>>
    %dma_wait3A_59 = tpu.memref_squeeze %dma_wait3A_58 : memref<1x1x10000xf32, #tpu.memory_space<hbm>> -> memref<10000xf32, #tpu.memory_space<hbm>>
    %dma_wait3A_60 = tpu.memref_slice %arg2[%dma_wait3A_57, %arg1, %mul3A_0] : memref<5x16x20000xf32, #tpu.memory_space<hbm>> -> memref<1x1x10000xf32, #tpu.memory_space<hbm>>
    %dma_wait3A_61 = tpu.memref_squeeze %dma_wait3A_60 : memref<1x1x10000xf32, #tpu.memory_space<hbm>> -> memref<10000xf32, #tpu.memory_space<hbm>>
    tpu.wait_dma2 semaphore(%arg20 : memref<!tpu.dma_semaphore, #tpu.memory_space<semaphore_mem>>) src(%dma_wait3A_61 : memref<10000xf32, #tpu.memory_space<hbm>>) dst(%arg5 : memref<10000xf32, #tpu.memory_space<vmem>>)
    %dma_wait3A_62 = arith.constant 1 : i32
    %dma_wait3A_63 = tpu.memref_slice %arg2[%dma_wait3A_62, %arg1, %mul3A_0] : memref<5x16x20000xf32, #tpu.memory_space<hbm>> -> memref<1x1x10000xf32, #tpu.memory_space<hbm>>
    %dma_wait3A_64 = tpu.memref_squeeze %dma_wait3A_63 : memref<1x1x10000xf32, #tpu.memory_space<hbm>> -> memref<10000xf32, #tpu.memory_space<hbm>>
    %dma_wait3A_65 = tpu.memref_slice %arg2[%dma_wait3A_62, %arg1, %mul3A_0] : memref<5x16x20000xf32, #tpu.memory_space<hbm>> -> memref<1x1x10000xf32, #tpu.memory_space<hbm>>
    %dma_wait3A_66 = tpu.memref_squeeze %dma_wait3A_65 : memref<1x1x10000xf32, #tpu.memory_space<hbm>> -> memref<10000xf32, #tpu.memory_space<hbm>>
    tpu.wait_dma2 semaphore(%arg20 : memref<!tpu.dma_semaphore, #tpu.memory_space<semaphore_mem>>) src(%dma_wait3A_66 : memref<10000xf32, #tpu.memory_space<hbm>>) dst(%arg6 : memref<10000xf32, #tpu.memory_space<vmem>>)
    %dma_wait3A_67 = arith.constant 2 : i32
    %dma_wait3A_68 = tpu.memref_slice %arg2[%dma_wait3A_67, %arg1, %mul3A_0] : memref<5x16x20000xf32, #tpu.memory_space<hbm>> -> memref<1x1x10000xf32, #tpu.memory_space<hbm>>
    %dma_wait3A_69 = tpu.memref_squeeze %dma_wait3A_68 : memref<1x1x10000xf32, #tpu.memory_space<hbm>> -> memref<10000xf32, #tpu.memory_space<hbm>>
    %dma_wait3A_70 = tpu.memref_slice %arg2[%dma_wait3A_67, %arg1, %mul3A_0] : memref<5x16x20000xf32, #tpu.memory_space<hbm>> -> memref<1x1x10000xf32, #tpu.memory_space<hbm>>
    %dma_wait3A_71 = tpu.memref_squeeze %dma_wait3A_70 : memref<1x1x10000xf32, #tpu.memory_space<hbm>> -> memref<10000xf32, #tpu.memory_space<hbm>>
    tpu.wait_dma2 semaphore(%arg20 : memref<!tpu.dma_semaphore, #tpu.memory_space<semaphore_mem>>) src(%dma_wait3A_71 : memref<10000xf32, #tpu.memory_space<hbm>>) dst(%arg7 : memref<10000xf32, #tpu.memory_space<vmem>>)
    %dma_wait3A_72 = arith.constant 3 : i32
    %dma_wait3A_73 = tpu.memref_slice %arg2[%dma_wait3A_72, %arg1, %mul3A_0] : memref<5x16x20000xf32, #tpu.memory_space<hbm>> -> memref<1x1x10000xf32, #tpu.memory_space<hbm>>
    %dma_wait3A_74 = tpu.memref_squeeze %dma_wait3A_73 : memref<1x1x10000xf32, #tpu.memory_space<hbm>> -> memref<10000xf32, #tpu.memory_space<hbm>>
    %dma_wait3A_75 = tpu.memref_slice %arg2[%dma_wait3A_72, %arg1, %mul3A_0] : memref<5x16x20000xf32, #tpu.memory_space<hbm>> -> memref<1x1x10000xf32, #tpu.memory_space<hbm>>
    %dma_wait3A_76 = tpu.memref_squeeze %dma_wait3A_75 : memref<1x1x10000xf32, #tpu.memory_space<hbm>> -> memref<10000xf32, #tpu.memory_space<hbm>>
    tpu.wait_dma2 semaphore(%arg20 : memref<!tpu.dma_semaphore, #tpu.memory_space<semaphore_mem>>) src(%dma_wait3A_76 : memref<10000xf32, #tpu.memory_space<hbm>>) dst(%arg8 : memref<10000xf32, #tpu.memory_space<vmem>>)
    %scan3A_77 = arith.constant 0 : i32
    %scan3A_78 = arith.constant 0 : i32
    %scan3A_79 = arith.constant 0 : i32
    %scan3A_80 = arith.constant 125 : i32
    %scan3A_81 = arith.addi %scan3A_79, %scan3A_80 : i32
    %scan3A_82 = arith.constant 1 : i32
    %scan3A_83:2 = scf.for %scan3A_196 = %scan3A_79 to %scan3A_81 step %scan3A_82 iter_args(%scan3A_197 = %scan3A_77, %scan3A_198 = %scan3A_78) -> (i32, i32)  : i32 {
      %mul3A_199 = arith.constant 80 : i32
      %mul3A_200 = arith.muli %scan3A_196, %mul3A_199 : i32
      %add3A_201 = arith.constant 0 : i32
      %add3A_202 = arith.addi %mul3A_200, %add3A_201 : i32
      %get3A_203 = arith.index_cast %add3A_202 : i32 to index
      %get3A_204 = tpu.vector_load %arg16[%get3A_203] {strides = array<i32>} : memref<10000xi32, #tpu.memory_space<vmem>>, vector<16xi32>,
      %ne3A = arith.constant 0 : i32
      %ne3A_205 = vector.broadcast %ne3A : i32 to vector<16xi32>
      %ne3A_206 = arith.cmpi ne, %get3A_204, %ne3A_205 : vector<16xi32>
      %get3A_207 = arith.index_cast %add3A_202 : i32 to index
      %get3A_208 = tpu.vector_load %arg5[%get3A_207] {strides = array<i32>} : memref<10000xf32, #tpu.memory_space<vmem>>, vector<16xf32>,
      %swap3A_209 = arith.index_cast %scan3A_198 : i32 to index
      %swap3A_210 = tpu.vector_load %arg10[%swap3A_209] masked %ne3A_206 {strides = array<i32>} : memref<10016xf32, #tpu.memory_space<vmem>>, vector<16xf32>, vector<16xi1>
      tpu.vector_store %arg10[%swap3A_209], %get3A_208 masked %ne3A_206 {strides = array<i32>} : memref<10016xf32, #tpu.memory_space<vmem>>, vector<16xf32>, vector<16xi1>
      %get3A_211 = arith.index_cast %add3A_202 : i32 to index
      %get3A_212 = tpu.vector_load %arg6[%get3A_211] {strides = array<i32>} : memref<10000xf32, #tpu.memory_space<vmem>>, vector<16xf32>,
      %swap3A_213 = arith.index_cast %scan3A_198 : i32 to index
      %swap3A_214 = tpu.vector_load %arg11[%swap3A_213] masked %ne3A_206 {strides = array<i32>} : memref<10016xf32, #tpu.memory_space<vmem>>, vector<16xf32>, vector<16xi1>
      tpu.vector_store %arg11[%swap3A_213], %get3A_212 masked %ne3A_206 {strides = array<i32>} : memref<10016xf32, #tpu.memory_space<vmem>>, vector<16xf32>, vector<16xi1>
      %get3A_215 = arith.index_cast %add3A_202 : i32 to index
      %get3A_216 = tpu.vector_load %arg7[%get3A_215] {strides = array<i32>} : memref<10000xf32, #tpu.memory_space<vmem>>, vector<16xf32>,
      %swap3A_217 = arith.index_cast %scan3A_198 : i32 to index
      %swap3A_218 = tpu.vector_load %arg12[%swap3A_217] masked %ne3A_206 {strides = array<i32>} : memref<10016xf32, #tpu.memory_space<vmem>>, vector<16xf32>, vector<16xi1>
      tpu.vector_store %arg12[%swap3A_217], %get3A_216 masked %ne3A_206 {strides = array<i32>} : memref<10016xf32, #tpu.memory_space<vmem>>, vector<16xf32>, vector<16xi1>
      %get3A_219 = arith.index_cast %add3A_202 : i32 to index
      %get3A_220 = tpu.vector_load %arg8[%get3A_219] {strides = array<i32>} : memref<10000xf32, #tpu.memory_space<vmem>>, vector<16xf32>,
      %swap3A_221 = arith.index_cast %scan3A_198 : i32 to index
      %swap3A_222 = tpu.vector_load %arg13[%swap3A_221] masked %ne3A_206 {strides = array<i32>} : memref<10016xf32, #tpu.memory_space<vmem>>, vector<16xf32>, vector<16xi1>
      tpu.vector_store %arg13[%swap3A_221], %get3A_220 masked %ne3A_206 {strides = array<i32>} : memref<10016xf32, #tpu.memory_space<vmem>>, vector<16xf32>, vector<16xi1>
      %get3A_223 = arith.index_cast %add3A_202 : i32 to index
      %get3A_224 = tpu.vector_load %arg9[%get3A_223] {strides = array<i32>} : memref<10000xf32, #tpu.memory_space<vmem>>, vector<16xf32>,
      %swap3A_225 = arith.index_cast %scan3A_198 : i32 to index
      %swap3A_226 = tpu.vector_load %arg14[%swap3A_225] masked %ne3A_206 {strides = array<i32>} : memref<10016xf32, #tpu.memory_space<vmem>>, vector<16xf32>, vector<16xi1>
      tpu.vector_store %arg14[%swap3A_225], %get3A_224 masked %ne3A_206 {strides = array<i32>} : memref<10016xf32, #tpu.memory_space<vmem>>, vector<16xf32>, vector<16xi1>
      %swap3A_227 = arith.index_cast %scan3A_198 : i32 to index
      %swap3A_228 = tpu.vector_load %arg15[%swap3A_227] masked %ne3A_206 {strides = array<i32>} : memref<10016xi32, #tpu.memory_space<vmem>>, vector<16xi32>, vector<16xi1>
      tpu.vector_store %arg15[%swap3A_227], %get3A_204 masked %ne3A_206 {strides = array<i32>} : memref<10016xi32, #tpu.memory_space<vmem>>, vector<16xi32>, vector<16xi1>
      %and3A_229 = arith.constant 1 : i32
      %and3A_230 = vector.broadcast %and3A_229 : i32 to vector<16xi32>
      %and3A_231 = arith.andi %get3A_204, %and3A_230 : vector<16xi32>
      %ne3A_232 = arith.constant 0 : i32
      %ne3A_233 = vector.broadcast %ne3A_232 : i32 to vector<16xi32>
      %ne3A_234 = arith.cmpi ne, %and3A_231, %ne3A_233 : vector<16xi32>
      %all_reduce_population_count3A = tpu.all_reduce %ne3A_234 {dim = 0 : i64, kind = #tpu.reduction_kind<sum>} : vector<16xi1> -> vector<16xi32>
      %slice3A_235 = vector.extract_strided_slice %all_reduce_population_count3A {offsets = [0], sizes = [1], strides = [1]} : vector<16xi32> to vector<1xi32>
      %squeeze3A_236 = vector.extract %slice3A_235[0] : i32 from vector<1xi32>
      %add3A_237 = arith.addi %scan3A_197, %squeeze3A_236 : i32
      %all_reduce_population_count3A_238 = tpu.all_reduce %ne3A_206 {dim = 0 : i64, kind = #tpu.reduction_kind<sum>} : vector<16xi1> -> vector<16xi32>
      %slice3A_239 = vector.extract_strided_slice %all_reduce_population_count3A_238 {offsets = [0], sizes = [1], strides = [1]} : vector<16xi32> to vector<1xi32>
      %squeeze3A_240 = vector.extract %slice3A_239[0] : i32 from vector<1xi32>
      %add3A_241 = arith.addi %scan3A_198, %squeeze3A_240 : i32
      %add3A_242 = arith.constant 16 : i32
      %add3A_243 = arith.addi %mul3A_200, %add3A_242 : i32
      %get3A_244 = arith.index_cast %add3A_243 : i32 to index
      %get3A_245 = tpu.vector_load %arg16[%get3A_244] {strides = array<i32>} : memref<10000xi32, #tpu.memory_space<vmem>>, vector<16xi32>,
      %ne3A_246 = arith.constant 0 : i32
      %ne3A_247 = vector.broadcast %ne3A_246 : i32 to vector<16xi32>
      %ne3A_248 = arith.cmpi ne, %get3A_245, %ne3A_247 : vector<16xi32>
      %get3A_249 = arith.index_cast %add3A_243 : i32 to index
      %get3A_250 = tpu.vector_load %arg5[%get3A_249] {strides = array<i32>} : memref<10000xf32, #tpu.memory_space<vmem>>, vector<16xf32>,
      %swap3A_251 = arith.index_cast %add3A_241 : i32 to index
      %swap3A_252 = tpu.vector_load %arg10[%swap3A_251] masked %ne3A_248 {strides = array<i32>} : memref<10016xf32, #tpu.memory_space<vmem>>, vector<16xf32>, vector<16xi1>
      tpu.vector_store %arg10[%swap3A_251], %get3A_250 masked %ne3A_248 {strides = array<i32>} : memref<10016xf32, #tpu.memory_space<vmem>>, vector<16xf32>, vector<16xi1>
      %get3A_253 = arith.index_cast %add3A_243 : i32 to index
      %get3A_254 = tpu.vector_load %arg6[%get3A_253] {strides = array<i32>} : memref<10000xf32, #tpu.memory_space<vmem>>, vector<16xf32>,
      %swap3A_255 = arith.index_cast %add3A_241 : i32 to index
      %swap3A_256 = tpu.vector_load %arg11[%swap3A_255] masked %ne3A_248 {strides = array<i32>} : memref<10016xf32, #tpu.memory_space<vmem>>, vector<16xf32>, vector<16xi1>
      tpu.vector_store %arg11[%swap3A_255], %get3A_254 masked %ne3A_248 {strides = array<i32>} : memref<10016xf32, #tpu.memory_space<vmem>>, vector<16xf32>, vector<16xi1>
      %get3A_257 = arith.index_cast %add3A_243 : i32 to index
      %get3A_258 = tpu.vector_load %arg7[%get3A_257] {strides = array<i32>} : memref<10000xf32, #tpu.memory_space<vmem>>, vector<16xf32>,
      %swap3A_259 = arith.index_cast %add3A_241 : i32 to index
      %swap3A_260 = tpu.vector_load %arg12[%swap3A_259] masked %ne3A_248 {strides = array<i32>} : memref<10016xf32, #tpu.memory_space<vmem>>, vector<16xf32>, vector<16xi1>
      tpu.vector_store %arg12[%swap3A_259], %get3A_258 masked %ne3A_248 {strides = array<i32>} : memref<10016xf32, #tpu.memory_space<vmem>>, vector<16xf32>, vector<16xi1>
      %get3A_261 = arith.index_cast %add3A_243 : i32 to index
      %get3A_262 = tpu.vector_load %arg8[%get3A_261] {strides = array<i32>} : memref<10000xf32, #tpu.memory_space<vmem>>, vector<16xf32>,
      %swap3A_263 = arith.index_cast %add3A_241 : i32 to index
      %swap3A_264 = tpu.vector_load %arg13[%swap3A_263] masked %ne3A_248 {strides = array<i32>} : memref<10016xf32, #tpu.memory_space<vmem>>, vector<16xf32>, vector<16xi1>
      tpu.vector_store %arg13[%swap3A_263], %get3A_262 masked %ne3A_248 {strides = array<i32>} : memref<10016xf32, #tpu.memory_space<vmem>>, vector<16xf32>, vector<16xi1>
      %get3A_265 = arith.index_cast %add3A_243 : i32 to index
      %get3A_266 = tpu.vector_load %arg9[%get3A_265] {strides = array<i32>} : memref<10000xf32, #tpu.memory_space<vmem>>, vector<16xf32>,
      %swap3A_267 = arith.index_cast %add3A_241 : i32 to index
      %swap3A_268 = tpu.vector_load %arg14[%swap3A_267] masked %ne3A_248 {strides = array<i32>} : memref<10016xf32, #tpu.memory_space<vmem>>, vector<16xf32>, vector<16xi1>
      tpu.vector_store %arg14[%swap3A_267], %get3A_266 masked %ne3A_248 {strides = array<i32>} : memref<10016xf32, #tpu.memory_space<vmem>>, vector<16xf32>, vector<16xi1>
      %swap3A_269 = arith.index_cast %add3A_241 : i32 to index
      %swap3A_270 = tpu.vector_load %arg15[%swap3A_269] masked %ne3A_248 {strides = array<i32>} : memref<10016xi32, #tpu.memory_space<vmem>>, vector<16xi32>, vector<16xi1>
      tpu.vector_store %arg15[%swap3A_269], %get3A_245 masked %ne3A_248 {strides = array<i32>} : memref<10016xi32, #tpu.memory_space<vmem>>, vector<16xi32>, vector<16xi1>
      %and3A_271 = arith.constant 1 : i32
      %and3A_272 = vector.broadcast %and3A_271 : i32 to vector<16xi32>
      %and3A_273 = arith.andi %get3A_245, %and3A_272 : vector<16xi32>
      %ne3A_274 = arith.constant 0 : i32
      %ne3A_275 = vector.broadcast %ne3A_274 : i32 to vector<16xi32>
      %ne3A_276 = arith.cmpi ne, %and3A_273, %ne3A_275 : vector<16xi32>
      %all_reduce_population_count3A_277 = tpu.all_reduce %ne3A_276 {dim = 0 : i64, kind = #tpu.reduction_kind<sum>} : vector<16xi1> -> vector<16xi32>
      %slice3A_278 = vector.extract_strided_slice %all_reduce_population_count3A_277 {offsets = [0], sizes = [1], strides = [1]} : vector<16xi32> to vector<1xi32>
      %squeeze3A_279 = vector.extract %slice3A_278[0] : i32 from vector<1xi32>
      %add3A_280 = arith.addi %add3A_237, %squeeze3A_279 : i32
      %all_reduce_population_count3A_281 = tpu.all_reduce %ne3A_248 {dim = 0 : i64, kind = #tpu.reduction_kind<sum>} : vector<16xi1> -> vector<16xi32>
      %slice3A_282 = vector.extract_strided_slice %all_reduce_population_count3A_281 {offsets = [0], sizes = [1], strides = [1]} : vector<16xi32> to vector<1xi32>
      %squeeze3A_283 = vector.extract %slice3A_282[0] : i32 from vector<1xi32>
      %add3A_284 = arith.addi %add3A_241, %squeeze3A_283 : i32
      %add3A_285 = arith.constant 32 : i32
      %add3A_286 = arith.addi %mul3A_200, %add3A_285 : i32
      %get3A_287 = arith.index_cast %add3A_286 : i32 to index
      %get3A_288 = tpu.vector_load %arg16[%get3A_287] {strides = array<i32>} : memref<10000xi32, #tpu.memory_space<vmem>>, vector<16xi32>,
      %ne3A_289 = arith.constant 0 : i32
      %ne3A_290 = vector.broadcast %ne3A_289 : i32 to vector<16xi32>
      %ne3A_291 = arith.cmpi ne, %get3A_288, %ne3A_290 : vector<16xi32>
      %get3A_292 = arith.index_cast %add3A_286 : i32 to index
      %get3A_293 = tpu.vector_load %arg5[%get3A_292] {strides = array<i32>} : memref<10000xf32, #tpu.memory_space<vmem>>, vector<16xf32>,
      %swap3A_294 = arith.index_cast %add3A_284 : i32 to index
      %swap3A_295 = tpu.vector_load %arg10[%swap3A_294] masked %ne3A_291 {strides = array<i32>} : memref<10016xf32, #tpu.memory_space<vmem>>, vector<16xf32>, vector<16xi1>
      tpu.vector_store %arg10[%swap3A_294], %get3A_293 masked %ne3A_291 {strides = array<i32>} : memref<10016xf32, #tpu.memory_space<vmem>>, vector<16xf32>, vector<16xi1>
      %get3A_296 = arith.index_cast %add3A_286 : i32 to index
      %get3A_297 = tpu.vector_load %arg6[%get3A_296] {strides = array<i32>} : memref<10000xf32, #tpu.memory_space<vmem>>, vector<16xf32>,
      %swap3A_298 = arith.index_cast %add3A_284 : i32 to index
      %swap3A_299 = tpu.vector_load %arg11[%swap3A_298] masked %ne3A_291 {strides = array<i32>} : memref<10016xf32, #tpu.memory_space<vmem>>, vector<16xf32>, vector<16xi1>
      tpu.vector_store %arg11[%swap3A_298], %get3A_297 masked %ne3A_291 {strides = array<i32>} : memref<10016xf32, #tpu.memory_space<vmem>>, vector<16xf32>, vector<16xi1>
      %get3A_300 = arith.index_cast %add3A_286 : i32 to index
      %get3A_301 = tpu.vector_load %arg7[%get3A_300] {strides = array<i32>} : memref<10000xf32, #tpu.memory_space<vmem>>, vector<16xf32>,
      %swap3A_302 = arith.index_cast %add3A_284 : i32 to index
      %swap3A_303 = tpu.vector_load %arg12[%swap3A_302] masked %ne3A_291 {strides = array<i32>} : memref<10016xf32, #tpu.memory_space<vmem>>, vector<16xf32>, vector<16xi1>
      tpu.vector_store %arg12[%swap3A_302], %get3A_301 masked %ne3A_291 {strides = array<i32>} : memref<10016xf32, #tpu.memory_space<vmem>>, vector<16xf32>, vector<16xi1>
      %get3A_304 = arith.index_cast %add3A_286 : i32 to index
      %get3A_305 = tpu.vector_load %arg8[%get3A_304] {strides = array<i32>} : memref<10000xf32, #tpu.memory_space<vmem>>, vector<16xf32>,
      %swap3A_306 = arith.index_cast %add3A_284 : i32 to index
      %swap3A_307 = tpu.vector_load %arg13[%swap3A_306] masked %ne3A_291 {strides = array<i32>} : memref<10016xf32, #tpu.memory_space<vmem>>, vector<16xf32>, vector<16xi1>
      tpu.vector_store %arg13[%swap3A_306], %get3A_305 masked %ne3A_291 {strides = array<i32>} : memref<10016xf32, #tpu.memory_space<vmem>>, vector<16xf32>, vector<16xi1>
      %get3A_308 = arith.index_cast %add3A_286 : i32 to index
      %get3A_309 = tpu.vector_load %arg9[%get3A_308] {strides = array<i32>} : memref<10000xf32, #tpu.memory_space<vmem>>, vector<16xf32>,
      %swap3A_310 = arith.index_cast %add3A_284 : i32 to index
      %swap3A_311 = tpu.vector_load %arg14[%swap3A_310] masked %ne3A_291 {strides = array<i32>} : memref<10016xf32, #tpu.memory_space<vmem>>, vector<16xf32>, vector<16xi1>
      tpu.vector_store %arg14[%swap3A_310], %get3A_309 masked %ne3A_291 {strides = array<i32>} : memref<10016xf32, #tpu.memory_space<vmem>>, vector<16xf32>, vector<16xi1>
      %swap3A_312 = arith.index_cast %add3A_284 : i32 to index
      %swap3A_313 = tpu.vector_load %arg15[%swap3A_312] masked %ne3A_291 {strides = array<i32>} : memref<10016xi32, #tpu.memory_space<vmem>>, vector<16xi32>, vector<16xi1>
      tpu.vector_store %arg15[%swap3A_312], %get3A_288 masked %ne3A_291 {strides = array<i32>} : memref<10016xi32, #tpu.memory_space<vmem>>, vector<16xi32>, vector<16xi1>
      %and3A_314 = arith.constant 1 : i32
      %and3A_315 = vector.broadcast %and3A_314 : i32 to vector<16xi32>
      %and3A_316 = arith.andi %get3A_288, %and3A_315 : vector<16xi32>
      %ne3A_317 = arith.constant 0 : i32
      %ne3A_318 = vector.broadcast %ne3A_317 : i32 to vector<16xi32>
      %ne3A_319 = arith.cmpi ne, %and3A_316, %ne3A_318 : vector<16xi32>
      %all_reduce_population_count3A_320 = tpu.all_reduce %ne3A_319 {dim = 0 : i64, kind = #tpu.reduction_kind<sum>} : vector<16xi1> -> vector<16xi32>
      %slice3A_321 = vector.extract_strided_slice %all_reduce_population_count3A_320 {offsets = [0], sizes = [1], strides = [1]} : vector<16xi32> to vector<1xi32>
      %squeeze3A_322 = vector.extract %slice3A_321[0] : i32 from vector<1xi32>
      %add3A_323 = arith.addi %add3A_280, %squeeze3A_322 : i32
      %all_reduce_population_count3A_324 = tpu.all_reduce %ne3A_291 {dim = 0 : i64, kind = #tpu.reduction_kind<sum>} : vector<16xi1> -> vector<16xi32>
      %slice3A_325 = vector.extract_strided_slice %all_reduce_population_count3A_324 {offsets = [0], sizes = [1], strides = [1]} : vector<16xi32> to vector<1xi32>
      %squeeze3A_326 = vector.extract %slice3A_325[0] : i32 from vector<1xi32>
      %add3A_327 = arith.addi %add3A_284, %squeeze3A_326 : i32
      %add3A_328 = arith.constant 48 : i32
      %add3A_329 = arith.addi %mul3A_200, %add3A_328 : i32
      %get3A_330 = arith.index_cast %add3A_329 : i32 to index
      %get3A_331 = tpu.vector_load %arg16[%get3A_330] {strides = array<i32>} : memref<10000xi32, #tpu.memory_space<vmem>>, vector<16xi32>,
      %ne3A_332 = arith.constant 0 : i32
      %ne3A_333 = vector.broadcast %ne3A_332 : i32 to vector<16xi32>
      %ne3A_334 = arith.cmpi ne, %get3A_331, %ne3A_333 : vector<16xi32>
      %get3A_335 = arith.index_cast %add3A_329 : i32 to index
      %get3A_336 = tpu.vector_load %arg5[%get3A_335] {strides = array<i32>} : memref<10000xf32, #tpu.memory_space<vmem>>, vector<16xf32>,
      %swap3A_337 = arith.index_cast %add3A_327 : i32 to index
      %swap3A_338 = tpu.vector_load %arg10[%swap3A_337] masked %ne3A_334 {strides = array<i32>} : memref<10016xf32, #tpu.memory_space<vmem>>, vector<16xf32>, vector<16xi1>
      tpu.vector_store %arg10[%swap3A_337], %get3A_336 masked %ne3A_334 {strides = array<i32>} : memref<10016xf32, #tpu.memory_space<vmem>>, vector<16xf32>, vector<16xi1>
      %get3A_339 = arith.index_cast %add3A_329 : i32 to index
      %get3A_340 = tpu.vector_load %arg6[%get3A_339] {strides = array<i32>} : memref<10000xf32, #tpu.memory_space<vmem>>, vector<16xf32>,
      %swap3A_341 = arith.index_cast %add3A_327 : i32 to index
      %swap3A_342 = tpu.vector_load %arg11[%swap3A_341] masked %ne3A_334 {strides = array<i32>} : memref<10016xf32, #tpu.memory_space<vmem>>, vector<16xf32>, vector<16xi1>
      tpu.vector_store %arg11[%swap3A_341], %get3A_340 masked %ne3A_334 {strides = array<i32>} : memref<10016xf32, #tpu.memory_space<vmem>>, vector<16xf32>, vector<16xi1>
      %get3A_343 = arith.index_cast %add3A_329 : i32 to index
      %get3A_344 = tpu.vector_load %arg7[%get3A_343] {strides = array<i32>} : memref<10000xf32, #tpu.memory_space<vmem>>, vector<16xf32>,
      %swap3A_345 = arith.index_cast %add3A_327 : i32 to index
      %swap3A_346 = tpu.vector_load %arg12[%swap3A_345] masked %ne3A_334 {strides = array<i32>} : memref<10016xf32, #tpu.memory_space<vmem>>, vector<16xf32>, vector<16xi1>
      tpu.vector_store %arg12[%swap3A_345], %get3A_344 masked %ne3A_334 {strides = array<i32>} : memref<10016xf32, #tpu.memory_space<vmem>>, vector<16xf32>, vector<16xi1>
      %get3A_347 = arith.index_cast %add3A_329 : i32 to index
      %get3A_348 = tpu.vector_load %arg8[%get3A_347] {strides = array<i32>} : memref<10000xf32, #tpu.memory_space<vmem>>, vector<16xf32>,
      %swap3A_349 = arith.index_cast %add3A_327 : i32 to index
      %swap3A_350 = tpu.vector_load %arg13[%swap3A_349] masked %ne3A_334 {strides = array<i32>} : memref<10016xf32, #tpu.memory_space<vmem>>, vector<16xf32>, vector<16xi1>
      tpu.vector_store %arg13[%swap3A_349], %get3A_348 masked %ne3A_334 {strides = array<i32>} : memref<10016xf32, #tpu.memory_space<vmem>>, vector<16xf32>, vector<16xi1>
      %get3A_351 = arith.index_cast %add3A_329 : i32 to index
      %get3A_352 = tpu.vector_load %arg9[%get3A_351] {strides = array<i32>} : memref<10000xf32, #tpu.memory_space<vmem>>, vector<16xf32>,
      %swap3A_353 = arith.index_cast %add3A_327 : i32 to index
      %swap3A_354 = tpu.vector_load %arg14[%swap3A_353] masked %ne3A_334 {strides = array<i32>} : memref<10016xf32, #tpu.memory_space<vmem>>, vector<16xf32>, vector<16xi1>
      tpu.vector_store %arg14[%swap3A_353], %get3A_352 masked %ne3A_334 {strides = array<i32>} : memref<10016xf32, #tpu.memory_space<vmem>>, vector<16xf32>, vector<16xi1>
      %swap3A_355 = arith.index_cast %add3A_327 : i32 to index
      %swap3A_356 = tpu.vector_load %arg15[%swap3A_355] masked %ne3A_334 {strides = array<i32>} : memref<10016xi32, #tpu.memory_space<vmem>>, vector<16xi32>, vector<16xi1>
      tpu.vector_store %arg15[%swap3A_355], %get3A_331 masked %ne3A_334 {strides = array<i32>} : memref<10016xi32, #tpu.memory_space<vmem>>, vector<16xi32>, vector<16xi1>
      %and3A_357 = arith.constant 1 : i32
      %and3A_358 = vector.broadcast %and3A_357 : i32 to vector<16xi32>
      %and3A_359 = arith.andi %get3A_331, %and3A_358 : vector<16xi32>
      %ne3A_360 = arith.constant 0 : i32
      %ne3A_361 = vector.broadcast %ne3A_360 : i32 to vector<16xi32>
      %ne3A_362 = arith.cmpi ne, %and3A_359, %ne3A_361 : vector<16xi32>
      %all_reduce_population_count3A_363 = tpu.all_reduce %ne3A_362 {dim = 0 : i64, kind = #tpu.reduction_kind<sum>} : vector<16xi1> -> vector<16xi32>
      %slice3A_364 = vector.extract_strided_slice %all_reduce_population_count3A_363 {offsets = [0], sizes = [1], strides = [1]} : vector<16xi32> to vector<1xi32>
      %squeeze3A_365 = vector.extract %slice3A_364[0] : i32 from vector<1xi32>
      %add3A_366 = arith.addi %add3A_323, %squeeze3A_365 : i32
      %all_reduce_population_count3A_367 = tpu.all_reduce %ne3A_334 {dim = 0 : i64, kind = #tpu.reduction_kind<sum>} : vector<16xi1> -> vector<16xi32>
      %slice3A_368 = vector.extract_strided_slice %all_reduce_population_count3A_367 {offsets = [0], sizes = [1], strides = [1]} : vector<16xi32> to vector<1xi32>
      %squeeze3A_369 = vector.extract %slice3A_368[0] : i32 from vector<1xi32>
      %add3A_370 = arith.addi %add3A_327, %squeeze3A_369 : i32
      %add3A_371 = arith.constant 64 : i32
      %add3A_372 = arith.addi %mul3A_200, %add3A_371 : i32
      %get3A_373 = arith.index_cast %add3A_372 : i32 to index
      %get3A_374 = tpu.vector_load %arg16[%get3A_373] {strides = array<i32>} : memref<10000xi32, #tpu.memory_space<vmem>>, vector<16xi32>,
      %ne3A_375 = arith.constant 0 : i32
      %ne3A_376 = vector.broadcast %ne3A_375 : i32 to vector<16xi32>
      %ne3A_377 = arith.cmpi ne, %get3A_374, %ne3A_376 : vector<16xi32>
      %get3A_378 = arith.index_cast %add3A_372 : i32 to index
      %get3A_379 = tpu.vector_load %arg5[%get3A_378] {strides = array<i32>} : memref<10000xf32, #tpu.memory_space<vmem>>, vector<16xf32>,
      %swap3A_380 = arith.index_cast %add3A_370 : i32 to index
      %swap3A_381 = tpu.vector_load %arg10[%swap3A_380] masked %ne3A_377 {strides = array<i32>} : memref<10016xf32, #tpu.memory_space<vmem>>, vector<16xf32>, vector<16xi1>
      tpu.vector_store %arg10[%swap3A_380], %get3A_379 masked %ne3A_377 {strides = array<i32>} : memref<10016xf32, #tpu.memory_space<vmem>>, vector<16xf32>, vector<16xi1>
      %get3A_382 = arith.index_cast %add3A_372 : i32 to index
      %get3A_383 = tpu.vector_load %arg6[%get3A_382] {strides = array<i32>} : memref<10000xf32, #tpu.memory_space<vmem>>, vector<16xf32>,
      %swap3A_384 = arith.index_cast %add3A_370 : i32 to index
      %swap3A_385 = tpu.vector_load %arg11[%swap3A_384] masked %ne3A_377 {strides = array<i32>} : memref<10016xf32, #tpu.memory_space<vmem>>, vector<16xf32>, vector<16xi1>
      tpu.vector_store %arg11[%swap3A_384], %get3A_383 masked %ne3A_377 {strides = array<i32>} : memref<10016xf32, #tpu.memory_space<vmem>>, vector<16xf32>, vector<16xi1>
      %get3A_386 = arith.index_cast %add3A_372 : i32 to index
      %get3A_387 = tpu.vector_load %arg7[%get3A_386] {strides = array<i32>} : memref<10000xf32, #tpu.memory_space<vmem>>, vector<16xf32>,
      %swap3A_388 = arith.index_cast %add3A_370 : i32 to index
      %swap3A_389 = tpu.vector_load %arg12[%swap3A_388] masked %ne3A_377 {strides = array<i32>} : memref<10016xf32, #tpu.memory_space<vmem>>, vector<16xf32>, vector<16xi1>
      tpu.vector_store %arg12[%swap3A_388], %get3A_387 masked %ne3A_377 {strides = array<i32>} : memref<10016xf32, #tpu.memory_space<vmem>>, vector<16xf32>, vector<16xi1>
      %get3A_390 = arith.index_cast %add3A_372 : i32 to index
      %get3A_391 = tpu.vector_load %arg8[%get3A_390] {strides = array<i32>} : memref<10000xf32, #tpu.memory_space<vmem>>, vector<16xf32>,
      %swap3A_392 = arith.index_cast %add3A_370 : i32 to index
      %swap3A_393 = tpu.vector_load %arg13[%swap3A_392] masked %ne3A_377 {strides = array<i32>} : memref<10016xf32, #tpu.memory_space<vmem>>, vector<16xf32>, vector<16xi1>
      tpu.vector_store %arg13[%swap3A_392], %get3A_391 masked %ne3A_377 {strides = array<i32>} : memref<10016xf32, #tpu.memory_space<vmem>>, vector<16xf32>, vector<16xi1>
      %get3A_394 = arith.index_cast %add3A_372 : i32 to index
      %get3A_395 = tpu.vector_load %arg9[%get3A_394] {strides = array<i32>} : memref<10000xf32, #tpu.memory_space<vmem>>, vector<16xf32>,
      %swap3A_396 = arith.index_cast %add3A_370 : i32 to index
      %swap3A_397 = tpu.vector_load %arg14[%swap3A_396] masked %ne3A_377 {strides = array<i32>} : memref<10016xf32, #tpu.memory_space<vmem>>, vector<16xf32>, vector<16xi1>
      tpu.vector_store %arg14[%swap3A_396], %get3A_395 masked %ne3A_377 {strides = array<i32>} : memref<10016xf32, #tpu.memory_space<vmem>>, vector<16xf32>, vector<16xi1>
      %swap3A_398 = arith.index_cast %add3A_370 : i32 to index
      %swap3A_399 = tpu.vector_load %arg15[%swap3A_398] masked %ne3A_377 {strides = array<i32>} : memref<10016xi32, #tpu.memory_space<vmem>>, vector<16xi32>, vector<16xi1>
      tpu.vector_store %arg15[%swap3A_398], %get3A_374 masked %ne3A_377 {strides = array<i32>} : memref<10016xi32, #tpu.memory_space<vmem>>, vector<16xi32>, vector<16xi1>
      %and3A_400 = arith.constant 1 : i32
      %and3A_401 = vector.broadcast %and3A_400 : i32 to vector<16xi32>
      %and3A_402 = arith.andi %get3A_374, %and3A_401 : vector<16xi32>
      %ne3A_403 = arith.constant 0 : i32
      %ne3A_404 = vector.broadcast %ne3A_403 : i32 to vector<16xi32>
      %ne3A_405 = arith.cmpi ne, %and3A_402, %ne3A_404 : vector<16xi32>
      %all_reduce_population_count3A_406 = tpu.all_reduce %ne3A_405 {dim = 0 : i64, kind = #tpu.reduction_kind<sum>} : vector<16xi1> -> vector<16xi32>
      %slice3A_407 = vector.extract_strided_slice %all_reduce_population_count3A_406 {offsets = [0], sizes = [1], strides = [1]} : vector<16xi32> to vector<1xi32>
      %squeeze3A_408 = vector.extract %slice3A_407[0] : i32 from vector<1xi32>
      %add3A_409 = arith.addi %add3A_366, %squeeze3A_408 : i32
      %all_reduce_population_count3A_410 = tpu.all_reduce %ne3A_377 {dim = 0 : i64, kind = #tpu.reduction_kind<sum>} : vector<16xi1> -> vector<16xi32>
      %slice3A_411 = vector.extract_strided_slice %all_reduce_population_count3A_410 {offsets = [0], sizes = [1], strides = [1]} : vector<16xi32> to vector<1xi32>
      %squeeze3A_412 = vector.extract %slice3A_411[0] : i32 from vector<1xi32>
      %add3A_413 = arith.addi %add3A_370, %squeeze3A_412 : i32
      scf.yield %add3A_409, %add3A_413 : i32, i32
    }
    %scan3A_84 = arith.constant 125 : i32
    %swap3A_85 = arith.index_cast %scan3A_83#1 : i32 to index
    %swap3A_86 = tpu.vector_load %arg10[%swap3A_85] {strides = array<i32>} : memref<10016xf32, #tpu.memory_space<vmem>>, vector<16xf32>,
    tpu.vector_store %arg10[%swap3A_85], %broadcast_in_dim3A_29 {strides = array<i32>} : memref<10016xf32, #tpu.memory_space<vmem>>, vector<16xf32>,
    %swap3A_87 = arith.index_cast %scan3A_83#1 : i32 to index
    %swap3A_88 = tpu.vector_load %arg11[%swap3A_87] {strides = array<i32>} : memref<10016xf32, #tpu.memory_space<vmem>>, vector<16xf32>,
    tpu.vector_store %arg11[%swap3A_87], %broadcast_in_dim3A_29 {strides = array<i32>} : memref<10016xf32, #tpu.memory_space<vmem>>, vector<16xf32>,
    %swap3A_89 = arith.index_cast %scan3A_83#1 : i32 to index
    %swap3A_90 = tpu.vector_load %arg12[%swap3A_89] {strides = array<i32>} : memref<10016xf32, #tpu.memory_space<vmem>>, vector<16xf32>,
    tpu.vector_store %arg12[%swap3A_89], %broadcast_in_dim3A_29 {strides = array<i32>} : memref<10016xf32, #tpu.memory_space<vmem>>, vector<16xf32>,
    %swap3A_91 = arith.index_cast %scan3A_83#1 : i32 to index
    %swap3A_92 = tpu.vector_load %arg13[%swap3A_91] {strides = array<i32>} : memref<10016xf32, #tpu.memory_space<vmem>>, vector<16xf32>,
    tpu.vector_store %arg13[%swap3A_91], %broadcast_in_dim3A_29 {strides = array<i32>} : memref<10016xf32, #tpu.memory_space<vmem>>, vector<16xf32>,
    %swap3A_93 = arith.index_cast %scan3A_83#1 : i32 to index
    %swap3A_94 = tpu.vector_load %arg14[%swap3A_93] {strides = array<i32>} : memref<10016xf32, #tpu.memory_space<vmem>>, vector<16xf32>,
    tpu.vector_store %arg14[%swap3A_93], %broadcast_in_dim3A_29 {strides = array<i32>} : memref<10016xf32, #tpu.memory_space<vmem>>, vector<16xf32>,
    %broadcast_in_dim3A_95 = arith.constant 0 : i32
    %broadcast_in_dim3A_96 = vector.broadcast %broadcast_in_dim3A_95 : i32 to vector<16xi32>
    %swap3A_97 = arith.index_cast %scan3A_83#1 : i32 to index
    %swap3A_98 = tpu.vector_load %arg15[%swap3A_97] {strides = array<i32>} : memref<10016xi32, #tpu.memory_space<vmem>>, vector<16xi32>,
    tpu.vector_store %arg15[%swap3A_97], %broadcast_in_dim3A_96 {strides = array<i32>} : memref<10016xi32, #tpu.memory_space<vmem>>, vector<16xi32>,
    %add3A = arith.constant 15 : i32
    %add3A_99 = arith.addi %scan3A_83#1, %add3A : i32
    %shift_right_arithmetic3A = arith.constant 4 : i32
    %shift_right_arithmetic3A_100 = arith.shrsi %add3A_99, %shift_right_arithmetic3A : i32
    %while3A = arith.constant 0 : i32
    %while3A_101 = arith.constant 0 : i32
    %while3A_102:2 = scf.while (%while3A_196 = %while3A, %while3A_197 = %while3A_101) : (i32, i32) -> (i32, i32) {
      %lt3A_198 = arith.cmpi slt, %while3A_196, %shift_right_arithmetic3A_100 : i32
      %lt3A_199 = arith.constant 12 : i32
      %lt3A_200 = arith.cmpi slt, %while3A_197, %lt3A_199 : i32
      %and3A_201 = arith.andi %lt3A_198, %lt3A_200 : i1
      scf.condition(%and3A_201) %while3A_196, %while3A_197 : i32, i32
    } do {
    ^bb0(%while3A_196: i32, %while3A_197: i32):
      %mul3A_198 = arith.constant 16 : i32
      %mul3A_199 = arith.muli %while3A_196, %mul3A_198 : i32
      %get3A_200 = arith.index_cast %mul3A_199 : i32 to index
      %get3A_201 = tpu.vector_load %arg15[%get3A_200] {strides = array<i32>} : memref<10016xi32, #tpu.memory_space<vmem>>, vector<16xi32>,
      %and3A_202 = arith.constant 2 : i32
      %and3A_203 = vector.broadcast %and3A_202 : i32 to vector<16xi32>
      %and3A_204 = arith.andi %get3A_201, %and3A_203 : vector<16xi32>
      %ne3A = arith.constant 0 : i32
      %ne3A_205 = vector.broadcast %ne3A : i32 to vector<16xi32>
      %ne3A_206 = arith.cmpi ne, %and3A_204, %ne3A_205 : vector<16xi32>
      %convert_element_type3A_207 = arith.extui %ne3A_206 : vector<16xi1> to vector<16xi32>
      %broadcast_in_dim3A_208 = arith.constant true
      %broadcast_in_dim3A_209 = vector.broadcast %broadcast_in_dim3A_208 : i1 to vector<16xi1>
      %masked_cumsum3A = tpu.scan <sum>, %convert_element_type3A_207 masked %broadcast_in_dim3A_209 : vector<16xi32>, vector<16xi1> -> vector<16xi32>
      %sub3A_210 = vector.broadcast %while3A_197 : i32 to vector<16xi32>
      %sub3A_211 = arith.subi %sub3A_210, %convert_element_type3A_207 : vector<16xi32>
      %add3A_212 = arith.addi %sub3A_211, %masked_cumsum3A : vector<16xi32>
      %lt3A_213 = arith.constant 12 : i32
      %lt3A_214 = vector.broadcast %lt3A_213 : i32 to vector<16xi32>
      %lt3A_215 = arith.cmpi slt, %add3A_212, %lt3A_214 : vector<16xi32>
      %and3A_216 = arith.andi %ne3A_206, %lt3A_215 : vector<16xi1>
      %mul3A_217 = arith.constant 16 : i32
      %mul3A_218 = arith.muli %while3A_196, %mul3A_217 : i32
      %get3A_219 = arith.index_cast %mul3A_218 : i32 to index
      %get3A_220 = tpu.vector_load %arg14[%get3A_219] {strides = array<i32>} : memref<10016xf32, #tpu.memory_space<vmem>>, vector<16xf32>,
      %min3A_221 = arith.constant 15 : i32
      %min3A_222 = vector.broadcast %min3A_221 : i32 to vector<16xi32>
      %min3A_223 = arith.minsi %add3A_212, %min3A_222 : vector<16xi32>
      tpu.vector_store_idx %arg17[%min3A_223], %get3A_220 masked %and3A_216 : memref<16xf32, #tpu.memory_space<vmem>>[vector<16xi32>], vector<16xf32>, vector<16xi1>
      %add3A_224 = arith.constant 1 : i32
      %add3A_225 = arith.addi %while3A_196, %add3A_224 : i32
      %all_reduce_population_count3A = tpu.all_reduce %ne3A_206 {dim = 0 : i64, kind = #tpu.reduction_kind<sum>} : vector<16xi1> -> vector<16xi32>
      %slice3A_226 = vector.extract_strided_slice %all_reduce_population_count3A {offsets = [0], sizes = [1], strides = [1]} : vector<16xi32> to vector<1xi32>
      %squeeze3A_227 = vector.extract %slice3A_226[0] : i32 from vector<1xi32>
      %add3A_228 = arith.addi %while3A_197, %squeeze3A_227 : i32
      scf.yield %add3A_225, %add3A_228 : i32, i32
    }
    %min3A = arith.constant 12 : i32
    %min3A_103 = arith.minsi %while3A_102#1, %min3A : i32
    %min3A_104 = arith.constant 11 : i32
    %min3A_105 = vector.broadcast %min3A_104 : i32 to vector<16xi32>
    %min3A_106 = arith.minsi %iota3A, %min3A_105 : vector<16xi32>
    %broadcast_in_dim3A_107 = arith.constant 0 : i32
    %broadcast_in_dim3A_108 = vector.broadcast %broadcast_in_dim3A_107 : i32 to vector<16xi32>
    %gather3A = tpu.vector_load_idx %arg19[%min3A_106, %broadcast_in_dim3A_108] : memref<12x4xf32, #tpu.memory_space<vmem>>[vector<16xi32>, vector<16xi32>], vector<16xf32>,
    %broadcast_in_dim3A_109 = arith.constant 1 : i32
    %broadcast_in_dim3A_110 = vector.broadcast %broadcast_in_dim3A_109 : i32 to vector<16xi32>
    %gather3A_111 = tpu.vector_load_idx %arg19[%min3A_106, %broadcast_in_dim3A_110] : memref<12x4xf32, #tpu.memory_space<vmem>>[vector<16xi32>, vector<16xi32>], vector<16xf32>,
    %broadcast_in_dim3A_112 = arith.constant 2 : i32
    %broadcast_in_dim3A_113 = vector.broadcast %broadcast_in_dim3A_112 : i32 to vector<16xi32>
    %gather3A_114 = tpu.vector_load_idx %arg19[%min3A_106, %broadcast_in_dim3A_113] : memref<12x4xf32, #tpu.memory_space<vmem>>[vector<16xi32>, vector<16xi32>], vector<16xf32>,
    %broadcast_in_dim3A_115 = arith.constant 3 : i32
    %broadcast_in_dim3A_116 = vector.broadcast %broadcast_in_dim3A_115 : i32 to vector<16xi32>
    %gather3A_117 = tpu.vector_load_idx %arg19[%min3A_106, %broadcast_in_dim3A_116] : memref<12x4xf32, #tpu.memory_space<vmem>>[vector<16xi32>, vector<16xi32>], vector<16xf32>,
    %mul3A_118 = arith.constant 5.000000e-01 : f32
    %mul3A_119 = vector.broadcast %mul3A_118 : f32 to vector<16xf32>
    %mul3A_120 = arith.mulf %gather3A_114, %mul3A_119 : vector<16xf32>
    %sub3A = arith.subf %gather3A, %mul3A_120 : vector<16xf32>
    %mul3A_121 = arith.constant 5.000000e-01 : f32
    %mul3A_122 = vector.broadcast %mul3A_121 : f32 to vector<16xf32>
    %mul3A_123 = arith.mulf %gather3A_114, %mul3A_122 : vector<16xf32>
    %add3A_124 = arith.addf %gather3A, %mul3A_123 : vector<16xf32>
    %mul3A_125 = arith.constant 5.000000e-01 : f32
    %mul3A_126 = vector.broadcast %mul3A_125 : f32 to vector<16xf32>
    %mul3A_127 = arith.mulf %gather3A_117, %mul3A_126 : vector<16xf32>
    %sub3A_128 = arith.subf %gather3A_111, %mul3A_127 : vector<16xf32>
    %mul3A_129 = arith.constant 5.000000e-01 : f32
    %mul3A_130 = vector.broadcast %mul3A_129 : f32 to vector<16xf32>
    %mul3A_131 = arith.mulf %gather3A_117, %mul3A_130 : vector<16xf32>
    %add3A_132 = arith.addf %gather3A_111, %mul3A_131 : vector<16xf32>
    %mul3A_133 = arith.mulf %gather3A_114, %gather3A_117 : vector<16xf32>
    %eq3A = arith.constant 0.000000e+00 : f32
    %eq3A_134 = vector.broadcast %eq3A : f32 to vector<16xf32>
    %eq3A_135 = arith.cmpf oeq, %gather3A_117, %eq3A_134 : vector<16xf32>
    %lt3A = arith.constant 12 : i32
    %lt3A_136 = vector.broadcast %lt3A : i32 to vector<16xi32>
    %lt3A_137 = arith.cmpi slt, %iota3A, %lt3A_136 : vector<16xi32>
    %and3A = arith.andi %eq3A_135, %lt3A_137 : vector<16xi1>
    %jit3A = arith.constant 12 : i32
    %broadcast_in_dim3A_138 = vector.broadcast %jit3A : i32 to vector<16xi32>
    %select_n3A = arith.select %and3A, %iota3A, %broadcast_in_dim3A_138 : vector<16xi1>, vector<16xi32>
    %reduce_min3A = arith.constant true
    %reduce_min3A_139 = vector.broadcast %reduce_min3A : i1 to vector<16xi1>
    %reduce_min3A_140 = arith.constant -2147483648 : i32
    %reduce_min3A_141 = vector.broadcast %reduce_min3A_140 : i32 to vector<16xi32>
    %reduce_min3A_142 = arith.xori %select_n3A, %reduce_min3A_141 : vector<16xi32>
    %reduce_min3A_143 = tpu.scan <min>, %reduce_min3A_142 masked %reduce_min3A_139 : vector<16xi32>, vector<16xi1> -> vector<16xi32>
    %reduce_min3A_144 = arith.xori %reduce_min3A_143, %reduce_min3A_141 : vector<16xi32>
    %reduce_min3A_145 = vector.extract %reduce_min3A_144[15] : i32 from vector<16xi32>
    %le3A = arith.constant 10 : i32
    %le3A_146 = arith.cmpi sle, %reduce_min3A_145, %le3A : i32
    %jit3A_147 = arith.constant 0 : i32
    %select_n3A_148 = arith.select %le3A_146, %reduce_min3A_145, %jit3A_147 : i32
    %broadcast_in_dim3A_149 = arith.constant -2.000000e+00 : f32
    %broadcast_in_dim3A_150 = vector.broadcast %broadcast_in_dim3A_149 : f32 to vector<16xf32>
    %broadcast_in_dim3A_151 = arith.constant 0 : i32
    %broadcast_in_dim3A_152 = vector.broadcast %broadcast_in_dim3A_151 : i32 to vector<16xi32>
    %broadcast_in_dim3A_153 = arith.constant -1.000000e+00 : f32
    %broadcast_in_dim3A_154 = vector.broadcast %broadcast_in_dim3A_153 : f32 to vector<16xf32>
    %lt3A_155 = arith.constant 0 : i32
    %lt3A_156 = arith.cmpi slt, %lt3A_155, %select_n3A_148 : i32
    %convert_element_type3A = arith.extui %lt3A_156 : i1 to i32
    %cond3A = arith.constant 0 : i32
    %cond3A_157 = arith.cmpi ne, %convert_element_type3A, %cond3A : i32
    scf.if %cond3A_157 {
      %lt3A_196 = arith.constant 1 : i32
      %lt3A_197 = arith.cmpi slt, %lt3A_196, %select_n3A_148 : i32
      %lt3A_198 = arith.constant 2 : i32
      %lt3A_199 = arith.cmpi slt, %lt3A_198, %select_n3A_148 : i32
      %while3A_200 = arith.constant 0 : i32
      %while3A_201 = arith.subi %shift_right_arithmetic3A_100, %while3A_200 : i32
      %while3A_202 = arith.addi %while3A_200, %while3A_201 : i32
      %while3A_203 = arith.constant 1 : i32
      %while3A_204 = arith.divsi %while3A_201, %while3A_203 : i32
      %while3A_205 = arith.muli %while3A_204, %while3A_203 : i32
      %while3A_206 = arith.addi %while3A_200, %while3A_205 : i32
      %while3A_207 = arith.constant 1 : i32
      %while3A_208:9 = scf.for %while3A_330 = %while3A_200 to %while3A_206 step %while3A_207 iter_args(%while3A_331 = %broadcast_in_dim3A_150, %while3A_332 = %broadcast_in_dim3A_152, %while3A_333 = %broadcast_in_dim3A_154, %while3A_334 = %broadcast_in_dim3A_150, %while3A_335 = %broadcast_in_dim3A_152, %while3A_336 = %broadcast_in_dim3A_154, %while3A_337 = %broadcast_in_dim3A_150, %while3A_338 = %broadcast_in_dim3A_152, %while3A_339 = %broadcast_in_dim3A_154) -> (vector<16xf32>, vector<16xi32>, vector<16xf32>, vector<16xf32>, vector<16xi32>, vector<16xf32>, vector<16xf32>, vector<16xi32>, vector<16xf32>)  : i32 {
        %mul3A_340 = arith.constant 16 : i32
        %mul3A_341 = arith.muli %while3A_330, %mul3A_340 : i32
        %get3A_342 = arith.index_cast %mul3A_341 : i32 to index
        %get3A_343 = tpu.vector_load %arg10[%get3A_342] {strides = array<i32>} : memref<10016xf32, #tpu.memory_space<vmem>>, vector<16xf32>,
        %get3A_344 = arith.index_cast %mul3A_341 : i32 to index
        %get3A_345 = tpu.vector_load %arg11[%get3A_344] {strides = array<i32>} : memref<10016xf32, #tpu.memory_space<vmem>>, vector<16xf32>,
        %get3A_346 = arith.index_cast %mul3A_341 : i32 to index
        %get3A_347 = tpu.vector_load %arg12[%get3A_346] {strides = array<i32>} : memref<10016xf32, #tpu.memory_space<vmem>>, vector<16xf32>,
        %get3A_348 = arith.index_cast %mul3A_341 : i32 to index
        %get3A_349 = tpu.vector_load %arg13[%get3A_348] {strides = array<i32>} : memref<10016xf32, #tpu.memory_space<vmem>>, vector<16xf32>,
        %mul3A_350 = arith.constant 5.000000e-01 : f32
        %mul3A_351 = vector.broadcast %mul3A_350 : f32 to vector<16xf32>
        %mul3A_352 = arith.mulf %get3A_347, %mul3A_351 : vector<16xf32>
        %sub3A_353 = arith.subf %get3A_343, %mul3A_352 : vector<16xf32>
        %mul3A_354 = arith.constant 5.000000e-01 : f32
        %mul3A_355 = vector.broadcast %mul3A_354 : f32 to vector<16xf32>
        %mul3A_356 = arith.mulf %get3A_347, %mul3A_355 : vector<16xf32>
        %add3A_357 = arith.addf %get3A_343, %mul3A_356 : vector<16xf32>
        %mul3A_358 = arith.constant 5.000000e-01 : f32
        %mul3A_359 = vector.broadcast %mul3A_358 : f32 to vector<16xf32>
        %mul3A_360 = arith.mulf %get3A_349, %mul3A_359 : vector<16xf32>
        %sub3A_361 = arith.subf %get3A_345, %mul3A_360 : vector<16xf32>
        %mul3A_362 = arith.constant 5.000000e-01 : f32
        %mul3A_363 = vector.broadcast %mul3A_362 : f32 to vector<16xf32>
        %mul3A_364 = arith.mulf %get3A_349, %mul3A_363 : vector<16xf32>
        %add3A_365 = arith.addf %get3A_345, %mul3A_364 : vector<16xf32>
        %mul3A_366 = arith.mulf %get3A_347, %get3A_349 : vector<16xf32>
        %get3A_367 = arith.index_cast %mul3A_341 : i32 to index
        %get3A_368 = tpu.vector_load %arg15[%get3A_367] {strides = array<i32>} : memref<10016xi32, #tpu.memory_space<vmem>>, vector<16xi32>,
        %and3A_369 = arith.constant 1 : i32
        %and3A_370 = vector.broadcast %and3A_369 : i32 to vector<16xi32>
        %and3A_371 = arith.andi %get3A_368, %and3A_370 : vector<16xi32>
        %ne3A = arith.constant 0 : i32
        %ne3A_372 = vector.broadcast %ne3A : i32 to vector<16xi32>
        %ne3A_373 = arith.cmpi ne, %and3A_371, %ne3A_372 : vector<16xi32>
        %and3A_374 = arith.constant 2 : i32
        %and3A_375 = vector.broadcast %and3A_374 : i32 to vector<16xi32>
        %and3A_376 = arith.andi %get3A_368, %and3A_375 : vector<16xi32>
        %ne3A_377 = arith.constant 0 : i32
        %ne3A_378 = vector.broadcast %ne3A_377 : i32 to vector<16xi32>
        %ne3A_379 = arith.cmpi ne, %and3A_376, %ne3A_378 : vector<16xi32>
        %slice3A_380 = vector.extract_strided_slice %sub3A {offsets = [0], sizes = [1], strides = [1]} : vector<16xf32> to vector<1xf32>
        %squeeze3A_381 = vector.extract %slice3A_380[0] : f32 from vector<1xf32>
        %max3A = vector.broadcast %squeeze3A_381 : f32 to vector<16xf32>
        %max3A_382 = arith.maximumf %sub3A_353, %max3A : vector<16xf32>
        %slice3A_383 = vector.extract_strided_slice %add3A_124 {offsets = [0], sizes = [1], strides = [1]} : vector<16xf32> to vector<1xf32>
        %squeeze3A_384 = vector.extract %slice3A_383[0] : f32 from vector<1xf32>
        %min3A_385 = vector.broadcast %squeeze3A_384 : f32 to vector<16xf32>
        %min3A_386 = arith.minimumf %add3A_357, %min3A_385 : vector<16xf32>
        %slice3A_387 = vector.extract_strided_slice %sub3A_128 {offsets = [0], sizes = [1], strides = [1]} : vector<16xf32> to vector<1xf32>
        %squeeze3A_388 = vector.extract %slice3A_387[0] : f32 from vector<1xf32>
        %max3A_389 = vector.broadcast %squeeze3A_388 : f32 to vector<16xf32>
        %max3A_390 = arith.maximumf %sub3A_361, %max3A_389 : vector<16xf32>
        %slice3A_391 = vector.extract_strided_slice %add3A_132 {offsets = [0], sizes = [1], strides = [1]} : vector<16xf32> to vector<1xf32>
        %squeeze3A_392 = vector.extract %slice3A_391[0] : f32 from vector<1xf32>
        %min3A_393 = vector.broadcast %squeeze3A_392 : f32 to vector<16xf32>
        %min3A_394 = arith.minimumf %add3A_365, %min3A_393 : vector<16xf32>
        %lt3A_395 = arith.cmpf olt, %max3A_382, %min3A_386 : vector<16xf32>
        %lt3A_396 = arith.cmpf olt, %max3A_390, %min3A_394 : vector<16xf32>
        %and3A_397 = arith.andi %lt3A_395, %lt3A_396 : vector<16xi1>
        %sub3A_398 = arith.subf %min3A_386, %max3A_382 : vector<16xf32>
        %sub3A_399 = arith.subf %min3A_394, %max3A_390 : vector<16xf32>
        %mul3A_400 = arith.mulf %sub3A_398, %sub3A_399 : vector<16xf32>
        %jit3A_401 = arith.constant 0.000000e+00 : f32
        %broadcast_in_dim3A_402 = vector.broadcast %jit3A_401 : f32 to vector<16xf32>
        %select_n3A_403 = arith.select %and3A_397, %mul3A_400, %broadcast_in_dim3A_402 : vector<16xi1>, vector<16xf32>
        %slice3A_404 = vector.extract_strided_slice %mul3A_133 {offsets = [0], sizes = [1], strides = [1]} : vector<16xf32> to vector<1xf32>
        %squeeze3A_405 = vector.extract %slice3A_404[0] : f32 from vector<1xf32>
        %add3A_406 = vector.broadcast %squeeze3A_405 : f32 to vector<16xf32>
        %add3A_407 = arith.addf %mul3A_366, %add3A_406 : vector<16xf32>
        %sub3A_408 = arith.subf %add3A_407, %select_n3A_403 : vector<16xf32>
        %div3A = arith.divf %select_n3A_403, %sub3A_408 : vector<16xf32>
        %jit3A_409 = arith.constant -1.000000e+00 : f32
        %broadcast_in_dim3A_410 = vector.broadcast %jit3A_409 : f32 to vector<16xf32>
        %select_n3A_411 = arith.select %ne3A_373, %div3A, %broadcast_in_dim3A_410 : vector<16xi1>, vector<16xf32>
        %jit3A_412 = arith.constant -1.000000e+00 : f32
        %broadcast_in_dim3A_413 = vector.broadcast %jit3A_412 : f32 to vector<16xf32>
        %select_n3A_414 = arith.select %ne3A_379, %div3A, %broadcast_in_dim3A_413 : vector<16xi1>, vector<16xf32>
        %gt3A = arith.cmpf ogt, %select_n3A_411, %while3A_331 : vector<16xf32>
        %select_n3A_415 = arith.select %gt3A, %select_n3A_411, %while3A_331 : vector<16xi1>, vector<16xf32>
        %add3A_416 = vector.broadcast %mul3A_341 : i32 to vector<16xi32>
        %add3A_417 = arith.addi %add3A_416, %iota3A : vector<16xi32>
        %select_n3A_418 = arith.select %gt3A, %add3A_417, %while3A_332 : vector<16xi1>, vector<16xi32>
        %max3A_419 = arith.maximumf %while3A_333, %select_n3A_414 : vector<16xf32>
        %and3A_420 = vector.broadcast %lt3A_197 : i1 to vector<16xi1>
        %and3A_421 = arith.andi %ne3A_373, %and3A_420 : vector<16xi1>
        %and3A_422 = vector.broadcast %lt3A_197 : i1 to vector<16xi1>
        %and3A_423 = arith.andi %ne3A_379, %and3A_422 : vector<16xi1>
        %slice3A_424 = vector.extract_strided_slice %sub3A {offsets = [1], sizes = [1], strides = [1]} : vector<16xf32> to vector<1xf32>
        %squeeze3A_425 = vector.extract %slice3A_424[0] : f32 from vector<1xf32>
        %max3A_426 = vector.broadcast %squeeze3A_425 : f32 to vector<16xf32>
        %max3A_427 = arith.maximumf %sub3A_353, %max3A_426 : vector<16xf32>
        %slice3A_428 = vector.extract_strided_slice %add3A_124 {offsets = [1], sizes = [1], strides = [1]} : vector<16xf32> to vector<1xf32>
        %squeeze3A_429 = vector.extract %slice3A_428[0] : f32 from vector<1xf32>
        %min3A_430 = vector.broadcast %squeeze3A_429 : f32 to vector<16xf32>
        %min3A_431 = arith.minimumf %add3A_357, %min3A_430 : vector<16xf32>
        %slice3A_432 = vector.extract_strided_slice %sub3A_128 {offsets = [1], sizes = [1], strides = [1]} : vector<16xf32> to vector<1xf32>
        %squeeze3A_433 = vector.extract %slice3A_432[0] : f32 from vector<1xf32>
        %max3A_434 = vector.broadcast %squeeze3A_433 : f32 to vector<16xf32>
        %max3A_435 = arith.maximumf %sub3A_361, %max3A_434 : vector<16xf32>
        %slice3A_436 = vector.extract_strided_slice %add3A_132 {offsets = [1], sizes = [1], strides = [1]} : vector<16xf32> to vector<1xf32>
        %squeeze3A_437 = vector.extract %slice3A_436[0] : f32 from vector<1xf32>
        %min3A_438 = vector.broadcast %squeeze3A_437 : f32 to vector<16xf32>
        %min3A_439 = arith.minimumf %add3A_365, %min3A_438 : vector<16xf32>
        %lt3A_440 = arith.cmpf olt, %max3A_427, %min3A_431 : vector<16xf32>
        %lt3A_441 = arith.cmpf olt, %max3A_435, %min3A_439 : vector<16xf32>
        %and3A_442 = arith.andi %lt3A_440, %lt3A_441 : vector<16xi1>
        %sub3A_443 = arith.subf %min3A_431, %max3A_427 : vector<16xf32>
        %sub3A_444 = arith.subf %min3A_439, %max3A_435 : vector<16xf32>
        %mul3A_445 = arith.mulf %sub3A_443, %sub3A_444 : vector<16xf32>
        %jit3A_446 = arith.constant 0.000000e+00 : f32
        %broadcast_in_dim3A_447 = vector.broadcast %jit3A_446 : f32 to vector<16xf32>
        %select_n3A_448 = arith.select %and3A_442, %mul3A_445, %broadcast_in_dim3A_447 : vector<16xi1>, vector<16xf32>
        %slice3A_449 = vector.extract_strided_slice %mul3A_133 {offsets = [1], sizes = [1], strides = [1]} : vector<16xf32> to vector<1xf32>
        %squeeze3A_450 = vector.extract %slice3A_449[0] : f32 from vector<1xf32>
        %add3A_451 = vector.broadcast %squeeze3A_450 : f32 to vector<16xf32>
        %add3A_452 = arith.addf %mul3A_366, %add3A_451 : vector<16xf32>
        %sub3A_453 = arith.subf %add3A_452, %select_n3A_448 : vector<16xf32>
        %div3A_454 = arith.divf %select_n3A_448, %sub3A_453 : vector<16xf32>
        %jit3A_455 = arith.constant -1.000000e+00 : f32
        %broadcast_in_dim3A_456 = vector.broadcast %jit3A_455 : f32 to vector<16xf32>
        %select_n3A_457 = arith.select %and3A_421, %div3A_454, %broadcast_in_dim3A_456 : vector<16xi1>, vector<16xf32>
        %jit3A_458 = arith.constant -1.000000e+00 : f32
        %broadcast_in_dim3A_459 = vector.broadcast %jit3A_458 : f32 to vector<16xf32>
        %select_n3A_460 = arith.select %and3A_423, %div3A_454, %broadcast_in_dim3A_459 : vector<16xi1>, vector<16xf32>
        %gt3A_461 = arith.cmpf ogt, %select_n3A_457, %while3A_334 : vector<16xf32>
        %select_n3A_462 = arith.select %gt3A_461, %select_n3A_457, %while3A_334 : vector<16xi1>, vector<16xf32>
        %add3A_463 = vector.broadcast %mul3A_341 : i32 to vector<16xi32>
        %add3A_464 = arith.addi %add3A_463, %iota3A : vector<16xi32>
        %select_n3A_465 = arith.select %gt3A_461, %add3A_464, %while3A_335 : vector<16xi1>, vector<16xi32>
        %max3A_466 = arith.maximumf %while3A_336, %select_n3A_460 : vector<16xf32>
        %and3A_467 = vector.broadcast %lt3A_199 : i1 to vector<16xi1>
        %and3A_468 = arith.andi %ne3A_373, %and3A_467 : vector<16xi1>
        %and3A_469 = vector.broadcast %lt3A_199 : i1 to vector<16xi1>
        %and3A_470 = arith.andi %ne3A_379, %and3A_469 : vector<16xi1>
        %slice3A_471 = vector.extract_strided_slice %sub3A {offsets = [2], sizes = [1], strides = [1]} : vector<16xf32> to vector<1xf32>
        %squeeze3A_472 = vector.extract %slice3A_471[0] : f32 from vector<1xf32>
        %max3A_473 = vector.broadcast %squeeze3A_472 : f32 to vector<16xf32>
        %max3A_474 = arith.maximumf %sub3A_353, %max3A_473 : vector<16xf32>
        %slice3A_475 = vector.extract_strided_slice %add3A_124 {offsets = [2], sizes = [1], strides = [1]} : vector<16xf32> to vector<1xf32>
        %squeeze3A_476 = vector.extract %slice3A_475[0] : f32 from vector<1xf32>
        %min3A_477 = vector.broadcast %squeeze3A_476 : f32 to vector<16xf32>
        %min3A_478 = arith.minimumf %add3A_357, %min3A_477 : vector<16xf32>
        %slice3A_479 = vector.extract_strided_slice %sub3A_128 {offsets = [2], sizes = [1], strides = [1]} : vector<16xf32> to vector<1xf32>
        %squeeze3A_480 = vector.extract %slice3A_479[0] : f32 from vector<1xf32>
        %max3A_481 = vector.broadcast %squeeze3A_480 : f32 to vector<16xf32>
        %max3A_482 = arith.maximumf %sub3A_361, %max3A_481 : vector<16xf32>
        %slice3A_483 = vector.extract_strided_slice %add3A_132 {offsets = [2], sizes = [1], strides = [1]} : vector<16xf32> to vector<1xf32>
        %squeeze3A_484 = vector.extract %slice3A_483[0] : f32 from vector<1xf32>
        %min3A_485 = vector.broadcast %squeeze3A_484 : f32 to vector<16xf32>
        %min3A_486 = arith.minimumf %add3A_365, %min3A_485 : vector<16xf32>
        %lt3A_487 = arith.cmpf olt, %max3A_474, %min3A_478 : vector<16xf32>
        %lt3A_488 = arith.cmpf olt, %max3A_482, %min3A_486 : vector<16xf32>
        %and3A_489 = arith.andi %lt3A_487, %lt3A_488 : vector<16xi1>
        %sub3A_490 = arith.subf %min3A_478, %max3A_474 : vector<16xf32>
        %sub3A_491 = arith.subf %min3A_486, %max3A_482 : vector<16xf32>
        %mul3A_492 = arith.mulf %sub3A_490, %sub3A_491 : vector<16xf32>
        %jit3A_493 = arith.constant 0.000000e+00 : f32
        %broadcast_in_dim3A_494 = vector.broadcast %jit3A_493 : f32 to vector<16xf32>
        %select_n3A_495 = arith.select %and3A_489, %mul3A_492, %broadcast_in_dim3A_494 : vector<16xi1>, vector<16xf32>
        %slice3A_496 = vector.extract_strided_slice %mul3A_133 {offsets = [2], sizes = [1], strides = [1]} : vector<16xf32> to vector<1xf32>
        %squeeze3A_497 = vector.extract %slice3A_496[0] : f32 from vector<1xf32>
        %add3A_498 = vector.broadcast %squeeze3A_497 : f32 to vector<16xf32>
        %add3A_499 = arith.addf %mul3A_366, %add3A_498 : vector<16xf32>
        %sub3A_500 = arith.subf %add3A_499, %select_n3A_495 : vector<16xf32>
        %div3A_501 = arith.divf %select_n3A_495, %sub3A_500 : vector<16xf32>
        %jit3A_502 = arith.constant -1.000000e+00 : f32
        %broadcast_in_dim3A_503 = vector.broadcast %jit3A_502 : f32 to vector<16xf32>
        %select_n3A_504 = arith.select %and3A_468, %div3A_501, %broadcast_in_dim3A_503 : vector<16xi1>, vector<16xf32>
        %jit3A_505 = arith.constant -1.000000e+00 : f32
        %broadcast_in_dim3A_506 = vector.broadcast %jit3A_505 : f32 to vector<16xf32>
        %select_n3A_507 = arith.select %and3A_470, %div3A_501, %broadcast_in_dim3A_506 : vector<16xi1>, vector<16xf32>
        %gt3A_508 = arith.cmpf ogt, %select_n3A_504, %while3A_337 : vector<16xf32>
        %select_n3A_509 = arith.select %gt3A_508, %select_n3A_504, %while3A_337 : vector<16xi1>, vector<16xf32>
        %add3A_510 = vector.broadcast %mul3A_341 : i32 to vector<16xi32>
        %add3A_511 = arith.addi %add3A_510, %iota3A : vector<16xi32>
        %select_n3A_512 = arith.select %gt3A_508, %add3A_511, %while3A_338 : vector<16xi1>, vector<16xi32>
        %max3A_513 = arith.maximumf %while3A_339, %select_n3A_507 : vector<16xf32>
        scf.yield %select_n3A_415, %select_n3A_418, %max3A_419, %select_n3A_462, %select_n3A_465, %max3A_466, %select_n3A_509, %select_n3A_512, %max3A_513 : vector<16xf32>, vector<16xi32>, vector<16xf32>, vector<16xf32>, vector<16xi32>, vector<16xf32>, vector<16xf32>, vector<16xi32>, vector<16xf32>
      }
      %while3A_209 = arith.constant 1 : i32
      %while3A_210:9 = scf.for %while3A_330 = %while3A_206 to %while3A_202 step %while3A_209 iter_args(%while3A_331 = %while3A_208#0, %while3A_332 = %while3A_208#1, %while3A_333 = %while3A_208#2, %while3A_334 = %while3A_208#3, %while3A_335 = %while3A_208#4, %while3A_336 = %while3A_208#5, %while3A_337 = %while3A_208#6, %while3A_338 = %while3A_208#7, %while3A_339 = %while3A_208#8) -> (vector<16xf32>, vector<16xi32>, vector<16xf32>, vector<16xf32>, vector<16xi32>, vector<16xf32>, vector<16xf32>, vector<16xi32>, vector<16xf32>)  : i32 {
        %mul3A_340 = arith.constant 16 : i32
        %mul3A_341 = arith.muli %while3A_330, %mul3A_340 : i32
        %get3A_342 = arith.index_cast %mul3A_341 : i32 to index
        %get3A_343 = tpu.vector_load %arg10[%get3A_342] {strides = array<i32>} : memref<10016xf32, #tpu.memory_space<vmem>>, vector<16xf32>,
        %get3A_344 = arith.index_cast %mul3A_341 : i32 to index
        %get3A_345 = tpu.vector_load %arg11[%get3A_344] {strides = array<i32>} : memref<10016xf32, #tpu.memory_space<vmem>>, vector<16xf32>,
        %get3A_346 = arith.index_cast %mul3A_341 : i32 to index
        %get3A_347 = tpu.vector_load %arg12[%get3A_346] {strides = array<i32>} : memref<10016xf32, #tpu.memory_space<vmem>>, vector<16xf32>,
        %get3A_348 = arith.index_cast %mul3A_341 : i32 to index
        %get3A_349 = tpu.vector_load %arg13[%get3A_348] {strides = array<i32>} : memref<10016xf32, #tpu.memory_space<vmem>>, vector<16xf32>,
        %mul3A_350 = arith.constant 5.000000e-01 : f32
        %mul3A_351 = vector.broadcast %mul3A_350 : f32 to vector<16xf32>
        %mul3A_352 = arith.mulf %get3A_347, %mul3A_351 : vector<16xf32>
        %sub3A_353 = arith.subf %get3A_343, %mul3A_352 : vector<16xf32>
        %mul3A_354 = arith.constant 5.000000e-01 : f32
        %mul3A_355 = vector.broadcast %mul3A_354 : f32 to vector<16xf32>
        %mul3A_356 = arith.mulf %get3A_347, %mul3A_355 : vector<16xf32>
        %add3A_357 = arith.addf %get3A_343, %mul3A_356 : vector<16xf32>
        %mul3A_358 = arith.constant 5.000000e-01 : f32
        %mul3A_359 = vector.broadcast %mul3A_358 : f32 to vector<16xf32>
        %mul3A_360 = arith.mulf %get3A_349, %mul3A_359 : vector<16xf32>
        %sub3A_361 = arith.subf %get3A_345, %mul3A_360 : vector<16xf32>
        %mul3A_362 = arith.constant 5.000000e-01 : f32
        %mul3A_363 = vector.broadcast %mul3A_362 : f32 to vector<16xf32>
        %mul3A_364 = arith.mulf %get3A_349, %mul3A_363 : vector<16xf32>
        %add3A_365 = arith.addf %get3A_345, %mul3A_364 : vector<16xf32>
        %mul3A_366 = arith.mulf %get3A_347, %get3A_349 : vector<16xf32>
        %get3A_367 = arith.index_cast %mul3A_341 : i32 to index
        %get3A_368 = tpu.vector_load %arg15[%get3A_367] {strides = array<i32>} : memref<10016xi32, #tpu.memory_space<vmem>>, vector<16xi32>,
        %and3A_369 = arith.constant 1 : i32
        %and3A_370 = vector.broadcast %and3A_369 : i32 to vector<16xi32>
        %and3A_371 = arith.andi %get3A_368, %and3A_370 : vector<16xi32>
        %ne3A = arith.constant 0 : i32
        %ne3A_372 = vector.broadcast %ne3A : i32 to vector<16xi32>
        %ne3A_373 = arith.cmpi ne, %and3A_371, %ne3A_372 : vector<16xi32>
        %and3A_374 = arith.constant 2 : i32
        %and3A_375 = vector.broadcast %and3A_374 : i32 to vector<16xi32>
        %and3A_376 = arith.andi %get3A_368, %and3A_375 : vector<16xi32>
        %ne3A_377 = arith.constant 0 : i32
        %ne3A_378 = vector.broadcast %ne3A_377 : i32 to vector<16xi32>
        %ne3A_379 = arith.cmpi ne, %and3A_376, %ne3A_378 : vector<16xi32>
        %slice3A_380 = vector.extract_strided_slice %sub3A {offsets = [0], sizes = [1], strides = [1]} : vector<16xf32> to vector<1xf32>
        %squeeze3A_381 = vector.extract %slice3A_380[0] : f32 from vector<1xf32>
        %max3A = vector.broadcast %squeeze3A_381 : f32 to vector<16xf32>
        %max3A_382 = arith.maximumf %sub3A_353, %max3A : vector<16xf32>
        %slice3A_383 = vector.extract_strided_slice %add3A_124 {offsets = [0], sizes = [1], strides = [1]} : vector<16xf32> to vector<1xf32>
        %squeeze3A_384 = vector.extract %slice3A_383[0] : f32 from vector<1xf32>
        %min3A_385 = vector.broadcast %squeeze3A_384 : f32 to vector<16xf32>
        %min3A_386 = arith.minimumf %add3A_357, %min3A_385 : vector<16xf32>
        %slice3A_387 = vector.extract_strided_slice %sub3A_128 {offsets = [0], sizes = [1], strides = [1]} : vector<16xf32> to vector<1xf32>
        %squeeze3A_388 = vector.extract %slice3A_387[0] : f32 from vector<1xf32>
        %max3A_389 = vector.broadcast %squeeze3A_388 : f32 to vector<16xf32>
        %max3A_390 = arith.maximumf %sub3A_361, %max3A_389 : vector<16xf32>
        %slice3A_391 = vector.extract_strided_slice %add3A_132 {offsets = [0], sizes = [1], strides = [1]} : vector<16xf32> to vector<1xf32>
        %squeeze3A_392 = vector.extract %slice3A_391[0] : f32 from vector<1xf32>
        %min3A_393 = vector.broadcast %squeeze3A_392 : f32 to vector<16xf32>
        %min3A_394 = arith.minimumf %add3A_365, %min3A_393 : vector<16xf32>
        %lt3A_395 = arith.cmpf olt, %max3A_382, %min3A_386 : vector<16xf32>
        %lt3A_396 = arith.cmpf olt, %max3A_390, %min3A_394 : vector<16xf32>
        %and3A_397 = arith.andi %lt3A_395, %lt3A_396 : vector<16xi1>
        %sub3A_398 = arith.subf %min3A_386, %max3A_382 : vector<16xf32>
        %sub3A_399 = arith.subf %min3A_394, %max3A_390 : vector<16xf32>
        %mul3A_400 = arith.mulf %sub3A_398, %sub3A_399 : vector<16xf32>
        %jit3A_401 = arith.constant 0.000000e+00 : f32
        %broadcast_in_dim3A_402 = vector.broadcast %jit3A_401 : f32 to vector<16xf32>
        %select_n3A_403 = arith.select %and3A_397, %mul3A_400, %broadcast_in_dim3A_402 : vector<16xi1>, vector<16xf32>
        %slice3A_404 = vector.extract_strided_slice %mul3A_133 {offsets = [0], sizes = [1], strides = [1]} : vector<16xf32> to vector<1xf32>
        %squeeze3A_405 = vector.extract %slice3A_404[0] : f32 from vector<1xf32>
        %add3A_406 = vector.broadcast %squeeze3A_405 : f32 to vector<16xf32>
        %add3A_407 = arith.addf %mul3A_366, %add3A_406 : vector<16xf32>
        %sub3A_408 = arith.subf %add3A_407, %select_n3A_403 : vector<16xf32>
        %div3A = arith.divf %select_n3A_403, %sub3A_408 : vector<16xf32>
        %jit3A_409 = arith.constant -1.000000e+00 : f32
        %broadcast_in_dim3A_410 = vector.broadcast %jit3A_409 : f32 to vector<16xf32>
        %select_n3A_411 = arith.select %ne3A_373, %div3A, %broadcast_in_dim3A_410 : vector<16xi1>, vector<16xf32>
        %jit3A_412 = arith.constant -1.000000e+00 : f32
        %broadcast_in_dim3A_413 = vector.broadcast %jit3A_412 : f32 to vector<16xf32>
        %select_n3A_414 = arith.select %ne3A_379, %div3A, %broadcast_in_dim3A_413 : vector<16xi1>, vector<16xf32>
        %gt3A = arith.cmpf ogt, %select_n3A_411, %while3A_331 : vector<16xf32>
        %select_n3A_415 = arith.select %gt3A, %select_n3A_411, %while3A_331 : vector<16xi1>, vector<16xf32>
        %add3A_416 = vector.broadcast %mul3A_341 : i32 to vector<16xi32>
        %add3A_417 = arith.addi %add3A_416, %iota3A : vector<16xi32>
        %select_n3A_418 = arith.select %gt3A, %add3A_417, %while3A_332 : vector<16xi1>, vector<16xi32>
        %max3A_419 = arith.maximumf %while3A_333, %select_n3A_414 : vector<16xf32>
        %and3A_420 = vector.broadcast %lt3A_197 : i1 to vector<16xi1>
        %and3A_421 = arith.andi %ne3A_373, %and3A_420 : vector<16xi1>
        %and3A_422 = vector.broadcast %lt3A_197 : i1 to vector<16xi1>
        %and3A_423 = arith.andi %ne3A_379, %and3A_422 : vector<16xi1>
        %slice3A_424 = vector.extract_strided_slice %sub3A {offsets = [1], sizes = [1], strides = [1]} : vector<16xf32> to vector<1xf32>
        %squeeze3A_425 = vector.extract %slice3A_424[0] : f32 from vector<1xf32>
        %max3A_426 = vector.broadcast %squeeze3A_425 : f32 to vector<16xf32>
        %max3A_427 = arith.maximumf %sub3A_353, %max3A_426 : vector<16xf32>
        %slice3A_428 = vector.extract_strided_slice %add3A_124 {offsets = [1], sizes = [1], strides = [1]} : vector<16xf32> to vector<1xf32>
        %squeeze3A_429 = vector.extract %slice3A_428[0] : f32 from vector<1xf32>
        %min3A_430 = vector.broadcast %squeeze3A_429 : f32 to vector<16xf32>
        %min3A_431 = arith.minimumf %add3A_357, %min3A_430 : vector<16xf32>
        %slice3A_432 = vector.extract_strided_slice %sub3A_128 {offsets = [1], sizes = [1], strides = [1]} : vector<16xf32> to vector<1xf32>
        %squeeze3A_433 = vector.extract %slice3A_432[0] : f32 from vector<1xf32>
        %max3A_434 = vector.broadcast %squeeze3A_433 : f32 to vector<16xf32>
        %max3A_435 = arith.maximumf %sub3A_361, %max3A_434 : vector<16xf32>
        %slice3A_436 = vector.extract_strided_slice %add3A_132 {offsets = [1], sizes = [1], strides = [1]} : vector<16xf32> to vector<1xf32>
        %squeeze3A_437 = vector.extract %slice3A_436[0] : f32 from vector<1xf32>
        %min3A_438 = vector.broadcast %squeeze3A_437 : f32 to vector<16xf32>
        %min3A_439 = arith.minimumf %add3A_365, %min3A_438 : vector<16xf32>
        %lt3A_440 = arith.cmpf olt, %max3A_427, %min3A_431 : vector<16xf32>
        %lt3A_441 = arith.cmpf olt, %max3A_435, %min3A_439 : vector<16xf32>
        %and3A_442 = arith.andi %lt3A_440, %lt3A_441 : vector<16xi1>
        %sub3A_443 = arith.subf %min3A_431, %max3A_427 : vector<16xf32>
        %sub3A_444 = arith.subf %min3A_439, %max3A_435 : vector<16xf32>
        %mul3A_445 = arith.mulf %sub3A_443, %sub3A_444 : vector<16xf32>
        %jit3A_446 = arith.constant 0.000000e+00 : f32
        %broadcast_in_dim3A_447 = vector.broadcast %jit3A_446 : f32 to vector<16xf32>
        %select_n3A_448 = arith.select %and3A_442, %mul3A_445, %broadcast_in_dim3A_447 : vector<16xi1>, vector<16xf32>
        %slice3A_449 = vector.extract_strided_slice %mul3A_133 {offsets = [1], sizes = [1], strides = [1]} : vector<16xf32> to vector<1xf32>
        %squeeze3A_450 = vector.extract %slice3A_449[0] : f32 from vector<1xf32>
        %add3A_451 = vector.broadcast %squeeze3A_450 : f32 to vector<16xf32>
        %add3A_452 = arith.addf %mul3A_366, %add3A_451 : vector<16xf32>
        %sub3A_453 = arith.subf %add3A_452, %select_n3A_448 : vector<16xf32>
        %div3A_454 = arith.divf %select_n3A_448, %sub3A_453 : vector<16xf32>
        %jit3A_455 = arith.constant -1.000000e+00 : f32
        %broadcast_in_dim3A_456 = vector.broadcast %jit3A_455 : f32 to vector<16xf32>
        %select_n3A_457 = arith.select %and3A_421, %div3A_454, %broadcast_in_dim3A_456 : vector<16xi1>, vector<16xf32>
        %jit3A_458 = arith.constant -1.000000e+00 : f32
        %broadcast_in_dim3A_459 = vector.broadcast %jit3A_458 : f32 to vector<16xf32>
        %select_n3A_460 = arith.select %and3A_423, %div3A_454, %broadcast_in_dim3A_459 : vector<16xi1>, vector<16xf32>
        %gt3A_461 = arith.cmpf ogt, %select_n3A_457, %while3A_334 : vector<16xf32>
        %select_n3A_462 = arith.select %gt3A_461, %select_n3A_457, %while3A_334 : vector<16xi1>, vector<16xf32>
        %add3A_463 = vector.broadcast %mul3A_341 : i32 to vector<16xi32>
        %add3A_464 = arith.addi %add3A_463, %iota3A : vector<16xi32>
        %select_n3A_465 = arith.select %gt3A_461, %add3A_464, %while3A_335 : vector<16xi1>, vector<16xi32>
        %max3A_466 = arith.maximumf %while3A_336, %select_n3A_460 : vector<16xf32>
        %and3A_467 = vector.broadcast %lt3A_199 : i1 to vector<16xi1>
        %and3A_468 = arith.andi %ne3A_373, %and3A_467 : vector<16xi1>
        %and3A_469 = vector.broadcast %lt3A_199 : i1 to vector<16xi1>
        %and3A_470 = arith.andi %ne3A_379, %and3A_469 : vector<16xi1>
        %slice3A_471 = vector.extract_strided_slice %sub3A {offsets = [2], sizes = [1], strides = [1]} : vector<16xf32> to vector<1xf32>
        %squeeze3A_472 = vector.extract %slice3A_471[0] : f32 from vector<1xf32>
        %max3A_473 = vector.broadcast %squeeze3A_472 : f32 to vector<16xf32>
        %max3A_474 = arith.maximumf %sub3A_353, %max3A_473 : vector<16xf32>
        %slice3A_475 = vector.extract_strided_slice %add3A_124 {offsets = [2], sizes = [1], strides = [1]} : vector<16xf32> to vector<1xf32>
        %squeeze3A_476 = vector.extract %slice3A_475[0] : f32 from vector<1xf32>
        %min3A_477 = vector.broadcast %squeeze3A_476 : f32 to vector<16xf32>
        %min3A_478 = arith.minimumf %add3A_357, %min3A_477 : vector<16xf32>
        %slice3A_479 = vector.extract_strided_slice %sub3A_128 {offsets = [2], sizes = [1], strides = [1]} : vector<16xf32> to vector<1xf32>
        %squeeze3A_480 = vector.extract %slice3A_479[0] : f32 from vector<1xf32>
        %max3A_481 = vector.broadcast %squeeze3A_480 : f32 to vector<16xf32>
        %max3A_482 = arith.maximumf %sub3A_361, %max3A_481 : vector<16xf32>
        %slice3A_483 = vector.extract_strided_slice %add3A_132 {offsets = [2], sizes = [1], strides = [1]} : vector<16xf32> to vector<1xf32>
        %squeeze3A_484 = vector.extract %slice3A_483[0] : f32 from vector<1xf32>
        %min3A_485 = vector.broadcast %squeeze3A_484 : f32 to vector<16xf32>
        %min3A_486 = arith.minimumf %add3A_365, %min3A_485 : vector<16xf32>
        %lt3A_487 = arith.cmpf olt, %max3A_474, %min3A_478 : vector<16xf32>
        %lt3A_488 = arith.cmpf olt, %max3A_482, %min3A_486 : vector<16xf32>
        %and3A_489 = arith.andi %lt3A_487, %lt3A_488 : vector<16xi1>
        %sub3A_490 = arith.subf %min3A_478, %max3A_474 : vector<16xf32>
        %sub3A_491 = arith.subf %min3A_486, %max3A_482 : vector<16xf32>
        %mul3A_492 = arith.mulf %sub3A_490, %sub3A_491 : vector<16xf32>
        %jit3A_493 = arith.constant 0.000000e+00 : f32
        %broadcast_in_dim3A_494 = vector.broadcast %jit3A_493 : f32 to vector<16xf32>
        %select_n3A_495 = arith.select %and3A_489, %mul3A_492, %broadcast_in_dim3A_494 : vector<16xi1>, vector<16xf32>
        %slice3A_496 = vector.extract_strided_slice %mul3A_133 {offsets = [2], sizes = [1], strides = [1]} : vector<16xf32> to vector<1xf32>
        %squeeze3A_497 = vector.extract %slice3A_496[0] : f32 from vector<1xf32>
        %add3A_498 = vector.broadcast %squeeze3A_497 : f32 to vector<16xf32>
        %add3A_499 = arith.addf %mul3A_366, %add3A_498 : vector<16xf32>
        %sub3A_500 = arith.subf %add3A_499, %select_n3A_495 : vector<16xf32>
        %div3A_501 = arith.divf %select_n3A_495, %sub3A_500 : vector<16xf32>
        %jit3A_502 = arith.constant -1.000000e+00 : f32
        %broadcast_in_dim3A_503 = vector.broadcast %jit3A_502 : f32 to vector<16xf32>
        %select_n3A_504 = arith.select %and3A_468, %div3A_501, %broadcast_in_dim3A_503 : vector<16xi1>, vector<16xf32>
        %jit3A_505 = arith.constant -1.000000e+00 : f32
        %broadcast_in_dim3A_506 = vector.broadcast %jit3A_505 : f32 to vector<16xf32>
        %select_n3A_507 = arith.select %and3A_470, %div3A_501, %broadcast_in_dim3A_506 : vector<16xi1>, vector<16xf32>
        %gt3A_508 = arith.cmpf ogt, %select_n3A_504, %while3A_337 : vector<16xf32>
        %select_n3A_509 = arith.select %gt3A_508, %select_n3A_504, %while3A_337 : vector<16xi1>, vector<16xf32>
        %add3A_510 = vector.broadcast %mul3A_341 : i32 to vector<16xi32>
        %add3A_511 = arith.addi %add3A_510, %iota3A : vector<16xi32>
        %select_n3A_512 = arith.select %gt3A_508, %add3A_511, %while3A_338 : vector<16xi1>, vector<16xi32>
        %max3A_513 = arith.maximumf %while3A_339, %select_n3A_507 : vector<16xf32>
        scf.yield %select_n3A_415, %select_n3A_418, %max3A_419, %select_n3A_462, %select_n3A_465, %max3A_466, %select_n3A_509, %select_n3A_512, %max3A_513 : vector<16xf32>, vector<16xi32>, vector<16xf32>, vector<16xf32>, vector<16xi32>, vector<16xf32>, vector<16xf32>, vector<16xi32>, vector<16xf32>
      }
      %reduce_max3A = arith.constant true
      %reduce_max3A_211 = vector.broadcast %reduce_max3A : i1 to vector<16xi1>
      %reduce_max3A_212 = tpu.scan <max>, %while3A_210#0 masked %reduce_max3A_211 : vector<16xf32>, vector<16xi1> -> vector<16xf32>
      %reduce_max3A_213 = vector.extract %reduce_max3A_212[15] : f32 from vector<16xf32>
      %eq3A_214 = vector.broadcast %reduce_max3A_213 : f32 to vector<16xf32>
      %eq3A_215 = arith.cmpf oeq, %while3A_210#0, %eq3A_214 : vector<16xf32>
      %jit3A_216 = arith.constant 10000 : i32
      %broadcast_in_dim3A_217 = vector.broadcast %jit3A_216 : i32 to vector<16xi32>
      %select_n3A_218 = arith.select %eq3A_215, %while3A_210#1, %broadcast_in_dim3A_217 : vector<16xi1>, vector<16xi32>
      %reduce_min3A_219 = arith.constant true
      %reduce_min3A_220 = vector.broadcast %reduce_min3A_219 : i1 to vector<16xi1>
      %reduce_min3A_221 = arith.constant -2147483648 : i32
      %reduce_min3A_222 = vector.broadcast %reduce_min3A_221 : i32 to vector<16xi32>
      %reduce_min3A_223 = arith.xori %select_n3A_218, %reduce_min3A_222 : vector<16xi32>
      %reduce_min3A_224 = tpu.scan <min>, %reduce_min3A_223 masked %reduce_min3A_220 : vector<16xi32>, vector<16xi1> -> vector<16xi32>
      %reduce_min3A_225 = arith.xori %reduce_min3A_224, %reduce_min3A_222 : vector<16xi32>
      %reduce_min3A_226 = vector.extract %reduce_min3A_225[15] : i32 from vector<16xi32>
      %broadcast_in_dim3A_227 = vector.broadcast %reduce_min3A_226 : i32 to vector<16xi32>
      %gather3A_228 = tpu.vector_load_idx %arg14[%broadcast_in_dim3A_227] : memref<10016xf32, #tpu.memory_space<vmem>>[vector<16xi32>], vector<16xf32>,
      %reduce_max3A_229 = arith.constant true
      %reduce_max3A_230 = vector.broadcast %reduce_max3A_229 : i1 to vector<16xi1>
      %reduce_max3A_231 = tpu.scan <max>, %gather3A_228 masked %reduce_max3A_230 : vector<16xf32>, vector<16xi1> -> vector<16xf32>
      %reduce_max3A_232 = vector.extract %reduce_max3A_231[15] : f32 from vector<16xf32>
      %gather3A_233 = tpu.vector_load_idx %arg10[%broadcast_in_dim3A_227] : memref<10016xf32, #tpu.memory_space<vmem>>[vector<16xi32>], vector<16xf32>,
      %reduce_max3A_234 = arith.constant true
      %reduce_max3A_235 = vector.broadcast %reduce_max3A_234 : i1 to vector<16xi1>
      %reduce_max3A_236 = tpu.scan <max>, %gather3A_233 masked %reduce_max3A_235 : vector<16xf32>, vector<16xi1> -> vector<16xf32>
      %reduce_max3A_237 = vector.extract %reduce_max3A_236[15] : f32 from vector<16xf32>
      %gather3A_238 = tpu.vector_load_idx %arg11[%broadcast_in_dim3A_227] : memref<10016xf32, #tpu.memory_space<vmem>>[vector<16xi32>], vector<16xf32>,
      %reduce_max3A_239 = arith.constant true
      %reduce_max3A_240 = vector.broadcast %reduce_max3A_239 : i1 to vector<16xi1>
      %reduce_max3A_241 = tpu.scan <max>, %gather3A_238 masked %reduce_max3A_240 : vector<16xf32>, vector<16xi1> -> vector<16xf32>
      %reduce_max3A_242 = vector.extract %reduce_max3A_241[15] : f32 from vector<16xf32>
      %gather3A_243 = tpu.vector_load_idx %arg12[%broadcast_in_dim3A_227] : memref<10016xf32, #tpu.memory_space<vmem>>[vector<16xi32>], vector<16xf32>,
      %reduce_max3A_244 = arith.constant true
      %reduce_max3A_245 = vector.broadcast %reduce_max3A_244 : i1 to vector<16xi1>
      %reduce_max3A_246 = tpu.scan <max>, %gather3A_243 masked %reduce_max3A_245 : vector<16xf32>, vector<16xi1> -> vector<16xf32>
      %reduce_max3A_247 = vector.extract %reduce_max3A_246[15] : f32 from vector<16xf32>
      %gather3A_248 = tpu.vector_load_idx %arg13[%broadcast_in_dim3A_227] : memref<10016xf32, #tpu.memory_space<vmem>>[vector<16xi32>], vector<16xf32>,
      %reduce_max3A_249 = arith.constant true
      %reduce_max3A_250 = vector.broadcast %reduce_max3A_249 : i1 to vector<16xi1>
      %reduce_max3A_251 = tpu.scan <max>, %gather3A_248 masked %reduce_max3A_250 : vector<16xf32>, vector<16xi1> -> vector<16xf32>
      %reduce_max3A_252 = vector.extract %reduce_max3A_251[15] : f32 from vector<16xf32>
      %eq3A_253 = arith.constant 0 : i32
      %eq3A_254 = vector.broadcast %eq3A_253 : i32 to vector<16xi32>
      %eq3A_255 = arith.cmpi eq, %iota3A, %eq3A_254 : vector<16xi32>
      %jit3A_256 = arith.constant 0.000000e+00 : f32
      %broadcast_in_dim3A_257 = vector.broadcast %reduce_max3A_213 : f32 to vector<16xf32>
      %broadcast_in_dim3A_258 = vector.broadcast %jit3A_256 : f32 to vector<16xf32>
      %select_n3A_259 = arith.select %eq3A_255, %broadcast_in_dim3A_257, %broadcast_in_dim3A_258 : vector<16xi1>, vector<16xf32>
      %eq3A_260 = arith.constant 1 : i32
      %eq3A_261 = vector.broadcast %eq3A_260 : i32 to vector<16xi32>
      %eq3A_262 = arith.cmpi eq, %iota3A, %eq3A_261 : vector<16xi32>
      %reduce_max3A_263 = arith.constant true
      %reduce_max3A_264 = vector.broadcast %reduce_max3A_263 : i1 to vector<16xi1>
      %reduce_max3A_265 = tpu.scan <max>, %while3A_210#2 masked %reduce_max3A_264 : vector<16xf32>, vector<16xi1> -> vector<16xf32>
      %reduce_max3A_266 = vector.extract %reduce_max3A_265[15] : f32 from vector<16xf32>
      %jit3A_267 = arith.constant 0.000000e+00 : f32
      %broadcast_in_dim3A_268 = vector.broadcast %reduce_max3A_266 : f32 to vector<16xf32>
      %broadcast_in_dim3A_269 = vector.broadcast %jit3A_267 : f32 to vector<16xf32>
      %select_n3A_270 = arith.select %eq3A_262, %broadcast_in_dim3A_268, %broadcast_in_dim3A_269 : vector<16xi1>, vector<16xf32>
      %add3A_271 = arith.addf %select_n3A_259, %select_n3A_270 : vector<16xf32>
      %eq3A_272 = arith.constant 2 : i32
      %eq3A_273 = vector.broadcast %eq3A_272 : i32 to vector<16xi32>
      %eq3A_274 = arith.cmpi eq, %iota3A, %eq3A_273 : vector<16xi32>
      %jit3A_275 = arith.constant 0.000000e+00 : f32
      %broadcast_in_dim3A_276 = vector.broadcast %reduce_max3A_232 : f32 to vector<16xf32>
      %broadcast_in_dim3A_277 = vector.broadcast %jit3A_275 : f32 to vector<16xf32>
      %select_n3A_278 = arith.select %eq3A_274, %broadcast_in_dim3A_276, %broadcast_in_dim3A_277 : vector<16xi1>, vector<16xf32>
      %add3A_279 = arith.addf %add3A_271, %select_n3A_278 : vector<16xf32>
      %eq3A_280 = arith.constant 3 : i32
      %eq3A_281 = vector.broadcast %eq3A_280 : i32 to vector<16xi32>
      %eq3A_282 = arith.cmpi eq, %iota3A, %eq3A_281 : vector<16xi32>
      %jit3A_283 = arith.constant 0.000000e+00 : f32
      %broadcast_in_dim3A_284 = vector.broadcast %reduce_max3A_237 : f32 to vector<16xf32>
      %broadcast_in_dim3A_285 = vector.broadcast %jit3A_283 : f32 to vector<16xf32>
      %select_n3A_286 = arith.select %eq3A_282, %broadcast_in_dim3A_284, %broadcast_in_dim3A_285 : vector<16xi1>, vector<16xf32>
      %add3A_287 = arith.addf %add3A_279, %select_n3A_286 : vector<16xf32>
      %eq3A_288 = arith.constant 4 : i32
      %eq3A_289 = vector.broadcast %eq3A_288 : i32 to vector<16xi32>
      %eq3A_290 = arith.cmpi eq, %iota3A, %eq3A_289 : vector<16xi32>
      %jit3A_291 = arith.constant 0.000000e+00 : f32
      %broadcast_in_dim3A_292 = vector.broadcast %reduce_max3A_242 : f32 to vector<16xf32>
      %broadcast_in_dim3A_293 = vector.broadcast %jit3A_291 : f32 to vector<16xf32>
      %select_n3A_294 = arith.select %eq3A_290, %broadcast_in_dim3A_292, %broadcast_in_dim3A_293 : vector<16xi1>, vector<16xf32>
      %add3A_295 = arith.addf %add3A_287, %select_n3A_294 : vector<16xf32>
      %eq3A_296 = arith.constant 5 : i32
      %eq3A_297 = vector.broadcast %eq3A_296 : i32 to vector<16xi32>
      %eq3A_298 = arith.cmpi eq, %iota3A, %eq3A_297 : vector<16xi32>
      %jit3A_299 = arith.constant 0.000000e+00 : f32
      %broadcast_in_dim3A_300 = vector.broadcast %reduce_max3A_247 : f32 to vector<16xf32>
      %broadcast_in_dim3A_301 = vector.broadcast %jit3A_299 : f32 to vector<16xf32>
      %select_n3A_302 = arith.select %eq3A_298, %broadcast_in_dim3A_300, %broadcast_in_dim3A_301 : vector<16xi1>, vector<16xf32>
      %add3A_303 = arith.addf %add3A_295, %select_n3A_302 : vector<16xf32>
      %eq3A_304 = arith.constant 6 : i32
      %eq3A_305 = vector.broadcast %eq3A_304 : i32 to vector<16xi32>
      %eq3A_306 = arith.cmpi eq, %iota3A, %eq3A_305 : vector<16xi32>
      %jit3A_307 = arith.constant 0.000000e+00 : f32
      %broadcast_in_dim3A_308 = vector.broadcast %reduce_max3A_252 : f32 to vector<16xf32>
      %broadcast_in_dim3A_309 = vector.broadcast %jit3A_307 : f32 to vector<16xf32>
      %select_n3A_310 = arith.select %eq3A_306, %broadcast_in_dim3A_308, %broadcast_in_dim3A_309 : vector<16xi1>, vector<16xf32>
      %add3A_311 = arith.addf %add3A_303, %select_n3A_310 : vector<16xf32>
      %min3A_312 = arith.constant 8 : i32
      %min3A_313 = vector.broadcast %min3A_312 : i32 to vector<16xi32>
      %min3A_314 = arith.minsi %iota3A, %min3A_313 : vector<16xi32>
      %mul3A_315 = arith.constant 16 : i32
      %mul3A_316 = vector.broadcast %mul3A_315 : i32 to vector<16xi32>
      %mul3A_317 = arith.muli %min3A_314, %mul3A_316 : vector<16xi32>
      %add3A_318 = arith.constant 0 : i32
      %add3A_319 = vector.broadcast %add3A_318 : i32 to vector<16xi32>
      %add3A_320 = arith.addi %mul3A_317, %add3A_319 : vector<16xi32>
      %lt3A_321 = arith.constant 7 : i32
      %lt3A_322 = vector.broadcast %lt3A_321 : i32 to vector<16xi32>
      %lt3A_323 = arith.cmpi slt, %iota3A, %lt3A_322 : vector<16xi32>
      tpu.vector_store_idx %arg18[%add3A_320], %add3A_311 masked %lt3A_323 : memref<144xf32, #tpu.memory_space<vmem>>[vector<16xi32>], vector<16xf32>, vector<16xi1>
      %convert_element_type3A_324 = arith.extui %lt3A_197 : i1 to i32
      %cond3A_325 = arith.constant 0 : i32
      %cond3A_326 = arith.cmpi ne, %convert_element_type3A_324, %cond3A_325 : i32
      scf.if %cond3A_326 {
        %reduce_max3A_330 = arith.constant true
        %reduce_max3A_331 = vector.broadcast %reduce_max3A_330 : i1 to vector<16xi1>
        %reduce_max3A_332 = tpu.scan <max>, %while3A_210#3 masked %reduce_max3A_331 : vector<16xf32>, vector<16xi1> -> vector<16xf32>
        %reduce_max3A_333 = vector.extract %reduce_max3A_332[15] : f32 from vector<16xf32>
        %eq3A_334 = vector.broadcast %reduce_max3A_333 : f32 to vector<16xf32>
        %eq3A_335 = arith.cmpf oeq, %while3A_210#3, %eq3A_334 : vector<16xf32>
        %jit3A_336 = arith.constant 10000 : i32
        %broadcast_in_dim3A_337 = vector.broadcast %jit3A_336 : i32 to vector<16xi32>
        %select_n3A_338 = arith.select %eq3A_335, %while3A_210#4, %broadcast_in_dim3A_337 : vector<16xi1>, vector<16xi32>
        %reduce_min3A_339 = arith.constant true
        %reduce_min3A_340 = vector.broadcast %reduce_min3A_339 : i1 to vector<16xi1>
        %reduce_min3A_341 = arith.constant -2147483648 : i32
        %reduce_min3A_342 = vector.broadcast %reduce_min3A_341 : i32 to vector<16xi32>
        %reduce_min3A_343 = arith.xori %select_n3A_338, %reduce_min3A_342 : vector<16xi32>
        %reduce_min3A_344 = tpu.scan <min>, %reduce_min3A_343 masked %reduce_min3A_340 : vector<16xi32>, vector<16xi1> -> vector<16xi32>
        %reduce_min3A_345 = arith.xori %reduce_min3A_344, %reduce_min3A_342 : vector<16xi32>
        %reduce_min3A_346 = vector.extract %reduce_min3A_345[15] : i32 from vector<16xi32>
        %broadcast_in_dim3A_347 = vector.broadcast %reduce_min3A_346 : i32 to vector<16xi32>
        %gather3A_348 = tpu.vector_load_idx %arg14[%broadcast_in_dim3A_347] : memref<10016xf32, #tpu.memory_space<vmem>>[vector<16xi32>], vector<16xf32>,
        %reduce_max3A_349 = arith.constant true
        %reduce_max3A_350 = vector.broadcast %reduce_max3A_349 : i1 to vector<16xi1>
        %reduce_max3A_351 = tpu.scan <max>, %gather3A_348 masked %reduce_max3A_350 : vector<16xf32>, vector<16xi1> -> vector<16xf32>
        %reduce_max3A_352 = vector.extract %reduce_max3A_351[15] : f32 from vector<16xf32>
        %gather3A_353 = tpu.vector_load_idx %arg10[%broadcast_in_dim3A_347] : memref<10016xf32, #tpu.memory_space<vmem>>[vector<16xi32>], vector<16xf32>,
        %reduce_max3A_354 = arith.constant true
        %reduce_max3A_355 = vector.broadcast %reduce_max3A_354 : i1 to vector<16xi1>
        %reduce_max3A_356 = tpu.scan <max>, %gather3A_353 masked %reduce_max3A_355 : vector<16xf32>, vector<16xi1> -> vector<16xf32>
        %reduce_max3A_357 = vector.extract %reduce_max3A_356[15] : f32 from vector<16xf32>
        %gather3A_358 = tpu.vector_load_idx %arg11[%broadcast_in_dim3A_347] : memref<10016xf32, #tpu.memory_space<vmem>>[vector<16xi32>], vector<16xf32>,
        %reduce_max3A_359 = arith.constant true
        %reduce_max3A_360 = vector.broadcast %reduce_max3A_359 : i1 to vector<16xi1>
        %reduce_max3A_361 = tpu.scan <max>, %gather3A_358 masked %reduce_max3A_360 : vector<16xf32>, vector<16xi1> -> vector<16xf32>
        %reduce_max3A_362 = vector.extract %reduce_max3A_361[15] : f32 from vector<16xf32>
        %gather3A_363 = tpu.vector_load_idx %arg12[%broadcast_in_dim3A_347] : memref<10016xf32, #tpu.memory_space<vmem>>[vector<16xi32>], vector<16xf32>,
        %reduce_max3A_364 = arith.constant true
        %reduce_max3A_365 = vector.broadcast %reduce_max3A_364 : i1 to vector<16xi1>
        %reduce_max3A_366 = tpu.scan <max>, %gather3A_363 masked %reduce_max3A_365 : vector<16xf32>, vector<16xi1> -> vector<16xf32>
        %reduce_max3A_367 = vector.extract %reduce_max3A_366[15] : f32 from vector<16xf32>
        %gather3A_368 = tpu.vector_load_idx %arg13[%broadcast_in_dim3A_347] : memref<10016xf32, #tpu.memory_space<vmem>>[vector<16xi32>], vector<16xf32>,
        %reduce_max3A_369 = arith.constant true
        %reduce_max3A_370 = vector.broadcast %reduce_max3A_369 : i1 to vector<16xi1>
        %reduce_max3A_371 = tpu.scan <max>, %gather3A_368 masked %reduce_max3A_370 : vector<16xf32>, vector<16xi1> -> vector<16xf32>
        %reduce_max3A_372 = vector.extract %reduce_max3A_371[15] : f32 from vector<16xf32>
        %eq3A_373 = arith.constant 0 : i32
        %eq3A_374 = vector.broadcast %eq3A_373 : i32 to vector<16xi32>
        %eq3A_375 = arith.cmpi eq, %iota3A, %eq3A_374 : vector<16xi32>
        %jit3A_376 = arith.constant 0.000000e+00 : f32
        %broadcast_in_dim3A_377 = vector.broadcast %reduce_max3A_333 : f32 to vector<16xf32>
        %broadcast_in_dim3A_378 = vector.broadcast %jit3A_376 : f32 to vector<16xf32>
        %select_n3A_379 = arith.select %eq3A_375, %broadcast_in_dim3A_377, %broadcast_in_dim3A_378 : vector<16xi1>, vector<16xf32>
        %eq3A_380 = arith.constant 1 : i32
        %eq3A_381 = vector.broadcast %eq3A_380 : i32 to vector<16xi32>
        %eq3A_382 = arith.cmpi eq, %iota3A, %eq3A_381 : vector<16xi32>
        %reduce_max3A_383 = arith.constant true
        %reduce_max3A_384 = vector.broadcast %reduce_max3A_383 : i1 to vector<16xi1>
        %reduce_max3A_385 = tpu.scan <max>, %while3A_210#5 masked %reduce_max3A_384 : vector<16xf32>, vector<16xi1> -> vector<16xf32>
        %reduce_max3A_386 = vector.extract %reduce_max3A_385[15] : f32 from vector<16xf32>
        %jit3A_387 = arith.constant 0.000000e+00 : f32
        %broadcast_in_dim3A_388 = vector.broadcast %reduce_max3A_386 : f32 to vector<16xf32>
        %broadcast_in_dim3A_389 = vector.broadcast %jit3A_387 : f32 to vector<16xf32>
        %select_n3A_390 = arith.select %eq3A_382, %broadcast_in_dim3A_388, %broadcast_in_dim3A_389 : vector<16xi1>, vector<16xf32>
        %add3A_391 = arith.addf %select_n3A_379, %select_n3A_390 : vector<16xf32>
        %eq3A_392 = arith.constant 2 : i32
        %eq3A_393 = vector.broadcast %eq3A_392 : i32 to vector<16xi32>
        %eq3A_394 = arith.cmpi eq, %iota3A, %eq3A_393 : vector<16xi32>
        %jit3A_395 = arith.constant 0.000000e+00 : f32
        %broadcast_in_dim3A_396 = vector.broadcast %reduce_max3A_352 : f32 to vector<16xf32>
        %broadcast_in_dim3A_397 = vector.broadcast %jit3A_395 : f32 to vector<16xf32>
        %select_n3A_398 = arith.select %eq3A_394, %broadcast_in_dim3A_396, %broadcast_in_dim3A_397 : vector<16xi1>, vector<16xf32>
        %add3A_399 = arith.addf %add3A_391, %select_n3A_398 : vector<16xf32>
        %eq3A_400 = arith.constant 3 : i32
        %eq3A_401 = vector.broadcast %eq3A_400 : i32 to vector<16xi32>
        %eq3A_402 = arith.cmpi eq, %iota3A, %eq3A_401 : vector<16xi32>
        %jit3A_403 = arith.constant 0.000000e+00 : f32
        %broadcast_in_dim3A_404 = vector.broadcast %reduce_max3A_357 : f32 to vector<16xf32>
        %broadcast_in_dim3A_405 = vector.broadcast %jit3A_403 : f32 to vector<16xf32>
        %select_n3A_406 = arith.select %eq3A_402, %broadcast_in_dim3A_404, %broadcast_in_dim3A_405 : vector<16xi1>, vector<16xf32>
        %add3A_407 = arith.addf %add3A_399, %select_n3A_406 : vector<16xf32>
        %eq3A_408 = arith.constant 4 : i32
        %eq3A_409 = vector.broadcast %eq3A_408 : i32 to vector<16xi32>
        %eq3A_410 = arith.cmpi eq, %iota3A, %eq3A_409 : vector<16xi32>
        %jit3A_411 = arith.constant 0.000000e+00 : f32
        %broadcast_in_dim3A_412 = vector.broadcast %reduce_max3A_362 : f32 to vector<16xf32>
        %broadcast_in_dim3A_413 = vector.broadcast %jit3A_411 : f32 to vector<16xf32>
        %select_n3A_414 = arith.select %eq3A_410, %broadcast_in_dim3A_412, %broadcast_in_dim3A_413 : vector<16xi1>, vector<16xf32>
        %add3A_415 = arith.addf %add3A_407, %select_n3A_414 : vector<16xf32>
        %eq3A_416 = arith.constant 5 : i32
        %eq3A_417 = vector.broadcast %eq3A_416 : i32 to vector<16xi32>
        %eq3A_418 = arith.cmpi eq, %iota3A, %eq3A_417 : vector<16xi32>
        %jit3A_419 = arith.constant 0.000000e+00 : f32
        %broadcast_in_dim3A_420 = vector.broadcast %reduce_max3A_367 : f32 to vector<16xf32>
        %broadcast_in_dim3A_421 = vector.broadcast %jit3A_419 : f32 to vector<16xf32>
        %select_n3A_422 = arith.select %eq3A_418, %broadcast_in_dim3A_420, %broadcast_in_dim3A_421 : vector<16xi1>, vector<16xf32>
        %add3A_423 = arith.addf %add3A_415, %select_n3A_422 : vector<16xf32>
        %eq3A_424 = arith.constant 6 : i32
        %eq3A_425 = vector.broadcast %eq3A_424 : i32 to vector<16xi32>
        %eq3A_426 = arith.cmpi eq, %iota3A, %eq3A_425 : vector<16xi32>
        %jit3A_427 = arith.constant 0.000000e+00 : f32
        %broadcast_in_dim3A_428 = vector.broadcast %reduce_max3A_372 : f32 to vector<16xf32>
        %broadcast_in_dim3A_429 = vector.broadcast %jit3A_427 : f32 to vector<16xf32>
        %select_n3A_430 = arith.select %eq3A_426, %broadcast_in_dim3A_428, %broadcast_in_dim3A_429 : vector<16xi1>, vector<16xf32>
        %add3A_431 = arith.addf %add3A_423, %select_n3A_430 : vector<16xf32>
        %min3A_432 = arith.constant 8 : i32
        %min3A_433 = vector.broadcast %min3A_432 : i32 to vector<16xi32>
        %min3A_434 = arith.minsi %iota3A, %min3A_433 : vector<16xi32>
        %mul3A_435 = arith.constant 16 : i32
        %mul3A_436 = vector.broadcast %mul3A_435 : i32 to vector<16xi32>
        %mul3A_437 = arith.muli %min3A_434, %mul3A_436 : vector<16xi32>
        %add3A_438 = arith.constant 1 : i32
        %add3A_439 = vector.broadcast %add3A_438 : i32 to vector<16xi32>
        %add3A_440 = arith.addi %mul3A_437, %add3A_439 : vector<16xi32>
        %lt3A_441 = arith.constant 7 : i32
        %lt3A_442 = vector.broadcast %lt3A_441 : i32 to vector<16xi32>
        %lt3A_443 = arith.cmpi slt, %iota3A, %lt3A_442 : vector<16xi32>
        tpu.vector_store_idx %arg18[%add3A_440], %add3A_431 masked %lt3A_443 : memref<144xf32, #tpu.memory_space<vmem>>[vector<16xi32>], vector<16xf32>, vector<16xi1>
      } else {
      }
      %convert_element_type3A_327 = arith.extui %lt3A_199 : i1 to i32
      %cond3A_328 = arith.constant 0 : i32
      %cond3A_329 = arith.cmpi ne, %convert_element_type3A_327, %cond3A_328 : i32
      scf.if %cond3A_329 {
        %reduce_max3A_330 = arith.constant true
        %reduce_max3A_331 = vector.broadcast %reduce_max3A_330 : i1 to vector<16xi1>
        %reduce_max3A_332 = tpu.scan <max>, %while3A_210#6 masked %reduce_max3A_331 : vector<16xf32>, vector<16xi1> -> vector<16xf32>
        %reduce_max3A_333 = vector.extract %reduce_max3A_332[15] : f32 from vector<16xf32>
        %eq3A_334 = vector.broadcast %reduce_max3A_333 : f32 to vector<16xf32>
        %eq3A_335 = arith.cmpf oeq, %while3A_210#6, %eq3A_334 : vector<16xf32>
        %jit3A_336 = arith.constant 10000 : i32
        %broadcast_in_dim3A_337 = vector.broadcast %jit3A_336 : i32 to vector<16xi32>
        %select_n3A_338 = arith.select %eq3A_335, %while3A_210#7, %broadcast_in_dim3A_337 : vector<16xi1>, vector<16xi32>
        %reduce_min3A_339 = arith.constant true
        %reduce_min3A_340 = vector.broadcast %reduce_min3A_339 : i1 to vector<16xi1>
        %reduce_min3A_341 = arith.constant -2147483648 : i32
        %reduce_min3A_342 = vector.broadcast %reduce_min3A_341 : i32 to vector<16xi32>
        %reduce_min3A_343 = arith.xori %select_n3A_338, %reduce_min3A_342 : vector<16xi32>
        %reduce_min3A_344 = tpu.scan <min>, %reduce_min3A_343 masked %reduce_min3A_340 : vector<16xi32>, vector<16xi1> -> vector<16xi32>
        %reduce_min3A_345 = arith.xori %reduce_min3A_344, %reduce_min3A_342 : vector<16xi32>
        %reduce_min3A_346 = vector.extract %reduce_min3A_345[15] : i32 from vector<16xi32>
        %broadcast_in_dim3A_347 = vector.broadcast %reduce_min3A_346 : i32 to vector<16xi32>
        %gather3A_348 = tpu.vector_load_idx %arg14[%broadcast_in_dim3A_347] : memref<10016xf32, #tpu.memory_space<vmem>>[vector<16xi32>], vector<16xf32>,
        %reduce_max3A_349 = arith.constant true
        %reduce_max3A_350 = vector.broadcast %reduce_max3A_349 : i1 to vector<16xi1>
        %reduce_max3A_351 = tpu.scan <max>, %gather3A_348 masked %reduce_max3A_350 : vector<16xf32>, vector<16xi1> -> vector<16xf32>
        %reduce_max3A_352 = vector.extract %reduce_max3A_351[15] : f32 from vector<16xf32>
        %gather3A_353 = tpu.vector_load_idx %arg10[%broadcast_in_dim3A_347] : memref<10016xf32, #tpu.memory_space<vmem>>[vector<16xi32>], vector<16xf32>,
        %reduce_max3A_354 = arith.constant true
        %reduce_max3A_355 = vector.broadcast %reduce_max3A_354 : i1 to vector<16xi1>
        %reduce_max3A_356 = tpu.scan <max>, %gather3A_353 masked %reduce_max3A_355 : vector<16xf32>, vector<16xi1> -> vector<16xf32>
        %reduce_max3A_357 = vector.extract %reduce_max3A_356[15] : f32 from vector<16xf32>
        %gather3A_358 = tpu.vector_load_idx %arg11[%broadcast_in_dim3A_347] : memref<10016xf32, #tpu.memory_space<vmem>>[vector<16xi32>], vector<16xf32>,
        %reduce_max3A_359 = arith.constant true
        %reduce_max3A_360 = vector.broadcast %reduce_max3A_359 : i1 to vector<16xi1>
        %reduce_max3A_361 = tpu.scan <max>, %gather3A_358 masked %reduce_max3A_360 : vector<16xf32>, vector<16xi1> -> vector<16xf32>
        %reduce_max3A_362 = vector.extract %reduce_max3A_361[15] : f32 from vector<16xf32>
        %gather3A_363 = tpu.vector_load_idx %arg12[%broadcast_in_dim3A_347] : memref<10016xf32, #tpu.memory_space<vmem>>[vector<16xi32>], vector<16xf32>,
        %reduce_max3A_364 = arith.constant true
        %reduce_max3A_365 = vector.broadcast %reduce_max3A_364 : i1 to vector<16xi1>
        %reduce_max3A_366 = tpu.scan <max>, %gather3A_363 masked %reduce_max3A_365 : vector<16xf32>, vector<16xi1> -> vector<16xf32>
        %reduce_max3A_367 = vector.extract %reduce_max3A_366[15] : f32 from vector<16xf32>
        %gather3A_368 = tpu.vector_load_idx %arg13[%broadcast_in_dim3A_347] : memref<10016xf32, #tpu.memory_space<vmem>>[vector<16xi32>], vector<16xf32>,
        %reduce_max3A_369 = arith.constant true
        %reduce_max3A_370 = vector.broadcast %reduce_max3A_369 : i1 to vector<16xi1>
        %reduce_max3A_371 = tpu.scan <max>, %gather3A_368 masked %reduce_max3A_370 : vector<16xf32>, vector<16xi1> -> vector<16xf32>
        %reduce_max3A_372 = vector.extract %reduce_max3A_371[15] : f32 from vector<16xf32>
        %eq3A_373 = arith.constant 0 : i32
        %eq3A_374 = vector.broadcast %eq3A_373 : i32 to vector<16xi32>
        %eq3A_375 = arith.cmpi eq, %iota3A, %eq3A_374 : vector<16xi32>
        %jit3A_376 = arith.constant 0.000000e+00 : f32
        %broadcast_in_dim3A_377 = vector.broadcast %reduce_max3A_333 : f32 to vector<16xf32>
        %broadcast_in_dim3A_378 = vector.broadcast %jit3A_376 : f32 to vector<16xf32>
        %select_n3A_379 = arith.select %eq3A_375, %broadcast_in_dim3A_377, %broadcast_in_dim3A_378 : vector<16xi1>, vector<16xf32>
        %eq3A_380 = arith.constant 1 : i32
        %eq3A_381 = vector.broadcast %eq3A_380 : i32 to vector<16xi32>
        %eq3A_382 = arith.cmpi eq, %iota3A, %eq3A_381 : vector<16xi32>
        %reduce_max3A_383 = arith.constant true
        %reduce_max3A_384 = vector.broadcast %reduce_max3A_383 : i1 to vector<16xi1>
        %reduce_max3A_385 = tpu.scan <max>, %while3A_210#8 masked %reduce_max3A_384 : vector<16xf32>, vector<16xi1> -> vector<16xf32>
        %reduce_max3A_386 = vector.extract %reduce_max3A_385[15] : f32 from vector<16xf32>
        %jit3A_387 = arith.constant 0.000000e+00 : f32
        %broadcast_in_dim3A_388 = vector.broadcast %reduce_max3A_386 : f32 to vector<16xf32>
        %broadcast_in_dim3A_389 = vector.broadcast %jit3A_387 : f32 to vector<16xf32>
        %select_n3A_390 = arith.select %eq3A_382, %broadcast_in_dim3A_388, %broadcast_in_dim3A_389 : vector<16xi1>, vector<16xf32>
        %add3A_391 = arith.addf %select_n3A_379, %select_n3A_390 : vector<16xf32>
        %eq3A_392 = arith.constant 2 : i32
        %eq3A_393 = vector.broadcast %eq3A_392 : i32 to vector<16xi32>
        %eq3A_394 = arith.cmpi eq, %iota3A, %eq3A_393 : vector<16xi32>
        %jit3A_395 = arith.constant 0.000000e+00 : f32
        %broadcast_in_dim3A_396 = vector.broadcast %reduce_max3A_352 : f32 to vector<16xf32>
        %broadcast_in_dim3A_397 = vector.broadcast %jit3A_395 : f32 to vector<16xf32>
        %select_n3A_398 = arith.select %eq3A_394, %broadcast_in_dim3A_396, %broadcast_in_dim3A_397 : vector<16xi1>, vector<16xf32>
        %add3A_399 = arith.addf %add3A_391, %select_n3A_398 : vector<16xf32>
        %eq3A_400 = arith.constant 3 : i32
        %eq3A_401 = vector.broadcast %eq3A_400 : i32 to vector<16xi32>
        %eq3A_402 = arith.cmpi eq, %iota3A, %eq3A_401 : vector<16xi32>
        %jit3A_403 = arith.constant 0.000000e+00 : f32
        %broadcast_in_dim3A_404 = vector.broadcast %reduce_max3A_357 : f32 to vector<16xf32>
        %broadcast_in_dim3A_405 = vector.broadcast %jit3A_403 : f32 to vector<16xf32>
        %select_n3A_406 = arith.select %eq3A_402, %broadcast_in_dim3A_404, %broadcast_in_dim3A_405 : vector<16xi1>, vector<16xf32>
        %add3A_407 = arith.addf %add3A_399, %select_n3A_406 : vector<16xf32>
        %eq3A_408 = arith.constant 4 : i32
        %eq3A_409 = vector.broadcast %eq3A_408 : i32 to vector<16xi32>
        %eq3A_410 = arith.cmpi eq, %iota3A, %eq3A_409 : vector<16xi32>
        %jit3A_411 = arith.constant 0.000000e+00 : f32
        %broadcast_in_dim3A_412 = vector.broadcast %reduce_max3A_362 : f32 to vector<16xf32>
        %broadcast_in_dim3A_413 = vector.broadcast %jit3A_411 : f32 to vector<16xf32>
        %select_n3A_414 = arith.select %eq3A_410, %broadcast_in_dim3A_412, %broadcast_in_dim3A_413 : vector<16xi1>, vector<16xf32>
        %add3A_415 = arith.addf %add3A_407, %select_n3A_414 : vector<16xf32>
        %eq3A_416 = arith.constant 5 : i32
        %eq3A_417 = vector.broadcast %eq3A_416 : i32 to vector<16xi32>
        %eq3A_418 = arith.cmpi eq, %iota3A, %eq3A_417 : vector<16xi32>
        %jit3A_419 = arith.constant 0.000000e+00 : f32
        %broadcast_in_dim3A_420 = vector.broadcast %reduce_max3A_367 : f32 to vector<16xf32>
        %broadcast_in_dim3A_421 = vector.broadcast %jit3A_419 : f32 to vector<16xf32>
        %select_n3A_422 = arith.select %eq3A_418, %broadcast_in_dim3A_420, %broadcast_in_dim3A_421 : vector<16xi1>, vector<16xf32>
        %add3A_423 = arith.addf %add3A_415, %select_n3A_422 : vector<16xf32>
        %eq3A_424 = arith.constant 6 : i32
        %eq3A_425 = vector.broadcast %eq3A_424 : i32 to vector<16xi32>
        %eq3A_426 = arith.cmpi eq, %iota3A, %eq3A_425 : vector<16xi32>
        %jit3A_427 = arith.constant 0.000000e+00 : f32
        %broadcast_in_dim3A_428 = vector.broadcast %reduce_max3A_372 : f32 to vector<16xf32>
        %broadcast_in_dim3A_429 = vector.broadcast %jit3A_427 : f32 to vector<16xf32>
        %select_n3A_430 = arith.select %eq3A_426, %broadcast_in_dim3A_428, %broadcast_in_dim3A_429 : vector<16xi1>, vector<16xf32>
        %add3A_431 = arith.addf %add3A_423, %select_n3A_430 : vector<16xf32>
        %min3A_432 = arith.constant 8 : i32
        %min3A_433 = vector.broadcast %min3A_432 : i32 to vector<16xi32>
        %min3A_434 = arith.minsi %iota3A, %min3A_433 : vector<16xi32>
        %mul3A_435 = arith.constant 16 : i32
        %mul3A_436 = vector.broadcast %mul3A_435 : i32 to vector<16xi32>
        %mul3A_437 = arith.muli %min3A_434, %mul3A_436 : vector<16xi32>
        %add3A_438 = arith.constant 2 : i32
        %add3A_439 = vector.broadcast %add3A_438 : i32 to vector<16xi32>
        %add3A_440 = arith.addi %mul3A_437, %add3A_439 : vector<16xi32>
        %lt3A_441 = arith.constant 7 : i32
        %lt3A_442 = vector.broadcast %lt3A_441 : i32 to vector<16xi32>
        %lt3A_443 = arith.cmpi slt, %iota3A, %lt3A_442 : vector<16xi32>
        tpu.vector_store_idx %arg18[%add3A_440], %add3A_431 masked %lt3A_443 : memref<144xf32, #tpu.memory_space<vmem>>[vector<16xi32>], vector<16xf32>, vector<16xi1>
      } else {
      }
    } else {
    }
    %lt3A_158 = arith.constant 3 : i32
    %lt3A_159 = arith.cmpi slt, %lt3A_158, %select_n3A_148 : i32
    %convert_element_type3A_160 = arith.extui %lt3A_159 : i1 to i32
    %cond3A_161 = arith.constant 0 : i32
    %cond3A_162 = arith.cmpi ne, %convert_element_type3A_160, %cond3A_161 : i32
    scf.if %cond3A_162 {
      %lt3A_196 = arith.constant 4 : i32
      %lt3A_197 = arith.cmpi slt, %lt3A_196, %select_n3A_148 : i32
      %lt3A_198 = arith.constant 5 : i32
      %lt3A_199 = arith.cmpi slt, %lt3A_198, %select_n3A_148 : i32
      %while3A_200 = arith.constant 0 : i32
      %while3A_201 = arith.subi %shift_right_arithmetic3A_100, %while3A_200 : i32
      %while3A_202 = arith.addi %while3A_200, %while3A_201 : i32
      %while3A_203 = arith.constant 1 : i32
      %while3A_204 = arith.divsi %while3A_201, %while3A_203 : i32
      %while3A_205 = arith.muli %while3A_204, %while3A_203 : i32
      %while3A_206 = arith.addi %while3A_200, %while3A_205 : i32
      %while3A_207 = arith.constant 1 : i32
      %while3A_208:9 = scf.for %while3A_330 = %while3A_200 to %while3A_206 step %while3A_207 iter_args(%while3A_331 = %broadcast_in_dim3A_150, %while3A_332 = %broadcast_in_dim3A_152, %while3A_333 = %broadcast_in_dim3A_154, %while3A_334 = %broadcast_in_dim3A_150, %while3A_335 = %broadcast_in_dim3A_152, %while3A_336 = %broadcast_in_dim3A_154, %while3A_337 = %broadcast_in_dim3A_150, %while3A_338 = %broadcast_in_dim3A_152, %while3A_339 = %broadcast_in_dim3A_154) -> (vector<16xf32>, vector<16xi32>, vector<16xf32>, vector<16xf32>, vector<16xi32>, vector<16xf32>, vector<16xf32>, vector<16xi32>, vector<16xf32>)  : i32 {
        %mul3A_340 = arith.constant 16 : i32
        %mul3A_341 = arith.muli %while3A_330, %mul3A_340 : i32
        %get3A_342 = arith.index_cast %mul3A_341 : i32 to index
        %get3A_343 = tpu.vector_load %arg10[%get3A_342] {strides = array<i32>} : memref<10016xf32, #tpu.memory_space<vmem>>, vector<16xf32>,
        %get3A_344 = arith.index_cast %mul3A_341 : i32 to index
        %get3A_345 = tpu.vector_load %arg11[%get3A_344] {strides = array<i32>} : memref<10016xf32, #tpu.memory_space<vmem>>, vector<16xf32>,
        %get3A_346 = arith.index_cast %mul3A_341 : i32 to index
        %get3A_347 = tpu.vector_load %arg12[%get3A_346] {strides = array<i32>} : memref<10016xf32, #tpu.memory_space<vmem>>, vector<16xf32>,
        %get3A_348 = arith.index_cast %mul3A_341 : i32 to index
        %get3A_349 = tpu.vector_load %arg13[%get3A_348] {strides = array<i32>} : memref<10016xf32, #tpu.memory_space<vmem>>, vector<16xf32>,
        %mul3A_350 = arith.constant 5.000000e-01 : f32
        %mul3A_351 = vector.broadcast %mul3A_350 : f32 to vector<16xf32>
        %mul3A_352 = arith.mulf %get3A_347, %mul3A_351 : vector<16xf32>
        %sub3A_353 = arith.subf %get3A_343, %mul3A_352 : vector<16xf32>
        %mul3A_354 = arith.constant 5.000000e-01 : f32
        %mul3A_355 = vector.broadcast %mul3A_354 : f32 to vector<16xf32>
        %mul3A_356 = arith.mulf %get3A_347, %mul3A_355 : vector<16xf32>
        %add3A_357 = arith.addf %get3A_343, %mul3A_356 : vector<16xf32>
        %mul3A_358 = arith.constant 5.000000e-01 : f32
        %mul3A_359 = vector.broadcast %mul3A_358 : f32 to vector<16xf32>
        %mul3A_360 = arith.mulf %get3A_349, %mul3A_359 : vector<16xf32>
        %sub3A_361 = arith.subf %get3A_345, %mul3A_360 : vector<16xf32>
        %mul3A_362 = arith.constant 5.000000e-01 : f32
        %mul3A_363 = vector.broadcast %mul3A_362 : f32 to vector<16xf32>
        %mul3A_364 = arith.mulf %get3A_349, %mul3A_363 : vector<16xf32>
        %add3A_365 = arith.addf %get3A_345, %mul3A_364 : vector<16xf32>
        %mul3A_366 = arith.mulf %get3A_347, %get3A_349 : vector<16xf32>
        %get3A_367 = arith.index_cast %mul3A_341 : i32 to index
        %get3A_368 = tpu.vector_load %arg15[%get3A_367] {strides = array<i32>} : memref<10016xi32, #tpu.memory_space<vmem>>, vector<16xi32>,
        %and3A_369 = arith.constant 1 : i32
        %and3A_370 = vector.broadcast %and3A_369 : i32 to vector<16xi32>
        %and3A_371 = arith.andi %get3A_368, %and3A_370 : vector<16xi32>
        %ne3A = arith.constant 0 : i32
        %ne3A_372 = vector.broadcast %ne3A : i32 to vector<16xi32>
        %ne3A_373 = arith.cmpi ne, %and3A_371, %ne3A_372 : vector<16xi32>
        %and3A_374 = arith.constant 2 : i32
        %and3A_375 = vector.broadcast %and3A_374 : i32 to vector<16xi32>
        %and3A_376 = arith.andi %get3A_368, %and3A_375 : vector<16xi32>
        %ne3A_377 = arith.constant 0 : i32
        %ne3A_378 = vector.broadcast %ne3A_377 : i32 to vector<16xi32>
        %ne3A_379 = arith.cmpi ne, %and3A_376, %ne3A_378 : vector<16xi32>
        %slice3A_380 = vector.extract_strided_slice %sub3A {offsets = [3], sizes = [1], strides = [1]} : vector<16xf32> to vector<1xf32>
        %squeeze3A_381 = vector.extract %slice3A_380[0] : f32 from vector<1xf32>
        %max3A = vector.broadcast %squeeze3A_381 : f32 to vector<16xf32>
        %max3A_382 = arith.maximumf %sub3A_353, %max3A : vector<16xf32>
        %slice3A_383 = vector.extract_strided_slice %add3A_124 {offsets = [3], sizes = [1], strides = [1]} : vector<16xf32> to vector<1xf32>
        %squeeze3A_384 = vector.extract %slice3A_383[0] : f32 from vector<1xf32>
        %min3A_385 = vector.broadcast %squeeze3A_384 : f32 to vector<16xf32>
        %min3A_386 = arith.minimumf %add3A_357, %min3A_385 : vector<16xf32>
        %slice3A_387 = vector.extract_strided_slice %sub3A_128 {offsets = [3], sizes = [1], strides = [1]} : vector<16xf32> to vector<1xf32>
        %squeeze3A_388 = vector.extract %slice3A_387[0] : f32 from vector<1xf32>
        %max3A_389 = vector.broadcast %squeeze3A_388 : f32 to vector<16xf32>
        %max3A_390 = arith.maximumf %sub3A_361, %max3A_389 : vector<16xf32>
        %slice3A_391 = vector.extract_strided_slice %add3A_132 {offsets = [3], sizes = [1], strides = [1]} : vector<16xf32> to vector<1xf32>
        %squeeze3A_392 = vector.extract %slice3A_391[0] : f32 from vector<1xf32>
        %min3A_393 = vector.broadcast %squeeze3A_392 : f32 to vector<16xf32>
        %min3A_394 = arith.minimumf %add3A_365, %min3A_393 : vector<16xf32>
        %lt3A_395 = arith.cmpf olt, %max3A_382, %min3A_386 : vector<16xf32>
        %lt3A_396 = arith.cmpf olt, %max3A_390, %min3A_394 : vector<16xf32>
        %and3A_397 = arith.andi %lt3A_395, %lt3A_396 : vector<16xi1>
        %sub3A_398 = arith.subf %min3A_386, %max3A_382 : vector<16xf32>
        %sub3A_399 = arith.subf %min3A_394, %max3A_390 : vector<16xf32>
        %mul3A_400 = arith.mulf %sub3A_398, %sub3A_399 : vector<16xf32>
        %jit3A_401 = arith.constant 0.000000e+00 : f32
        %broadcast_in_dim3A_402 = vector.broadcast %jit3A_401 : f32 to vector<16xf32>
        %select_n3A_403 = arith.select %and3A_397, %mul3A_400, %broadcast_in_dim3A_402 : vector<16xi1>, vector<16xf32>
        %slice3A_404 = vector.extract_strided_slice %mul3A_133 {offsets = [3], sizes = [1], strides = [1]} : vector<16xf32> to vector<1xf32>
        %squeeze3A_405 = vector.extract %slice3A_404[0] : f32 from vector<1xf32>
        %add3A_406 = vector.broadcast %squeeze3A_405 : f32 to vector<16xf32>
        %add3A_407 = arith.addf %mul3A_366, %add3A_406 : vector<16xf32>
        %sub3A_408 = arith.subf %add3A_407, %select_n3A_403 : vector<16xf32>
        %div3A = arith.divf %select_n3A_403, %sub3A_408 : vector<16xf32>
        %jit3A_409 = arith.constant -1.000000e+00 : f32
        %broadcast_in_dim3A_410 = vector.broadcast %jit3A_409 : f32 to vector<16xf32>
        %select_n3A_411 = arith.select %ne3A_373, %div3A, %broadcast_in_dim3A_410 : vector<16xi1>, vector<16xf32>
        %jit3A_412 = arith.constant -1.000000e+00 : f32
        %broadcast_in_dim3A_413 = vector.broadcast %jit3A_412 : f32 to vector<16xf32>
        %select_n3A_414 = arith.select %ne3A_379, %div3A, %broadcast_in_dim3A_413 : vector<16xi1>, vector<16xf32>
        %gt3A = arith.cmpf ogt, %select_n3A_411, %while3A_331 : vector<16xf32>
        %select_n3A_415 = arith.select %gt3A, %select_n3A_411, %while3A_331 : vector<16xi1>, vector<16xf32>
        %add3A_416 = vector.broadcast %mul3A_341 : i32 to vector<16xi32>
        %add3A_417 = arith.addi %add3A_416, %iota3A : vector<16xi32>
        %select_n3A_418 = arith.select %gt3A, %add3A_417, %while3A_332 : vector<16xi1>, vector<16xi32>
        %max3A_419 = arith.maximumf %while3A_333, %select_n3A_414 : vector<16xf32>
        %and3A_420 = vector.broadcast %lt3A_197 : i1 to vector<16xi1>
        %and3A_421 = arith.andi %ne3A_373, %and3A_420 : vector<16xi1>
        %and3A_422 = vector.broadcast %lt3A_197 : i1 to vector<16xi1>
        %and3A_423 = arith.andi %ne3A_379, %and3A_422 : vector<16xi1>
        %slice3A_424 = vector.extract_strided_slice %sub3A {offsets = [4], sizes = [1], strides = [1]} : vector<16xf32> to vector<1xf32>
        %squeeze3A_425 = vector.extract %slice3A_424[0] : f32 from vector<1xf32>
        %max3A_426 = vector.broadcast %squeeze3A_425 : f32 to vector<16xf32>
        %max3A_427 = arith.maximumf %sub3A_353, %max3A_426 : vector<16xf32>
        %slice3A_428 = vector.extract_strided_slice %add3A_124 {offsets = [4], sizes = [1], strides = [1]} : vector<16xf32> to vector<1xf32>
        %squeeze3A_429 = vector.extract %slice3A_428[0] : f32 from vector<1xf32>
        %min3A_430 = vector.broadcast %squeeze3A_429 : f32 to vector<16xf32>
        %min3A_431 = arith.minimumf %add3A_357, %min3A_430 : vector<16xf32>
        %slice3A_432 = vector.extract_strided_slice %sub3A_128 {offsets = [4], sizes = [1], strides = [1]} : vector<16xf32> to vector<1xf32>
        %squeeze3A_433 = vector.extract %slice3A_432[0] : f32 from vector<1xf32>
        %max3A_434 = vector.broadcast %squeeze3A_433 : f32 to vector<16xf32>
        %max3A_435 = arith.maximumf %sub3A_361, %max3A_434 : vector<16xf32>
        %slice3A_436 = vector.extract_strided_slice %add3A_132 {offsets = [4], sizes = [1], strides = [1]} : vector<16xf32> to vector<1xf32>
        %squeeze3A_437 = vector.extract %slice3A_436[0] : f32 from vector<1xf32>
        %min3A_438 = vector.broadcast %squeeze3A_437 : f32 to vector<16xf32>
        %min3A_439 = arith.minimumf %add3A_365, %min3A_438 : vector<16xf32>
        %lt3A_440 = arith.cmpf olt, %max3A_427, %min3A_431 : vector<16xf32>
        %lt3A_441 = arith.cmpf olt, %max3A_435, %min3A_439 : vector<16xf32>
        %and3A_442 = arith.andi %lt3A_440, %lt3A_441 : vector<16xi1>
        %sub3A_443 = arith.subf %min3A_431, %max3A_427 : vector<16xf32>
        %sub3A_444 = arith.subf %min3A_439, %max3A_435 : vector<16xf32>
        %mul3A_445 = arith.mulf %sub3A_443, %sub3A_444 : vector<16xf32>
        %jit3A_446 = arith.constant 0.000000e+00 : f32
        %broadcast_in_dim3A_447 = vector.broadcast %jit3A_446 : f32 to vector<16xf32>
        %select_n3A_448 = arith.select %and3A_442, %mul3A_445, %broadcast_in_dim3A_447 : vector<16xi1>, vector<16xf32>
        %slice3A_449 = vector.extract_strided_slice %mul3A_133 {offsets = [4], sizes = [1], strides = [1]} : vector<16xf32> to vector<1xf32>
        %squeeze3A_450 = vector.extract %slice3A_449[0] : f32 from vector<1xf32>
        %add3A_451 = vector.broadcast %squeeze3A_450 : f32 to vector<16xf32>
        %add3A_452 = arith.addf %mul3A_366, %add3A_451 : vector<16xf32>
        %sub3A_453 = arith.subf %add3A_452, %select_n3A_448 : vector<16xf32>
        %div3A_454 = arith.divf %select_n3A_448, %sub3A_453 : vector<16xf32>
        %jit3A_455 = arith.constant -1.000000e+00 : f32
        %broadcast_in_dim3A_456 = vector.broadcast %jit3A_455 : f32 to vector<16xf32>
        %select_n3A_457 = arith.select %and3A_421, %div3A_454, %broadcast_in_dim3A_456 : vector<16xi1>, vector<16xf32>
        %jit3A_458 = arith.constant -1.000000e+00 : f32
        %broadcast_in_dim3A_459 = vector.broadcast %jit3A_458 : f32 to vector<16xf32>
        %select_n3A_460 = arith.select %and3A_423, %div3A_454, %broadcast_in_dim3A_459 : vector<16xi1>, vector<16xf32>
        %gt3A_461 = arith.cmpf ogt, %select_n3A_457, %while3A_334 : vector<16xf32>
        %select_n3A_462 = arith.select %gt3A_461, %select_n3A_457, %while3A_334 : vector<16xi1>, vector<16xf32>
        %add3A_463 = vector.broadcast %mul3A_341 : i32 to vector<16xi32>
        %add3A_464 = arith.addi %add3A_463, %iota3A : vector<16xi32>
        %select_n3A_465 = arith.select %gt3A_461, %add3A_464, %while3A_335 : vector<16xi1>, vector<16xi32>
        %max3A_466 = arith.maximumf %while3A_336, %select_n3A_460 : vector<16xf32>
        %and3A_467 = vector.broadcast %lt3A_199 : i1 to vector<16xi1>
        %and3A_468 = arith.andi %ne3A_373, %and3A_467 : vector<16xi1>
        %and3A_469 = vector.broadcast %lt3A_199 : i1 to vector<16xi1>
        %and3A_470 = arith.andi %ne3A_379, %and3A_469 : vector<16xi1>
        %slice3A_471 = vector.extract_strided_slice %sub3A {offsets = [5], sizes = [1], strides = [1]} : vector<16xf32> to vector<1xf32>
        %squeeze3A_472 = vector.extract %slice3A_471[0] : f32 from vector<1xf32>
        %max3A_473 = vector.broadcast %squeeze3A_472 : f32 to vector<16xf32>
        %max3A_474 = arith.maximumf %sub3A_353, %max3A_473 : vector<16xf32>
        %slice3A_475 = vector.extract_strided_slice %add3A_124 {offsets = [5], sizes = [1], strides = [1]} : vector<16xf32> to vector<1xf32>
        %squeeze3A_476 = vector.extract %slice3A_475[0] : f32 from vector<1xf32>
        %min3A_477 = vector.broadcast %squeeze3A_476 : f32 to vector<16xf32>
        %min3A_478 = arith.minimumf %add3A_357, %min3A_477 : vector<16xf32>
        %slice3A_479 = vector.extract_strided_slice %sub3A_128 {offsets = [5], sizes = [1], strides = [1]} : vector<16xf32> to vector<1xf32>
        %squeeze3A_480 = vector.extract %slice3A_479[0] : f32 from vector<1xf32>
        %max3A_481 = vector.broadcast %squeeze3A_480 : f32 to vector<16xf32>
        %max3A_482 = arith.maximumf %sub3A_361, %max3A_481 : vector<16xf32>
        %slice3A_483 = vector.extract_strided_slice %add3A_132 {offsets = [5], sizes = [1], strides = [1]} : vector<16xf32> to vector<1xf32>
        %squeeze3A_484 = vector.extract %slice3A_483[0] : f32 from vector<1xf32>
        %min3A_485 = vector.broadcast %squeeze3A_484 : f32 to vector<16xf32>
        %min3A_486 = arith.minimumf %add3A_365, %min3A_485 : vector<16xf32>
        %lt3A_487 = arith.cmpf olt, %max3A_474, %min3A_478 : vector<16xf32>
        %lt3A_488 = arith.cmpf olt, %max3A_482, %min3A_486 : vector<16xf32>
        %and3A_489 = arith.andi %lt3A_487, %lt3A_488 : vector<16xi1>
        %sub3A_490 = arith.subf %min3A_478, %max3A_474 : vector<16xf32>
        %sub3A_491 = arith.subf %min3A_486, %max3A_482 : vector<16xf32>
        %mul3A_492 = arith.mulf %sub3A_490, %sub3A_491 : vector<16xf32>
        %jit3A_493 = arith.constant 0.000000e+00 : f32
        %broadcast_in_dim3A_494 = vector.broadcast %jit3A_493 : f32 to vector<16xf32>
        %select_n3A_495 = arith.select %and3A_489, %mul3A_492, %broadcast_in_dim3A_494 : vector<16xi1>, vector<16xf32>
        %slice3A_496 = vector.extract_strided_slice %mul3A_133 {offsets = [5], sizes = [1], strides = [1]} : vector<16xf32> to vector<1xf32>
        %squeeze3A_497 = vector.extract %slice3A_496[0] : f32 from vector<1xf32>
        %add3A_498 = vector.broadcast %squeeze3A_497 : f32 to vector<16xf32>
        %add3A_499 = arith.addf %mul3A_366, %add3A_498 : vector<16xf32>
        %sub3A_500 = arith.subf %add3A_499, %select_n3A_495 : vector<16xf32>
        %div3A_501 = arith.divf %select_n3A_495, %sub3A_500 : vector<16xf32>
        %jit3A_502 = arith.constant -1.000000e+00 : f32
        %broadcast_in_dim3A_503 = vector.broadcast %jit3A_502 : f32 to vector<16xf32>
        %select_n3A_504 = arith.select %and3A_468, %div3A_501, %broadcast_in_dim3A_503 : vector<16xi1>, vector<16xf32>
        %jit3A_505 = arith.constant -1.000000e+00 : f32
        %broadcast_in_dim3A_506 = vector.broadcast %jit3A_505 : f32 to vector<16xf32>
        %select_n3A_507 = arith.select %and3A_470, %div3A_501, %broadcast_in_dim3A_506 : vector<16xi1>, vector<16xf32>
        %gt3A_508 = arith.cmpf ogt, %select_n3A_504, %while3A_337 : vector<16xf32>
        %select_n3A_509 = arith.select %gt3A_508, %select_n3A_504, %while3A_337 : vector<16xi1>, vector<16xf32>
        %add3A_510 = vector.broadcast %mul3A_341 : i32 to vector<16xi32>
        %add3A_511 = arith.addi %add3A_510, %iota3A : vector<16xi32>
        %select_n3A_512 = arith.select %gt3A_508, %add3A_511, %while3A_338 : vector<16xi1>, vector<16xi32>
        %max3A_513 = arith.maximumf %while3A_339, %select_n3A_507 : vector<16xf32>
        scf.yield %select_n3A_415, %select_n3A_418, %max3A_419, %select_n3A_462, %select_n3A_465, %max3A_466, %select_n3A_509, %select_n3A_512, %max3A_513 : vector<16xf32>, vector<16xi32>, vector<16xf32>, vector<16xf32>, vector<16xi32>, vector<16xf32>, vector<16xf32>, vector<16xi32>, vector<16xf32>
      }
      %while3A_209 = arith.constant 1 : i32
      %while3A_210:9 = scf.for %while3A_330 = %while3A_206 to %while3A_202 step %while3A_209 iter_args(%while3A_331 = %while3A_208#0, %while3A_332 = %while3A_208#1, %while3A_333 = %while3A_208#2, %while3A_334 = %while3A_208#3, %while3A_335 = %while3A_208#4, %while3A_336 = %while3A_208#5, %while3A_337 = %while3A_208#6, %while3A_338 = %while3A_208#7, %while3A_339 = %while3A_208#8) -> (vector<16xf32>, vector<16xi32>, vector<16xf32>, vector<16xf32>, vector<16xi32>, vector<16xf32>, vector<16xf32>, vector<16xi32>, vector<16xf32>)  : i32 {
        %mul3A_340 = arith.constant 16 : i32
        %mul3A_341 = arith.muli %while3A_330, %mul3A_340 : i32
        %get3A_342 = arith.index_cast %mul3A_341 : i32 to index
        %get3A_343 = tpu.vector_load %arg10[%get3A_342] {strides = array<i32>} : memref<10016xf32, #tpu.memory_space<vmem>>, vector<16xf32>,
        %get3A_344 = arith.index_cast %mul3A_341 : i32 to index
        %get3A_345 = tpu.vector_load %arg11[%get3A_344] {strides = array<i32>} : memref<10016xf32, #tpu.memory_space<vmem>>, vector<16xf32>,
        %get3A_346 = arith.index_cast %mul3A_341 : i32 to index
        %get3A_347 = tpu.vector_load %arg12[%get3A_346] {strides = array<i32>} : memref<10016xf32, #tpu.memory_space<vmem>>, vector<16xf32>,
        %get3A_348 = arith.index_cast %mul3A_341 : i32 to index
        %get3A_349 = tpu.vector_load %arg13[%get3A_348] {strides = array<i32>} : memref<10016xf32, #tpu.memory_space<vmem>>, vector<16xf32>,
        %mul3A_350 = arith.constant 5.000000e-01 : f32
        %mul3A_351 = vector.broadcast %mul3A_350 : f32 to vector<16xf32>
        %mul3A_352 = arith.mulf %get3A_347, %mul3A_351 : vector<16xf32>
        %sub3A_353 = arith.subf %get3A_343, %mul3A_352 : vector<16xf32>
        %mul3A_354 = arith.constant 5.000000e-01 : f32
        %mul3A_355 = vector.broadcast %mul3A_354 : f32 to vector<16xf32>
        %mul3A_356 = arith.mulf %get3A_347, %mul3A_355 : vector<16xf32>
        %add3A_357 = arith.addf %get3A_343, %mul3A_356 : vector<16xf32>
        %mul3A_358 = arith.constant 5.000000e-01 : f32
        %mul3A_359 = vector.broadcast %mul3A_358 : f32 to vector<16xf32>
        %mul3A_360 = arith.mulf %get3A_349, %mul3A_359 : vector<16xf32>
        %sub3A_361 = arith.subf %get3A_345, %mul3A_360 : vector<16xf32>
        %mul3A_362 = arith.constant 5.000000e-01 : f32
        %mul3A_363 = vector.broadcast %mul3A_362 : f32 to vector<16xf32>
        %mul3A_364 = arith.mulf %get3A_349, %mul3A_363 : vector<16xf32>
        %add3A_365 = arith.addf %get3A_345, %mul3A_364 : vector<16xf32>
        %mul3A_366 = arith.mulf %get3A_347, %get3A_349 : vector<16xf32>
        %get3A_367 = arith.index_cast %mul3A_341 : i32 to index
        %get3A_368 = tpu.vector_load %arg15[%get3A_367] {strides = array<i32>} : memref<10016xi32, #tpu.memory_space<vmem>>, vector<16xi32>,
        %and3A_369 = arith.constant 1 : i32
        %and3A_370 = vector.broadcast %and3A_369 : i32 to vector<16xi32>
        %and3A_371 = arith.andi %get3A_368, %and3A_370 : vector<16xi32>
        %ne3A = arith.constant 0 : i32
        %ne3A_372 = vector.broadcast %ne3A : i32 to vector<16xi32>
        %ne3A_373 = arith.cmpi ne, %and3A_371, %ne3A_372 : vector<16xi32>
        %and3A_374 = arith.constant 2 : i32
        %and3A_375 = vector.broadcast %and3A_374 : i32 to vector<16xi32>
        %and3A_376 = arith.andi %get3A_368, %and3A_375 : vector<16xi32>
        %ne3A_377 = arith.constant 0 : i32
        %ne3A_378 = vector.broadcast %ne3A_377 : i32 to vector<16xi32>
        %ne3A_379 = arith.cmpi ne, %and3A_376, %ne3A_378 : vector<16xi32>
        %slice3A_380 = vector.extract_strided_slice %sub3A {offsets = [3], sizes = [1], strides = [1]} : vector<16xf32> to vector<1xf32>
        %squeeze3A_381 = vector.extract %slice3A_380[0] : f32 from vector<1xf32>
        %max3A = vector.broadcast %squeeze3A_381 : f32 to vector<16xf32>
        %max3A_382 = arith.maximumf %sub3A_353, %max3A : vector<16xf32>
        %slice3A_383 = vector.extract_strided_slice %add3A_124 {offsets = [3], sizes = [1], strides = [1]} : vector<16xf32> to vector<1xf32>
        %squeeze3A_384 = vector.extract %slice3A_383[0] : f32 from vector<1xf32>
        %min3A_385 = vector.broadcast %squeeze3A_384 : f32 to vector<16xf32>
        %min3A_386 = arith.minimumf %add3A_357, %min3A_385 : vector<16xf32>
        %slice3A_387 = vector.extract_strided_slice %sub3A_128 {offsets = [3], sizes = [1], strides = [1]} : vector<16xf32> to vector<1xf32>
        %squeeze3A_388 = vector.extract %slice3A_387[0] : f32 from vector<1xf32>
        %max3A_389 = vector.broadcast %squeeze3A_388 : f32 to vector<16xf32>
        %max3A_390 = arith.maximumf %sub3A_361, %max3A_389 : vector<16xf32>
        %slice3A_391 = vector.extract_strided_slice %add3A_132 {offsets = [3], sizes = [1], strides = [1]} : vector<16xf32> to vector<1xf32>
        %squeeze3A_392 = vector.extract %slice3A_391[0] : f32 from vector<1xf32>
        %min3A_393 = vector.broadcast %squeeze3A_392 : f32 to vector<16xf32>
        %min3A_394 = arith.minimumf %add3A_365, %min3A_393 : vector<16xf32>
        %lt3A_395 = arith.cmpf olt, %max3A_382, %min3A_386 : vector<16xf32>
        %lt3A_396 = arith.cmpf olt, %max3A_390, %min3A_394 : vector<16xf32>
        %and3A_397 = arith.andi %lt3A_395, %lt3A_396 : vector<16xi1>
        %sub3A_398 = arith.subf %min3A_386, %max3A_382 : vector<16xf32>
        %sub3A_399 = arith.subf %min3A_394, %max3A_390 : vector<16xf32>
        %mul3A_400 = arith.mulf %sub3A_398, %sub3A_399 : vector<16xf32>
        %jit3A_401 = arith.constant 0.000000e+00 : f32
        %broadcast_in_dim3A_402 = vector.broadcast %jit3A_401 : f32 to vector<16xf32>
        %select_n3A_403 = arith.select %and3A_397, %mul3A_400, %broadcast_in_dim3A_402 : vector<16xi1>, vector<16xf32>
        %slice3A_404 = vector.extract_strided_slice %mul3A_133 {offsets = [3], sizes = [1], strides = [1]} : vector<16xf32> to vector<1xf32>
        %squeeze3A_405 = vector.extract %slice3A_404[0] : f32 from vector<1xf32>
        %add3A_406 = vector.broadcast %squeeze3A_405 : f32 to vector<16xf32>
        %add3A_407 = arith.addf %mul3A_366, %add3A_406 : vector<16xf32>
        %sub3A_408 = arith.subf %add3A_407, %select_n3A_403 : vector<16xf32>
        %div3A = arith.divf %select_n3A_403, %sub3A_408 : vector<16xf32>
        %jit3A_409 = arith.constant -1.000000e+00 : f32
        %broadcast_in_dim3A_410 = vector.broadcast %jit3A_409 : f32 to vector<16xf32>
        %select_n3A_411 = arith.select %ne3A_373, %div3A, %broadcast_in_dim3A_410 : vector<16xi1>, vector<16xf32>
        %jit3A_412 = arith.constant -1.000000e+00 : f32
        %broadcast_in_dim3A_413 = vector.broadcast %jit3A_412 : f32 to vector<16xf32>
        %select_n3A_414 = arith.select %ne3A_379, %div3A, %broadcast_in_dim3A_413 : vector<16xi1>, vector<16xf32>
        %gt3A = arith.cmpf ogt, %select_n3A_411, %while3A_331 : vector<16xf32>
        %select_n3A_415 = arith.select %gt3A, %select_n3A_411, %while3A_331 : vector<16xi1>, vector<16xf32>
        %add3A_416 = vector.broadcast %mul3A_341 : i32 to vector<16xi32>
        %add3A_417 = arith.addi %add3A_416, %iota3A : vector<16xi32>
        %select_n3A_418 = arith.select %gt3A, %add3A_417, %while3A_332 : vector<16xi1>, vector<16xi32>
        %max3A_419 = arith.maximumf %while3A_333, %select_n3A_414 : vector<16xf32>
        %and3A_420 = vector.broadcast %lt3A_197 : i1 to vector<16xi1>
        %and3A_421 = arith.andi %ne3A_373, %and3A_420 : vector<16xi1>
        %and3A_422 = vector.broadcast %lt3A_197 : i1 to vector<16xi1>
        %and3A_423 = arith.andi %ne3A_379, %and3A_422 : vector<16xi1>
        %slice3A_424 = vector.extract_strided_slice %sub3A {offsets = [4], sizes = [1], strides = [1]} : vector<16xf32> to vector<1xf32>
        %squeeze3A_425 = vector.extract %slice3A_424[0] : f32 from vector<1xf32>
        %max3A_426 = vector.broadcast %squeeze3A_425 : f32 to vector<16xf32>
        %max3A_427 = arith.maximumf %sub3A_353, %max3A_426 : vector<16xf32>
        %slice3A_428 = vector.extract_strided_slice %add3A_124 {offsets = [4], sizes = [1], strides = [1]} : vector<16xf32> to vector<1xf32>
        %squeeze3A_429 = vector.extract %slice3A_428[0] : f32 from vector<1xf32>
        %min3A_430 = vector.broadcast %squeeze3A_429 : f32 to vector<16xf32>
        %min3A_431 = arith.minimumf %add3A_357, %min3A_430 : vector<16xf32>
        %slice3A_432 = vector.extract_strided_slice %sub3A_128 {offsets = [4], sizes = [1], strides = [1]} : vector<16xf32> to vector<1xf32>
        %squeeze3A_433 = vector.extract %slice3A_432[0] : f32 from vector<1xf32>
        %max3A_434 = vector.broadcast %squeeze3A_433 : f32 to vector<16xf32>
        %max3A_435 = arith.maximumf %sub3A_361, %max3A_434 : vector<16xf32>
        %slice3A_436 = vector.extract_strided_slice %add3A_132 {offsets = [4], sizes = [1], strides = [1]} : vector<16xf32> to vector<1xf32>
        %squeeze3A_437 = vector.extract %slice3A_436[0] : f32 from vector<1xf32>
        %min3A_438 = vector.broadcast %squeeze3A_437 : f32 to vector<16xf32>
        %min3A_439 = arith.minimumf %add3A_365, %min3A_438 : vector<16xf32>
        %lt3A_440 = arith.cmpf olt, %max3A_427, %min3A_431 : vector<16xf32>
        %lt3A_441 = arith.cmpf olt, %max3A_435, %min3A_439 : vector<16xf32>
        %and3A_442 = arith.andi %lt3A_440, %lt3A_441 : vector<16xi1>
        %sub3A_443 = arith.subf %min3A_431, %max3A_427 : vector<16xf32>
        %sub3A_444 = arith.subf %min3A_439, %max3A_435 : vector<16xf32>
        %mul3A_445 = arith.mulf %sub3A_443, %sub3A_444 : vector<16xf32>
        %jit3A_446 = arith.constant 0.000000e+00 : f32
        %broadcast_in_dim3A_447 = vector.broadcast %jit3A_446 : f32 to vector<16xf32>
        %select_n3A_448 = arith.select %and3A_442, %mul3A_445, %broadcast_in_dim3A_447 : vector<16xi1>, vector<16xf32>
        %slice3A_449 = vector.extract_strided_slice %mul3A_133 {offsets = [4], sizes = [1], strides = [1]} : vector<16xf32> to vector<1xf32>
        %squeeze3A_450 = vector.extract %slice3A_449[0] : f32 from vector<1xf32>
        %add3A_451 = vector.broadcast %squeeze3A_450 : f32 to vector<16xf32>
        %add3A_452 = arith.addf %mul3A_366, %add3A_451 : vector<16xf32>
        %sub3A_453 = arith.subf %add3A_452, %select_n3A_448 : vector<16xf32>
        %div3A_454 = arith.divf %select_n3A_448, %sub3A_453 : vector<16xf32>
        %jit3A_455 = arith.constant -1.000000e+00 : f32
        %broadcast_in_dim3A_456 = vector.broadcast %jit3A_455 : f32 to vector<16xf32>
        %select_n3A_457 = arith.select %and3A_421, %div3A_454, %broadcast_in_dim3A_456 : vector<16xi1>, vector<16xf32>
        %jit3A_458 = arith.constant -1.000000e+00 : f32
        %broadcast_in_dim3A_459 = vector.broadcast %jit3A_458 : f32 to vector<16xf32>
        %select_n3A_460 = arith.select %and3A_423, %div3A_454, %broadcast_in_dim3A_459 : vector<16xi1>, vector<16xf32>
        %gt3A_461 = arith.cmpf ogt, %select_n3A_457, %while3A_334 : vector<16xf32>
        %select_n3A_462 = arith.select %gt3A_461, %select_n3A_457, %while3A_334 : vector<16xi1>, vector<16xf32>
        %add3A_463 = vector.broadcast %mul3A_341 : i32 to vector<16xi32>
        %add3A_464 = arith.addi %add3A_463, %iota3A : vector<16xi32>
        %select_n3A_465 = arith.select %gt3A_461, %add3A_464, %while3A_335 : vector<16xi1>, vector<16xi32>
        %max3A_466 = arith.maximumf %while3A_336, %select_n3A_460 : vector<16xf32>
        %and3A_467 = vector.broadcast %lt3A_199 : i1 to vector<16xi1>
        %and3A_468 = arith.andi %ne3A_373, %and3A_467 : vector<16xi1>
        %and3A_469 = vector.broadcast %lt3A_199 : i1 to vector<16xi1>
        %and3A_470 = arith.andi %ne3A_379, %and3A_469 : vector<16xi1>
        %slice3A_471 = vector.extract_strided_slice %sub3A {offsets = [5], sizes = [1], strides = [1]} : vector<16xf32> to vector<1xf32>
        %squeeze3A_472 = vector.extract %slice3A_471[0] : f32 from vector<1xf32>
        %max3A_473 = vector.broadcast %squeeze3A_472 : f32 to vector<16xf32>
        %max3A_474 = arith.maximumf %sub3A_353, %max3A_473 : vector<16xf32>
        %slice3A_475 = vector.extract_strided_slice %add3A_124 {offsets = [5], sizes = [1], strides = [1]} : vector<16xf32> to vector<1xf32>
        %squeeze3A_476 = vector.extract %slice3A_475[0] : f32 from vector<1xf32>
        %min3A_477 = vector.broadcast %squeeze3A_476 : f32 to vector<16xf32>
        %min3A_478 = arith.minimumf %add3A_357, %min3A_477 : vector<16xf32>
        %slice3A_479 = vector.extract_strided_slice %sub3A_128 {offsets = [5], sizes = [1], strides = [1]} : vector<16xf32> to vector<1xf32>
        %squeeze3A_480 = vector.extract %slice3A_479[0] : f32 from vector<1xf32>
        %max3A_481 = vector.broadcast %squeeze3A_480 : f32 to vector<16xf32>
        %max3A_482 = arith.maximumf %sub3A_361, %max3A_481 : vector<16xf32>
        %slice3A_483 = vector.extract_strided_slice %add3A_132 {offsets = [5], sizes = [1], strides = [1]} : vector<16xf32> to vector<1xf32>
        %squeeze3A_484 = vector.extract %slice3A_483[0] : f32 from vector<1xf32>
        %min3A_485 = vector.broadcast %squeeze3A_484 : f32 to vector<16xf32>
        %min3A_486 = arith.minimumf %add3A_365, %min3A_485 : vector<16xf32>
        %lt3A_487 = arith.cmpf olt, %max3A_474, %min3A_478 : vector<16xf32>
        %lt3A_488 = arith.cmpf olt, %max3A_482, %min3A_486 : vector<16xf32>
        %and3A_489 = arith.andi %lt3A_487, %lt3A_488 : vector<16xi1>
        %sub3A_490 = arith.subf %min3A_478, %max3A_474 : vector<16xf32>
        %sub3A_491 = arith.subf %min3A_486, %max3A_482 : vector<16xf32>
        %mul3A_492 = arith.mulf %sub3A_490, %sub3A_491 : vector<16xf32>
        %jit3A_493 = arith.constant 0.000000e+00 : f32
        %broadcast_in_dim3A_494 = vector.broadcast %jit3A_493 : f32 to vector<16xf32>
        %select_n3A_495 = arith.select %and3A_489, %mul3A_492, %broadcast_in_dim3A_494 : vector<16xi1>, vector<16xf32>
        %slice3A_496 = vector.extract_strided_slice %mul3A_133 {offsets = [5], sizes = [1], strides = [1]} : vector<16xf32> to vector<1xf32>
        %squeeze3A_497 = vector.extract %slice3A_496[0] : f32 from vector<1xf32>
        %add3A_498 = vector.broadcast %squeeze3A_497 : f32 to vector<16xf32>
        %add3A_499 = arith.addf %mul3A_366, %add3A_498 : vector<16xf32>
        %sub3A_500 = arith.subf %add3A_499, %select_n3A_495 : vector<16xf32>
        %div3A_501 = arith.divf %select_n3A_495, %sub3A_500 : vector<16xf32>
        %jit3A_502 = arith.constant -1.000000e+00 : f32
        %broadcast_in_dim3A_503 = vector.broadcast %jit3A_502 : f32 to vector<16xf32>
        %select_n3A_504 = arith.select %and3A_468, %div3A_501, %broadcast_in_dim3A_503 : vector<16xi1>, vector<16xf32>
        %jit3A_505 = arith.constant -1.000000e+00 : f32
        %broadcast_in_dim3A_506 = vector.broadcast %jit3A_505 : f32 to vector<16xf32>
        %select_n3A_507 = arith.select %and3A_470, %div3A_501, %broadcast_in_dim3A_506 : vector<16xi1>, vector<16xf32>
        %gt3A_508 = arith.cmpf ogt, %select_n3A_504, %while3A_337 : vector<16xf32>
        %select_n3A_509 = arith.select %gt3A_508, %select_n3A_504, %while3A_337 : vector<16xi1>, vector<16xf32>
        %add3A_510 = vector.broadcast %mul3A_341 : i32 to vector<16xi32>
        %add3A_511 = arith.addi %add3A_510, %iota3A : vector<16xi32>
        %select_n3A_512 = arith.select %gt3A_508, %add3A_511, %while3A_338 : vector<16xi1>, vector<16xi32>
        %max3A_513 = arith.maximumf %while3A_339, %select_n3A_507 : vector<16xf32>
        scf.yield %select_n3A_415, %select_n3A_418, %max3A_419, %select_n3A_462, %select_n3A_465, %max3A_466, %select_n3A_509, %select_n3A_512, %max3A_513 : vector<16xf32>, vector<16xi32>, vector<16xf32>, vector<16xf32>, vector<16xi32>, vector<16xf32>, vector<16xf32>, vector<16xi32>, vector<16xf32>
      }
      %reduce_max3A = arith.constant true
      %reduce_max3A_211 = vector.broadcast %reduce_max3A : i1 to vector<16xi1>
      %reduce_max3A_212 = tpu.scan <max>, %while3A_210#0 masked %reduce_max3A_211 : vector<16xf32>, vector<16xi1> -> vector<16xf32>
      %reduce_max3A_213 = vector.extract %reduce_max3A_212[15] : f32 from vector<16xf32>
      %eq3A_214 = vector.broadcast %reduce_max3A_213 : f32 to vector<16xf32>
      %eq3A_215 = arith.cmpf oeq, %while3A_210#0, %eq3A_214 : vector<16xf32>
      %jit3A_216 = arith.constant 10000 : i32
      %broadcast_in_dim3A_217 = vector.broadcast %jit3A_216 : i32 to vector<16xi32>
      %select_n3A_218 = arith.select %eq3A_215, %while3A_210#1, %broadcast_in_dim3A_217 : vector<16xi1>, vector<16xi32>
      %reduce_min3A_219 = arith.constant true
      %reduce_min3A_220 = vector.broadcast %reduce_min3A_219 : i1 to vector<16xi1>
      %reduce_min3A_221 = arith.constant -2147483648 : i32
      %reduce_min3A_222 = vector.broadcast %reduce_min3A_221 : i32 to vector<16xi32>
      %reduce_min3A_223 = arith.xori %select_n3A_218, %reduce_min3A_222 : vector<16xi32>
      %reduce_min3A_224 = tpu.scan <min>, %reduce_min3A_223 masked %reduce_min3A_220 : vector<16xi32>, vector<16xi1> -> vector<16xi32>
      %reduce_min3A_225 = arith.xori %reduce_min3A_224, %reduce_min3A_222 : vector<16xi32>
      %reduce_min3A_226 = vector.extract %reduce_min3A_225[15] : i32 from vector<16xi32>
      %broadcast_in_dim3A_227 = vector.broadcast %reduce_min3A_226 : i32 to vector<16xi32>
      %gather3A_228 = tpu.vector_load_idx %arg14[%broadcast_in_dim3A_227] : memref<10016xf32, #tpu.memory_space<vmem>>[vector<16xi32>], vector<16xf32>,
      %reduce_max3A_229 = arith.constant true
      %reduce_max3A_230 = vector.broadcast %reduce_max3A_229 : i1 to vector<16xi1>
      %reduce_max3A_231 = tpu.scan <max>, %gather3A_228 masked %reduce_max3A_230 : vector<16xf32>, vector<16xi1> -> vector<16xf32>
      %reduce_max3A_232 = vector.extract %reduce_max3A_231[15] : f32 from vector<16xf32>
      %gather3A_233 = tpu.vector_load_idx %arg10[%broadcast_in_dim3A_227] : memref<10016xf32, #tpu.memory_space<vmem>>[vector<16xi32>], vector<16xf32>,
      %reduce_max3A_234 = arith.constant true
      %reduce_max3A_235 = vector.broadcast %reduce_max3A_234 : i1 to vector<16xi1>
      %reduce_max3A_236 = tpu.scan <max>, %gather3A_233 masked %reduce_max3A_235 : vector<16xf32>, vector<16xi1> -> vector<16xf32>
      %reduce_max3A_237 = vector.extract %reduce_max3A_236[15] : f32 from vector<16xf32>
      %gather3A_238 = tpu.vector_load_idx %arg11[%broadcast_in_dim3A_227] : memref<10016xf32, #tpu.memory_space<vmem>>[vector<16xi32>], vector<16xf32>,
      %reduce_max3A_239 = arith.constant true
      %reduce_max3A_240 = vector.broadcast %reduce_max3A_239 : i1 to vector<16xi1>
      %reduce_max3A_241 = tpu.scan <max>, %gather3A_238 masked %reduce_max3A_240 : vector<16xf32>, vector<16xi1> -> vector<16xf32>
      %reduce_max3A_242 = vector.extract %reduce_max3A_241[15] : f32 from vector<16xf32>
      %gather3A_243 = tpu.vector_load_idx %arg12[%broadcast_in_dim3A_227] : memref<10016xf32, #tpu.memory_space<vmem>>[vector<16xi32>], vector<16xf32>,
      %reduce_max3A_244 = arith.constant true
      %reduce_max3A_245 = vector.broadcast %reduce_max3A_244 : i1 to vector<16xi1>
      %reduce_max3A_246 = tpu.scan <max>, %gather3A_243 masked %reduce_max3A_245 : vector<16xf32>, vector<16xi1> -> vector<16xf32>
      %reduce_max3A_247 = vector.extract %reduce_max3A_246[15] : f32 from vector<16xf32>
      %gather3A_248 = tpu.vector_load_idx %arg13[%broadcast_in_dim3A_227] : memref<10016xf32, #tpu.memory_space<vmem>>[vector<16xi32>], vector<16xf32>,
      %reduce_max3A_249 = arith.constant true
      %reduce_max3A_250 = vector.broadcast %reduce_max3A_249 : i1 to vector<16xi1>
      %reduce_max3A_251 = tpu.scan <max>, %gather3A_248 masked %reduce_max3A_250 : vector<16xf32>, vector<16xi1> -> vector<16xf32>
      %reduce_max3A_252 = vector.extract %reduce_max3A_251[15] : f32 from vector<16xf32>
      %eq3A_253 = arith.constant 0 : i32
      %eq3A_254 = vector.broadcast %eq3A_253 : i32 to vector<16xi32>
      %eq3A_255 = arith.cmpi eq, %iota3A, %eq3A_254 : vector<16xi32>
      %jit3A_256 = arith.constant 0.000000e+00 : f32
      %broadcast_in_dim3A_257 = vector.broadcast %reduce_max3A_213 : f32 to vector<16xf32>
      %broadcast_in_dim3A_258 = vector.broadcast %jit3A_256 : f32 to vector<16xf32>
      %select_n3A_259 = arith.select %eq3A_255, %broadcast_in_dim3A_257, %broadcast_in_dim3A_258 : vector<16xi1>, vector<16xf32>
      %eq3A_260 = arith.constant 1 : i32
      %eq3A_261 = vector.broadcast %eq3A_260 : i32 to vector<16xi32>
      %eq3A_262 = arith.cmpi eq, %iota3A, %eq3A_261 : vector<16xi32>
      %reduce_max3A_263 = arith.constant true
      %reduce_max3A_264 = vector.broadcast %reduce_max3A_263 : i1 to vector<16xi1>
      %reduce_max3A_265 = tpu.scan <max>, %while3A_210#2 masked %reduce_max3A_264 : vector<16xf32>, vector<16xi1> -> vector<16xf32>
      %reduce_max3A_266 = vector.extract %reduce_max3A_265[15] : f32 from vector<16xf32>
      %jit3A_267 = arith.constant 0.000000e+00 : f32
      %broadcast_in_dim3A_268 = vector.broadcast %reduce_max3A_266 : f32 to vector<16xf32>
      %broadcast_in_dim3A_269 = vector.broadcast %jit3A_267 : f32 to vector<16xf32>
      %select_n3A_270 = arith.select %eq3A_262, %broadcast_in_dim3A_268, %broadcast_in_dim3A_269 : vector<16xi1>, vector<16xf32>
      %add3A_271 = arith.addf %select_n3A_259, %select_n3A_270 : vector<16xf32>
      %eq3A_272 = arith.constant 2 : i32
      %eq3A_273 = vector.broadcast %eq3A_272 : i32 to vector<16xi32>
      %eq3A_274 = arith.cmpi eq, %iota3A, %eq3A_273 : vector<16xi32>
      %jit3A_275 = arith.constant 0.000000e+00 : f32
      %broadcast_in_dim3A_276 = vector.broadcast %reduce_max3A_232 : f32 to vector<16xf32>
      %broadcast_in_dim3A_277 = vector.broadcast %jit3A_275 : f32 to vector<16xf32>
      %select_n3A_278 = arith.select %eq3A_274, %broadcast_in_dim3A_276, %broadcast_in_dim3A_277 : vector<16xi1>, vector<16xf32>
      %add3A_279 = arith.addf %add3A_271, %select_n3A_278 : vector<16xf32>
      %eq3A_280 = arith.constant 3 : i32
      %eq3A_281 = vector.broadcast %eq3A_280 : i32 to vector<16xi32>
      %eq3A_282 = arith.cmpi eq, %iota3A, %eq3A_281 : vector<16xi32>
      %jit3A_283 = arith.constant 0.000000e+00 : f32
      %broadcast_in_dim3A_284 = vector.broadcast %reduce_max3A_237 : f32 to vector<16xf32>
      %broadcast_in_dim3A_285 = vector.broadcast %jit3A_283 : f32 to vector<16xf32>
      %select_n3A_286 = arith.select %eq3A_282, %broadcast_in_dim3A_284, %broadcast_in_dim3A_285 : vector<16xi1>, vector<16xf32>
      %add3A_287 = arith.addf %add3A_279, %select_n3A_286 : vector<16xf32>
      %eq3A_288 = arith.constant 4 : i32
      %eq3A_289 = vector.broadcast %eq3A_288 : i32 to vector<16xi32>
      %eq3A_290 = arith.cmpi eq, %iota3A, %eq3A_289 : vector<16xi32>
      %jit3A_291 = arith.constant 0.000000e+00 : f32
      %broadcast_in_dim3A_292 = vector.broadcast %reduce_max3A_242 : f32 to vector<16xf32>
      %broadcast_in_dim3A_293 = vector.broadcast %jit3A_291 : f32 to vector<16xf32>
      %select_n3A_294 = arith.select %eq3A_290, %broadcast_in_dim3A_292, %broadcast_in_dim3A_293 : vector<16xi1>, vector<16xf32>
      %add3A_295 = arith.addf %add3A_287, %select_n3A_294 : vector<16xf32>
      %eq3A_296 = arith.constant 5 : i32
      %eq3A_297 = vector.broadcast %eq3A_296 : i32 to vector<16xi32>
      %eq3A_298 = arith.cmpi eq, %iota3A, %eq3A_297 : vector<16xi32>
      %jit3A_299 = arith.constant 0.000000e+00 : f32
      %broadcast_in_dim3A_300 = vector.broadcast %reduce_max3A_247 : f32 to vector<16xf32>
      %broadcast_in_dim3A_301 = vector.broadcast %jit3A_299 : f32 to vector<16xf32>
      %select_n3A_302 = arith.select %eq3A_298, %broadcast_in_dim3A_300, %broadcast_in_dim3A_301 : vector<16xi1>, vector<16xf32>
      %add3A_303 = arith.addf %add3A_295, %select_n3A_302 : vector<16xf32>
      %eq3A_304 = arith.constant 6 : i32
      %eq3A_305 = vector.broadcast %eq3A_304 : i32 to vector<16xi32>
      %eq3A_306 = arith.cmpi eq, %iota3A, %eq3A_305 : vector<16xi32>
      %jit3A_307 = arith.constant 0.000000e+00 : f32
      %broadcast_in_dim3A_308 = vector.broadcast %reduce_max3A_252 : f32 to vector<16xf32>
      %broadcast_in_dim3A_309 = vector.broadcast %jit3A_307 : f32 to vector<16xf32>
      %select_n3A_310 = arith.select %eq3A_306, %broadcast_in_dim3A_308, %broadcast_in_dim3A_309 : vector<16xi1>, vector<16xf32>
      %add3A_311 = arith.addf %add3A_303, %select_n3A_310 : vector<16xf32>
      %min3A_312 = arith.constant 8 : i32
      %min3A_313 = vector.broadcast %min3A_312 : i32 to vector<16xi32>
      %min3A_314 = arith.minsi %iota3A, %min3A_313 : vector<16xi32>
      %mul3A_315 = arith.constant 16 : i32
      %mul3A_316 = vector.broadcast %mul3A_315 : i32 to vector<16xi32>
      %mul3A_317 = arith.muli %min3A_314, %mul3A_316 : vector<16xi32>
      %add3A_318 = arith.constant 3 : i32
      %add3A_319 = vector.broadcast %add3A_318 : i32 to vector<16xi32>
      %add3A_320 = arith.addi %mul3A_317, %add3A_319 : vector<16xi32>
      %lt3A_321 = arith.constant 7 : i32
      %lt3A_322 = vector.broadcast %lt3A_321 : i32 to vector<16xi32>
      %lt3A_323 = arith.cmpi slt, %iota3A, %lt3A_322 : vector<16xi32>
      tpu.vector_store_idx %arg18[%add3A_320], %add3A_311 masked %lt3A_323 : memref<144xf32, #tpu.memory_space<vmem>>[vector<16xi32>], vector<16xf32>, vector<16xi1>
      %convert_element_type3A_324 = arith.extui %lt3A_197 : i1 to i32
      %cond3A_325 = arith.constant 0 : i32
      %cond3A_326 = arith.cmpi ne, %convert_element_type3A_324, %cond3A_325 : i32
      scf.if %cond3A_326 {
        %reduce_max3A_330 = arith.constant true
        %reduce_max3A_331 = vector.broadcast %reduce_max3A_330 : i1 to vector<16xi1>
        %reduce_max3A_332 = tpu.scan <max>, %while3A_210#3 masked %reduce_max3A_331 : vector<16xf32>, vector<16xi1> -> vector<16xf32>
        %reduce_max3A_333 = vector.extract %reduce_max3A_332[15] : f32 from vector<16xf32>
        %eq3A_334 = vector.broadcast %reduce_max3A_333 : f32 to vector<16xf32>
        %eq3A_335 = arith.cmpf oeq, %while3A_210#3, %eq3A_334 : vector<16xf32>
        %jit3A_336 = arith.constant 10000 : i32
        %broadcast_in_dim3A_337 = vector.broadcast %jit3A_336 : i32 to vector<16xi32>
        %select_n3A_338 = arith.select %eq3A_335, %while3A_210#4, %broadcast_in_dim3A_337 : vector<16xi1>, vector<16xi32>
        %reduce_min3A_339 = arith.constant true
        %reduce_min3A_340 = vector.broadcast %reduce_min3A_339 : i1 to vector<16xi1>
        %reduce_min3A_341 = arith.constant -2147483648 : i32
        %reduce_min3A_342 = vector.broadcast %reduce_min3A_341 : i32 to vector<16xi32>
        %reduce_min3A_343 = arith.xori %select_n3A_338, %reduce_min3A_342 : vector<16xi32>
        %reduce_min3A_344 = tpu.scan <min>, %reduce_min3A_343 masked %reduce_min3A_340 : vector<16xi32>, vector<16xi1> -> vector<16xi32>
        %reduce_min3A_345 = arith.xori %reduce_min3A_344, %reduce_min3A_342 : vector<16xi32>
        %reduce_min3A_346 = vector.extract %reduce_min3A_345[15] : i32 from vector<16xi32>
        %broadcast_in_dim3A_347 = vector.broadcast %reduce_min3A_346 : i32 to vector<16xi32>
        %gather3A_348 = tpu.vector_load_idx %arg14[%broadcast_in_dim3A_347] : memref<10016xf32, #tpu.memory_space<vmem>>[vector<16xi32>], vector<16xf32>,
        %reduce_max3A_349 = arith.constant true
        %reduce_max3A_350 = vector.broadcast %reduce_max3A_349 : i1 to vector<16xi1>
        %reduce_max3A_351 = tpu.scan <max>, %gather3A_348 masked %reduce_max3A_350 : vector<16xf32>, vector<16xi1> -> vector<16xf32>
        %reduce_max3A_352 = vector.extract %reduce_max3A_351[15] : f32 from vector<16xf32>
        %gather3A_353 = tpu.vector_load_idx %arg10[%broadcast_in_dim3A_347] : memref<10016xf32, #tpu.memory_space<vmem>>[vector<16xi32>], vector<16xf32>,
        %reduce_max3A_354 = arith.constant true
        %reduce_max3A_355 = vector.broadcast %reduce_max3A_354 : i1 to vector<16xi1>
        %reduce_max3A_356 = tpu.scan <max>, %gather3A_353 masked %reduce_max3A_355 : vector<16xf32>, vector<16xi1> -> vector<16xf32>
        %reduce_max3A_357 = vector.extract %reduce_max3A_356[15] : f32 from vector<16xf32>
        %gather3A_358 = tpu.vector_load_idx %arg11[%broadcast_in_dim3A_347] : memref<10016xf32, #tpu.memory_space<vmem>>[vector<16xi32>], vector<16xf32>,
        %reduce_max3A_359 = arith.constant true
        %reduce_max3A_360 = vector.broadcast %reduce_max3A_359 : i1 to vector<16xi1>
        %reduce_max3A_361 = tpu.scan <max>, %gather3A_358 masked %reduce_max3A_360 : vector<16xf32>, vector<16xi1> -> vector<16xf32>
        %reduce_max3A_362 = vector.extract %reduce_max3A_361[15] : f32 from vector<16xf32>
        %gather3A_363 = tpu.vector_load_idx %arg12[%broadcast_in_dim3A_347] : memref<10016xf32, #tpu.memory_space<vmem>>[vector<16xi32>], vector<16xf32>,
        %reduce_max3A_364 = arith.constant true
        %reduce_max3A_365 = vector.broadcast %reduce_max3A_364 : i1 to vector<16xi1>
        %reduce_max3A_366 = tpu.scan <max>, %gather3A_363 masked %reduce_max3A_365 : vector<16xf32>, vector<16xi1> -> vector<16xf32>
        %reduce_max3A_367 = vector.extract %reduce_max3A_366[15] : f32 from vector<16xf32>
        %gather3A_368 = tpu.vector_load_idx %arg13[%broadcast_in_dim3A_347] : memref<10016xf32, #tpu.memory_space<vmem>>[vector<16xi32>], vector<16xf32>,
        %reduce_max3A_369 = arith.constant true
        %reduce_max3A_370 = vector.broadcast %reduce_max3A_369 : i1 to vector<16xi1>
        %reduce_max3A_371 = tpu.scan <max>, %gather3A_368 masked %reduce_max3A_370 : vector<16xf32>, vector<16xi1> -> vector<16xf32>
        %reduce_max3A_372 = vector.extract %reduce_max3A_371[15] : f32 from vector<16xf32>
        %eq3A_373 = arith.constant 0 : i32
        %eq3A_374 = vector.broadcast %eq3A_373 : i32 to vector<16xi32>
        %eq3A_375 = arith.cmpi eq, %iota3A, %eq3A_374 : vector<16xi32>
        %jit3A_376 = arith.constant 0.000000e+00 : f32
        %broadcast_in_dim3A_377 = vector.broadcast %reduce_max3A_333 : f32 to vector<16xf32>
        %broadcast_in_dim3A_378 = vector.broadcast %jit3A_376 : f32 to vector<16xf32>
        %select_n3A_379 = arith.select %eq3A_375, %broadcast_in_dim3A_377, %broadcast_in_dim3A_378 : vector<16xi1>, vector<16xf32>
        %eq3A_380 = arith.constant 1 : i32
        %eq3A_381 = vector.broadcast %eq3A_380 : i32 to vector<16xi32>
        %eq3A_382 = arith.cmpi eq, %iota3A, %eq3A_381 : vector<16xi32>
        %reduce_max3A_383 = arith.constant true
        %reduce_max3A_384 = vector.broadcast %reduce_max3A_383 : i1 to vector<16xi1>
        %reduce_max3A_385 = tpu.scan <max>, %while3A_210#5 masked %reduce_max3A_384 : vector<16xf32>, vector<16xi1> -> vector<16xf32>
        %reduce_max3A_386 = vector.extract %reduce_max3A_385[15] : f32 from vector<16xf32>
        %jit3A_387 = arith.constant 0.000000e+00 : f32
        %broadcast_in_dim3A_388 = vector.broadcast %reduce_max3A_386 : f32 to vector<16xf32>
        %broadcast_in_dim3A_389 = vector.broadcast %jit3A_387 : f32 to vector<16xf32>
        %select_n3A_390 = arith.select %eq3A_382, %broadcast_in_dim3A_388, %broadcast_in_dim3A_389 : vector<16xi1>, vector<16xf32>
        %add3A_391 = arith.addf %select_n3A_379, %select_n3A_390 : vector<16xf32>
        %eq3A_392 = arith.constant 2 : i32
        %eq3A_393 = vector.broadcast %eq3A_392 : i32 to vector<16xi32>
        %eq3A_394 = arith.cmpi eq, %iota3A, %eq3A_393 : vector<16xi32>
        %jit3A_395 = arith.constant 0.000000e+00 : f32
        %broadcast_in_dim3A_396 = vector.broadcast %reduce_max3A_352 : f32 to vector<16xf32>
        %broadcast_in_dim3A_397 = vector.broadcast %jit3A_395 : f32 to vector<16xf32>
        %select_n3A_398 = arith.select %eq3A_394, %broadcast_in_dim3A_396, %broadcast_in_dim3A_397 : vector<16xi1>, vector<16xf32>
        %add3A_399 = arith.addf %add3A_391, %select_n3A_398 : vector<16xf32>
        %eq3A_400 = arith.constant 3 : i32
        %eq3A_401 = vector.broadcast %eq3A_400 : i32 to vector<16xi32>
        %eq3A_402 = arith.cmpi eq, %iota3A, %eq3A_401 : vector<16xi32>
        %jit3A_403 = arith.constant 0.000000e+00 : f32
        %broadcast_in_dim3A_404 = vector.broadcast %reduce_max3A_357 : f32 to vector<16xf32>
        %broadcast_in_dim3A_405 = vector.broadcast %jit3A_403 : f32 to vector<16xf32>
        %select_n3A_406 = arith.select %eq3A_402, %broadcast_in_dim3A_404, %broadcast_in_dim3A_405 : vector<16xi1>, vector<16xf32>
        %add3A_407 = arith.addf %add3A_399, %select_n3A_406 : vector<16xf32>
        %eq3A_408 = arith.constant 4 : i32
        %eq3A_409 = vector.broadcast %eq3A_408 : i32 to vector<16xi32>
        %eq3A_410 = arith.cmpi eq, %iota3A, %eq3A_409 : vector<16xi32>
        %jit3A_411 = arith.constant 0.000000e+00 : f32
        %broadcast_in_dim3A_412 = vector.broadcast %reduce_max3A_362 : f32 to vector<16xf32>
        %broadcast_in_dim3A_413 = vector.broadcast %jit3A_411 : f32 to vector<16xf32>
        %select_n3A_414 = arith.select %eq3A_410, %broadcast_in_dim3A_412, %broadcast_in_dim3A_413 : vector<16xi1>, vector<16xf32>
        %add3A_415 = arith.addf %add3A_407, %select_n3A_414 : vector<16xf32>
        %eq3A_416 = arith.constant 5 : i32
        %eq3A_417 = vector.broadcast %eq3A_416 : i32 to vector<16xi32>
        %eq3A_418 = arith.cmpi eq, %iota3A, %eq3A_417 : vector<16xi32>
        %jit3A_419 = arith.constant 0.000000e+00 : f32
        %broadcast_in_dim3A_420 = vector.broadcast %reduce_max3A_367 : f32 to vector<16xf32>
        %broadcast_in_dim3A_421 = vector.broadcast %jit3A_419 : f32 to vector<16xf32>
        %select_n3A_422 = arith.select %eq3A_418, %broadcast_in_dim3A_420, %broadcast_in_dim3A_421 : vector<16xi1>, vector<16xf32>
        %add3A_423 = arith.addf %add3A_415, %select_n3A_422 : vector<16xf32>
        %eq3A_424 = arith.constant 6 : i32
        %eq3A_425 = vector.broadcast %eq3A_424 : i32 to vector<16xi32>
        %eq3A_426 = arith.cmpi eq, %iota3A, %eq3A_425 : vector<16xi32>
        %jit3A_427 = arith.constant 0.000000e+00 : f32
        %broadcast_in_dim3A_428 = vector.broadcast %reduce_max3A_372 : f32 to vector<16xf32>
        %broadcast_in_dim3A_429 = vector.broadcast %jit3A_427 : f32 to vector<16xf32>
        %select_n3A_430 = arith.select %eq3A_426, %broadcast_in_dim3A_428, %broadcast_in_dim3A_429 : vector<16xi1>, vector<16xf32>
        %add3A_431 = arith.addf %add3A_423, %select_n3A_430 : vector<16xf32>
        %min3A_432 = arith.constant 8 : i32
        %min3A_433 = vector.broadcast %min3A_432 : i32 to vector<16xi32>
        %min3A_434 = arith.minsi %iota3A, %min3A_433 : vector<16xi32>
        %mul3A_435 = arith.constant 16 : i32
        %mul3A_436 = vector.broadcast %mul3A_435 : i32 to vector<16xi32>
        %mul3A_437 = arith.muli %min3A_434, %mul3A_436 : vector<16xi32>
        %add3A_438 = arith.constant 4 : i32
        %add3A_439 = vector.broadcast %add3A_438 : i32 to vector<16xi32>
        %add3A_440 = arith.addi %mul3A_437, %add3A_439 : vector<16xi32>
        %lt3A_441 = arith.constant 7 : i32
        %lt3A_442 = vector.broadcast %lt3A_441 : i32 to vector<16xi32>
        %lt3A_443 = arith.cmpi slt, %iota3A, %lt3A_442 : vector<16xi32>
        tpu.vector_store_idx %arg18[%add3A_440], %add3A_431 masked %lt3A_443 : memref<144xf32, #tpu.memory_space<vmem>>[vector<16xi32>], vector<16xf32>, vector<16xi1>
      } else {
      }
      %convert_element_type3A_327 = arith.extui %lt3A_199 : i1 to i32
      %cond3A_328 = arith.constant 0 : i32
      %cond3A_329 = arith.cmpi ne, %convert_element_type3A_327, %cond3A_328 : i32
      scf.if %cond3A_329 {
        %reduce_max3A_330 = arith.constant true
        %reduce_max3A_331 = vector.broadcast %reduce_max3A_330 : i1 to vector<16xi1>
        %reduce_max3A_332 = tpu.scan <max>, %while3A_210#6 masked %reduce_max3A_331 : vector<16xf32>, vector<16xi1> -> vector<16xf32>
        %reduce_max3A_333 = vector.extract %reduce_max3A_332[15] : f32 from vector<16xf32>
        %eq3A_334 = vector.broadcast %reduce_max3A_333 : f32 to vector<16xf32>
        %eq3A_335 = arith.cmpf oeq, %while3A_210#6, %eq3A_334 : vector<16xf32>
        %jit3A_336 = arith.constant 10000 : i32
        %broadcast_in_dim3A_337 = vector.broadcast %jit3A_336 : i32 to vector<16xi32>
        %select_n3A_338 = arith.select %eq3A_335, %while3A_210#7, %broadcast_in_dim3A_337 : vector<16xi1>, vector<16xi32>
        %reduce_min3A_339 = arith.constant true
        %reduce_min3A_340 = vector.broadcast %reduce_min3A_339 : i1 to vector<16xi1>
        %reduce_min3A_341 = arith.constant -2147483648 : i32
        %reduce_min3A_342 = vector.broadcast %reduce_min3A_341 : i32 to vector<16xi32>
        %reduce_min3A_343 = arith.xori %select_n3A_338, %reduce_min3A_342 : vector<16xi32>
        %reduce_min3A_344 = tpu.scan <min>, %reduce_min3A_343 masked %reduce_min3A_340 : vector<16xi32>, vector<16xi1> -> vector<16xi32>
        %reduce_min3A_345 = arith.xori %reduce_min3A_344, %reduce_min3A_342 : vector<16xi32>
        %reduce_min3A_346 = vector.extract %reduce_min3A_345[15] : i32 from vector<16xi32>
        %broadcast_in_dim3A_347 = vector.broadcast %reduce_min3A_346 : i32 to vector<16xi32>
        %gather3A_348 = tpu.vector_load_idx %arg14[%broadcast_in_dim3A_347] : memref<10016xf32, #tpu.memory_space<vmem>>[vector<16xi32>], vector<16xf32>,
        %reduce_max3A_349 = arith.constant true
        %reduce_max3A_350 = vector.broadcast %reduce_max3A_349 : i1 to vector<16xi1>
        %reduce_max3A_351 = tpu.scan <max>, %gather3A_348 masked %reduce_max3A_350 : vector<16xf32>, vector<16xi1> -> vector<16xf32>
        %reduce_max3A_352 = vector.extract %reduce_max3A_351[15] : f32 from vector<16xf32>
        %gather3A_353 = tpu.vector_load_idx %arg10[%broadcast_in_dim3A_347] : memref<10016xf32, #tpu.memory_space<vmem>>[vector<16xi32>], vector<16xf32>,
        %reduce_max3A_354 = arith.constant true
        %reduce_max3A_355 = vector.broadcast %reduce_max3A_354 : i1 to vector<16xi1>
        %reduce_max3A_356 = tpu.scan <max>, %gather3A_353 masked %reduce_max3A_355 : vector<16xf32>, vector<16xi1> -> vector<16xf32>
        %reduce_max3A_357 = vector.extract %reduce_max3A_356[15] : f32 from vector<16xf32>
        %gather3A_358 = tpu.vector_load_idx %arg11[%broadcast_in_dim3A_347] : memref<10016xf32, #tpu.memory_space<vmem>>[vector<16xi32>], vector<16xf32>,
        %reduce_max3A_359 = arith.constant true
        %reduce_max3A_360 = vector.broadcast %reduce_max3A_359 : i1 to vector<16xi1>
        %reduce_max3A_361 = tpu.scan <max>, %gather3A_358 masked %reduce_max3A_360 : vector<16xf32>, vector<16xi1> -> vector<16xf32>
        %reduce_max3A_362 = vector.extract %reduce_max3A_361[15] : f32 from vector<16xf32>
        %gather3A_363 = tpu.vector_load_idx %arg12[%broadcast_in_dim3A_347] : memref<10016xf32, #tpu.memory_space<vmem>>[vector<16xi32>], vector<16xf32>,
        %reduce_max3A_364 = arith.constant true
        %reduce_max3A_365 = vector.broadcast %reduce_max3A_364 : i1 to vector<16xi1>
        %reduce_max3A_366 = tpu.scan <max>, %gather3A_363 masked %reduce_max3A_365 : vector<16xf32>, vector<16xi1> -> vector<16xf32>
        %reduce_max3A_367 = vector.extract %reduce_max3A_366[15] : f32 from vector<16xf32>
        %gather3A_368 = tpu.vector_load_idx %arg13[%broadcast_in_dim3A_347] : memref<10016xf32, #tpu.memory_space<vmem>>[vector<16xi32>], vector<16xf32>,
        %reduce_max3A_369 = arith.constant true
        %reduce_max3A_370 = vector.broadcast %reduce_max3A_369 : i1 to vector<16xi1>
        %reduce_max3A_371 = tpu.scan <max>, %gather3A_368 masked %reduce_max3A_370 : vector<16xf32>, vector<16xi1> -> vector<16xf32>
        %reduce_max3A_372 = vector.extract %reduce_max3A_371[15] : f32 from vector<16xf32>
        %eq3A_373 = arith.constant 0 : i32
        %eq3A_374 = vector.broadcast %eq3A_373 : i32 to vector<16xi32>
        %eq3A_375 = arith.cmpi eq, %iota3A, %eq3A_374 : vector<16xi32>
        %jit3A_376 = arith.constant 0.000000e+00 : f32
        %broadcast_in_dim3A_377 = vector.broadcast %reduce_max3A_333 : f32 to vector<16xf32>
        %broadcast_in_dim3A_378 = vector.broadcast %jit3A_376 : f32 to vector<16xf32>
        %select_n3A_379 = arith.select %eq3A_375, %broadcast_in_dim3A_377, %broadcast_in_dim3A_378 : vector<16xi1>, vector<16xf32>
        %eq3A_380 = arith.constant 1 : i32
        %eq3A_381 = vector.broadcast %eq3A_380 : i32 to vector<16xi32>
        %eq3A_382 = arith.cmpi eq, %iota3A, %eq3A_381 : vector<16xi32>
        %reduce_max3A_383 = arith.constant true
        %reduce_max3A_384 = vector.broadcast %reduce_max3A_383 : i1 to vector<16xi1>
        %reduce_max3A_385 = tpu.scan <max>, %while3A_210#8 masked %reduce_max3A_384 : vector<16xf32>, vector<16xi1> -> vector<16xf32>
        %reduce_max3A_386 = vector.extract %reduce_max3A_385[15] : f32 from vector<16xf32>
        %jit3A_387 = arith.constant 0.000000e+00 : f32
        %broadcast_in_dim3A_388 = vector.broadcast %reduce_max3A_386 : f32 to vector<16xf32>
        %broadcast_in_dim3A_389 = vector.broadcast %jit3A_387 : f32 to vector<16xf32>
        %select_n3A_390 = arith.select %eq3A_382, %broadcast_in_dim3A_388, %broadcast_in_dim3A_389 : vector<16xi1>, vector<16xf32>
        %add3A_391 = arith.addf %select_n3A_379, %select_n3A_390 : vector<16xf32>
        %eq3A_392 = arith.constant 2 : i32
        %eq3A_393 = vector.broadcast %eq3A_392 : i32 to vector<16xi32>
        %eq3A_394 = arith.cmpi eq, %iota3A, %eq3A_393 : vector<16xi32>
        %jit3A_395 = arith.constant 0.000000e+00 : f32
        %broadcast_in_dim3A_396 = vector.broadcast %reduce_max3A_352 : f32 to vector<16xf32>
        %broadcast_in_dim3A_397 = vector.broadcast %jit3A_395 : f32 to vector<16xf32>
        %select_n3A_398 = arith.select %eq3A_394, %broadcast_in_dim3A_396, %broadcast_in_dim3A_397 : vector<16xi1>, vector<16xf32>
        %add3A_399 = arith.addf %add3A_391, %select_n3A_398 : vector<16xf32>
        %eq3A_400 = arith.constant 3 : i32
        %eq3A_401 = vector.broadcast %eq3A_400 : i32 to vector<16xi32>
        %eq3A_402 = arith.cmpi eq, %iota3A, %eq3A_401 : vector<16xi32>
        %jit3A_403 = arith.constant 0.000000e+00 : f32
        %broadcast_in_dim3A_404 = vector.broadcast %reduce_max3A_357 : f32 to vector<16xf32>
        %broadcast_in_dim3A_405 = vector.broadcast %jit3A_403 : f32 to vector<16xf32>
        %select_n3A_406 = arith.select %eq3A_402, %broadcast_in_dim3A_404, %broadcast_in_dim3A_405 : vector<16xi1>, vector<16xf32>
        %add3A_407 = arith.addf %add3A_399, %select_n3A_406 : vector<16xf32>
        %eq3A_408 = arith.constant 4 : i32
        %eq3A_409 = vector.broadcast %eq3A_408 : i32 to vector<16xi32>
        %eq3A_410 = arith.cmpi eq, %iota3A, %eq3A_409 : vector<16xi32>
        %jit3A_411 = arith.constant 0.000000e+00 : f32
        %broadcast_in_dim3A_412 = vector.broadcast %reduce_max3A_362 : f32 to vector<16xf32>
        %broadcast_in_dim3A_413 = vector.broadcast %jit3A_411 : f32 to vector<16xf32>
        %select_n3A_414 = arith.select %eq3A_410, %broadcast_in_dim3A_412, %broadcast_in_dim3A_413 : vector<16xi1>, vector<16xf32>
        %add3A_415 = arith.addf %add3A_407, %select_n3A_414 : vector<16xf32>
        %eq3A_416 = arith.constant 5 : i32
        %eq3A_417 = vector.broadcast %eq3A_416 : i32 to vector<16xi32>
        %eq3A_418 = arith.cmpi eq, %iota3A, %eq3A_417 : vector<16xi32>
        %jit3A_419 = arith.constant 0.000000e+00 : f32
        %broadcast_in_dim3A_420 = vector.broadcast %reduce_max3A_367 : f32 to vector<16xf32>
        %broadcast_in_dim3A_421 = vector.broadcast %jit3A_419 : f32 to vector<16xf32>
        %select_n3A_422 = arith.select %eq3A_418, %broadcast_in_dim3A_420, %broadcast_in_dim3A_421 : vector<16xi1>, vector<16xf32>
        %add3A_423 = arith.addf %add3A_415, %select_n3A_422 : vector<16xf32>
        %eq3A_424 = arith.constant 6 : i32
        %eq3A_425 = vector.broadcast %eq3A_424 : i32 to vector<16xi32>
        %eq3A_426 = arith.cmpi eq, %iota3A, %eq3A_425 : vector<16xi32>
        %jit3A_427 = arith.constant 0.000000e+00 : f32
        %broadcast_in_dim3A_428 = vector.broadcast %reduce_max3A_372 : f32 to vector<16xf32>
        %broadcast_in_dim3A_429 = vector.broadcast %jit3A_427 : f32 to vector<16xf32>
        %select_n3A_430 = arith.select %eq3A_426, %broadcast_in_dim3A_428, %broadcast_in_dim3A_429 : vector<16xi1>, vector<16xf32>
        %add3A_431 = arith.addf %add3A_423, %select_n3A_430 : vector<16xf32>
        %min3A_432 = arith.constant 8 : i32
        %min3A_433 = vector.broadcast %min3A_432 : i32 to vector<16xi32>
        %min3A_434 = arith.minsi %iota3A, %min3A_433 : vector<16xi32>
        %mul3A_435 = arith.constant 16 : i32
        %mul3A_436 = vector.broadcast %mul3A_435 : i32 to vector<16xi32>
        %mul3A_437 = arith.muli %min3A_434, %mul3A_436 : vector<16xi32>
        %add3A_438 = arith.constant 5 : i32
        %add3A_439 = vector.broadcast %add3A_438 : i32 to vector<16xi32>
        %add3A_440 = arith.addi %mul3A_437, %add3A_439 : vector<16xi32>
        %lt3A_441 = arith.constant 7 : i32
        %lt3A_442 = vector.broadcast %lt3A_441 : i32 to vector<16xi32>
        %lt3A_443 = arith.cmpi slt, %iota3A, %lt3A_442 : vector<16xi32>
        tpu.vector_store_idx %arg18[%add3A_440], %add3A_431 masked %lt3A_443 : memref<144xf32, #tpu.memory_space<vmem>>[vector<16xi32>], vector<16xf32>, vector<16xi1>
      } else {
      }
    } else {
    }
    %lt3A_163 = arith.constant 6 : i32
    %lt3A_164 = arith.cmpi slt, %lt3A_163, %select_n3A_148 : i32
    %convert_element_type3A_165 = arith.extui %lt3A_164 : i1 to i32
    %cond3A_166 = arith.constant 0 : i32
    %cond3A_167 = arith.cmpi ne, %convert_element_type3A_165, %cond3A_166 : i32
    scf.if %cond3A_167 {
      %lt3A_196 = arith.constant 7 : i32
      %lt3A_197 = arith.cmpi slt, %lt3A_196, %select_n3A_148 : i32
      %lt3A_198 = arith.constant 8 : i32
      %lt3A_199 = arith.cmpi slt, %lt3A_198, %select_n3A_148 : i32
      %while3A_200 = arith.constant 0 : i32
      %while3A_201 = arith.subi %shift_right_arithmetic3A_100, %while3A_200 : i32
      %while3A_202 = arith.addi %while3A_200, %while3A_201 : i32
      %while3A_203 = arith.constant 1 : i32
      %while3A_204 = arith.divsi %while3A_201, %while3A_203 : i32
      %while3A_205 = arith.muli %while3A_204, %while3A_203 : i32
      %while3A_206 = arith.addi %while3A_200, %while3A_205 : i32
      %while3A_207 = arith.constant 1 : i32
      %while3A_208:9 = scf.for %while3A_330 = %while3A_200 to %while3A_206 step %while3A_207 iter_args(%while3A_331 = %broadcast_in_dim3A_150, %while3A_332 = %broadcast_in_dim3A_152, %while3A_333 = %broadcast_in_dim3A_154, %while3A_334 = %broadcast_in_dim3A_150, %while3A_335 = %broadcast_in_dim3A_152, %while3A_336 = %broadcast_in_dim3A_154, %while3A_337 = %broadcast_in_dim3A_150, %while3A_338 = %broadcast_in_dim3A_152, %while3A_339 = %broadcast_in_dim3A_154) -> (vector<16xf32>, vector<16xi32>, vector<16xf32>, vector<16xf32>, vector<16xi32>, vector<16xf32>, vector<16xf32>, vector<16xi32>, vector<16xf32>)  : i32 {
        %mul3A_340 = arith.constant 16 : i32
        %mul3A_341 = arith.muli %while3A_330, %mul3A_340 : i32
        %get3A_342 = arith.index_cast %mul3A_341 : i32 to index
        %get3A_343 = tpu.vector_load %arg10[%get3A_342] {strides = array<i32>} : memref<10016xf32, #tpu.memory_space<vmem>>, vector<16xf32>,
        %get3A_344 = arith.index_cast %mul3A_341 : i32 to index
        %get3A_345 = tpu.vector_load %arg11[%get3A_344] {strides = array<i32>} : memref<10016xf32, #tpu.memory_space<vmem>>, vector<16xf32>,
        %get3A_346 = arith.index_cast %mul3A_341 : i32 to index
        %get3A_347 = tpu.vector_load %arg12[%get3A_346] {strides = array<i32>} : memref<10016xf32, #tpu.memory_space<vmem>>, vector<16xf32>,
        %get3A_348 = arith.index_cast %mul3A_341 : i32 to index
        %get3A_349 = tpu.vector_load %arg13[%get3A_348] {strides = array<i32>} : memref<10016xf32, #tpu.memory_space<vmem>>, vector<16xf32>,
        %mul3A_350 = arith.constant 5.000000e-01 : f32
        %mul3A_351 = vector.broadcast %mul3A_350 : f32 to vector<16xf32>
        %mul3A_352 = arith.mulf %get3A_347, %mul3A_351 : vector<16xf32>
        %sub3A_353 = arith.subf %get3A_343, %mul3A_352 : vector<16xf32>
        %mul3A_354 = arith.constant 5.000000e-01 : f32
        %mul3A_355 = vector.broadcast %mul3A_354 : f32 to vector<16xf32>
        %mul3A_356 = arith.mulf %get3A_347, %mul3A_355 : vector<16xf32>
        %add3A_357 = arith.addf %get3A_343, %mul3A_356 : vector<16xf32>
        %mul3A_358 = arith.constant 5.000000e-01 : f32
        %mul3A_359 = vector.broadcast %mul3A_358 : f32 to vector<16xf32>
        %mul3A_360 = arith.mulf %get3A_349, %mul3A_359 : vector<16xf32>
        %sub3A_361 = arith.subf %get3A_345, %mul3A_360 : vector<16xf32>
        %mul3A_362 = arith.constant 5.000000e-01 : f32
        %mul3A_363 = vector.broadcast %mul3A_362 : f32 to vector<16xf32>
        %mul3A_364 = arith.mulf %get3A_349, %mul3A_363 : vector<16xf32>
        %add3A_365 = arith.addf %get3A_345, %mul3A_364 : vector<16xf32>
        %mul3A_366 = arith.mulf %get3A_347, %get3A_349 : vector<16xf32>
        %get3A_367 = arith.index_cast %mul3A_341 : i32 to index
        %get3A_368 = tpu.vector_load %arg15[%get3A_367] {strides = array<i32>} : memref<10016xi32, #tpu.memory_space<vmem>>, vector<16xi32>,
        %and3A_369 = arith.constant 1 : i32
        %and3A_370 = vector.broadcast %and3A_369 : i32 to vector<16xi32>
        %and3A_371 = arith.andi %get3A_368, %and3A_370 : vector<16xi32>
        %ne3A = arith.constant 0 : i32
        %ne3A_372 = vector.broadcast %ne3A : i32 to vector<16xi32>
        %ne3A_373 = arith.cmpi ne, %and3A_371, %ne3A_372 : vector<16xi32>
        %and3A_374 = arith.constant 2 : i32
        %and3A_375 = vector.broadcast %and3A_374 : i32 to vector<16xi32>
        %and3A_376 = arith.andi %get3A_368, %and3A_375 : vector<16xi32>
        %ne3A_377 = arith.constant 0 : i32
        %ne3A_378 = vector.broadcast %ne3A_377 : i32 to vector<16xi32>
        %ne3A_379 = arith.cmpi ne, %and3A_376, %ne3A_378 : vector<16xi32>
        %slice3A_380 = vector.extract_strided_slice %sub3A {offsets = [6], sizes = [1], strides = [1]} : vector<16xf32> to vector<1xf32>
        %squeeze3A_381 = vector.extract %slice3A_380[0] : f32 from vector<1xf32>
        %max3A = vector.broadcast %squeeze3A_381 : f32 to vector<16xf32>
        %max3A_382 = arith.maximumf %sub3A_353, %max3A : vector<16xf32>
        %slice3A_383 = vector.extract_strided_slice %add3A_124 {offsets = [6], sizes = [1], strides = [1]} : vector<16xf32> to vector<1xf32>
        %squeeze3A_384 = vector.extract %slice3A_383[0] : f32 from vector<1xf32>
        %min3A_385 = vector.broadcast %squeeze3A_384 : f32 to vector<16xf32>
        %min3A_386 = arith.minimumf %add3A_357, %min3A_385 : vector<16xf32>
        %slice3A_387 = vector.extract_strided_slice %sub3A_128 {offsets = [6], sizes = [1], strides = [1]} : vector<16xf32> to vector<1xf32>
        %squeeze3A_388 = vector.extract %slice3A_387[0] : f32 from vector<1xf32>
        %max3A_389 = vector.broadcast %squeeze3A_388 : f32 to vector<16xf32>
        %max3A_390 = arith.maximumf %sub3A_361, %max3A_389 : vector<16xf32>
        %slice3A_391 = vector.extract_strided_slice %add3A_132 {offsets = [6], sizes = [1], strides = [1]} : vector<16xf32> to vector<1xf32>
        %squeeze3A_392 = vector.extract %slice3A_391[0] : f32 from vector<1xf32>
        %min3A_393 = vector.broadcast %squeeze3A_392 : f32 to vector<16xf32>
        %min3A_394 = arith.minimumf %add3A_365, %min3A_393 : vector<16xf32>
        %lt3A_395 = arith.cmpf olt, %max3A_382, %min3A_386 : vector<16xf32>
        %lt3A_396 = arith.cmpf olt, %max3A_390, %min3A_394 : vector<16xf32>
        %and3A_397 = arith.andi %lt3A_395, %lt3A_396 : vector<16xi1>
        %sub3A_398 = arith.subf %min3A_386, %max3A_382 : vector<16xf32>
        %sub3A_399 = arith.subf %min3A_394, %max3A_390 : vector<16xf32>
        %mul3A_400 = arith.mulf %sub3A_398, %sub3A_399 : vector<16xf32>
        %jit3A_401 = arith.constant 0.000000e+00 : f32
        %broadcast_in_dim3A_402 = vector.broadcast %jit3A_401 : f32 to vector<16xf32>
        %select_n3A_403 = arith.select %and3A_397, %mul3A_400, %broadcast_in_dim3A_402 : vector<16xi1>, vector<16xf32>
        %slice3A_404 = vector.extract_strided_slice %mul3A_133 {offsets = [6], sizes = [1], strides = [1]} : vector<16xf32> to vector<1xf32>
        %squeeze3A_405 = vector.extract %slice3A_404[0] : f32 from vector<1xf32>
        %add3A_406 = vector.broadcast %squeeze3A_405 : f32 to vector<16xf32>
        %add3A_407 = arith.addf %mul3A_366, %add3A_406 : vector<16xf32>
        %sub3A_408 = arith.subf %add3A_407, %select_n3A_403 : vector<16xf32>
        %div3A = arith.divf %select_n3A_403, %sub3A_408 : vector<16xf32>
        %jit3A_409 = arith.constant -1.000000e+00 : f32
        %broadcast_in_dim3A_410 = vector.broadcast %jit3A_409 : f32 to vector<16xf32>
        %select_n3A_411 = arith.select %ne3A_373, %div3A, %broadcast_in_dim3A_410 : vector<16xi1>, vector<16xf32>
        %jit3A_412 = arith.constant -1.000000e+00 : f32
        %broadcast_in_dim3A_413 = vector.broadcast %jit3A_412 : f32 to vector<16xf32>
        %select_n3A_414 = arith.select %ne3A_379, %div3A, %broadcast_in_dim3A_413 : vector<16xi1>, vector<16xf32>
        %gt3A = arith.cmpf ogt, %select_n3A_411, %while3A_331 : vector<16xf32>
        %select_n3A_415 = arith.select %gt3A, %select_n3A_411, %while3A_331 : vector<16xi1>, vector<16xf32>
        %add3A_416 = vector.broadcast %mul3A_341 : i32 to vector<16xi32>
        %add3A_417 = arith.addi %add3A_416, %iota3A : vector<16xi32>
        %select_n3A_418 = arith.select %gt3A, %add3A_417, %while3A_332 : vector<16xi1>, vector<16xi32>
        %max3A_419 = arith.maximumf %while3A_333, %select_n3A_414 : vector<16xf32>
        %and3A_420 = vector.broadcast %lt3A_197 : i1 to vector<16xi1>
        %and3A_421 = arith.andi %ne3A_373, %and3A_420 : vector<16xi1>
        %and3A_422 = vector.broadcast %lt3A_197 : i1 to vector<16xi1>
        %and3A_423 = arith.andi %ne3A_379, %and3A_422 : vector<16xi1>
        %slice3A_424 = vector.extract_strided_slice %sub3A {offsets = [7], sizes = [1], strides = [1]} : vector<16xf32> to vector<1xf32>
        %squeeze3A_425 = vector.extract %slice3A_424[0] : f32 from vector<1xf32>
        %max3A_426 = vector.broadcast %squeeze3A_425 : f32 to vector<16xf32>
        %max3A_427 = arith.maximumf %sub3A_353, %max3A_426 : vector<16xf32>
        %slice3A_428 = vector.extract_strided_slice %add3A_124 {offsets = [7], sizes = [1], strides = [1]} : vector<16xf32> to vector<1xf32>
        %squeeze3A_429 = vector.extract %slice3A_428[0] : f32 from vector<1xf32>
        %min3A_430 = vector.broadcast %squeeze3A_429 : f32 to vector<16xf32>
        %min3A_431 = arith.minimumf %add3A_357, %min3A_430 : vector<16xf32>
        %slice3A_432 = vector.extract_strided_slice %sub3A_128 {offsets = [7], sizes = [1], strides = [1]} : vector<16xf32> to vector<1xf32>
        %squeeze3A_433 = vector.extract %slice3A_432[0] : f32 from vector<1xf32>
        %max3A_434 = vector.broadcast %squeeze3A_433 : f32 to vector<16xf32>
        %max3A_435 = arith.maximumf %sub3A_361, %max3A_434 : vector<16xf32>
        %slice3A_436 = vector.extract_strided_slice %add3A_132 {offsets = [7], sizes = [1], strides = [1]} : vector<16xf32> to vector<1xf32>
        %squeeze3A_437 = vector.extract %slice3A_436[0] : f32 from vector<1xf32>
        %min3A_438 = vector.broadcast %squeeze3A_437 : f32 to vector<16xf32>
        %min3A_439 = arith.minimumf %add3A_365, %min3A_438 : vector<16xf32>
        %lt3A_440 = arith.cmpf olt, %max3A_427, %min3A_431 : vector<16xf32>
        %lt3A_441 = arith.cmpf olt, %max3A_435, %min3A_439 : vector<16xf32>
        %and3A_442 = arith.andi %lt3A_440, %lt3A_441 : vector<16xi1>
        %sub3A_443 = arith.subf %min3A_431, %max3A_427 : vector<16xf32>
        %sub3A_444 = arith.subf %min3A_439, %max3A_435 : vector<16xf32>
        %mul3A_445 = arith.mulf %sub3A_443, %sub3A_444 : vector<16xf32>
        %jit3A_446 = arith.constant 0.000000e+00 : f32
        %broadcast_in_dim3A_447 = vector.broadcast %jit3A_446 : f32 to vector<16xf32>
        %select_n3A_448 = arith.select %and3A_442, %mul3A_445, %broadcast_in_dim3A_447 : vector<16xi1>, vector<16xf32>
        %slice3A_449 = vector.extract_strided_slice %mul3A_133 {offsets = [7], sizes = [1], strides = [1]} : vector<16xf32> to vector<1xf32>
        %squeeze3A_450 = vector.extract %slice3A_449[0] : f32 from vector<1xf32>
        %add3A_451 = vector.broadcast %squeeze3A_450 : f32 to vector<16xf32>
        %add3A_452 = arith.addf %mul3A_366, %add3A_451 : vector<16xf32>
        %sub3A_453 = arith.subf %add3A_452, %select_n3A_448 : vector<16xf32>
        %div3A_454 = arith.divf %select_n3A_448, %sub3A_453 : vector<16xf32>
        %jit3A_455 = arith.constant -1.000000e+00 : f32
        %broadcast_in_dim3A_456 = vector.broadcast %jit3A_455 : f32 to vector<16xf32>
        %select_n3A_457 = arith.select %and3A_421, %div3A_454, %broadcast_in_dim3A_456 : vector<16xi1>, vector<16xf32>
        %jit3A_458 = arith.constant -1.000000e+00 : f32
        %broadcast_in_dim3A_459 = vector.broadcast %jit3A_458 : f32 to vector<16xf32>
        %select_n3A_460 = arith.select %and3A_423, %div3A_454, %broadcast_in_dim3A_459 : vector<16xi1>, vector<16xf32>
        %gt3A_461 = arith.cmpf ogt, %select_n3A_457, %while3A_334 : vector<16xf32>
        %select_n3A_462 = arith.select %gt3A_461, %select_n3A_457, %while3A_334 : vector<16xi1>, vector<16xf32>
        %add3A_463 = vector.broadcast %mul3A_341 : i32 to vector<16xi32>
        %add3A_464 = arith.addi %add3A_463, %iota3A : vector<16xi32>
        %select_n3A_465 = arith.select %gt3A_461, %add3A_464, %while3A_335 : vector<16xi1>, vector<16xi32>
        %max3A_466 = arith.maximumf %while3A_336, %select_n3A_460 : vector<16xf32>
        %and3A_467 = vector.broadcast %lt3A_199 : i1 to vector<16xi1>
        %and3A_468 = arith.andi %ne3A_373, %and3A_467 : vector<16xi1>
        %and3A_469 = vector.broadcast %lt3A_199 : i1 to vector<16xi1>
        %and3A_470 = arith.andi %ne3A_379, %and3A_469 : vector<16xi1>
        %slice3A_471 = vector.extract_strided_slice %sub3A {offsets = [8], sizes = [1], strides = [1]} : vector<16xf32> to vector<1xf32>
        %squeeze3A_472 = vector.extract %slice3A_471[0] : f32 from vector<1xf32>
        %max3A_473 = vector.broadcast %squeeze3A_472 : f32 to vector<16xf32>
        %max3A_474 = arith.maximumf %sub3A_353, %max3A_473 : vector<16xf32>
        %slice3A_475 = vector.extract_strided_slice %add3A_124 {offsets = [8], sizes = [1], strides = [1]} : vector<16xf32> to vector<1xf32>
        %squeeze3A_476 = vector.extract %slice3A_475[0] : f32 from vector<1xf32>
        %min3A_477 = vector.broadcast %squeeze3A_476 : f32 to vector<16xf32>
        %min3A_478 = arith.minimumf %add3A_357, %min3A_477 : vector<16xf32>
        %slice3A_479 = vector.extract_strided_slice %sub3A_128 {offsets = [8], sizes = [1], strides = [1]} : vector<16xf32> to vector<1xf32>
        %squeeze3A_480 = vector.extract %slice3A_479[0] : f32 from vector<1xf32>
        %max3A_481 = vector.broadcast %squeeze3A_480 : f32 to vector<16xf32>
        %max3A_482 = arith.maximumf %sub3A_361, %max3A_481 : vector<16xf32>
        %slice3A_483 = vector.extract_strided_slice %add3A_132 {offsets = [8], sizes = [1], strides = [1]} : vector<16xf32> to vector<1xf32>
        %squeeze3A_484 = vector.extract %slice3A_483[0] : f32 from vector<1xf32>
        %min3A_485 = vector.broadcast %squeeze3A_484 : f32 to vector<16xf32>
        %min3A_486 = arith.minimumf %add3A_365, %min3A_485 : vector<16xf32>
        %lt3A_487 = arith.cmpf olt, %max3A_474, %min3A_478 : vector<16xf32>
        %lt3A_488 = arith.cmpf olt, %max3A_482, %min3A_486 : vector<16xf32>
        %and3A_489 = arith.andi %lt3A_487, %lt3A_488 : vector<16xi1>
        %sub3A_490 = arith.subf %min3A_478, %max3A_474 : vector<16xf32>
        %sub3A_491 = arith.subf %min3A_486, %max3A_482 : vector<16xf32>
        %mul3A_492 = arith.mulf %sub3A_490, %sub3A_491 : vector<16xf32>
        %jit3A_493 = arith.constant 0.000000e+00 : f32
        %broadcast_in_dim3A_494 = vector.broadcast %jit3A_493 : f32 to vector<16xf32>
        %select_n3A_495 = arith.select %and3A_489, %mul3A_492, %broadcast_in_dim3A_494 : vector<16xi1>, vector<16xf32>
        %slice3A_496 = vector.extract_strided_slice %mul3A_133 {offsets = [8], sizes = [1], strides = [1]} : vector<16xf32> to vector<1xf32>
        %squeeze3A_497 = vector.extract %slice3A_496[0] : f32 from vector<1xf32>
        %add3A_498 = vector.broadcast %squeeze3A_497 : f32 to vector<16xf32>
        %add3A_499 = arith.addf %mul3A_366, %add3A_498 : vector<16xf32>
        %sub3A_500 = arith.subf %add3A_499, %select_n3A_495 : vector<16xf32>
        %div3A_501 = arith.divf %select_n3A_495, %sub3A_500 : vector<16xf32>
        %jit3A_502 = arith.constant -1.000000e+00 : f32
        %broadcast_in_dim3A_503 = vector.broadcast %jit3A_502 : f32 to vector<16xf32>
        %select_n3A_504 = arith.select %and3A_468, %div3A_501, %broadcast_in_dim3A_503 : vector<16xi1>, vector<16xf32>
        %jit3A_505 = arith.constant -1.000000e+00 : f32
        %broadcast_in_dim3A_506 = vector.broadcast %jit3A_505 : f32 to vector<16xf32>
        %select_n3A_507 = arith.select %and3A_470, %div3A_501, %broadcast_in_dim3A_506 : vector<16xi1>, vector<16xf32>
        %gt3A_508 = arith.cmpf ogt, %select_n3A_504, %while3A_337 : vector<16xf32>
        %select_n3A_509 = arith.select %gt3A_508, %select_n3A_504, %while3A_337 : vector<16xi1>, vector<16xf32>
        %add3A_510 = vector.broadcast %mul3A_341 : i32 to vector<16xi32>
        %add3A_511 = arith.addi %add3A_510, %iota3A : vector<16xi32>
        %select_n3A_512 = arith.select %gt3A_508, %add3A_511, %while3A_338 : vector<16xi1>, vector<16xi32>
        %max3A_513 = arith.maximumf %while3A_339, %select_n3A_507 : vector<16xf32>
        scf.yield %select_n3A_415, %select_n3A_418, %max3A_419, %select_n3A_462, %select_n3A_465, %max3A_466, %select_n3A_509, %select_n3A_512, %max3A_513 : vector<16xf32>, vector<16xi32>, vector<16xf32>, vector<16xf32>, vector<16xi32>, vector<16xf32>, vector<16xf32>, vector<16xi32>, vector<16xf32>
      }
      %while3A_209 = arith.constant 1 : i32
      %while3A_210:9 = scf.for %while3A_330 = %while3A_206 to %while3A_202 step %while3A_209 iter_args(%while3A_331 = %while3A_208#0, %while3A_332 = %while3A_208#1, %while3A_333 = %while3A_208#2, %while3A_334 = %while3A_208#3, %while3A_335 = %while3A_208#4, %while3A_336 = %while3A_208#5, %while3A_337 = %while3A_208#6, %while3A_338 = %while3A_208#7, %while3A_339 = %while3A_208#8) -> (vector<16xf32>, vector<16xi32>, vector<16xf32>, vector<16xf32>, vector<16xi32>, vector<16xf32>, vector<16xf32>, vector<16xi32>, vector<16xf32>)  : i32 {
        %mul3A_340 = arith.constant 16 : i32
        %mul3A_341 = arith.muli %while3A_330, %mul3A_340 : i32
        %get3A_342 = arith.index_cast %mul3A_341 : i32 to index
        %get3A_343 = tpu.vector_load %arg10[%get3A_342] {strides = array<i32>} : memref<10016xf32, #tpu.memory_space<vmem>>, vector<16xf32>,
        %get3A_344 = arith.index_cast %mul3A_341 : i32 to index
        %get3A_345 = tpu.vector_load %arg11[%get3A_344] {strides = array<i32>} : memref<10016xf32, #tpu.memory_space<vmem>>, vector<16xf32>,
        %get3A_346 = arith.index_cast %mul3A_341 : i32 to index
        %get3A_347 = tpu.vector_load %arg12[%get3A_346] {strides = array<i32>} : memref<10016xf32, #tpu.memory_space<vmem>>, vector<16xf32>,
        %get3A_348 = arith.index_cast %mul3A_341 : i32 to index
        %get3A_349 = tpu.vector_load %arg13[%get3A_348] {strides = array<i32>} : memref<10016xf32, #tpu.memory_space<vmem>>, vector<16xf32>,
        %mul3A_350 = arith.constant 5.000000e-01 : f32
        %mul3A_351 = vector.broadcast %mul3A_350 : f32 to vector<16xf32>
        %mul3A_352 = arith.mulf %get3A_347, %mul3A_351 : vector<16xf32>
        %sub3A_353 = arith.subf %get3A_343, %mul3A_352 : vector<16xf32>
        %mul3A_354 = arith.constant 5.000000e-01 : f32
        %mul3A_355 = vector.broadcast %mul3A_354 : f32 to vector<16xf32>
        %mul3A_356 = arith.mulf %get3A_347, %mul3A_355 : vector<16xf32>
        %add3A_357 = arith.addf %get3A_343, %mul3A_356 : vector<16xf32>
        %mul3A_358 = arith.constant 5.000000e-01 : f32
        %mul3A_359 = vector.broadcast %mul3A_358 : f32 to vector<16xf32>
        %mul3A_360 = arith.mulf %get3A_349, %mul3A_359 : vector<16xf32>
        %sub3A_361 = arith.subf %get3A_345, %mul3A_360 : vector<16xf32>
        %mul3A_362 = arith.constant 5.000000e-01 : f32
        %mul3A_363 = vector.broadcast %mul3A_362 : f32 to vector<16xf32>
        %mul3A_364 = arith.mulf %get3A_349, %mul3A_363 : vector<16xf32>
        %add3A_365 = arith.addf %get3A_345, %mul3A_364 : vector<16xf32>
        %mul3A_366 = arith.mulf %get3A_347, %get3A_349 : vector<16xf32>
        %get3A_367 = arith.index_cast %mul3A_341 : i32 to index
        %get3A_368 = tpu.vector_load %arg15[%get3A_367] {strides = array<i32>} : memref<10016xi32, #tpu.memory_space<vmem>>, vector<16xi32>,
        %and3A_369 = arith.constant 1 : i32
        %and3A_370 = vector.broadcast %and3A_369 : i32 to vector<16xi32>
        %and3A_371 = arith.andi %get3A_368, %and3A_370 : vector<16xi32>
        %ne3A = arith.constant 0 : i32
        %ne3A_372 = vector.broadcast %ne3A : i32 to vector<16xi32>
        %ne3A_373 = arith.cmpi ne, %and3A_371, %ne3A_372 : vector<16xi32>
        %and3A_374 = arith.constant 2 : i32
        %and3A_375 = vector.broadcast %and3A_374 : i32 to vector<16xi32>
        %and3A_376 = arith.andi %get3A_368, %and3A_375 : vector<16xi32>
        %ne3A_377 = arith.constant 0 : i32
        %ne3A_378 = vector.broadcast %ne3A_377 : i32 to vector<16xi32>
        %ne3A_379 = arith.cmpi ne, %and3A_376, %ne3A_378 : vector<16xi32>
        %slice3A_380 = vector.extract_strided_slice %sub3A {offsets = [6], sizes = [1], strides = [1]} : vector<16xf32> to vector<1xf32>
        %squeeze3A_381 = vector.extract %slice3A_380[0] : f32 from vector<1xf32>
        %max3A = vector.broadcast %squeeze3A_381 : f32 to vector<16xf32>
        %max3A_382 = arith.maximumf %sub3A_353, %max3A : vector<16xf32>
        %slice3A_383 = vector.extract_strided_slice %add3A_124 {offsets = [6], sizes = [1], strides = [1]} : vector<16xf32> to vector<1xf32>
        %squeeze3A_384 = vector.extract %slice3A_383[0] : f32 from vector<1xf32>
        %min3A_385 = vector.broadcast %squeeze3A_384 : f32 to vector<16xf32>
        %min3A_386 = arith.minimumf %add3A_357, %min3A_385 : vector<16xf32>
        %slice3A_387 = vector.extract_strided_slice %sub3A_128 {offsets = [6], sizes = [1], strides = [1]} : vector<16xf32> to vector<1xf32>
        %squeeze3A_388 = vector.extract %slice3A_387[0] : f32 from vector<1xf32>
        %max3A_389 = vector.broadcast %squeeze3A_388 : f32 to vector<16xf32>
        %max3A_390 = arith.maximumf %sub3A_361, %max3A_389 : vector<16xf32>
        %slice3A_391 = vector.extract_strided_slice %add3A_132 {offsets = [6], sizes = [1], strides = [1]} : vector<16xf32> to vector<1xf32>
        %squeeze3A_392 = vector.extract %slice3A_391[0] : f32 from vector<1xf32>
        %min3A_393 = vector.broadcast %squeeze3A_392 : f32 to vector<16xf32>
        %min3A_394 = arith.minimumf %add3A_365, %min3A_393 : vector<16xf32>
        %lt3A_395 = arith.cmpf olt, %max3A_382, %min3A_386 : vector<16xf32>
        %lt3A_396 = arith.cmpf olt, %max3A_390, %min3A_394 : vector<16xf32>
        %and3A_397 = arith.andi %lt3A_395, %lt3A_396 : vector<16xi1>
        %sub3A_398 = arith.subf %min3A_386, %max3A_382 : vector<16xf32>
        %sub3A_399 = arith.subf %min3A_394, %max3A_390 : vector<16xf32>
        %mul3A_400 = arith.mulf %sub3A_398, %sub3A_399 : vector<16xf32>
        %jit3A_401 = arith.constant 0.000000e+00 : f32
        %broadcast_in_dim3A_402 = vector.broadcast %jit3A_401 : f32 to vector<16xf32>
        %select_n3A_403 = arith.select %and3A_397, %mul3A_400, %broadcast_in_dim3A_402 : vector<16xi1>, vector<16xf32>
        %slice3A_404 = vector.extract_strided_slice %mul3A_133 {offsets = [6], sizes = [1], strides = [1]} : vector<16xf32> to vector<1xf32>
        %squeeze3A_405 = vector.extract %slice3A_404[0] : f32 from vector<1xf32>
        %add3A_406 = vector.broadcast %squeeze3A_405 : f32 to vector<16xf32>
        %add3A_407 = arith.addf %mul3A_366, %add3A_406 : vector<16xf32>
        %sub3A_408 = arith.subf %add3A_407, %select_n3A_403 : vector<16xf32>
        %div3A = arith.divf %select_n3A_403, %sub3A_408 : vector<16xf32>
        %jit3A_409 = arith.constant -1.000000e+00 : f32
        %broadcast_in_dim3A_410 = vector.broadcast %jit3A_409 : f32 to vector<16xf32>
        %select_n3A_411 = arith.select %ne3A_373, %div3A, %broadcast_in_dim3A_410 : vector<16xi1>, vector<16xf32>
        %jit3A_412 = arith.constant -1.000000e+00 : f32
        %broadcast_in_dim3A_413 = vector.broadcast %jit3A_412 : f32 to vector<16xf32>
        %select_n3A_414 = arith.select %ne3A_379, %div3A, %broadcast_in_dim3A_413 : vector<16xi1>, vector<16xf32>
        %gt3A = arith.cmpf ogt, %select_n3A_411, %while3A_331 : vector<16xf32>
        %select_n3A_415 = arith.select %gt3A, %select_n3A_411, %while3A_331 : vector<16xi1>, vector<16xf32>
        %add3A_416 = vector.broadcast %mul3A_341 : i32 to vector<16xi32>
        %add3A_417 = arith.addi %add3A_416, %iota3A : vector<16xi32>
        %select_n3A_418 = arith.select %gt3A, %add3A_417, %while3A_332 : vector<16xi1>, vector<16xi32>
        %max3A_419 = arith.maximumf %while3A_333, %select_n3A_414 : vector<16xf32>
        %and3A_420 = vector.broadcast %lt3A_197 : i1 to vector<16xi1>
        %and3A_421 = arith.andi %ne3A_373, %and3A_420 : vector<16xi1>
        %and3A_422 = vector.broadcast %lt3A_197 : i1 to vector<16xi1>
        %and3A_423 = arith.andi %ne3A_379, %and3A_422 : vector<16xi1>
        %slice3A_424 = vector.extract_strided_slice %sub3A {offsets = [7], sizes = [1], strides = [1]} : vector<16xf32> to vector<1xf32>
        %squeeze3A_425 = vector.extract %slice3A_424[0] : f32 from vector<1xf32>
        %max3A_426 = vector.broadcast %squeeze3A_425 : f32 to vector<16xf32>
        %max3A_427 = arith.maximumf %sub3A_353, %max3A_426 : vector<16xf32>
        %slice3A_428 = vector.extract_strided_slice %add3A_124 {offsets = [7], sizes = [1], strides = [1]} : vector<16xf32> to vector<1xf32>
        %squeeze3A_429 = vector.extract %slice3A_428[0] : f32 from vector<1xf32>
        %min3A_430 = vector.broadcast %squeeze3A_429 : f32 to vector<16xf32>
        %min3A_431 = arith.minimumf %add3A_357, %min3A_430 : vector<16xf32>
        %slice3A_432 = vector.extract_strided_slice %sub3A_128 {offsets = [7], sizes = [1], strides = [1]} : vector<16xf32> to vector<1xf32>
        %squeeze3A_433 = vector.extract %slice3A_432[0] : f32 from vector<1xf32>
        %max3A_434 = vector.broadcast %squeeze3A_433 : f32 to vector<16xf32>
        %max3A_435 = arith.maximumf %sub3A_361, %max3A_434 : vector<16xf32>
        %slice3A_436 = vector.extract_strided_slice %add3A_132 {offsets = [7], sizes = [1], strides = [1]} : vector<16xf32> to vector<1xf32>
        %squeeze3A_437 = vector.extract %slice3A_436[0] : f32 from vector<1xf32>
        %min3A_438 = vector.broadcast %squeeze3A_437 : f32 to vector<16xf32>
        %min3A_439 = arith.minimumf %add3A_365, %min3A_438 : vector<16xf32>
        %lt3A_440 = arith.cmpf olt, %max3A_427, %min3A_431 : vector<16xf32>
        %lt3A_441 = arith.cmpf olt, %max3A_435, %min3A_439 : vector<16xf32>
        %and3A_442 = arith.andi %lt3A_440, %lt3A_441 : vector<16xi1>
        %sub3A_443 = arith.subf %min3A_431, %max3A_427 : vector<16xf32>
        %sub3A_444 = arith.subf %min3A_439, %max3A_435 : vector<16xf32>
        %mul3A_445 = arith.mulf %sub3A_443, %sub3A_444 : vector<16xf32>
        %jit3A_446 = arith.constant 0.000000e+00 : f32
        %broadcast_in_dim3A_447 = vector.broadcast %jit3A_446 : f32 to vector<16xf32>
        %select_n3A_448 = arith.select %and3A_442, %mul3A_445, %broadcast_in_dim3A_447 : vector<16xi1>, vector<16xf32>
        %slice3A_449 = vector.extract_strided_slice %mul3A_133 {offsets = [7], sizes = [1], strides = [1]} : vector<16xf32> to vector<1xf32>
        %squeeze3A_450 = vector.extract %slice3A_449[0] : f32 from vector<1xf32>
        %add3A_451 = vector.broadcast %squeeze3A_450 : f32 to vector<16xf32>
        %add3A_452 = arith.addf %mul3A_366, %add3A_451 : vector<16xf32>
        %sub3A_453 = arith.subf %add3A_452, %select_n3A_448 : vector<16xf32>
        %div3A_454 = arith.divf %select_n3A_448, %sub3A_453 : vector<16xf32>
        %jit3A_455 = arith.constant -1.000000e+00 : f32
        %broadcast_in_dim3A_456 = vector.broadcast %jit3A_455 : f32 to vector<16xf32>
        %select_n3A_457 = arith.select %and3A_421, %div3A_454, %broadcast_in_dim3A_456 : vector<16xi1>, vector<16xf32>
        %jit3A_458 = arith.constant -1.000000e+00 : f32
        %broadcast_in_dim3A_459 = vector.broadcast %jit3A_458 : f32 to vector<16xf32>
        %select_n3A_460 = arith.select %and3A_423, %div3A_454, %broadcast_in_dim3A_459 : vector<16xi1>, vector<16xf32>
        %gt3A_461 = arith.cmpf ogt, %select_n3A_457, %while3A_334 : vector<16xf32>
        %select_n3A_462 = arith.select %gt3A_461, %select_n3A_457, %while3A_334 : vector<16xi1>, vector<16xf32>
        %add3A_463 = vector.broadcast %mul3A_341 : i32 to vector<16xi32>
        %add3A_464 = arith.addi %add3A_463, %iota3A : vector<16xi32>
        %select_n3A_465 = arith.select %gt3A_461, %add3A_464, %while3A_335 : vector<16xi1>, vector<16xi32>
        %max3A_466 = arith.maximumf %while3A_336, %select_n3A_460 : vector<16xf32>
        %and3A_467 = vector.broadcast %lt3A_199 : i1 to vector<16xi1>
        %and3A_468 = arith.andi %ne3A_373, %and3A_467 : vector<16xi1>
        %and3A_469 = vector.broadcast %lt3A_199 : i1 to vector<16xi1>
        %and3A_470 = arith.andi %ne3A_379, %and3A_469 : vector<16xi1>
        %slice3A_471 = vector.extract_strided_slice %sub3A {offsets = [8], sizes = [1], strides = [1]} : vector<16xf32> to vector<1xf32>
        %squeeze3A_472 = vector.extract %slice3A_471[0] : f32 from vector<1xf32>
        %max3A_473 = vector.broadcast %squeeze3A_472 : f32 to vector<16xf32>
        %max3A_474 = arith.maximumf %sub3A_353, %max3A_473 : vector<16xf32>
        %slice3A_475 = vector.extract_strided_slice %add3A_124 {offsets = [8], sizes = [1], strides = [1]} : vector<16xf32> to vector<1xf32>
        %squeeze3A_476 = vector.extract %slice3A_475[0] : f32 from vector<1xf32>
        %min3A_477 = vector.broadcast %squeeze3A_476 : f32 to vector<16xf32>
        %min3A_478 = arith.minimumf %add3A_357, %min3A_477 : vector<16xf32>
        %slice3A_479 = vector.extract_strided_slice %sub3A_128 {offsets = [8], sizes = [1], strides = [1]} : vector<16xf32> to vector<1xf32>
        %squeeze3A_480 = vector.extract %slice3A_479[0] : f32 from vector<1xf32>
        %max3A_481 = vector.broadcast %squeeze3A_480 : f32 to vector<16xf32>
        %max3A_482 = arith.maximumf %sub3A_361, %max3A_481 : vector<16xf32>
        %slice3A_483 = vector.extract_strided_slice %add3A_132 {offsets = [8], sizes = [1], strides = [1]} : vector<16xf32> to vector<1xf32>
        %squeeze3A_484 = vector.extract %slice3A_483[0] : f32 from vector<1xf32>
        %min3A_485 = vector.broadcast %squeeze3A_484 : f32 to vector<16xf32>
        %min3A_486 = arith.minimumf %add3A_365, %min3A_485 : vector<16xf32>
        %lt3A_487 = arith.cmpf olt, %max3A_474, %min3A_478 : vector<16xf32>
        %lt3A_488 = arith.cmpf olt, %max3A_482, %min3A_486 : vector<16xf32>
        %and3A_489 = arith.andi %lt3A_487, %lt3A_488 : vector<16xi1>
        %sub3A_490 = arith.subf %min3A_478, %max3A_474 : vector<16xf32>
        %sub3A_491 = arith.subf %min3A_486, %max3A_482 : vector<16xf32>
        %mul3A_492 = arith.mulf %sub3A_490, %sub3A_491 : vector<16xf32>
        %jit3A_493 = arith.constant 0.000000e+00 : f32
        %broadcast_in_dim3A_494 = vector.broadcast %jit3A_493 : f32 to vector<16xf32>
        %select_n3A_495 = arith.select %and3A_489, %mul3A_492, %broadcast_in_dim3A_494 : vector<16xi1>, vector<16xf32>
        %slice3A_496 = vector.extract_strided_slice %mul3A_133 {offsets = [8], sizes = [1], strides = [1]} : vector<16xf32> to vector<1xf32>
        %squeeze3A_497 = vector.extract %slice3A_496[0] : f32 from vector<1xf32>
        %add3A_498 = vector.broadcast %squeeze3A_497 : f32 to vector<16xf32>
        %add3A_499 = arith.addf %mul3A_366, %add3A_498 : vector<16xf32>
        %sub3A_500 = arith.subf %add3A_499, %select_n3A_495 : vector<16xf32>
        %div3A_501 = arith.divf %select_n3A_495, %sub3A_500 : vector<16xf32>
        %jit3A_502 = arith.constant -1.000000e+00 : f32
        %broadcast_in_dim3A_503 = vector.broadcast %jit3A_502 : f32 to vector<16xf32>
        %select_n3A_504 = arith.select %and3A_468, %div3A_501, %broadcast_in_dim3A_503 : vector<16xi1>, vector<16xf32>
        %jit3A_505 = arith.constant -1.000000e+00 : f32
        %broadcast_in_dim3A_506 = vector.broadcast %jit3A_505 : f32 to vector<16xf32>
        %select_n3A_507 = arith.select %and3A_470, %div3A_501, %broadcast_in_dim3A_506 : vector<16xi1>, vector<16xf32>
        %gt3A_508 = arith.cmpf ogt, %select_n3A_504, %while3A_337 : vector<16xf32>
        %select_n3A_509 = arith.select %gt3A_508, %select_n3A_504, %while3A_337 : vector<16xi1>, vector<16xf32>
        %add3A_510 = vector.broadcast %mul3A_341 : i32 to vector<16xi32>
        %add3A_511 = arith.addi %add3A_510, %iota3A : vector<16xi32>
        %select_n3A_512 = arith.select %gt3A_508, %add3A_511, %while3A_338 : vector<16xi1>, vector<16xi32>
        %max3A_513 = arith.maximumf %while3A_339, %select_n3A_507 : vector<16xf32>
        scf.yield %select_n3A_415, %select_n3A_418, %max3A_419, %select_n3A_462, %select_n3A_465, %max3A_466, %select_n3A_509, %select_n3A_512, %max3A_513 : vector<16xf32>, vector<16xi32>, vector<16xf32>, vector<16xf32>, vector<16xi32>, vector<16xf32>, vector<16xf32>, vector<16xi32>, vector<16xf32>
      }
      %reduce_max3A = arith.constant true
      %reduce_max3A_211 = vector.broadcast %reduce_max3A : i1 to vector<16xi1>
      %reduce_max3A_212 = tpu.scan <max>, %while3A_210#0 masked %reduce_max3A_211 : vector<16xf32>, vector<16xi1> -> vector<16xf32>
      %reduce_max3A_213 = vector.extract %reduce_max3A_212[15] : f32 from vector<16xf32>
      %eq3A_214 = vector.broadcast %reduce_max3A_213 : f32 to vector<16xf32>
      %eq3A_215 = arith.cmpf oeq, %while3A_210#0, %eq3A_214 : vector<16xf32>
      %jit3A_216 = arith.constant 10000 : i32
      %broadcast_in_dim3A_217 = vector.broadcast %jit3A_216 : i32 to vector<16xi32>
      %select_n3A_218 = arith.select %eq3A_215, %while3A_210#1, %broadcast_in_dim3A_217 : vector<16xi1>, vector<16xi32>
      %reduce_min3A_219 = arith.constant true
      %reduce_min3A_220 = vector.broadcast %reduce_min3A_219 : i1 to vector<16xi1>
      %reduce_min3A_221 = arith.constant -2147483648 : i32
      %reduce_min3A_222 = vector.broadcast %reduce_min3A_221 : i32 to vector<16xi32>
      %reduce_min3A_223 = arith.xori %select_n3A_218, %reduce_min3A_222 : vector<16xi32>
      %reduce_min3A_224 = tpu.scan <min>, %reduce_min3A_223 masked %reduce_min3A_220 : vector<16xi32>, vector<16xi1> -> vector<16xi32>
      %reduce_min3A_225 = arith.xori %reduce_min3A_224, %reduce_min3A_222 : vector<16xi32>
      %reduce_min3A_226 = vector.extract %reduce_min3A_225[15] : i32 from vector<16xi32>
      %broadcast_in_dim3A_227 = vector.broadcast %reduce_min3A_226 : i32 to vector<16xi32>
      %gather3A_228 = tpu.vector_load_idx %arg14[%broadcast_in_dim3A_227] : memref<10016xf32, #tpu.memory_space<vmem>>[vector<16xi32>], vector<16xf32>,
      %reduce_max3A_229 = arith.constant true
      %reduce_max3A_230 = vector.broadcast %reduce_max3A_229 : i1 to vector<16xi1>
      %reduce_max3A_231 = tpu.scan <max>, %gather3A_228 masked %reduce_max3A_230 : vector<16xf32>, vector<16xi1> -> vector<16xf32>
      %reduce_max3A_232 = vector.extract %reduce_max3A_231[15] : f32 from vector<16xf32>
      %gather3A_233 = tpu.vector_load_idx %arg10[%broadcast_in_dim3A_227] : memref<10016xf32, #tpu.memory_space<vmem>>[vector<16xi32>], vector<16xf32>,
      %reduce_max3A_234 = arith.constant true
      %reduce_max3A_235 = vector.broadcast %reduce_max3A_234 : i1 to vector<16xi1>
      %reduce_max3A_236 = tpu.scan <max>, %gather3A_233 masked %reduce_max3A_235 : vector<16xf32>, vector<16xi1> -> vector<16xf32>
      %reduce_max3A_237 = vector.extract %reduce_max3A_236[15] : f32 from vector<16xf32>
      %gather3A_238 = tpu.vector_load_idx %arg11[%broadcast_in_dim3A_227] : memref<10016xf32, #tpu.memory_space<vmem>>[vector<16xi32>], vector<16xf32>,
      %reduce_max3A_239 = arith.constant true
      %reduce_max3A_240 = vector.broadcast %reduce_max3A_239 : i1 to vector<16xi1>
      %reduce_max3A_241 = tpu.scan <max>, %gather3A_238 masked %reduce_max3A_240 : vector<16xf32>, vector<16xi1> -> vector<16xf32>
      %reduce_max3A_242 = vector.extract %reduce_max3A_241[15] : f32 from vector<16xf32>
      %gather3A_243 = tpu.vector_load_idx %arg12[%broadcast_in_dim3A_227] : memref<10016xf32, #tpu.memory_space<vmem>>[vector<16xi32>], vector<16xf32>,
      %reduce_max3A_244 = arith.constant true
      %reduce_max3A_245 = vector.broadcast %reduce_max3A_244 : i1 to vector<16xi1>
      %reduce_max3A_246 = tpu.scan <max>, %gather3A_243 masked %reduce_max3A_245 : vector<16xf32>, vector<16xi1> -> vector<16xf32>
      %reduce_max3A_247 = vector.extract %reduce_max3A_246[15] : f32 from vector<16xf32>
      %gather3A_248 = tpu.vector_load_idx %arg13[%broadcast_in_dim3A_227] : memref<10016xf32, #tpu.memory_space<vmem>>[vector<16xi32>], vector<16xf32>,
      %reduce_max3A_249 = arith.constant true
      %reduce_max3A_250 = vector.broadcast %reduce_max3A_249 : i1 to vector<16xi1>
      %reduce_max3A_251 = tpu.scan <max>, %gather3A_248 masked %reduce_max3A_250 : vector<16xf32>, vector<16xi1> -> vector<16xf32>
      %reduce_max3A_252 = vector.extract %reduce_max3A_251[15] : f32 from vector<16xf32>
      %eq3A_253 = arith.constant 0 : i32
      %eq3A_254 = vector.broadcast %eq3A_253 : i32 to vector<16xi32>
      %eq3A_255 = arith.cmpi eq, %iota3A, %eq3A_254 : vector<16xi32>
      %jit3A_256 = arith.constant 0.000000e+00 : f32
      %broadcast_in_dim3A_257 = vector.broadcast %reduce_max3A_213 : f32 to vector<16xf32>
      %broadcast_in_dim3A_258 = vector.broadcast %jit3A_256 : f32 to vector<16xf32>
      %select_n3A_259 = arith.select %eq3A_255, %broadcast_in_dim3A_257, %broadcast_in_dim3A_258 : vector<16xi1>, vector<16xf32>
      %eq3A_260 = arith.constant 1 : i32
      %eq3A_261 = vector.broadcast %eq3A_260 : i32 to vector<16xi32>
      %eq3A_262 = arith.cmpi eq, %iota3A, %eq3A_261 : vector<16xi32>
      %reduce_max3A_263 = arith.constant true
      %reduce_max3A_264 = vector.broadcast %reduce_max3A_263 : i1 to vector<16xi1>
      %reduce_max3A_265 = tpu.scan <max>, %while3A_210#2 masked %reduce_max3A_264 : vector<16xf32>, vector<16xi1> -> vector<16xf32>
      %reduce_max3A_266 = vector.extract %reduce_max3A_265[15] : f32 from vector<16xf32>
      %jit3A_267 = arith.constant 0.000000e+00 : f32
      %broadcast_in_dim3A_268 = vector.broadcast %reduce_max3A_266 : f32 to vector<16xf32>
      %broadcast_in_dim3A_269 = vector.broadcast %jit3A_267 : f32 to vector<16xf32>
      %select_n3A_270 = arith.select %eq3A_262, %broadcast_in_dim3A_268, %broadcast_in_dim3A_269 : vector<16xi1>, vector<16xf32>
      %add3A_271 = arith.addf %select_n3A_259, %select_n3A_270 : vector<16xf32>
      %eq3A_272 = arith.constant 2 : i32
      %eq3A_273 = vector.broadcast %eq3A_272 : i32 to vector<16xi32>
      %eq3A_274 = arith.cmpi eq, %iota3A, %eq3A_273 : vector<16xi32>
      %jit3A_275 = arith.constant 0.000000e+00 : f32
      %broadcast_in_dim3A_276 = vector.broadcast %reduce_max3A_232 : f32 to vector<16xf32>
      %broadcast_in_dim3A_277 = vector.broadcast %jit3A_275 : f32 to vector<16xf32>
      %select_n3A_278 = arith.select %eq3A_274, %broadcast_in_dim3A_276, %broadcast_in_dim3A_277 : vector<16xi1>, vector<16xf32>
      %add3A_279 = arith.addf %add3A_271, %select_n3A_278 : vector<16xf32>
      %eq3A_280 = arith.constant 3 : i32
      %eq3A_281 = vector.broadcast %eq3A_280 : i32 to vector<16xi32>
      %eq3A_282 = arith.cmpi eq, %iota3A, %eq3A_281 : vector<16xi32>
      %jit3A_283 = arith.constant 0.000000e+00 : f32
      %broadcast_in_dim3A_284 = vector.broadcast %reduce_max3A_237 : f32 to vector<16xf32>
      %broadcast_in_dim3A_285 = vector.broadcast %jit3A_283 : f32 to vector<16xf32>
      %select_n3A_286 = arith.select %eq3A_282, %broadcast_in_dim3A_284, %broadcast_in_dim3A_285 : vector<16xi1>, vector<16xf32>
      %add3A_287 = arith.addf %add3A_279, %select_n3A_286 : vector<16xf32>
      %eq3A_288 = arith.constant 4 : i32
      %eq3A_289 = vector.broadcast %eq3A_288 : i32 to vector<16xi32>
      %eq3A_290 = arith.cmpi eq, %iota3A, %eq3A_289 : vector<16xi32>
      %jit3A_291 = arith.constant 0.000000e+00 : f32
      %broadcast_in_dim3A_292 = vector.broadcast %reduce_max3A_242 : f32 to vector<16xf32>
      %broadcast_in_dim3A_293 = vector.broadcast %jit3A_291 : f32 to vector<16xf32>
      %select_n3A_294 = arith.select %eq3A_290, %broadcast_in_dim3A_292, %broadcast_in_dim3A_293 : vector<16xi1>, vector<16xf32>
      %add3A_295 = arith.addf %add3A_287, %select_n3A_294 : vector<16xf32>
      %eq3A_296 = arith.constant 5 : i32
      %eq3A_297 = vector.broadcast %eq3A_296 : i32 to vector<16xi32>
      %eq3A_298 = arith.cmpi eq, %iota3A, %eq3A_297 : vector<16xi32>
      %jit3A_299 = arith.constant 0.000000e+00 : f32
      %broadcast_in_dim3A_300 = vector.broadcast %reduce_max3A_247 : f32 to vector<16xf32>
      %broadcast_in_dim3A_301 = vector.broadcast %jit3A_299 : f32 to vector<16xf32>
      %select_n3A_302 = arith.select %eq3A_298, %broadcast_in_dim3A_300, %broadcast_in_dim3A_301 : vector<16xi1>, vector<16xf32>
      %add3A_303 = arith.addf %add3A_295, %select_n3A_302 : vector<16xf32>
      %eq3A_304 = arith.constant 6 : i32
      %eq3A_305 = vector.broadcast %eq3A_304 : i32 to vector<16xi32>
      %eq3A_306 = arith.cmpi eq, %iota3A, %eq3A_305 : vector<16xi32>
      %jit3A_307 = arith.constant 0.000000e+00 : f32
      %broadcast_in_dim3A_308 = vector.broadcast %reduce_max3A_252 : f32 to vector<16xf32>
      %broadcast_in_dim3A_309 = vector.broadcast %jit3A_307 : f32 to vector<16xf32>
      %select_n3A_310 = arith.select %eq3A_306, %broadcast_in_dim3A_308, %broadcast_in_dim3A_309 : vector<16xi1>, vector<16xf32>
      %add3A_311 = arith.addf %add3A_303, %select_n3A_310 : vector<16xf32>
      %min3A_312 = arith.constant 8 : i32
      %min3A_313 = vector.broadcast %min3A_312 : i32 to vector<16xi32>
      %min3A_314 = arith.minsi %iota3A, %min3A_313 : vector<16xi32>
      %mul3A_315 = arith.constant 16 : i32
      %mul3A_316 = vector.broadcast %mul3A_315 : i32 to vector<16xi32>
      %mul3A_317 = arith.muli %min3A_314, %mul3A_316 : vector<16xi32>
      %add3A_318 = arith.constant 6 : i32
      %add3A_319 = vector.broadcast %add3A_318 : i32 to vector<16xi32>
      %add3A_320 = arith.addi %mul3A_317, %add3A_319 : vector<16xi32>
      %lt3A_321 = arith.constant 7 : i32
      %lt3A_322 = vector.broadcast %lt3A_321 : i32 to vector<16xi32>
      %lt3A_323 = arith.cmpi slt, %iota3A, %lt3A_322 : vector<16xi32>
      tpu.vector_store_idx %arg18[%add3A_320], %add3A_311 masked %lt3A_323 : memref<144xf32, #tpu.memory_space<vmem>>[vector<16xi32>], vector<16xf32>, vector<16xi1>
      %convert_element_type3A_324 = arith.extui %lt3A_197 : i1 to i32
      %cond3A_325 = arith.constant 0 : i32
      %cond3A_326 = arith.cmpi ne, %convert_element_type3A_324, %cond3A_325 : i32
      scf.if %cond3A_326 {
        %reduce_max3A_330 = arith.constant true
        %reduce_max3A_331 = vector.broadcast %reduce_max3A_330 : i1 to vector<16xi1>
        %reduce_max3A_332 = tpu.scan <max>, %while3A_210#3 masked %reduce_max3A_331 : vector<16xf32>, vector<16xi1> -> vector<16xf32>
        %reduce_max3A_333 = vector.extract %reduce_max3A_332[15] : f32 from vector<16xf32>
        %eq3A_334 = vector.broadcast %reduce_max3A_333 : f32 to vector<16xf32>
        %eq3A_335 = arith.cmpf oeq, %while3A_210#3, %eq3A_334 : vector<16xf32>
        %jit3A_336 = arith.constant 10000 : i32
        %broadcast_in_dim3A_337 = vector.broadcast %jit3A_336 : i32 to vector<16xi32>
        %select_n3A_338 = arith.select %eq3A_335, %while3A_210#4, %broadcast_in_dim3A_337 : vector<16xi1>, vector<16xi32>
        %reduce_min3A_339 = arith.constant true
        %reduce_min3A_340 = vector.broadcast %reduce_min3A_339 : i1 to vector<16xi1>
        %reduce_min3A_341 = arith.constant -2147483648 : i32
        %reduce_min3A_342 = vector.broadcast %reduce_min3A_341 : i32 to vector<16xi32>
        %reduce_min3A_343 = arith.xori %select_n3A_338, %reduce_min3A_342 : vector<16xi32>
        %reduce_min3A_344 = tpu.scan <min>, %reduce_min3A_343 masked %reduce_min3A_340 : vector<16xi32>, vector<16xi1> -> vector<16xi32>
        %reduce_min3A_345 = arith.xori %reduce_min3A_344, %reduce_min3A_342 : vector<16xi32>
        %reduce_min3A_346 = vector.extract %reduce_min3A_345[15] : i32 from vector<16xi32>
        %broadcast_in_dim3A_347 = vector.broadcast %reduce_min3A_346 : i32 to vector<16xi32>
        %gather3A_348 = tpu.vector_load_idx %arg14[%broadcast_in_dim3A_347] : memref<10016xf32, #tpu.memory_space<vmem>>[vector<16xi32>], vector<16xf32>,
        %reduce_max3A_349 = arith.constant true
        %reduce_max3A_350 = vector.broadcast %reduce_max3A_349 : i1 to vector<16xi1>
        %reduce_max3A_351 = tpu.scan <max>, %gather3A_348 masked %reduce_max3A_350 : vector<16xf32>, vector<16xi1> -> vector<16xf32>
        %reduce_max3A_352 = vector.extract %reduce_max3A_351[15] : f32 from vector<16xf32>
        %gather3A_353 = tpu.vector_load_idx %arg10[%broadcast_in_dim3A_347] : memref<10016xf32, #tpu.memory_space<vmem>>[vector<16xi32>], vector<16xf32>,
        %reduce_max3A_354 = arith.constant true
        %reduce_max3A_355 = vector.broadcast %reduce_max3A_354 : i1 to vector<16xi1>
        %reduce_max3A_356 = tpu.scan <max>, %gather3A_353 masked %reduce_max3A_355 : vector<16xf32>, vector<16xi1> -> vector<16xf32>
        %reduce_max3A_357 = vector.extract %reduce_max3A_356[15] : f32 from vector<16xf32>
        %gather3A_358 = tpu.vector_load_idx %arg11[%broadcast_in_dim3A_347] : memref<10016xf32, #tpu.memory_space<vmem>>[vector<16xi32>], vector<16xf32>,
        %reduce_max3A_359 = arith.constant true
        %reduce_max3A_360 = vector.broadcast %reduce_max3A_359 : i1 to vector<16xi1>
        %reduce_max3A_361 = tpu.scan <max>, %gather3A_358 masked %reduce_max3A_360 : vector<16xf32>, vector<16xi1> -> vector<16xf32>
        %reduce_max3A_362 = vector.extract %reduce_max3A_361[15] : f32 from vector<16xf32>
        %gather3A_363 = tpu.vector_load_idx %arg12[%broadcast_in_dim3A_347] : memref<10016xf32, #tpu.memory_space<vmem>>[vector<16xi32>], vector<16xf32>,
        %reduce_max3A_364 = arith.constant true
        %reduce_max3A_365 = vector.broadcast %reduce_max3A_364 : i1 to vector<16xi1>
        %reduce_max3A_366 = tpu.scan <max>, %gather3A_363 masked %reduce_max3A_365 : vector<16xf32>, vector<16xi1> -> vector<16xf32>
        %reduce_max3A_367 = vector.extract %reduce_max3A_366[15] : f32 from vector<16xf32>
        %gather3A_368 = tpu.vector_load_idx %arg13[%broadcast_in_dim3A_347] : memref<10016xf32, #tpu.memory_space<vmem>>[vector<16xi32>], vector<16xf32>,
        %reduce_max3A_369 = arith.constant true
        %reduce_max3A_370 = vector.broadcast %reduce_max3A_369 : i1 to vector<16xi1>
        %reduce_max3A_371 = tpu.scan <max>, %gather3A_368 masked %reduce_max3A_370 : vector<16xf32>, vector<16xi1> -> vector<16xf32>
        %reduce_max3A_372 = vector.extract %reduce_max3A_371[15] : f32 from vector<16xf32>
        %eq3A_373 = arith.constant 0 : i32
        %eq3A_374 = vector.broadcast %eq3A_373 : i32 to vector<16xi32>
        %eq3A_375 = arith.cmpi eq, %iota3A, %eq3A_374 : vector<16xi32>
        %jit3A_376 = arith.constant 0.000000e+00 : f32
        %broadcast_in_dim3A_377 = vector.broadcast %reduce_max3A_333 : f32 to vector<16xf32>
        %broadcast_in_dim3A_378 = vector.broadcast %jit3A_376 : f32 to vector<16xf32>
        %select_n3A_379 = arith.select %eq3A_375, %broadcast_in_dim3A_377, %broadcast_in_dim3A_378 : vector<16xi1>, vector<16xf32>
        %eq3A_380 = arith.constant 1 : i32
        %eq3A_381 = vector.broadcast %eq3A_380 : i32 to vector<16xi32>
        %eq3A_382 = arith.cmpi eq, %iota3A, %eq3A_381 : vector<16xi32>
        %reduce_max3A_383 = arith.constant true
        %reduce_max3A_384 = vector.broadcast %reduce_max3A_383 : i1 to vector<16xi1>
        %reduce_max3A_385 = tpu.scan <max>, %while3A_210#5 masked %reduce_max3A_384 : vector<16xf32>, vector<16xi1> -> vector<16xf32>
        %reduce_max3A_386 = vector.extract %reduce_max3A_385[15] : f32 from vector<16xf32>
        %jit3A_387 = arith.constant 0.000000e+00 : f32
        %broadcast_in_dim3A_388 = vector.broadcast %reduce_max3A_386 : f32 to vector<16xf32>
        %broadcast_in_dim3A_389 = vector.broadcast %jit3A_387 : f32 to vector<16xf32>
        %select_n3A_390 = arith.select %eq3A_382, %broadcast_in_dim3A_388, %broadcast_in_dim3A_389 : vector<16xi1>, vector<16xf32>
        %add3A_391 = arith.addf %select_n3A_379, %select_n3A_390 : vector<16xf32>
        %eq3A_392 = arith.constant 2 : i32
        %eq3A_393 = vector.broadcast %eq3A_392 : i32 to vector<16xi32>
        %eq3A_394 = arith.cmpi eq, %iota3A, %eq3A_393 : vector<16xi32>
        %jit3A_395 = arith.constant 0.000000e+00 : f32
        %broadcast_in_dim3A_396 = vector.broadcast %reduce_max3A_352 : f32 to vector<16xf32>
        %broadcast_in_dim3A_397 = vector.broadcast %jit3A_395 : f32 to vector<16xf32>
        %select_n3A_398 = arith.select %eq3A_394, %broadcast_in_dim3A_396, %broadcast_in_dim3A_397 : vector<16xi1>, vector<16xf32>
        %add3A_399 = arith.addf %add3A_391, %select_n3A_398 : vector<16xf32>
        %eq3A_400 = arith.constant 3 : i32
        %eq3A_401 = vector.broadcast %eq3A_400 : i32 to vector<16xi32>
        %eq3A_402 = arith.cmpi eq, %iota3A, %eq3A_401 : vector<16xi32>
        %jit3A_403 = arith.constant 0.000000e+00 : f32
        %broadcast_in_dim3A_404 = vector.broadcast %reduce_max3A_357 : f32 to vector<16xf32>
        %broadcast_in_dim3A_405 = vector.broadcast %jit3A_403 : f32 to vector<16xf32>
        %select_n3A_406 = arith.select %eq3A_402, %broadcast_in_dim3A_404, %broadcast_in_dim3A_405 : vector<16xi1>, vector<16xf32>
        %add3A_407 = arith.addf %add3A_399, %select_n3A_406 : vector<16xf32>
        %eq3A_408 = arith.constant 4 : i32
        %eq3A_409 = vector.broadcast %eq3A_408 : i32 to vector<16xi32>
        %eq3A_410 = arith.cmpi eq, %iota3A, %eq3A_409 : vector<16xi32>
        %jit3A_411 = arith.constant 0.000000e+00 : f32
        %broadcast_in_dim3A_412 = vector.broadcast %reduce_max3A_362 : f32 to vector<16xf32>
        %broadcast_in_dim3A_413 = vector.broadcast %jit3A_411 : f32 to vector<16xf32>
        %select_n3A_414 = arith.select %eq3A_410, %broadcast_in_dim3A_412, %broadcast_in_dim3A_413 : vector<16xi1>, vector<16xf32>
        %add3A_415 = arith.addf %add3A_407, %select_n3A_414 : vector<16xf32>
        %eq3A_416 = arith.constant 5 : i32
        %eq3A_417 = vector.broadcast %eq3A_416 : i32 to vector<16xi32>
        %eq3A_418 = arith.cmpi eq, %iota3A, %eq3A_417 : vector<16xi32>
        %jit3A_419 = arith.constant 0.000000e+00 : f32
        %broadcast_in_dim3A_420 = vector.broadcast %reduce_max3A_367 : f32 to vector<16xf32>
        %broadcast_in_dim3A_421 = vector.broadcast %jit3A_419 : f32 to vector<16xf32>
        %select_n3A_422 = arith.select %eq3A_418, %broadcast_in_dim3A_420, %broadcast_in_dim3A_421 : vector<16xi1>, vector<16xf32>
        %add3A_423 = arith.addf %add3A_415, %select_n3A_422 : vector<16xf32>
        %eq3A_424 = arith.constant 6 : i32
        %eq3A_425 = vector.broadcast %eq3A_424 : i32 to vector<16xi32>
        %eq3A_426 = arith.cmpi eq, %iota3A, %eq3A_425 : vector<16xi32>
        %jit3A_427 = arith.constant 0.000000e+00 : f32
        %broadcast_in_dim3A_428 = vector.broadcast %reduce_max3A_372 : f32 to vector<16xf32>
        %broadcast_in_dim3A_429 = vector.broadcast %jit3A_427 : f32 to vector<16xf32>
        %select_n3A_430 = arith.select %eq3A_426, %broadcast_in_dim3A_428, %broadcast_in_dim3A_429 : vector<16xi1>, vector<16xf32>
        %add3A_431 = arith.addf %add3A_423, %select_n3A_430 : vector<16xf32>
        %min3A_432 = arith.constant 8 : i32
        %min3A_433 = vector.broadcast %min3A_432 : i32 to vector<16xi32>
        %min3A_434 = arith.minsi %iota3A, %min3A_433 : vector<16xi32>
        %mul3A_435 = arith.constant 16 : i32
        %mul3A_436 = vector.broadcast %mul3A_435 : i32 to vector<16xi32>
        %mul3A_437 = arith.muli %min3A_434, %mul3A_436 : vector<16xi32>
        %add3A_438 = arith.constant 7 : i32
        %add3A_439 = vector.broadcast %add3A_438 : i32 to vector<16xi32>
        %add3A_440 = arith.addi %mul3A_437, %add3A_439 : vector<16xi32>
        %lt3A_441 = arith.constant 7 : i32
        %lt3A_442 = vector.broadcast %lt3A_441 : i32 to vector<16xi32>
        %lt3A_443 = arith.cmpi slt, %iota3A, %lt3A_442 : vector<16xi32>
        tpu.vector_store_idx %arg18[%add3A_440], %add3A_431 masked %lt3A_443 : memref<144xf32, #tpu.memory_space<vmem>>[vector<16xi32>], vector<16xf32>, vector<16xi1>
      } else {
      }
      %convert_element_type3A_327 = arith.extui %lt3A_199 : i1 to i32
      %cond3A_328 = arith.constant 0 : i32
      %cond3A_329 = arith.cmpi ne, %convert_element_type3A_327, %cond3A_328 : i32
      scf.if %cond3A_329 {
        %reduce_max3A_330 = arith.constant true
        %reduce_max3A_331 = vector.broadcast %reduce_max3A_330 : i1 to vector<16xi1>
        %reduce_max3A_332 = tpu.scan <max>, %while3A_210#6 masked %reduce_max3A_331 : vector<16xf32>, vector<16xi1> -> vector<16xf32>
        %reduce_max3A_333 = vector.extract %reduce_max3A_332[15] : f32 from vector<16xf32>
        %eq3A_334 = vector.broadcast %reduce_max3A_333 : f32 to vector<16xf32>
        %eq3A_335 = arith.cmpf oeq, %while3A_210#6, %eq3A_334 : vector<16xf32>
        %jit3A_336 = arith.constant 10000 : i32
        %broadcast_in_dim3A_337 = vector.broadcast %jit3A_336 : i32 to vector<16xi32>
        %select_n3A_338 = arith.select %eq3A_335, %while3A_210#7, %broadcast_in_dim3A_337 : vector<16xi1>, vector<16xi32>
        %reduce_min3A_339 = arith.constant true
        %reduce_min3A_340 = vector.broadcast %reduce_min3A_339 : i1 to vector<16xi1>
        %reduce_min3A_341 = arith.constant -2147483648 : i32
        %reduce_min3A_342 = vector.broadcast %reduce_min3A_341 : i32 to vector<16xi32>
        %reduce_min3A_343 = arith.xori %select_n3A_338, %reduce_min3A_342 : vector<16xi32>
        %reduce_min3A_344 = tpu.scan <min>, %reduce_min3A_343 masked %reduce_min3A_340 : vector<16xi32>, vector<16xi1> -> vector<16xi32>
        %reduce_min3A_345 = arith.xori %reduce_min3A_344, %reduce_min3A_342 : vector<16xi32>
        %reduce_min3A_346 = vector.extract %reduce_min3A_345[15] : i32 from vector<16xi32>
        %broadcast_in_dim3A_347 = vector.broadcast %reduce_min3A_346 : i32 to vector<16xi32>
        %gather3A_348 = tpu.vector_load_idx %arg14[%broadcast_in_dim3A_347] : memref<10016xf32, #tpu.memory_space<vmem>>[vector<16xi32>], vector<16xf32>,
        %reduce_max3A_349 = arith.constant true
        %reduce_max3A_350 = vector.broadcast %reduce_max3A_349 : i1 to vector<16xi1>
        %reduce_max3A_351 = tpu.scan <max>, %gather3A_348 masked %reduce_max3A_350 : vector<16xf32>, vector<16xi1> -> vector<16xf32>
        %reduce_max3A_352 = vector.extract %reduce_max3A_351[15] : f32 from vector<16xf32>
        %gather3A_353 = tpu.vector_load_idx %arg10[%broadcast_in_dim3A_347] : memref<10016xf32, #tpu.memory_space<vmem>>[vector<16xi32>], vector<16xf32>,
        %reduce_max3A_354 = arith.constant true
        %reduce_max3A_355 = vector.broadcast %reduce_max3A_354 : i1 to vector<16xi1>
        %reduce_max3A_356 = tpu.scan <max>, %gather3A_353 masked %reduce_max3A_355 : vector<16xf32>, vector<16xi1> -> vector<16xf32>
        %reduce_max3A_357 = vector.extract %reduce_max3A_356[15] : f32 from vector<16xf32>
        %gather3A_358 = tpu.vector_load_idx %arg11[%broadcast_in_dim3A_347] : memref<10016xf32, #tpu.memory_space<vmem>>[vector<16xi32>], vector<16xf32>,
        %reduce_max3A_359 = arith.constant true
        %reduce_max3A_360 = vector.broadcast %reduce_max3A_359 : i1 to vector<16xi1>
        %reduce_max3A_361 = tpu.scan <max>, %gather3A_358 masked %reduce_max3A_360 : vector<16xf32>, vector<16xi1> -> vector<16xf32>
        %reduce_max3A_362 = vector.extract %reduce_max3A_361[15] : f32 from vector<16xf32>
        %gather3A_363 = tpu.vector_load_idx %arg12[%broadcast_in_dim3A_347] : memref<10016xf32, #tpu.memory_space<vmem>>[vector<16xi32>], vector<16xf32>,
        %reduce_max3A_364 = arith.constant true
        %reduce_max3A_365 = vector.broadcast %reduce_max3A_364 : i1 to vector<16xi1>
        %reduce_max3A_366 = tpu.scan <max>, %gather3A_363 masked %reduce_max3A_365 : vector<16xf32>, vector<16xi1> -> vector<16xf32>
        %reduce_max3A_367 = vector.extract %reduce_max3A_366[15] : f32 from vector<16xf32>
        %gather3A_368 = tpu.vector_load_idx %arg13[%broadcast_in_dim3A_347] : memref<10016xf32, #tpu.memory_space<vmem>>[vector<16xi32>], vector<16xf32>,
        %reduce_max3A_369 = arith.constant true
        %reduce_max3A_370 = vector.broadcast %reduce_max3A_369 : i1 to vector<16xi1>
        %reduce_max3A_371 = tpu.scan <max>, %gather3A_368 masked %reduce_max3A_370 : vector<16xf32>, vector<16xi1> -> vector<16xf32>
        %reduce_max3A_372 = vector.extract %reduce_max3A_371[15] : f32 from vector<16xf32>
        %eq3A_373 = arith.constant 0 : i32
        %eq3A_374 = vector.broadcast %eq3A_373 : i32 to vector<16xi32>
        %eq3A_375 = arith.cmpi eq, %iota3A, %eq3A_374 : vector<16xi32>
        %jit3A_376 = arith.constant 0.000000e+00 : f32
        %broadcast_in_dim3A_377 = vector.broadcast %reduce_max3A_333 : f32 to vector<16xf32>
        %broadcast_in_dim3A_378 = vector.broadcast %jit3A_376 : f32 to vector<16xf32>
        %select_n3A_379 = arith.select %eq3A_375, %broadcast_in_dim3A_377, %broadcast_in_dim3A_378 : vector<16xi1>, vector<16xf32>
        %eq3A_380 = arith.constant 1 : i32
        %eq3A_381 = vector.broadcast %eq3A_380 : i32 to vector<16xi32>
        %eq3A_382 = arith.cmpi eq, %iota3A, %eq3A_381 : vector<16xi32>
        %reduce_max3A_383 = arith.constant true
        %reduce_max3A_384 = vector.broadcast %reduce_max3A_383 : i1 to vector<16xi1>
        %reduce_max3A_385 = tpu.scan <max>, %while3A_210#8 masked %reduce_max3A_384 : vector<16xf32>, vector<16xi1> -> vector<16xf32>
        %reduce_max3A_386 = vector.extract %reduce_max3A_385[15] : f32 from vector<16xf32>
        %jit3A_387 = arith.constant 0.000000e+00 : f32
        %broadcast_in_dim3A_388 = vector.broadcast %reduce_max3A_386 : f32 to vector<16xf32>
        %broadcast_in_dim3A_389 = vector.broadcast %jit3A_387 : f32 to vector<16xf32>
        %select_n3A_390 = arith.select %eq3A_382, %broadcast_in_dim3A_388, %broadcast_in_dim3A_389 : vector<16xi1>, vector<16xf32>
        %add3A_391 = arith.addf %select_n3A_379, %select_n3A_390 : vector<16xf32>
        %eq3A_392 = arith.constant 2 : i32
        %eq3A_393 = vector.broadcast %eq3A_392 : i32 to vector<16xi32>
        %eq3A_394 = arith.cmpi eq, %iota3A, %eq3A_393 : vector<16xi32>
        %jit3A_395 = arith.constant 0.000000e+00 : f32
        %broadcast_in_dim3A_396 = vector.broadcast %reduce_max3A_352 : f32 to vector<16xf32>
        %broadcast_in_dim3A_397 = vector.broadcast %jit3A_395 : f32 to vector<16xf32>
        %select_n3A_398 = arith.select %eq3A_394, %broadcast_in_dim3A_396, %broadcast_in_dim3A_397 : vector<16xi1>, vector<16xf32>
        %add3A_399 = arith.addf %add3A_391, %select_n3A_398 : vector<16xf32>
        %eq3A_400 = arith.constant 3 : i32
        %eq3A_401 = vector.broadcast %eq3A_400 : i32 to vector<16xi32>
        %eq3A_402 = arith.cmpi eq, %iota3A, %eq3A_401 : vector<16xi32>
        %jit3A_403 = arith.constant 0.000000e+00 : f32
        %broadcast_in_dim3A_404 = vector.broadcast %reduce_max3A_357 : f32 to vector<16xf32>
        %broadcast_in_dim3A_405 = vector.broadcast %jit3A_403 : f32 to vector<16xf32>
        %select_n3A_406 = arith.select %eq3A_402, %broadcast_in_dim3A_404, %broadcast_in_dim3A_405 : vector<16xi1>, vector<16xf32>
        %add3A_407 = arith.addf %add3A_399, %select_n3A_406 : vector<16xf32>
        %eq3A_408 = arith.constant 4 : i32
        %eq3A_409 = vector.broadcast %eq3A_408 : i32 to vector<16xi32>
        %eq3A_410 = arith.cmpi eq, %iota3A, %eq3A_409 : vector<16xi32>
        %jit3A_411 = arith.constant 0.000000e+00 : f32
        %broadcast_in_dim3A_412 = vector.broadcast %reduce_max3A_362 : f32 to vector<16xf32>
        %broadcast_in_dim3A_413 = vector.broadcast %jit3A_411 : f32 to vector<16xf32>
        %select_n3A_414 = arith.select %eq3A_410, %broadcast_in_dim3A_412, %broadcast_in_dim3A_413 : vector<16xi1>, vector<16xf32>
        %add3A_415 = arith.addf %add3A_407, %select_n3A_414 : vector<16xf32>
        %eq3A_416 = arith.constant 5 : i32
        %eq3A_417 = vector.broadcast %eq3A_416 : i32 to vector<16xi32>
        %eq3A_418 = arith.cmpi eq, %iota3A, %eq3A_417 : vector<16xi32>
        %jit3A_419 = arith.constant 0.000000e+00 : f32
        %broadcast_in_dim3A_420 = vector.broadcast %reduce_max3A_367 : f32 to vector<16xf32>
        %broadcast_in_dim3A_421 = vector.broadcast %jit3A_419 : f32 to vector<16xf32>
        %select_n3A_422 = arith.select %eq3A_418, %broadcast_in_dim3A_420, %broadcast_in_dim3A_421 : vector<16xi1>, vector<16xf32>
        %add3A_423 = arith.addf %add3A_415, %select_n3A_422 : vector<16xf32>
        %eq3A_424 = arith.constant 6 : i32
        %eq3A_425 = vector.broadcast %eq3A_424 : i32 to vector<16xi32>
        %eq3A_426 = arith.cmpi eq, %iota3A, %eq3A_425 : vector<16xi32>
        %jit3A_427 = arith.constant 0.000000e+00 : f32
        %broadcast_in_dim3A_428 = vector.broadcast %reduce_max3A_372 : f32 to vector<16xf32>
        %broadcast_in_dim3A_429 = vector.broadcast %jit3A_427 : f32 to vector<16xf32>
        %select_n3A_430 = arith.select %eq3A_426, %broadcast_in_dim3A_428, %broadcast_in_dim3A_429 : vector<16xi1>, vector<16xf32>
        %add3A_431 = arith.addf %add3A_423, %select_n3A_430 : vector<16xf32>
        %min3A_432 = arith.constant 8 : i32
        %min3A_433 = vector.broadcast %min3A_432 : i32 to vector<16xi32>
        %min3A_434 = arith.minsi %iota3A, %min3A_433 : vector<16xi32>
        %mul3A_435 = arith.constant 16 : i32
        %mul3A_436 = vector.broadcast %mul3A_435 : i32 to vector<16xi32>
        %mul3A_437 = arith.muli %min3A_434, %mul3A_436 : vector<16xi32>
        %add3A_438 = arith.constant 8 : i32
        %add3A_439 = vector.broadcast %add3A_438 : i32 to vector<16xi32>
        %add3A_440 = arith.addi %mul3A_437, %add3A_439 : vector<16xi32>
        %lt3A_441 = arith.constant 7 : i32
        %lt3A_442 = vector.broadcast %lt3A_441 : i32 to vector<16xi32>
        %lt3A_443 = arith.cmpi slt, %iota3A, %lt3A_442 : vector<16xi32>
        tpu.vector_store_idx %arg18[%add3A_440], %add3A_431 masked %lt3A_443 : memref<144xf32, #tpu.memory_space<vmem>>[vector<16xi32>], vector<16xf32>, vector<16xi1>
      } else {
      }
    } else {
    }
    %lt3A_168 = arith.constant 9 : i32
    %lt3A_169 = arith.cmpi slt, %lt3A_168, %select_n3A_148 : i32
    %convert_element_type3A_170 = arith.extui %lt3A_169 : i1 to i32
    %cond3A_171 = arith.constant 0 : i32
    %cond3A_172 = arith.cmpi ne, %convert_element_type3A_170, %cond3A_171 : i32
    scf.if %cond3A_172 {
      %lt3A_196 = arith.constant 10 : i32
      %lt3A_197 = arith.cmpi slt, %lt3A_196, %select_n3A_148 : i32
      %lt3A_198 = arith.constant 11 : i32
      %lt3A_199 = arith.cmpi slt, %lt3A_198, %select_n3A_148 : i32
      %while3A_200 = arith.constant 0 : i32
      %while3A_201 = arith.subi %shift_right_arithmetic3A_100, %while3A_200 : i32
      %while3A_202 = arith.addi %while3A_200, %while3A_201 : i32
      %while3A_203 = arith.constant 1 : i32
      %while3A_204 = arith.divsi %while3A_201, %while3A_203 : i32
      %while3A_205 = arith.muli %while3A_204, %while3A_203 : i32
      %while3A_206 = arith.addi %while3A_200, %while3A_205 : i32
      %while3A_207 = arith.constant 1 : i32
      %while3A_208:9 = scf.for %while3A_330 = %while3A_200 to %while3A_206 step %while3A_207 iter_args(%while3A_331 = %broadcast_in_dim3A_150, %while3A_332 = %broadcast_in_dim3A_152, %while3A_333 = %broadcast_in_dim3A_154, %while3A_334 = %broadcast_in_dim3A_150, %while3A_335 = %broadcast_in_dim3A_152, %while3A_336 = %broadcast_in_dim3A_154, %while3A_337 = %broadcast_in_dim3A_150, %while3A_338 = %broadcast_in_dim3A_152, %while3A_339 = %broadcast_in_dim3A_154) -> (vector<16xf32>, vector<16xi32>, vector<16xf32>, vector<16xf32>, vector<16xi32>, vector<16xf32>, vector<16xf32>, vector<16xi32>, vector<16xf32>)  : i32 {
        %mul3A_340 = arith.constant 16 : i32
        %mul3A_341 = arith.muli %while3A_330, %mul3A_340 : i32
        %get3A_342 = arith.index_cast %mul3A_341 : i32 to index
        %get3A_343 = tpu.vector_load %arg10[%get3A_342] {strides = array<i32>} : memref<10016xf32, #tpu.memory_space<vmem>>, vector<16xf32>,
        %get3A_344 = arith.index_cast %mul3A_341 : i32 to index
        %get3A_345 = tpu.vector_load %arg11[%get3A_344] {strides = array<i32>} : memref<10016xf32, #tpu.memory_space<vmem>>, vector<16xf32>,
        %get3A_346 = arith.index_cast %mul3A_341 : i32 to index
        %get3A_347 = tpu.vector_load %arg12[%get3A_346] {strides = array<i32>} : memref<10016xf32, #tpu.memory_space<vmem>>, vector<16xf32>,
        %get3A_348 = arith.index_cast %mul3A_341 : i32 to index
        %get3A_349 = tpu.vector_load %arg13[%get3A_348] {strides = array<i32>} : memref<10016xf32, #tpu.memory_space<vmem>>, vector<16xf32>,
        %mul3A_350 = arith.constant 5.000000e-01 : f32
        %mul3A_351 = vector.broadcast %mul3A_350 : f32 to vector<16xf32>
        %mul3A_352 = arith.mulf %get3A_347, %mul3A_351 : vector<16xf32>
        %sub3A_353 = arith.subf %get3A_343, %mul3A_352 : vector<16xf32>
        %mul3A_354 = arith.constant 5.000000e-01 : f32
        %mul3A_355 = vector.broadcast %mul3A_354 : f32 to vector<16xf32>
        %mul3A_356 = arith.mulf %get3A_347, %mul3A_355 : vector<16xf32>
        %add3A_357 = arith.addf %get3A_343, %mul3A_356 : vector<16xf32>
        %mul3A_358 = arith.constant 5.000000e-01 : f32
        %mul3A_359 = vector.broadcast %mul3A_358 : f32 to vector<16xf32>
        %mul3A_360 = arith.mulf %get3A_349, %mul3A_359 : vector<16xf32>
        %sub3A_361 = arith.subf %get3A_345, %mul3A_360 : vector<16xf32>
        %mul3A_362 = arith.constant 5.000000e-01 : f32
        %mul3A_363 = vector.broadcast %mul3A_362 : f32 to vector<16xf32>
        %mul3A_364 = arith.mulf %get3A_349, %mul3A_363 : vector<16xf32>
        %add3A_365 = arith.addf %get3A_345, %mul3A_364 : vector<16xf32>
        %mul3A_366 = arith.mulf %get3A_347, %get3A_349 : vector<16xf32>
        %get3A_367 = arith.index_cast %mul3A_341 : i32 to index
        %get3A_368 = tpu.vector_load %arg15[%get3A_367] {strides = array<i32>} : memref<10016xi32, #tpu.memory_space<vmem>>, vector<16xi32>,
        %and3A_369 = arith.constant 1 : i32
        %and3A_370 = vector.broadcast %and3A_369 : i32 to vector<16xi32>
        %and3A_371 = arith.andi %get3A_368, %and3A_370 : vector<16xi32>
        %ne3A = arith.constant 0 : i32
        %ne3A_372 = vector.broadcast %ne3A : i32 to vector<16xi32>
        %ne3A_373 = arith.cmpi ne, %and3A_371, %ne3A_372 : vector<16xi32>
        %and3A_374 = arith.constant 2 : i32
        %and3A_375 = vector.broadcast %and3A_374 : i32 to vector<16xi32>
        %and3A_376 = arith.andi %get3A_368, %and3A_375 : vector<16xi32>
        %ne3A_377 = arith.constant 0 : i32
        %ne3A_378 = vector.broadcast %ne3A_377 : i32 to vector<16xi32>
        %ne3A_379 = arith.cmpi ne, %and3A_376, %ne3A_378 : vector<16xi32>
        %slice3A_380 = vector.extract_strided_slice %sub3A {offsets = [9], sizes = [1], strides = [1]} : vector<16xf32> to vector<1xf32>
        %squeeze3A_381 = vector.extract %slice3A_380[0] : f32 from vector<1xf32>
        %max3A = vector.broadcast %squeeze3A_381 : f32 to vector<16xf32>
        %max3A_382 = arith.maximumf %sub3A_353, %max3A : vector<16xf32>
        %slice3A_383 = vector.extract_strided_slice %add3A_124 {offsets = [9], sizes = [1], strides = [1]} : vector<16xf32> to vector<1xf32>
        %squeeze3A_384 = vector.extract %slice3A_383[0] : f32 from vector<1xf32>
        %min3A_385 = vector.broadcast %squeeze3A_384 : f32 to vector<16xf32>
        %min3A_386 = arith.minimumf %add3A_357, %min3A_385 : vector<16xf32>
        %slice3A_387 = vector.extract_strided_slice %sub3A_128 {offsets = [9], sizes = [1], strides = [1]} : vector<16xf32> to vector<1xf32>
        %squeeze3A_388 = vector.extract %slice3A_387[0] : f32 from vector<1xf32>
        %max3A_389 = vector.broadcast %squeeze3A_388 : f32 to vector<16xf32>
        %max3A_390 = arith.maximumf %sub3A_361, %max3A_389 : vector<16xf32>
        %slice3A_391 = vector.extract_strided_slice %add3A_132 {offsets = [9], sizes = [1], strides = [1]} : vector<16xf32> to vector<1xf32>
        %squeeze3A_392 = vector.extract %slice3A_391[0] : f32 from vector<1xf32>
        %min3A_393 = vector.broadcast %squeeze3A_392 : f32 to vector<16xf32>
        %min3A_394 = arith.minimumf %add3A_365, %min3A_393 : vector<16xf32>
        %lt3A_395 = arith.cmpf olt, %max3A_382, %min3A_386 : vector<16xf32>
        %lt3A_396 = arith.cmpf olt, %max3A_390, %min3A_394 : vector<16xf32>
        %and3A_397 = arith.andi %lt3A_395, %lt3A_396 : vector<16xi1>
        %sub3A_398 = arith.subf %min3A_386, %max3A_382 : vector<16xf32>
        %sub3A_399 = arith.subf %min3A_394, %max3A_390 : vector<16xf32>
        %mul3A_400 = arith.mulf %sub3A_398, %sub3A_399 : vector<16xf32>
        %jit3A_401 = arith.constant 0.000000e+00 : f32
        %broadcast_in_dim3A_402 = vector.broadcast %jit3A_401 : f32 to vector<16xf32>
        %select_n3A_403 = arith.select %and3A_397, %mul3A_400, %broadcast_in_dim3A_402 : vector<16xi1>, vector<16xf32>
        %slice3A_404 = vector.extract_strided_slice %mul3A_133 {offsets = [9], sizes = [1], strides = [1]} : vector<16xf32> to vector<1xf32>
        %squeeze3A_405 = vector.extract %slice3A_404[0] : f32 from vector<1xf32>
        %add3A_406 = vector.broadcast %squeeze3A_405 : f32 to vector<16xf32>
        %add3A_407 = arith.addf %mul3A_366, %add3A_406 : vector<16xf32>
        %sub3A_408 = arith.subf %add3A_407, %select_n3A_403 : vector<16xf32>
        %div3A = arith.divf %select_n3A_403, %sub3A_408 : vector<16xf32>
        %jit3A_409 = arith.constant -1.000000e+00 : f32
        %broadcast_in_dim3A_410 = vector.broadcast %jit3A_409 : f32 to vector<16xf32>
        %select_n3A_411 = arith.select %ne3A_373, %div3A, %broadcast_in_dim3A_410 : vector<16xi1>, vector<16xf32>
        %jit3A_412 = arith.constant -1.000000e+00 : f32
        %broadcast_in_dim3A_413 = vector.broadcast %jit3A_412 : f32 to vector<16xf32>
        %select_n3A_414 = arith.select %ne3A_379, %div3A, %broadcast_in_dim3A_413 : vector<16xi1>, vector<16xf32>
        %gt3A = arith.cmpf ogt, %select_n3A_411, %while3A_331 : vector<16xf32>
        %select_n3A_415 = arith.select %gt3A, %select_n3A_411, %while3A_331 : vector<16xi1>, vector<16xf32>
        %add3A_416 = vector.broadcast %mul3A_341 : i32 to vector<16xi32>
        %add3A_417 = arith.addi %add3A_416, %iota3A : vector<16xi32>
        %select_n3A_418 = arith.select %gt3A, %add3A_417, %while3A_332 : vector<16xi1>, vector<16xi32>
        %max3A_419 = arith.maximumf %while3A_333, %select_n3A_414 : vector<16xf32>
        %and3A_420 = vector.broadcast %lt3A_197 : i1 to vector<16xi1>
        %and3A_421 = arith.andi %ne3A_373, %and3A_420 : vector<16xi1>
        %and3A_422 = vector.broadcast %lt3A_197 : i1 to vector<16xi1>
        %and3A_423 = arith.andi %ne3A_379, %and3A_422 : vector<16xi1>
        %slice3A_424 = vector.extract_strided_slice %sub3A {offsets = [10], sizes = [1], strides = [1]} : vector<16xf32> to vector<1xf32>
        %squeeze3A_425 = vector.extract %slice3A_424[0] : f32 from vector<1xf32>
        %max3A_426 = vector.broadcast %squeeze3A_425 : f32 to vector<16xf32>
        %max3A_427 = arith.maximumf %sub3A_353, %max3A_426 : vector<16xf32>
        %slice3A_428 = vector.extract_strided_slice %add3A_124 {offsets = [10], sizes = [1], strides = [1]} : vector<16xf32> to vector<1xf32>
        %squeeze3A_429 = vector.extract %slice3A_428[0] : f32 from vector<1xf32>
        %min3A_430 = vector.broadcast %squeeze3A_429 : f32 to vector<16xf32>
        %min3A_431 = arith.minimumf %add3A_357, %min3A_430 : vector<16xf32>
        %slice3A_432 = vector.extract_strided_slice %sub3A_128 {offsets = [10], sizes = [1], strides = [1]} : vector<16xf32> to vector<1xf32>
        %squeeze3A_433 = vector.extract %slice3A_432[0] : f32 from vector<1xf32>
        %max3A_434 = vector.broadcast %squeeze3A_433 : f32 to vector<16xf32>
        %max3A_435 = arith.maximumf %sub3A_361, %max3A_434 : vector<16xf32>
        %slice3A_436 = vector.extract_strided_slice %add3A_132 {offsets = [10], sizes = [1], strides = [1]} : vector<16xf32> to vector<1xf32>
        %squeeze3A_437 = vector.extract %slice3A_436[0] : f32 from vector<1xf32>
        %min3A_438 = vector.broadcast %squeeze3A_437 : f32 to vector<16xf32>
        %min3A_439 = arith.minimumf %add3A_365, %min3A_438 : vector<16xf32>
        %lt3A_440 = arith.cmpf olt, %max3A_427, %min3A_431 : vector<16xf32>
        %lt3A_441 = arith.cmpf olt, %max3A_435, %min3A_439 : vector<16xf32>
        %and3A_442 = arith.andi %lt3A_440, %lt3A_441 : vector<16xi1>
        %sub3A_443 = arith.subf %min3A_431, %max3A_427 : vector<16xf32>
        %sub3A_444 = arith.subf %min3A_439, %max3A_435 : vector<16xf32>
        %mul3A_445 = arith.mulf %sub3A_443, %sub3A_444 : vector<16xf32>
        %jit3A_446 = arith.constant 0.000000e+00 : f32
        %broadcast_in_dim3A_447 = vector.broadcast %jit3A_446 : f32 to vector<16xf32>
        %select_n3A_448 = arith.select %and3A_442, %mul3A_445, %broadcast_in_dim3A_447 : vector<16xi1>, vector<16xf32>
        %slice3A_449 = vector.extract_strided_slice %mul3A_133 {offsets = [10], sizes = [1], strides = [1]} : vector<16xf32> to vector<1xf32>
        %squeeze3A_450 = vector.extract %slice3A_449[0] : f32 from vector<1xf32>
        %add3A_451 = vector.broadcast %squeeze3A_450 : f32 to vector<16xf32>
        %add3A_452 = arith.addf %mul3A_366, %add3A_451 : vector<16xf32>
        %sub3A_453 = arith.subf %add3A_452, %select_n3A_448 : vector<16xf32>
        %div3A_454 = arith.divf %select_n3A_448, %sub3A_453 : vector<16xf32>
        %jit3A_455 = arith.constant -1.000000e+00 : f32
        %broadcast_in_dim3A_456 = vector.broadcast %jit3A_455 : f32 to vector<16xf32>
        %select_n3A_457 = arith.select %and3A_421, %div3A_454, %broadcast_in_dim3A_456 : vector<16xi1>, vector<16xf32>
        %jit3A_458 = arith.constant -1.000000e+00 : f32
        %broadcast_in_dim3A_459 = vector.broadcast %jit3A_458 : f32 to vector<16xf32>
        %select_n3A_460 = arith.select %and3A_423, %div3A_454, %broadcast_in_dim3A_459 : vector<16xi1>, vector<16xf32>
        %gt3A_461 = arith.cmpf ogt, %select_n3A_457, %while3A_334 : vector<16xf32>
        %select_n3A_462 = arith.select %gt3A_461, %select_n3A_457, %while3A_334 : vector<16xi1>, vector<16xf32>
        %add3A_463 = vector.broadcast %mul3A_341 : i32 to vector<16xi32>
        %add3A_464 = arith.addi %add3A_463, %iota3A : vector<16xi32>
        %select_n3A_465 = arith.select %gt3A_461, %add3A_464, %while3A_335 : vector<16xi1>, vector<16xi32>
        %max3A_466 = arith.maximumf %while3A_336, %select_n3A_460 : vector<16xf32>
        %and3A_467 = vector.broadcast %lt3A_199 : i1 to vector<16xi1>
        %and3A_468 = arith.andi %ne3A_373, %and3A_467 : vector<16xi1>
        %and3A_469 = vector.broadcast %lt3A_199 : i1 to vector<16xi1>
        %and3A_470 = arith.andi %ne3A_379, %and3A_469 : vector<16xi1>
        %slice3A_471 = vector.extract_strided_slice %sub3A {offsets = [11], sizes = [1], strides = [1]} : vector<16xf32> to vector<1xf32>
        %squeeze3A_472 = vector.extract %slice3A_471[0] : f32 from vector<1xf32>
        %max3A_473 = vector.broadcast %squeeze3A_472 : f32 to vector<16xf32>
        %max3A_474 = arith.maximumf %sub3A_353, %max3A_473 : vector<16xf32>
        %slice3A_475 = vector.extract_strided_slice %add3A_124 {offsets = [11], sizes = [1], strides = [1]} : vector<16xf32> to vector<1xf32>
        %squeeze3A_476 = vector.extract %slice3A_475[0] : f32 from vector<1xf32>
        %min3A_477 = vector.broadcast %squeeze3A_476 : f32 to vector<16xf32>
        %min3A_478 = arith.minimumf %add3A_357, %min3A_477 : vector<16xf32>
        %slice3A_479 = vector.extract_strided_slice %sub3A_128 {offsets = [11], sizes = [1], strides = [1]} : vector<16xf32> to vector<1xf32>
        %squeeze3A_480 = vector.extract %slice3A_479[0] : f32 from vector<1xf32>
        %max3A_481 = vector.broadcast %squeeze3A_480 : f32 to vector<16xf32>
        %max3A_482 = arith.maximumf %sub3A_361, %max3A_481 : vector<16xf32>
        %slice3A_483 = vector.extract_strided_slice %add3A_132 {offsets = [11], sizes = [1], strides = [1]} : vector<16xf32> to vector<1xf32>
        %squeeze3A_484 = vector.extract %slice3A_483[0] : f32 from vector<1xf32>
        %min3A_485 = vector.broadcast %squeeze3A_484 : f32 to vector<16xf32>
        %min3A_486 = arith.minimumf %add3A_365, %min3A_485 : vector<16xf32>
        %lt3A_487 = arith.cmpf olt, %max3A_474, %min3A_478 : vector<16xf32>
        %lt3A_488 = arith.cmpf olt, %max3A_482, %min3A_486 : vector<16xf32>
        %and3A_489 = arith.andi %lt3A_487, %lt3A_488 : vector<16xi1>
        %sub3A_490 = arith.subf %min3A_478, %max3A_474 : vector<16xf32>
        %sub3A_491 = arith.subf %min3A_486, %max3A_482 : vector<16xf32>
        %mul3A_492 = arith.mulf %sub3A_490, %sub3A_491 : vector<16xf32>
        %jit3A_493 = arith.constant 0.000000e+00 : f32
        %broadcast_in_dim3A_494 = vector.broadcast %jit3A_493 : f32 to vector<16xf32>
        %select_n3A_495 = arith.select %and3A_489, %mul3A_492, %broadcast_in_dim3A_494 : vector<16xi1>, vector<16xf32>
        %slice3A_496 = vector.extract_strided_slice %mul3A_133 {offsets = [11], sizes = [1], strides = [1]} : vector<16xf32> to vector<1xf32>
        %squeeze3A_497 = vector.extract %slice3A_496[0] : f32 from vector<1xf32>
        %add3A_498 = vector.broadcast %squeeze3A_497 : f32 to vector<16xf32>
        %add3A_499 = arith.addf %mul3A_366, %add3A_498 : vector<16xf32>
        %sub3A_500 = arith.subf %add3A_499, %select_n3A_495 : vector<16xf32>
        %div3A_501 = arith.divf %select_n3A_495, %sub3A_500 : vector<16xf32>
        %jit3A_502 = arith.constant -1.000000e+00 : f32
        %broadcast_in_dim3A_503 = vector.broadcast %jit3A_502 : f32 to vector<16xf32>
        %select_n3A_504 = arith.select %and3A_468, %div3A_501, %broadcast_in_dim3A_503 : vector<16xi1>, vector<16xf32>
        %jit3A_505 = arith.constant -1.000000e+00 : f32
        %broadcast_in_dim3A_506 = vector.broadcast %jit3A_505 : f32 to vector<16xf32>
        %select_n3A_507 = arith.select %and3A_470, %div3A_501, %broadcast_in_dim3A_506 : vector<16xi1>, vector<16xf32>
        %gt3A_508 = arith.cmpf ogt, %select_n3A_504, %while3A_337 : vector<16xf32>
        %select_n3A_509 = arith.select %gt3A_508, %select_n3A_504, %while3A_337 : vector<16xi1>, vector<16xf32>
        %add3A_510 = vector.broadcast %mul3A_341 : i32 to vector<16xi32>
        %add3A_511 = arith.addi %add3A_510, %iota3A : vector<16xi32>
        %select_n3A_512 = arith.select %gt3A_508, %add3A_511, %while3A_338 : vector<16xi1>, vector<16xi32>
        %max3A_513 = arith.maximumf %while3A_339, %select_n3A_507 : vector<16xf32>
        scf.yield %select_n3A_415, %select_n3A_418, %max3A_419, %select_n3A_462, %select_n3A_465, %max3A_466, %select_n3A_509, %select_n3A_512, %max3A_513 : vector<16xf32>, vector<16xi32>, vector<16xf32>, vector<16xf32>, vector<16xi32>, vector<16xf32>, vector<16xf32>, vector<16xi32>, vector<16xf32>
      }
      %while3A_209 = arith.constant 1 : i32
      %while3A_210:9 = scf.for %while3A_330 = %while3A_206 to %while3A_202 step %while3A_209 iter_args(%while3A_331 = %while3A_208#0, %while3A_332 = %while3A_208#1, %while3A_333 = %while3A_208#2, %while3A_334 = %while3A_208#3, %while3A_335 = %while3A_208#4, %while3A_336 = %while3A_208#5, %while3A_337 = %while3A_208#6, %while3A_338 = %while3A_208#7, %while3A_339 = %while3A_208#8) -> (vector<16xf32>, vector<16xi32>, vector<16xf32>, vector<16xf32>, vector<16xi32>, vector<16xf32>, vector<16xf32>, vector<16xi32>, vector<16xf32>)  : i32 {
        %mul3A_340 = arith.constant 16 : i32
        %mul3A_341 = arith.muli %while3A_330, %mul3A_340 : i32
        %get3A_342 = arith.index_cast %mul3A_341 : i32 to index
        %get3A_343 = tpu.vector_load %arg10[%get3A_342] {strides = array<i32>} : memref<10016xf32, #tpu.memory_space<vmem>>, vector<16xf32>,
        %get3A_344 = arith.index_cast %mul3A_341 : i32 to index
        %get3A_345 = tpu.vector_load %arg11[%get3A_344] {strides = array<i32>} : memref<10016xf32, #tpu.memory_space<vmem>>, vector<16xf32>,
        %get3A_346 = arith.index_cast %mul3A_341 : i32 to index
        %get3A_347 = tpu.vector_load %arg12[%get3A_346] {strides = array<i32>} : memref<10016xf32, #tpu.memory_space<vmem>>, vector<16xf32>,
        %get3A_348 = arith.index_cast %mul3A_341 : i32 to index
        %get3A_349 = tpu.vector_load %arg13[%get3A_348] {strides = array<i32>} : memref<10016xf32, #tpu.memory_space<vmem>>, vector<16xf32>,
        %mul3A_350 = arith.constant 5.000000e-01 : f32
        %mul3A_351 = vector.broadcast %mul3A_350 : f32 to vector<16xf32>
        %mul3A_352 = arith.mulf %get3A_347, %mul3A_351 : vector<16xf32>
        %sub3A_353 = arith.subf %get3A_343, %mul3A_352 : vector<16xf32>
        %mul3A_354 = arith.constant 5.000000e-01 : f32
        %mul3A_355 = vector.broadcast %mul3A_354 : f32 to vector<16xf32>
        %mul3A_356 = arith.mulf %get3A_347, %mul3A_355 : vector<16xf32>
        %add3A_357 = arith.addf %get3A_343, %mul3A_356 : vector<16xf32>
        %mul3A_358 = arith.constant 5.000000e-01 : f32
        %mul3A_359 = vector.broadcast %mul3A_358 : f32 to vector<16xf32>
        %mul3A_360 = arith.mulf %get3A_349, %mul3A_359 : vector<16xf32>
        %sub3A_361 = arith.subf %get3A_345, %mul3A_360 : vector<16xf32>
        %mul3A_362 = arith.constant 5.000000e-01 : f32
        %mul3A_363 = vector.broadcast %mul3A_362 : f32 to vector<16xf32>
        %mul3A_364 = arith.mulf %get3A_349, %mul3A_363 : vector<16xf32>
        %add3A_365 = arith.addf %get3A_345, %mul3A_364 : vector<16xf32>
        %mul3A_366 = arith.mulf %get3A_347, %get3A_349 : vector<16xf32>
        %get3A_367 = arith.index_cast %mul3A_341 : i32 to index
        %get3A_368 = tpu.vector_load %arg15[%get3A_367] {strides = array<i32>} : memref<10016xi32, #tpu.memory_space<vmem>>, vector<16xi32>,
        %and3A_369 = arith.constant 1 : i32
        %and3A_370 = vector.broadcast %and3A_369 : i32 to vector<16xi32>
        %and3A_371 = arith.andi %get3A_368, %and3A_370 : vector<16xi32>
        %ne3A = arith.constant 0 : i32
        %ne3A_372 = vector.broadcast %ne3A : i32 to vector<16xi32>
        %ne3A_373 = arith.cmpi ne, %and3A_371, %ne3A_372 : vector<16xi32>
        %and3A_374 = arith.constant 2 : i32
        %and3A_375 = vector.broadcast %and3A_374 : i32 to vector<16xi32>
        %and3A_376 = arith.andi %get3A_368, %and3A_375 : vector<16xi32>
        %ne3A_377 = arith.constant 0 : i32
        %ne3A_378 = vector.broadcast %ne3A_377 : i32 to vector<16xi32>
        %ne3A_379 = arith.cmpi ne, %and3A_376, %ne3A_378 : vector<16xi32>
        %slice3A_380 = vector.extract_strided_slice %sub3A {offsets = [9], sizes = [1], strides = [1]} : vector<16xf32> to vector<1xf32>
        %squeeze3A_381 = vector.extract %slice3A_380[0] : f32 from vector<1xf32>
        %max3A = vector.broadcast %squeeze3A_381 : f32 to vector<16xf32>
        %max3A_382 = arith.maximumf %sub3A_353, %max3A : vector<16xf32>
        %slice3A_383 = vector.extract_strided_slice %add3A_124 {offsets = [9], sizes = [1], strides = [1]} : vector<16xf32> to vector<1xf32>
        %squeeze3A_384 = vector.extract %slice3A_383[0] : f32 from vector<1xf32>
        %min3A_385 = vector.broadcast %squeeze3A_384 : f32 to vector<16xf32>
        %min3A_386 = arith.minimumf %add3A_357, %min3A_385 : vector<16xf32>
        %slice3A_387 = vector.extract_strided_slice %sub3A_128 {offsets = [9], sizes = [1], strides = [1]} : vector<16xf32> to vector<1xf32>
        %squeeze3A_388 = vector.extract %slice3A_387[0] : f32 from vector<1xf32>
        %max3A_389 = vector.broadcast %squeeze3A_388 : f32 to vector<16xf32>
        %max3A_390 = arith.maximumf %sub3A_361, %max3A_389 : vector<16xf32>
        %slice3A_391 = vector.extract_strided_slice %add3A_132 {offsets = [9], sizes = [1], strides = [1]} : vector<16xf32> to vector<1xf32>
        %squeeze3A_392 = vector.extract %slice3A_391[0] : f32 from vector<1xf32>
        %min3A_393 = vector.broadcast %squeeze3A_392 : f32 to vector<16xf32>
        %min3A_394 = arith.minimumf %add3A_365, %min3A_393 : vector<16xf32>
        %lt3A_395 = arith.cmpf olt, %max3A_382, %min3A_386 : vector<16xf32>
        %lt3A_396 = arith.cmpf olt, %max3A_390, %min3A_394 : vector<16xf32>
        %and3A_397 = arith.andi %lt3A_395, %lt3A_396 : vector<16xi1>
        %sub3A_398 = arith.subf %min3A_386, %max3A_382 : vector<16xf32>
        %sub3A_399 = arith.subf %min3A_394, %max3A_390 : vector<16xf32>
        %mul3A_400 = arith.mulf %sub3A_398, %sub3A_399 : vector<16xf32>
        %jit3A_401 = arith.constant 0.000000e+00 : f32
        %broadcast_in_dim3A_402 = vector.broadcast %jit3A_401 : f32 to vector<16xf32>
        %select_n3A_403 = arith.select %and3A_397, %mul3A_400, %broadcast_in_dim3A_402 : vector<16xi1>, vector<16xf32>
        %slice3A_404 = vector.extract_strided_slice %mul3A_133 {offsets = [9], sizes = [1], strides = [1]} : vector<16xf32> to vector<1xf32>
        %squeeze3A_405 = vector.extract %slice3A_404[0] : f32 from vector<1xf32>
        %add3A_406 = vector.broadcast %squeeze3A_405 : f32 to vector<16xf32>
        %add3A_407 = arith.addf %mul3A_366, %add3A_406 : vector<16xf32>
        %sub3A_408 = arith.subf %add3A_407, %select_n3A_403 : vector<16xf32>
        %div3A = arith.divf %select_n3A_403, %sub3A_408 : vector<16xf32>
        %jit3A_409 = arith.constant -1.000000e+00 : f32
        %broadcast_in_dim3A_410 = vector.broadcast %jit3A_409 : f32 to vector<16xf32>
        %select_n3A_411 = arith.select %ne3A_373, %div3A, %broadcast_in_dim3A_410 : vector<16xi1>, vector<16xf32>
        %jit3A_412 = arith.constant -1.000000e+00 : f32
        %broadcast_in_dim3A_413 = vector.broadcast %jit3A_412 : f32 to vector<16xf32>
        %select_n3A_414 = arith.select %ne3A_379, %div3A, %broadcast_in_dim3A_413 : vector<16xi1>, vector<16xf32>
        %gt3A = arith.cmpf ogt, %select_n3A_411, %while3A_331 : vector<16xf32>
        %select_n3A_415 = arith.select %gt3A, %select_n3A_411, %while3A_331 : vector<16xi1>, vector<16xf32>
        %add3A_416 = vector.broadcast %mul3A_341 : i32 to vector<16xi32>
        %add3A_417 = arith.addi %add3A_416, %iota3A : vector<16xi32>
        %select_n3A_418 = arith.select %gt3A, %add3A_417, %while3A_332 : vector<16xi1>, vector<16xi32>
        %max3A_419 = arith.maximumf %while3A_333, %select_n3A_414 : vector<16xf32>
        %and3A_420 = vector.broadcast %lt3A_197 : i1 to vector<16xi1>
        %and3A_421 = arith.andi %ne3A_373, %and3A_420 : vector<16xi1>
        %and3A_422 = vector.broadcast %lt3A_197 : i1 to vector<16xi1>
        %and3A_423 = arith.andi %ne3A_379, %and3A_422 : vector<16xi1>
        %slice3A_424 = vector.extract_strided_slice %sub3A {offsets = [10], sizes = [1], strides = [1]} : vector<16xf32> to vector<1xf32>
        %squeeze3A_425 = vector.extract %slice3A_424[0] : f32 from vector<1xf32>
        %max3A_426 = vector.broadcast %squeeze3A_425 : f32 to vector<16xf32>
        %max3A_427 = arith.maximumf %sub3A_353, %max3A_426 : vector<16xf32>
        %slice3A_428 = vector.extract_strided_slice %add3A_124 {offsets = [10], sizes = [1], strides = [1]} : vector<16xf32> to vector<1xf32>
        %squeeze3A_429 = vector.extract %slice3A_428[0] : f32 from vector<1xf32>
        %min3A_430 = vector.broadcast %squeeze3A_429 : f32 to vector<16xf32>
        %min3A_431 = arith.minimumf %add3A_357, %min3A_430 : vector<16xf32>
        %slice3A_432 = vector.extract_strided_slice %sub3A_128 {offsets = [10], sizes = [1], strides = [1]} : vector<16xf32> to vector<1xf32>
        %squeeze3A_433 = vector.extract %slice3A_432[0] : f32 from vector<1xf32>
        %max3A_434 = vector.broadcast %squeeze3A_433 : f32 to vector<16xf32>
        %max3A_435 = arith.maximumf %sub3A_361, %max3A_434 : vector<16xf32>
        %slice3A_436 = vector.extract_strided_slice %add3A_132 {offsets = [10], sizes = [1], strides = [1]} : vector<16xf32> to vector<1xf32>
        %squeeze3A_437 = vector.extract %slice3A_436[0] : f32 from vector<1xf32>
        %min3A_438 = vector.broadcast %squeeze3A_437 : f32 to vector<16xf32>
        %min3A_439 = arith.minimumf %add3A_365, %min3A_438 : vector<16xf32>
        %lt3A_440 = arith.cmpf olt, %max3A_427, %min3A_431 : vector<16xf32>
        %lt3A_441 = arith.cmpf olt, %max3A_435, %min3A_439 : vector<16xf32>
        %and3A_442 = arith.andi %lt3A_440, %lt3A_441 : vector<16xi1>
        %sub3A_443 = arith.subf %min3A_431, %max3A_427 : vector<16xf32>
        %sub3A_444 = arith.subf %min3A_439, %max3A_435 : vector<16xf32>
        %mul3A_445 = arith.mulf %sub3A_443, %sub3A_444 : vector<16xf32>
        %jit3A_446 = arith.constant 0.000000e+00 : f32
        %broadcast_in_dim3A_447 = vector.broadcast %jit3A_446 : f32 to vector<16xf32>
        %select_n3A_448 = arith.select %and3A_442, %mul3A_445, %broadcast_in_dim3A_447 : vector<16xi1>, vector<16xf32>
        %slice3A_449 = vector.extract_strided_slice %mul3A_133 {offsets = [10], sizes = [1], strides = [1]} : vector<16xf32> to vector<1xf32>
        %squeeze3A_450 = vector.extract %slice3A_449[0] : f32 from vector<1xf32>
        %add3A_451 = vector.broadcast %squeeze3A_450 : f32 to vector<16xf32>
        %add3A_452 = arith.addf %mul3A_366, %add3A_451 : vector<16xf32>
        %sub3A_453 = arith.subf %add3A_452, %select_n3A_448 : vector<16xf32>
        %div3A_454 = arith.divf %select_n3A_448, %sub3A_453 : vector<16xf32>
        %jit3A_455 = arith.constant -1.000000e+00 : f32
        %broadcast_in_dim3A_456 = vector.broadcast %jit3A_455 : f32 to vector<16xf32>
        %select_n3A_457 = arith.select %and3A_421, %div3A_454, %broadcast_in_dim3A_456 : vector<16xi1>, vector<16xf32>
        %jit3A_458 = arith.constant -1.000000e+00 : f32
        %broadcast_in_dim3A_459 = vector.broadcast %jit3A_458 : f32 to vector<16xf32>
        %select_n3A_460 = arith.select %and3A_423, %div3A_454, %broadcast_in_dim3A_459 : vector<16xi1>, vector<16xf32>
        %gt3A_461 = arith.cmpf ogt, %select_n3A_457, %while3A_334 : vector<16xf32>
        %select_n3A_462 = arith.select %gt3A_461, %select_n3A_457, %while3A_334 : vector<16xi1>, vector<16xf32>
        %add3A_463 = vector.broadcast %mul3A_341 : i32 to vector<16xi32>
        %add3A_464 = arith.addi %add3A_463, %iota3A : vector<16xi32>
        %select_n3A_465 = arith.select %gt3A_461, %add3A_464, %while3A_335 : vector<16xi1>, vector<16xi32>
        %max3A_466 = arith.maximumf %while3A_336, %select_n3A_460 : vector<16xf32>
        %and3A_467 = vector.broadcast %lt3A_199 : i1 to vector<16xi1>
        %and3A_468 = arith.andi %ne3A_373, %and3A_467 : vector<16xi1>
        %and3A_469 = vector.broadcast %lt3A_199 : i1 to vector<16xi1>
        %and3A_470 = arith.andi %ne3A_379, %and3A_469 : vector<16xi1>
        %slice3A_471 = vector.extract_strided_slice %sub3A {offsets = [11], sizes = [1], strides = [1]} : vector<16xf32> to vector<1xf32>
        %squeeze3A_472 = vector.extract %slice3A_471[0] : f32 from vector<1xf32>
        %max3A_473 = vector.broadcast %squeeze3A_472 : f32 to vector<16xf32>
        %max3A_474 = arith.maximumf %sub3A_353, %max3A_473 : vector<16xf32>
        %slice3A_475 = vector.extract_strided_slice %add3A_124 {offsets = [11], sizes = [1], strides = [1]} : vector<16xf32> to vector<1xf32>
        %squeeze3A_476 = vector.extract %slice3A_475[0] : f32 from vector<1xf32>
        %min3A_477 = vector.broadcast %squeeze3A_476 : f32 to vector<16xf32>
        %min3A_478 = arith.minimumf %add3A_357, %min3A_477 : vector<16xf32>
        %slice3A_479 = vector.extract_strided_slice %sub3A_128 {offsets = [11], sizes = [1], strides = [1]} : vector<16xf32> to vector<1xf32>
        %squeeze3A_480 = vector.extract %slice3A_479[0] : f32 from vector<1xf32>
        %max3A_481 = vector.broadcast %squeeze3A_480 : f32 to vector<16xf32>
        %max3A_482 = arith.maximumf %sub3A_361, %max3A_481 : vector<16xf32>
        %slice3A_483 = vector.extract_strided_slice %add3A_132 {offsets = [11], sizes = [1], strides = [1]} : vector<16xf32> to vector<1xf32>
        %squeeze3A_484 = vector.extract %slice3A_483[0] : f32 from vector<1xf32>
        %min3A_485 = vector.broadcast %squeeze3A_484 : f32 to vector<16xf32>
        %min3A_486 = arith.minimumf %add3A_365, %min3A_485 : vector<16xf32>
        %lt3A_487 = arith.cmpf olt, %max3A_474, %min3A_478 : vector<16xf32>
        %lt3A_488 = arith.cmpf olt, %max3A_482, %min3A_486 : vector<16xf32>
        %and3A_489 = arith.andi %lt3A_487, %lt3A_488 : vector<16xi1>
        %sub3A_490 = arith.subf %min3A_478, %max3A_474 : vector<16xf32>
        %sub3A_491 = arith.subf %min3A_486, %max3A_482 : vector<16xf32>
        %mul3A_492 = arith.mulf %sub3A_490, %sub3A_491 : vector<16xf32>
        %jit3A_493 = arith.constant 0.000000e+00 : f32
        %broadcast_in_dim3A_494 = vector.broadcast %jit3A_493 : f32 to vector<16xf32>
        %select_n3A_495 = arith.select %and3A_489, %mul3A_492, %broadcast_in_dim3A_494 : vector<16xi1>, vector<16xf32>
        %slice3A_496 = vector.extract_strided_slice %mul3A_133 {offsets = [11], sizes = [1], strides = [1]} : vector<16xf32> to vector<1xf32>
        %squeeze3A_497 = vector.extract %slice3A_496[0] : f32 from vector<1xf32>
        %add3A_498 = vector.broadcast %squeeze3A_497 : f32 to vector<16xf32>
        %add3A_499 = arith.addf %mul3A_366, %add3A_498 : vector<16xf32>
        %sub3A_500 = arith.subf %add3A_499, %select_n3A_495 : vector<16xf32>
        %div3A_501 = arith.divf %select_n3A_495, %sub3A_500 : vector<16xf32>
        %jit3A_502 = arith.constant -1.000000e+00 : f32
        %broadcast_in_dim3A_503 = vector.broadcast %jit3A_502 : f32 to vector<16xf32>
        %select_n3A_504 = arith.select %and3A_468, %div3A_501, %broadcast_in_dim3A_503 : vector<16xi1>, vector<16xf32>
        %jit3A_505 = arith.constant -1.000000e+00 : f32
        %broadcast_in_dim3A_506 = vector.broadcast %jit3A_505 : f32 to vector<16xf32>
        %select_n3A_507 = arith.select %and3A_470, %div3A_501, %broadcast_in_dim3A_506 : vector<16xi1>, vector<16xf32>
        %gt3A_508 = arith.cmpf ogt, %select_n3A_504, %while3A_337 : vector<16xf32>
        %select_n3A_509 = arith.select %gt3A_508, %select_n3A_504, %while3A_337 : vector<16xi1>, vector<16xf32>
        %add3A_510 = vector.broadcast %mul3A_341 : i32 to vector<16xi32>
        %add3A_511 = arith.addi %add3A_510, %iota3A : vector<16xi32>
        %select_n3A_512 = arith.select %gt3A_508, %add3A_511, %while3A_338 : vector<16xi1>, vector<16xi32>
        %max3A_513 = arith.maximumf %while3A_339, %select_n3A_507 : vector<16xf32>
        scf.yield %select_n3A_415, %select_n3A_418, %max3A_419, %select_n3A_462, %select_n3A_465, %max3A_466, %select_n3A_509, %select_n3A_512, %max3A_513 : vector<16xf32>, vector<16xi32>, vector<16xf32>, vector<16xf32>, vector<16xi32>, vector<16xf32>, vector<16xf32>, vector<16xi32>, vector<16xf32>
      }
      %reduce_max3A = arith.constant true
      %reduce_max3A_211 = vector.broadcast %reduce_max3A : i1 to vector<16xi1>
      %reduce_max3A_212 = tpu.scan <max>, %while3A_210#0 masked %reduce_max3A_211 : vector<16xf32>, vector<16xi1> -> vector<16xf32>
      %reduce_max3A_213 = vector.extract %reduce_max3A_212[15] : f32 from vector<16xf32>
      %eq3A_214 = vector.broadcast %reduce_max3A_213 : f32 to vector<16xf32>
      %eq3A_215 = arith.cmpf oeq, %while3A_210#0, %eq3A_214 : vector<16xf32>
      %jit3A_216 = arith.constant 10000 : i32
      %broadcast_in_dim3A_217 = vector.broadcast %jit3A_216 : i32 to vector<16xi32>
      %select_n3A_218 = arith.select %eq3A_215, %while3A_210#1, %broadcast_in_dim3A_217 : vector<16xi1>, vector<16xi32>
      %reduce_min3A_219 = arith.constant true
      %reduce_min3A_220 = vector.broadcast %reduce_min3A_219 : i1 to vector<16xi1>
      %reduce_min3A_221 = arith.constant -2147483648 : i32
      %reduce_min3A_222 = vector.broadcast %reduce_min3A_221 : i32 to vector<16xi32>
      %reduce_min3A_223 = arith.xori %select_n3A_218, %reduce_min3A_222 : vector<16xi32>
      %reduce_min3A_224 = tpu.scan <min>, %reduce_min3A_223 masked %reduce_min3A_220 : vector<16xi32>, vector<16xi1> -> vector<16xi32>
      %reduce_min3A_225 = arith.xori %reduce_min3A_224, %reduce_min3A_222 : vector<16xi32>
      %reduce_min3A_226 = vector.extract %reduce_min3A_225[15] : i32 from vector<16xi32>
      %broadcast_in_dim3A_227 = vector.broadcast %reduce_min3A_226 : i32 to vector<16xi32>
      %gather3A_228 = tpu.vector_load_idx %arg14[%broadcast_in_dim3A_227] : memref<10016xf32, #tpu.memory_space<vmem>>[vector<16xi32>], vector<16xf32>,
      %reduce_max3A_229 = arith.constant true
      %reduce_max3A_230 = vector.broadcast %reduce_max3A_229 : i1 to vector<16xi1>
      %reduce_max3A_231 = tpu.scan <max>, %gather3A_228 masked %reduce_max3A_230 : vector<16xf32>, vector<16xi1> -> vector<16xf32>
      %reduce_max3A_232 = vector.extract %reduce_max3A_231[15] : f32 from vector<16xf32>
      %gather3A_233 = tpu.vector_load_idx %arg10[%broadcast_in_dim3A_227] : memref<10016xf32, #tpu.memory_space<vmem>>[vector<16xi32>], vector<16xf32>,
      %reduce_max3A_234 = arith.constant true
      %reduce_max3A_235 = vector.broadcast %reduce_max3A_234 : i1 to vector<16xi1>
      %reduce_max3A_236 = tpu.scan <max>, %gather3A_233 masked %reduce_max3A_235 : vector<16xf32>, vector<16xi1> -> vector<16xf32>
      %reduce_max3A_237 = vector.extract %reduce_max3A_236[15] : f32 from vector<16xf32>
      %gather3A_238 = tpu.vector_load_idx %arg11[%broadcast_in_dim3A_227] : memref<10016xf32, #tpu.memory_space<vmem>>[vector<16xi32>], vector<16xf32>,
      %reduce_max3A_239 = arith.constant true
      %reduce_max3A_240 = vector.broadcast %reduce_max3A_239 : i1 to vector<16xi1>
      %reduce_max3A_241 = tpu.scan <max>, %gather3A_238 masked %reduce_max3A_240 : vector<16xf32>, vector<16xi1> -> vector<16xf32>
      %reduce_max3A_242 = vector.extract %reduce_max3A_241[15] : f32 from vector<16xf32>
      %gather3A_243 = tpu.vector_load_idx %arg12[%broadcast_in_dim3A_227] : memref<10016xf32, #tpu.memory_space<vmem>>[vector<16xi32>], vector<16xf32>,
      %reduce_max3A_244 = arith.constant true
      %reduce_max3A_245 = vector.broadcast %reduce_max3A_244 : i1 to vector<16xi1>
      %reduce_max3A_246 = tpu.scan <max>, %gather3A_243 masked %reduce_max3A_245 : vector<16xf32>, vector<16xi1> -> vector<16xf32>
      %reduce_max3A_247 = vector.extract %reduce_max3A_246[15] : f32 from vector<16xf32>
      %gather3A_248 = tpu.vector_load_idx %arg13[%broadcast_in_dim3A_227] : memref<10016xf32, #tpu.memory_space<vmem>>[vector<16xi32>], vector<16xf32>,
      %reduce_max3A_249 = arith.constant true
      %reduce_max3A_250 = vector.broadcast %reduce_max3A_249 : i1 to vector<16xi1>
      %reduce_max3A_251 = tpu.scan <max>, %gather3A_248 masked %reduce_max3A_250 : vector<16xf32>, vector<16xi1> -> vector<16xf32>
      %reduce_max3A_252 = vector.extract %reduce_max3A_251[15] : f32 from vector<16xf32>
      %eq3A_253 = arith.constant 0 : i32
      %eq3A_254 = vector.broadcast %eq3A_253 : i32 to vector<16xi32>
      %eq3A_255 = arith.cmpi eq, %iota3A, %eq3A_254 : vector<16xi32>
      %jit3A_256 = arith.constant 0.000000e+00 : f32
      %broadcast_in_dim3A_257 = vector.broadcast %reduce_max3A_213 : f32 to vector<16xf32>
      %broadcast_in_dim3A_258 = vector.broadcast %jit3A_256 : f32 to vector<16xf32>
      %select_n3A_259 = arith.select %eq3A_255, %broadcast_in_dim3A_257, %broadcast_in_dim3A_258 : vector<16xi1>, vector<16xf32>
      %eq3A_260 = arith.constant 1 : i32
      %eq3A_261 = vector.broadcast %eq3A_260 : i32 to vector<16xi32>
      %eq3A_262 = arith.cmpi eq, %iota3A, %eq3A_261 : vector<16xi32>
      %reduce_max3A_263 = arith.constant true
      %reduce_max3A_264 = vector.broadcast %reduce_max3A_263 : i1 to vector<16xi1>
      %reduce_max3A_265 = tpu.scan <max>, %while3A_210#2 masked %reduce_max3A_264 : vector<16xf32>, vector<16xi1> -> vector<16xf32>
      %reduce_max3A_266 = vector.extract %reduce_max3A_265[15] : f32 from vector<16xf32>
      %jit3A_267 = arith.constant 0.000000e+00 : f32
      %broadcast_in_dim3A_268 = vector.broadcast %reduce_max3A_266 : f32 to vector<16xf32>
      %broadcast_in_dim3A_269 = vector.broadcast %jit3A_267 : f32 to vector<16xf32>
      %select_n3A_270 = arith.select %eq3A_262, %broadcast_in_dim3A_268, %broadcast_in_dim3A_269 : vector<16xi1>, vector<16xf32>
      %add3A_271 = arith.addf %select_n3A_259, %select_n3A_270 : vector<16xf32>
      %eq3A_272 = arith.constant 2 : i32
      %eq3A_273 = vector.broadcast %eq3A_272 : i32 to vector<16xi32>
      %eq3A_274 = arith.cmpi eq, %iota3A, %eq3A_273 : vector<16xi32>
      %jit3A_275 = arith.constant 0.000000e+00 : f32
      %broadcast_in_dim3A_276 = vector.broadcast %reduce_max3A_232 : f32 to vector<16xf32>
      %broadcast_in_dim3A_277 = vector.broadcast %jit3A_275 : f32 to vector<16xf32>
      %select_n3A_278 = arith.select %eq3A_274, %broadcast_in_dim3A_276, %broadcast_in_dim3A_277 : vector<16xi1>, vector<16xf32>
      %add3A_279 = arith.addf %add3A_271, %select_n3A_278 : vector<16xf32>
      %eq3A_280 = arith.constant 3 : i32
      %eq3A_281 = vector.broadcast %eq3A_280 : i32 to vector<16xi32>
      %eq3A_282 = arith.cmpi eq, %iota3A, %eq3A_281 : vector<16xi32>
      %jit3A_283 = arith.constant 0.000000e+00 : f32
      %broadcast_in_dim3A_284 = vector.broadcast %reduce_max3A_237 : f32 to vector<16xf32>
      %broadcast_in_dim3A_285 = vector.broadcast %jit3A_283 : f32 to vector<16xf32>
      %select_n3A_286 = arith.select %eq3A_282, %broadcast_in_dim3A_284, %broadcast_in_dim3A_285 : vector<16xi1>, vector<16xf32>
      %add3A_287 = arith.addf %add3A_279, %select_n3A_286 : vector<16xf32>
      %eq3A_288 = arith.constant 4 : i32
      %eq3A_289 = vector.broadcast %eq3A_288 : i32 to vector<16xi32>
      %eq3A_290 = arith.cmpi eq, %iota3A, %eq3A_289 : vector<16xi32>
      %jit3A_291 = arith.constant 0.000000e+00 : f32
      %broadcast_in_dim3A_292 = vector.broadcast %reduce_max3A_242 : f32 to vector<16xf32>
      %broadcast_in_dim3A_293 = vector.broadcast %jit3A_291 : f32 to vector<16xf32>
      %select_n3A_294 = arith.select %eq3A_290, %broadcast_in_dim3A_292, %broadcast_in_dim3A_293 : vector<16xi1>, vector<16xf32>
      %add3A_295 = arith.addf %add3A_287, %select_n3A_294 : vector<16xf32>
      %eq3A_296 = arith.constant 5 : i32
      %eq3A_297 = vector.broadcast %eq3A_296 : i32 to vector<16xi32>
      %eq3A_298 = arith.cmpi eq, %iota3A, %eq3A_297 : vector<16xi32>
      %jit3A_299 = arith.constant 0.000000e+00 : f32
      %broadcast_in_dim3A_300 = vector.broadcast %reduce_max3A_247 : f32 to vector<16xf32>
      %broadcast_in_dim3A_301 = vector.broadcast %jit3A_299 : f32 to vector<16xf32>
      %select_n3A_302 = arith.select %eq3A_298, %broadcast_in_dim3A_300, %broadcast_in_dim3A_301 : vector<16xi1>, vector<16xf32>
      %add3A_303 = arith.addf %add3A_295, %select_n3A_302 : vector<16xf32>
      %eq3A_304 = arith.constant 6 : i32
      %eq3A_305 = vector.broadcast %eq3A_304 : i32 to vector<16xi32>
      %eq3A_306 = arith.cmpi eq, %iota3A, %eq3A_305 : vector<16xi32>
      %jit3A_307 = arith.constant 0.000000e+00 : f32
      %broadcast_in_dim3A_308 = vector.broadcast %reduce_max3A_252 : f32 to vector<16xf32>
      %broadcast_in_dim3A_309 = vector.broadcast %jit3A_307 : f32 to vector<16xf32>
      %select_n3A_310 = arith.select %eq3A_306, %broadcast_in_dim3A_308, %broadcast_in_dim3A_309 : vector<16xi1>, vector<16xf32>
      %add3A_311 = arith.addf %add3A_303, %select_n3A_310 : vector<16xf32>
      %min3A_312 = arith.constant 8 : i32
      %min3A_313 = vector.broadcast %min3A_312 : i32 to vector<16xi32>
      %min3A_314 = arith.minsi %iota3A, %min3A_313 : vector<16xi32>
      %mul3A_315 = arith.constant 16 : i32
      %mul3A_316 = vector.broadcast %mul3A_315 : i32 to vector<16xi32>
      %mul3A_317 = arith.muli %min3A_314, %mul3A_316 : vector<16xi32>
      %add3A_318 = arith.constant 9 : i32
      %add3A_319 = vector.broadcast %add3A_318 : i32 to vector<16xi32>
      %add3A_320 = arith.addi %mul3A_317, %add3A_319 : vector<16xi32>
      %lt3A_321 = arith.constant 7 : i32
      %lt3A_322 = vector.broadcast %lt3A_321 : i32 to vector<16xi32>
      %lt3A_323 = arith.cmpi slt, %iota3A, %lt3A_322 : vector<16xi32>
      tpu.vector_store_idx %arg18[%add3A_320], %add3A_311 masked %lt3A_323 : memref<144xf32, #tpu.memory_space<vmem>>[vector<16xi32>], vector<16xf32>, vector<16xi1>
      %convert_element_type3A_324 = arith.extui %lt3A_197 : i1 to i32
      %cond3A_325 = arith.constant 0 : i32
      %cond3A_326 = arith.cmpi ne, %convert_element_type3A_324, %cond3A_325 : i32
      scf.if %cond3A_326 {
        %reduce_max3A_330 = arith.constant true
        %reduce_max3A_331 = vector.broadcast %reduce_max3A_330 : i1 to vector<16xi1>
        %reduce_max3A_332 = tpu.scan <max>, %while3A_210#3 masked %reduce_max3A_331 : vector<16xf32>, vector<16xi1> -> vector<16xf32>
        %reduce_max3A_333 = vector.extract %reduce_max3A_332[15] : f32 from vector<16xf32>
        %eq3A_334 = vector.broadcast %reduce_max3A_333 : f32 to vector<16xf32>
        %eq3A_335 = arith.cmpf oeq, %while3A_210#3, %eq3A_334 : vector<16xf32>
        %jit3A_336 = arith.constant 10000 : i32
        %broadcast_in_dim3A_337 = vector.broadcast %jit3A_336 : i32 to vector<16xi32>
        %select_n3A_338 = arith.select %eq3A_335, %while3A_210#4, %broadcast_in_dim3A_337 : vector<16xi1>, vector<16xi32>
        %reduce_min3A_339 = arith.constant true
        %reduce_min3A_340 = vector.broadcast %reduce_min3A_339 : i1 to vector<16xi1>
        %reduce_min3A_341 = arith.constant -2147483648 : i32
        %reduce_min3A_342 = vector.broadcast %reduce_min3A_341 : i32 to vector<16xi32>
        %reduce_min3A_343 = arith.xori %select_n3A_338, %reduce_min3A_342 : vector<16xi32>
        %reduce_min3A_344 = tpu.scan <min>, %reduce_min3A_343 masked %reduce_min3A_340 : vector<16xi32>, vector<16xi1> -> vector<16xi32>
        %reduce_min3A_345 = arith.xori %reduce_min3A_344, %reduce_min3A_342 : vector<16xi32>
        %reduce_min3A_346 = vector.extract %reduce_min3A_345[15] : i32 from vector<16xi32>
        %broadcast_in_dim3A_347 = vector.broadcast %reduce_min3A_346 : i32 to vector<16xi32>
        %gather3A_348 = tpu.vector_load_idx %arg14[%broadcast_in_dim3A_347] : memref<10016xf32, #tpu.memory_space<vmem>>[vector<16xi32>], vector<16xf32>,
        %reduce_max3A_349 = arith.constant true
        %reduce_max3A_350 = vector.broadcast %reduce_max3A_349 : i1 to vector<16xi1>
        %reduce_max3A_351 = tpu.scan <max>, %gather3A_348 masked %reduce_max3A_350 : vector<16xf32>, vector<16xi1> -> vector<16xf32>
        %reduce_max3A_352 = vector.extract %reduce_max3A_351[15] : f32 from vector<16xf32>
        %gather3A_353 = tpu.vector_load_idx %arg10[%broadcast_in_dim3A_347] : memref<10016xf32, #tpu.memory_space<vmem>>[vector<16xi32>], vector<16xf32>,
        %reduce_max3A_354 = arith.constant true
        %reduce_max3A_355 = vector.broadcast %reduce_max3A_354 : i1 to vector<16xi1>
        %reduce_max3A_356 = tpu.scan <max>, %gather3A_353 masked %reduce_max3A_355 : vector<16xf32>, vector<16xi1> -> vector<16xf32>
        %reduce_max3A_357 = vector.extract %reduce_max3A_356[15] : f32 from vector<16xf32>
        %gather3A_358 = tpu.vector_load_idx %arg11[%broadcast_in_dim3A_347] : memref<10016xf32, #tpu.memory_space<vmem>>[vector<16xi32>], vector<16xf32>,
        %reduce_max3A_359 = arith.constant true
        %reduce_max3A_360 = vector.broadcast %reduce_max3A_359 : i1 to vector<16xi1>
        %reduce_max3A_361 = tpu.scan <max>, %gather3A_358 masked %reduce_max3A_360 : vector<16xf32>, vector<16xi1> -> vector<16xf32>
        %reduce_max3A_362 = vector.extract %reduce_max3A_361[15] : f32 from vector<16xf32>
        %gather3A_363 = tpu.vector_load_idx %arg12[%broadcast_in_dim3A_347] : memref<10016xf32, #tpu.memory_space<vmem>>[vector<16xi32>], vector<16xf32>,
        %reduce_max3A_364 = arith.constant true
        %reduce_max3A_365 = vector.broadcast %reduce_max3A_364 : i1 to vector<16xi1>
        %reduce_max3A_366 = tpu.scan <max>, %gather3A_363 masked %reduce_max3A_365 : vector<16xf32>, vector<16xi1> -> vector<16xf32>
        %reduce_max3A_367 = vector.extract %reduce_max3A_366[15] : f32 from vector<16xf32>
        %gather3A_368 = tpu.vector_load_idx %arg13[%broadcast_in_dim3A_347] : memref<10016xf32, #tpu.memory_space<vmem>>[vector<16xi32>], vector<16xf32>,
        %reduce_max3A_369 = arith.constant true
        %reduce_max3A_370 = vector.broadcast %reduce_max3A_369 : i1 to vector<16xi1>
        %reduce_max3A_371 = tpu.scan <max>, %gather3A_368 masked %reduce_max3A_370 : vector<16xf32>, vector<16xi1> -> vector<16xf32>
        %reduce_max3A_372 = vector.extract %reduce_max3A_371[15] : f32 from vector<16xf32>
        %eq3A_373 = arith.constant 0 : i32
        %eq3A_374 = vector.broadcast %eq3A_373 : i32 to vector<16xi32>
        %eq3A_375 = arith.cmpi eq, %iota3A, %eq3A_374 : vector<16xi32>
        %jit3A_376 = arith.constant 0.000000e+00 : f32
        %broadcast_in_dim3A_377 = vector.broadcast %reduce_max3A_333 : f32 to vector<16xf32>
        %broadcast_in_dim3A_378 = vector.broadcast %jit3A_376 : f32 to vector<16xf32>
        %select_n3A_379 = arith.select %eq3A_375, %broadcast_in_dim3A_377, %broadcast_in_dim3A_378 : vector<16xi1>, vector<16xf32>
        %eq3A_380 = arith.constant 1 : i32
        %eq3A_381 = vector.broadcast %eq3A_380 : i32 to vector<16xi32>
        %eq3A_382 = arith.cmpi eq, %iota3A, %eq3A_381 : vector<16xi32>
        %reduce_max3A_383 = arith.constant true
        %reduce_max3A_384 = vector.broadcast %reduce_max3A_383 : i1 to vector<16xi1>
        %reduce_max3A_385 = tpu.scan <max>, %while3A_210#5 masked %reduce_max3A_384 : vector<16xf32>, vector<16xi1> -> vector<16xf32>
        %reduce_max3A_386 = vector.extract %reduce_max3A_385[15] : f32 from vector<16xf32>
        %jit3A_387 = arith.constant 0.000000e+00 : f32
        %broadcast_in_dim3A_388 = vector.broadcast %reduce_max3A_386 : f32 to vector<16xf32>
        %broadcast_in_dim3A_389 = vector.broadcast %jit3A_387 : f32 to vector<16xf32>
        %select_n3A_390 = arith.select %eq3A_382, %broadcast_in_dim3A_388, %broadcast_in_dim3A_389 : vector<16xi1>, vector<16xf32>
        %add3A_391 = arith.addf %select_n3A_379, %select_n3A_390 : vector<16xf32>
        %eq3A_392 = arith.constant 2 : i32
        %eq3A_393 = vector.broadcast %eq3A_392 : i32 to vector<16xi32>
        %eq3A_394 = arith.cmpi eq, %iota3A, %eq3A_393 : vector<16xi32>
        %jit3A_395 = arith.constant 0.000000e+00 : f32
        %broadcast_in_dim3A_396 = vector.broadcast %reduce_max3A_352 : f32 to vector<16xf32>
        %broadcast_in_dim3A_397 = vector.broadcast %jit3A_395 : f32 to vector<16xf32>
        %select_n3A_398 = arith.select %eq3A_394, %broadcast_in_dim3A_396, %broadcast_in_dim3A_397 : vector<16xi1>, vector<16xf32>
        %add3A_399 = arith.addf %add3A_391, %select_n3A_398 : vector<16xf32>
        %eq3A_400 = arith.constant 3 : i32
        %eq3A_401 = vector.broadcast %eq3A_400 : i32 to vector<16xi32>
        %eq3A_402 = arith.cmpi eq, %iota3A, %eq3A_401 : vector<16xi32>
        %jit3A_403 = arith.constant 0.000000e+00 : f32
        %broadcast_in_dim3A_404 = vector.broadcast %reduce_max3A_357 : f32 to vector<16xf32>
        %broadcast_in_dim3A_405 = vector.broadcast %jit3A_403 : f32 to vector<16xf32>
        %select_n3A_406 = arith.select %eq3A_402, %broadcast_in_dim3A_404, %broadcast_in_dim3A_405 : vector<16xi1>, vector<16xf32>
        %add3A_407 = arith.addf %add3A_399, %select_n3A_406 : vector<16xf32>
        %eq3A_408 = arith.constant 4 : i32
        %eq3A_409 = vector.broadcast %eq3A_408 : i32 to vector<16xi32>
        %eq3A_410 = arith.cmpi eq, %iota3A, %eq3A_409 : vector<16xi32>
        %jit3A_411 = arith.constant 0.000000e+00 : f32
        %broadcast_in_dim3A_412 = vector.broadcast %reduce_max3A_362 : f32 to vector<16xf32>
        %broadcast_in_dim3A_413 = vector.broadcast %jit3A_411 : f32 to vector<16xf32>
        %select_n3A_414 = arith.select %eq3A_410, %broadcast_in_dim3A_412, %broadcast_in_dim3A_413 : vector<16xi1>, vector<16xf32>
        %add3A_415 = arith.addf %add3A_407, %select_n3A_414 : vector<16xf32>
        %eq3A_416 = arith.constant 5 : i32
        %eq3A_417 = vector.broadcast %eq3A_416 : i32 to vector<16xi32>
        %eq3A_418 = arith.cmpi eq, %iota3A, %eq3A_417 : vector<16xi32>
        %jit3A_419 = arith.constant 0.000000e+00 : f32
        %broadcast_in_dim3A_420 = vector.broadcast %reduce_max3A_367 : f32 to vector<16xf32>
        %broadcast_in_dim3A_421 = vector.broadcast %jit3A_419 : f32 to vector<16xf32>
        %select_n3A_422 = arith.select %eq3A_418, %broadcast_in_dim3A_420, %broadcast_in_dim3A_421 : vector<16xi1>, vector<16xf32>
        %add3A_423 = arith.addf %add3A_415, %select_n3A_422 : vector<16xf32>
        %eq3A_424 = arith.constant 6 : i32
        %eq3A_425 = vector.broadcast %eq3A_424 : i32 to vector<16xi32>
        %eq3A_426 = arith.cmpi eq, %iota3A, %eq3A_425 : vector<16xi32>
        %jit3A_427 = arith.constant 0.000000e+00 : f32
        %broadcast_in_dim3A_428 = vector.broadcast %reduce_max3A_372 : f32 to vector<16xf32>
        %broadcast_in_dim3A_429 = vector.broadcast %jit3A_427 : f32 to vector<16xf32>
        %select_n3A_430 = arith.select %eq3A_426, %broadcast_in_dim3A_428, %broadcast_in_dim3A_429 : vector<16xi1>, vector<16xf32>
        %add3A_431 = arith.addf %add3A_423, %select_n3A_430 : vector<16xf32>
        %min3A_432 = arith.constant 8 : i32
        %min3A_433 = vector.broadcast %min3A_432 : i32 to vector<16xi32>
        %min3A_434 = arith.minsi %iota3A, %min3A_433 : vector<16xi32>
        %mul3A_435 = arith.constant 16 : i32
        %mul3A_436 = vector.broadcast %mul3A_435 : i32 to vector<16xi32>
        %mul3A_437 = arith.muli %min3A_434, %mul3A_436 : vector<16xi32>
        %add3A_438 = arith.constant 10 : i32
        %add3A_439 = vector.broadcast %add3A_438 : i32 to vector<16xi32>
        %add3A_440 = arith.addi %mul3A_437, %add3A_439 : vector<16xi32>
        %lt3A_441 = arith.constant 7 : i32
        %lt3A_442 = vector.broadcast %lt3A_441 : i32 to vector<16xi32>
        %lt3A_443 = arith.cmpi slt, %iota3A, %lt3A_442 : vector<16xi32>
        tpu.vector_store_idx %arg18[%add3A_440], %add3A_431 masked %lt3A_443 : memref<144xf32, #tpu.memory_space<vmem>>[vector<16xi32>], vector<16xf32>, vector<16xi1>
      } else {
      }
      %convert_element_type3A_327 = arith.extui %lt3A_199 : i1 to i32
      %cond3A_328 = arith.constant 0 : i32
      %cond3A_329 = arith.cmpi ne, %convert_element_type3A_327, %cond3A_328 : i32
      scf.if %cond3A_329 {
        %reduce_max3A_330 = arith.constant true
        %reduce_max3A_331 = vector.broadcast %reduce_max3A_330 : i1 to vector<16xi1>
        %reduce_max3A_332 = tpu.scan <max>, %while3A_210#6 masked %reduce_max3A_331 : vector<16xf32>, vector<16xi1> -> vector<16xf32>
        %reduce_max3A_333 = vector.extract %reduce_max3A_332[15] : f32 from vector<16xf32>
        %eq3A_334 = vector.broadcast %reduce_max3A_333 : f32 to vector<16xf32>
        %eq3A_335 = arith.cmpf oeq, %while3A_210#6, %eq3A_334 : vector<16xf32>
        %jit3A_336 = arith.constant 10000 : i32
        %broadcast_in_dim3A_337 = vector.broadcast %jit3A_336 : i32 to vector<16xi32>
        %select_n3A_338 = arith.select %eq3A_335, %while3A_210#7, %broadcast_in_dim3A_337 : vector<16xi1>, vector<16xi32>
        %reduce_min3A_339 = arith.constant true
        %reduce_min3A_340 = vector.broadcast %reduce_min3A_339 : i1 to vector<16xi1>
        %reduce_min3A_341 = arith.constant -2147483648 : i32
        %reduce_min3A_342 = vector.broadcast %reduce_min3A_341 : i32 to vector<16xi32>
        %reduce_min3A_343 = arith.xori %select_n3A_338, %reduce_min3A_342 : vector<16xi32>
        %reduce_min3A_344 = tpu.scan <min>, %reduce_min3A_343 masked %reduce_min3A_340 : vector<16xi32>, vector<16xi1> -> vector<16xi32>
        %reduce_min3A_345 = arith.xori %reduce_min3A_344, %reduce_min3A_342 : vector<16xi32>
        %reduce_min3A_346 = vector.extract %reduce_min3A_345[15] : i32 from vector<16xi32>
        %broadcast_in_dim3A_347 = vector.broadcast %reduce_min3A_346 : i32 to vector<16xi32>
        %gather3A_348 = tpu.vector_load_idx %arg14[%broadcast_in_dim3A_347] : memref<10016xf32, #tpu.memory_space<vmem>>[vector<16xi32>], vector<16xf32>,
        %reduce_max3A_349 = arith.constant true
        %reduce_max3A_350 = vector.broadcast %reduce_max3A_349 : i1 to vector<16xi1>
        %reduce_max3A_351 = tpu.scan <max>, %gather3A_348 masked %reduce_max3A_350 : vector<16xf32>, vector<16xi1> -> vector<16xf32>
        %reduce_max3A_352 = vector.extract %reduce_max3A_351[15] : f32 from vector<16xf32>
        %gather3A_353 = tpu.vector_load_idx %arg10[%broadcast_in_dim3A_347] : memref<10016xf32, #tpu.memory_space<vmem>>[vector<16xi32>], vector<16xf32>,
        %reduce_max3A_354 = arith.constant true
        %reduce_max3A_355 = vector.broadcast %reduce_max3A_354 : i1 to vector<16xi1>
        %reduce_max3A_356 = tpu.scan <max>, %gather3A_353 masked %reduce_max3A_355 : vector<16xf32>, vector<16xi1> -> vector<16xf32>
        %reduce_max3A_357 = vector.extract %reduce_max3A_356[15] : f32 from vector<16xf32>
        %gather3A_358 = tpu.vector_load_idx %arg11[%broadcast_in_dim3A_347] : memref<10016xf32, #tpu.memory_space<vmem>>[vector<16xi32>], vector<16xf32>,
        %reduce_max3A_359 = arith.constant true
        %reduce_max3A_360 = vector.broadcast %reduce_max3A_359 : i1 to vector<16xi1>
        %reduce_max3A_361 = tpu.scan <max>, %gather3A_358 masked %reduce_max3A_360 : vector<16xf32>, vector<16xi1> -> vector<16xf32>
        %reduce_max3A_362 = vector.extract %reduce_max3A_361[15] : f32 from vector<16xf32>
        %gather3A_363 = tpu.vector_load_idx %arg12[%broadcast_in_dim3A_347] : memref<10016xf32, #tpu.memory_space<vmem>>[vector<16xi32>], vector<16xf32>,
        %reduce_max3A_364 = arith.constant true
        %reduce_max3A_365 = vector.broadcast %reduce_max3A_364 : i1 to vector<16xi1>
        %reduce_max3A_366 = tpu.scan <max>, %gather3A_363 masked %reduce_max3A_365 : vector<16xf32>, vector<16xi1> -> vector<16xf32>
        %reduce_max3A_367 = vector.extract %reduce_max3A_366[15] : f32 from vector<16xf32>
        %gather3A_368 = tpu.vector_load_idx %arg13[%broadcast_in_dim3A_347] : memref<10016xf32, #tpu.memory_space<vmem>>[vector<16xi32>], vector<16xf32>,
        %reduce_max3A_369 = arith.constant true
        %reduce_max3A_370 = vector.broadcast %reduce_max3A_369 : i1 to vector<16xi1>
        %reduce_max3A_371 = tpu.scan <max>, %gather3A_368 masked %reduce_max3A_370 : vector<16xf32>, vector<16xi1> -> vector<16xf32>
        %reduce_max3A_372 = vector.extract %reduce_max3A_371[15] : f32 from vector<16xf32>
        %eq3A_373 = arith.constant 0 : i32
        %eq3A_374 = vector.broadcast %eq3A_373 : i32 to vector<16xi32>
        %eq3A_375 = arith.cmpi eq, %iota3A, %eq3A_374 : vector<16xi32>
        %jit3A_376 = arith.constant 0.000000e+00 : f32
        %broadcast_in_dim3A_377 = vector.broadcast %reduce_max3A_333 : f32 to vector<16xf32>
        %broadcast_in_dim3A_378 = vector.broadcast %jit3A_376 : f32 to vector<16xf32>
        %select_n3A_379 = arith.select %eq3A_375, %broadcast_in_dim3A_377, %broadcast_in_dim3A_378 : vector<16xi1>, vector<16xf32>
        %eq3A_380 = arith.constant 1 : i32
        %eq3A_381 = vector.broadcast %eq3A_380 : i32 to vector<16xi32>
        %eq3A_382 = arith.cmpi eq, %iota3A, %eq3A_381 : vector<16xi32>
        %reduce_max3A_383 = arith.constant true
        %reduce_max3A_384 = vector.broadcast %reduce_max3A_383 : i1 to vector<16xi1>
        %reduce_max3A_385 = tpu.scan <max>, %while3A_210#8 masked %reduce_max3A_384 : vector<16xf32>, vector<16xi1> -> vector<16xf32>
        %reduce_max3A_386 = vector.extract %reduce_max3A_385[15] : f32 from vector<16xf32>
        %jit3A_387 = arith.constant 0.000000e+00 : f32
        %broadcast_in_dim3A_388 = vector.broadcast %reduce_max3A_386 : f32 to vector<16xf32>
        %broadcast_in_dim3A_389 = vector.broadcast %jit3A_387 : f32 to vector<16xf32>
        %select_n3A_390 = arith.select %eq3A_382, %broadcast_in_dim3A_388, %broadcast_in_dim3A_389 : vector<16xi1>, vector<16xf32>
        %add3A_391 = arith.addf %select_n3A_379, %select_n3A_390 : vector<16xf32>
        %eq3A_392 = arith.constant 2 : i32
        %eq3A_393 = vector.broadcast %eq3A_392 : i32 to vector<16xi32>
        %eq3A_394 = arith.cmpi eq, %iota3A, %eq3A_393 : vector<16xi32>
        %jit3A_395 = arith.constant 0.000000e+00 : f32
        %broadcast_in_dim3A_396 = vector.broadcast %reduce_max3A_352 : f32 to vector<16xf32>
        %broadcast_in_dim3A_397 = vector.broadcast %jit3A_395 : f32 to vector<16xf32>
        %select_n3A_398 = arith.select %eq3A_394, %broadcast_in_dim3A_396, %broadcast_in_dim3A_397 : vector<16xi1>, vector<16xf32>
        %add3A_399 = arith.addf %add3A_391, %select_n3A_398 : vector<16xf32>
        %eq3A_400 = arith.constant 3 : i32
        %eq3A_401 = vector.broadcast %eq3A_400 : i32 to vector<16xi32>
        %eq3A_402 = arith.cmpi eq, %iota3A, %eq3A_401 : vector<16xi32>
        %jit3A_403 = arith.constant 0.000000e+00 : f32
        %broadcast_in_dim3A_404 = vector.broadcast %reduce_max3A_357 : f32 to vector<16xf32>
        %broadcast_in_dim3A_405 = vector.broadcast %jit3A_403 : f32 to vector<16xf32>
        %select_n3A_406 = arith.select %eq3A_402, %broadcast_in_dim3A_404, %broadcast_in_dim3A_405 : vector<16xi1>, vector<16xf32>
        %add3A_407 = arith.addf %add3A_399, %select_n3A_406 : vector<16xf32>
        %eq3A_408 = arith.constant 4 : i32
        %eq3A_409 = vector.broadcast %eq3A_408 : i32 to vector<16xi32>
        %eq3A_410 = arith.cmpi eq, %iota3A, %eq3A_409 : vector<16xi32>
        %jit3A_411 = arith.constant 0.000000e+00 : f32
        %broadcast_in_dim3A_412 = vector.broadcast %reduce_max3A_362 : f32 to vector<16xf32>
        %broadcast_in_dim3A_413 = vector.broadcast %jit3A_411 : f32 to vector<16xf32>
        %select_n3A_414 = arith.select %eq3A_410, %broadcast_in_dim3A_412, %broadcast_in_dim3A_413 : vector<16xi1>, vector<16xf32>
        %add3A_415 = arith.addf %add3A_407, %select_n3A_414 : vector<16xf32>
        %eq3A_416 = arith.constant 5 : i32
        %eq3A_417 = vector.broadcast %eq3A_416 : i32 to vector<16xi32>
        %eq3A_418 = arith.cmpi eq, %iota3A, %eq3A_417 : vector<16xi32>
        %jit3A_419 = arith.constant 0.000000e+00 : f32
        %broadcast_in_dim3A_420 = vector.broadcast %reduce_max3A_367 : f32 to vector<16xf32>
        %broadcast_in_dim3A_421 = vector.broadcast %jit3A_419 : f32 to vector<16xf32>
        %select_n3A_422 = arith.select %eq3A_418, %broadcast_in_dim3A_420, %broadcast_in_dim3A_421 : vector<16xi1>, vector<16xf32>
        %add3A_423 = arith.addf %add3A_415, %select_n3A_422 : vector<16xf32>
        %eq3A_424 = arith.constant 6 : i32
        %eq3A_425 = vector.broadcast %eq3A_424 : i32 to vector<16xi32>
        %eq3A_426 = arith.cmpi eq, %iota3A, %eq3A_425 : vector<16xi32>
        %jit3A_427 = arith.constant 0.000000e+00 : f32
        %broadcast_in_dim3A_428 = vector.broadcast %reduce_max3A_372 : f32 to vector<16xf32>
        %broadcast_in_dim3A_429 = vector.broadcast %jit3A_427 : f32 to vector<16xf32>
        %select_n3A_430 = arith.select %eq3A_426, %broadcast_in_dim3A_428, %broadcast_in_dim3A_429 : vector<16xi1>, vector<16xf32>
        %add3A_431 = arith.addf %add3A_423, %select_n3A_430 : vector<16xf32>
        %min3A_432 = arith.constant 8 : i32
        %min3A_433 = vector.broadcast %min3A_432 : i32 to vector<16xi32>
        %min3A_434 = arith.minsi %iota3A, %min3A_433 : vector<16xi32>
        %mul3A_435 = arith.constant 16 : i32
        %mul3A_436 = vector.broadcast %mul3A_435 : i32 to vector<16xi32>
        %mul3A_437 = arith.muli %min3A_434, %mul3A_436 : vector<16xi32>
        %add3A_438 = arith.constant 11 : i32
        %add3A_439 = vector.broadcast %add3A_438 : i32 to vector<16xi32>
        %add3A_440 = arith.addi %mul3A_437, %add3A_439 : vector<16xi32>
        %lt3A_441 = arith.constant 7 : i32
        %lt3A_442 = vector.broadcast %lt3A_441 : i32 to vector<16xi32>
        %lt3A_443 = arith.cmpi slt, %iota3A, %lt3A_442 : vector<16xi32>
        tpu.vector_store_idx %arg18[%add3A_440], %add3A_431 masked %lt3A_443 : memref<144xf32, #tpu.memory_space<vmem>>[vector<16xi32>], vector<16xf32>, vector<16xi1>
      } else {
      }
    } else {
    }
    %get3A_173 = arith.constant 0 : index
    %get3A_174 = tpu.vector_load %arg17[%get3A_173] {strides = array<i32>} : memref<16xf32, #tpu.memory_space<vmem>>, vector<16xf32>,
    %swap3A_175 = arith.constant 112 : index
    %swap3A_176 = tpu.vector_load %arg18[%swap3A_175] {strides = array<i32>} : memref<144xf32, #tpu.memory_space<vmem>>, vector<16xf32>,
    tpu.vector_store %arg18[%swap3A_175], %get3A_174 {strides = array<i32>} : memref<144xf32, #tpu.memory_space<vmem>>, vector<16xf32>,
    %eq3A_177 = arith.constant 0 : i32
    %eq3A_178 = vector.broadcast %eq3A_177 : i32 to vector<16xi32>
    %eq3A_179 = arith.cmpi eq, %iota3A, %eq3A_178 : vector<16xi32>
    %convert_element_type3A_180 = arith.sitofp %scan3A_83#0 : i32 to f32
    %jit3A_181 = arith.constant 0.000000e+00 : f32
    %broadcast_in_dim3A_182 = vector.broadcast %convert_element_type3A_180 : f32 to vector<16xf32>
    %broadcast_in_dim3A_183 = vector.broadcast %jit3A_181 : f32 to vector<16xf32>
    %select_n3A_184 = arith.select %eq3A_179, %broadcast_in_dim3A_182, %broadcast_in_dim3A_183 : vector<16xi1>, vector<16xf32>
    %eq3A_185 = arith.constant 1 : i32
    %eq3A_186 = vector.broadcast %eq3A_185 : i32 to vector<16xi32>
    %eq3A_187 = arith.cmpi eq, %iota3A, %eq3A_186 : vector<16xi32>
    %convert_element_type3A_188 = arith.sitofp %min3A_103 : i32 to f32
    %jit3A_189 = arith.constant 0.000000e+00 : f32
    %broadcast_in_dim3A_190 = vector.broadcast %convert_element_type3A_188 : f32 to vector<16xf32>
    %broadcast_in_dim3A_191 = vector.broadcast %jit3A_189 : f32 to vector<16xf32>
    %select_n3A_192 = arith.select %eq3A_187, %broadcast_in_dim3A_190, %broadcast_in_dim3A_191 : vector<16xi1>, vector<16xf32>
    %add3A_193 = arith.addf %select_n3A_184, %select_n3A_192 : vector<16xf32>
    %swap3A_194 = arith.constant 128 : index
    %swap3A_195 = tpu.vector_load %arg18[%swap3A_194] {strides = array<i32>} : memref<144xf32, #tpu.memory_space<vmem>>, vector<16xf32>,
    tpu.vector_store %arg18[%swap3A_194], %add3A_193 {strides = array<i32>} : memref<144xf32, #tpu.memory_space<vmem>>, vector<16xf32>,
    "tpu.region"() ({
      %run_scoped3A = tpu.sem_alloc : memref<!tpu.dma_semaphore, #tpu.memory_space<semaphore_mem>>
      %dma_start3A_196 = arith.constant 0 : i32
      %dma_start3A_197 = tpu.memref_slice %arg4[%arg0, %arg1, %dma_start3A_196] : memref<2x16x144xf32, #tpu.memory_space<hbm>> -> memref<1x1x144xf32, #tpu.memory_space<hbm>>
      %dma_start3A_198 = tpu.memref_squeeze %dma_start3A_197 : memref<1x1x144xf32, #tpu.memory_space<hbm>> -> memref<144xf32, #tpu.memory_space<hbm>>
      %dma_start3A_199 = arith.constant 0 : i32
      %dma_start3A_200 = tpu.memref_slice %arg4[%arg0, %arg1, %dma_start3A_199] : memref<2x16x144xf32, #tpu.memory_space<hbm>> -> memref<1x1x144xf32, #tpu.memory_space<hbm>>
      %dma_start3A_201 = tpu.memref_squeeze %dma_start3A_200 : memref<1x1x144xf32, #tpu.memory_space<hbm>> -> memref<144xf32, #tpu.memory_space<hbm>>
      tpu.enqueue_dma source(%arg18 : memref<144xf32, #tpu.memory_space<vmem>>) target(%dma_start3A_201 : memref<144xf32, #tpu.memory_space<hbm>>) target_semaphore(%run_scoped3A : memref<!tpu.dma_semaphore, #tpu.memory_space<semaphore_mem>>)
      %dma_wait3A_202 = arith.constant 0 : i32
      %dma_wait3A_203 = tpu.memref_slice %arg4[%arg0, %arg1, %dma_wait3A_202] : memref<2x16x144xf32, #tpu.memory_space<hbm>> -> memref<1x1x144xf32, #tpu.memory_space<hbm>>
      %dma_wait3A_204 = tpu.memref_squeeze %dma_wait3A_203 : memref<1x1x144xf32, #tpu.memory_space<hbm>> -> memref<144xf32, #tpu.memory_space<hbm>>
      %dma_wait3A_205 = arith.constant 0 : i32
      %dma_wait3A_206 = tpu.memref_slice %arg4[%arg0, %arg1, %dma_wait3A_205] : memref<2x16x144xf32, #tpu.memory_space<hbm>> -> memref<1x1x144xf32, #tpu.memory_space<hbm>>
      %dma_wait3A_207 = tpu.memref_squeeze %dma_wait3A_206 : memref<1x1x144xf32, #tpu.memory_space<hbm>> -> memref<144xf32, #tpu.memory_space<hbm>>
      tpu.wait_dma2 semaphore(%run_scoped3A : memref<!tpu.dma_semaphore, #tpu.memory_space<semaphore_mem>>) src(%arg18 : memref<144xf32, #tpu.memory_space<vmem>>) dst(%dma_wait3A_207 : memref<144xf32, #tpu.memory_space<hbm>>)
      tpu.yield
    }) : () -> ()
    return
  }
}

module attributes {stable_mosaic.version = 14 : i64} {
  func.func @_epi_body(%arg0: memref<4x16x12xf32, #tpu.memory_space<vmem>>, %arg1: memref<2x16x144xf32, #tpu.memory_space<vmem>>, %arg2: memref<8x128xf32, #tpu.memory_space<vmem>>) attributes {dimension_semantics = [], scalar_prefetch = 0 : i64, scratch_operands = 0 : i64, tpu.core_type = #tpu.core_type<tc>} {
    %get3A = arith.constant 0 : index
    %get3A_0 = arith.constant 0 : index
    %get3A_1 = arith.constant 0 : index
    %get3A_2 = vector.load %arg0[%get3A, %get3A_0, %get3A_1] : memref<4x16x12xf32, #tpu.memory_space<vmem>>, vector<1x16x12xf32>
    %get3A_3 = vector.shape_cast %get3A_2 : vector<1x16x12xf32> to vector<16x12xf32>
    %get3A_4 = arith.constant 1 : index
    %get3A_5 = arith.constant 0 : index
    %get3A_6 = arith.constant 0 : index
    %get3A_7 = vector.load %arg0[%get3A_4, %get3A_5, %get3A_6] : memref<4x16x12xf32, #tpu.memory_space<vmem>>, vector<1x16x12xf32>
    %get3A_8 = vector.shape_cast %get3A_7 : vector<1x16x12xf32> to vector<16x12xf32>
    %get3A_9 = arith.constant 2 : index
    %get3A_10 = arith.constant 0 : index
    %get3A_11 = arith.constant 0 : index
    %get3A_12 = vector.load %arg0[%get3A_9, %get3A_10, %get3A_11] : memref<4x16x12xf32, #tpu.memory_space<vmem>>, vector<1x16x12xf32>
    %get3A_13 = vector.shape_cast %get3A_12 : vector<1x16x12xf32> to vector<16x12xf32>
    %get3A_14 = arith.constant 3 : index
    %get3A_15 = arith.constant 0 : index
    %get3A_16 = arith.constant 0 : index
    %get3A_17 = vector.load %arg0[%get3A_14, %get3A_15, %get3A_16] : memref<4x16x12xf32, #tpu.memory_space<vmem>>, vector<1x16x12xf32>
    %get3A_18 = vector.shape_cast %get3A_17 : vector<1x16x12xf32> to vector<16x12xf32>
    %get3A_19 = arith.constant 0 : index
    %get3A_20 = arith.constant 0 : index
    %get3A_21 = arith.constant 0 : index
    %get3A_22 = vector.load %arg1[%get3A_19, %get3A_20, %get3A_21] : memref<2x16x144xf32, #tpu.memory_space<vmem>>, vector<1x16x144xf32>
    %get3A_23 = vector.shape_cast %get3A_22 : vector<1x16x144xf32> to vector<16x144xf32>
    %get3A_24 = arith.constant 1 : index
    %get3A_25 = arith.constant 0 : index
    %get3A_26 = arith.constant 0 : index
    %get3A_27 = vector.load %arg1[%get3A_24, %get3A_25, %get3A_26] : memref<2x16x144xf32, #tpu.memory_space<vmem>>, vector<1x16x144xf32>
    %get3A_28 = vector.shape_cast %get3A_27 : vector<1x16x144xf32> to vector<16x144xf32>
    %iota3A = tpu.iota {dimensions = array<i32: 1>} : vector<16x12xi32>
    %eq3A = arith.constant 0.000000e+00 : f32
    %eq3A_29 = vector.broadcast %eq3A : f32 to vector<16x12xf32>
    %eq3A_30 = arith.cmpf oeq, %get3A_18, %eq3A_29 : vector<16x12xf32>
    %jit3A = arith.constant 12 : i32
    %broadcast_in_dim3A = vector.broadcast %jit3A : i32 to vector<16x12xi32>
    %select_n3A = arith.select %eq3A_30, %iota3A, %broadcast_in_dim3A : vector<16x12xi1>, vector<16x12xi32>
    %reduce_min3A = arith.constant dense<2147483647> : vector<16xi32>
    %reduce_min3A_31 = vector.multi_reduction <minsi>, %select_n3A, %reduce_min3A [1] : vector<16x12xi32> to vector<16xi32>
    %broadcast_in_dim3A_32 = vector.shape_cast %reduce_min3A_31 : vector<16xi32> to vector<16x1xi32>
    %lt3A = vector.broadcast %broadcast_in_dim3A_32 : vector<16x1xi32> to vector<16x12xi32>
    %lt3A_33 = arith.cmpi slt, %iota3A, %lt3A : vector<16x12xi32>
    %slice3A = vector.extract_strided_slice %get3A_23 {offsets = [0, 0], sizes = [16, 12], strides = [1, 1]} : vector<16x144xf32> to vector<16x12xf32>
    %slice3A_34 = vector.extract_strided_slice %get3A_28 {offsets = [0, 0], sizes = [16, 12], strides = [1, 1]} : vector<16x144xf32> to vector<16x12xf32>
    %slice3A_35 = vector.extract_strided_slice %get3A_23 {offsets = [0, 16], sizes = [16, 12], strides = [1, 1]} : vector<16x144xf32> to vector<16x12xf32>
    %slice3A_36 = vector.extract_strided_slice %get3A_28 {offsets = [0, 16], sizes = [16, 12], strides = [1, 1]} : vector<16x144xf32> to vector<16x12xf32>
    %slice3A_37 = vector.extract_strided_slice %get3A_23 {offsets = [0, 32], sizes = [16, 12], strides = [1, 1]} : vector<16x144xf32> to vector<16x12xf32>
    %slice3A_38 = vector.extract_strided_slice %get3A_28 {offsets = [0, 32], sizes = [16, 12], strides = [1, 1]} : vector<16x144xf32> to vector<16x12xf32>
    %slice3A_39 = vector.extract_strided_slice %get3A_23 {offsets = [0, 112], sizes = [16, 12], strides = [1, 1]} : vector<16x144xf32> to vector<16x12xf32>
    %slice3A_40 = vector.extract_strided_slice %get3A_28 {offsets = [0, 112], sizes = [16, 12], strides = [1, 1]} : vector<16x144xf32> to vector<16x12xf32>
    %slice3A_41 = vector.extract_strided_slice %get3A_23 {offsets = [0, 128], sizes = [16, 1], strides = [1, 1]} : vector<16x144xf32> to vector<16x1xf32>
    %squeeze3A = vector.shape_cast %slice3A_41 : vector<16x1xf32> to vector<16xf32>
    %slice3A_42 = vector.extract_strided_slice %get3A_28 {offsets = [0, 128], sizes = [16, 1], strides = [1, 1]} : vector<16x144xf32> to vector<16x1xf32>
    %squeeze3A_43 = vector.shape_cast %slice3A_42 : vector<16x1xf32> to vector<16xf32>
    %slice3A_44 = vector.extract_strided_slice %get3A_23 {offsets = [0, 129], sizes = [16, 1], strides = [1, 1]} : vector<16x144xf32> to vector<16x1xf32>
    %squeeze3A_45 = vector.shape_cast %slice3A_44 : vector<16x1xf32> to vector<16xf32>
    %slice3A_46 = vector.extract_strided_slice %get3A_28 {offsets = [0, 129], sizes = [16, 1], strides = [1, 1]} : vector<16x144xf32> to vector<16x1xf32>
    %squeeze3A_47 = vector.shape_cast %slice3A_46 : vector<16x1xf32> to vector<16xf32>
    %ge3A = arith.cmpf oge, %slice3A, %slice3A_34 : vector<16x12xf32>
    %select_n3A_48 = arith.select %ge3A, %slice3A, %slice3A_34 : vector<16x12xi1>, vector<16x12xf32>
    %select_n3A_49 = arith.select %ge3A, %slice3A_37, %slice3A_38 : vector<16x12xi1>, vector<16x12xf32>
    %max3A = arith.maximumf %slice3A_35, %slice3A_36 : vector<16x12xf32>
    %add3A = arith.addf %squeeze3A, %squeeze3A_43 : vector<16xf32>
    %gt3A = arith.constant 0.000000e+00 : f32
    %gt3A_50 = vector.broadcast %gt3A : f32 to vector<16xf32>
    %gt3A_51 = arith.cmpf ogt, %add3A, %gt3A_50 : vector<16xf32>
    %add3A_52 = arith.addf %squeeze3A_45, %squeeze3A_47 : vector<16xf32>
    %gt3A_53 = arith.constant 0.000000e+00 : f32
    %gt3A_54 = vector.broadcast %gt3A_53 : f32 to vector<16xf32>
    %gt3A_55 = arith.cmpf ogt, %add3A_52, %gt3A_54 : vector<16xf32>
    %le3A = arith.constant 10 : i32
    %le3A_56 = vector.broadcast %le3A : i32 to vector<16xi32>
    %le3A_57 = arith.cmpi sle, %reduce_min3A_31, %le3A_56 : vector<16xi32>
    %and3A = arith.andi %le3A_57, %gt3A_51 : vector<16xi1>
    %and3A_58 = arith.andi %and3A, %gt3A_55 : vector<16xi1>
    %ge3A_59 = arith.constant 5.000000e-01 : f32
    %ge3A_60 = vector.broadcast %ge3A_59 : f32 to vector<16x12xf32>
    %ge3A_61 = arith.cmpf oge, %select_n3A_48, %ge3A_60 : vector<16x12xf32>
    %and3A_62 = arith.andi %ge3A_61, %lt3A_33 : vector<16x12xi1>
    %broadcast_in_dim3A_63 = vector.shape_cast %and3A_58 : vector<16xi1> to vector<16x1xi1>
    %and3A_64 = vector.broadcast %broadcast_in_dim3A_63 : vector<16x1xi1> to vector<16x12xi1>
    %and3A_65 = arith.andi %and3A_62, %and3A_64 : vector<16x12xi1>
    %convert_element_type3A = arith.extui %and3A_65 : vector<16x12xi1> to vector<16x12xi32>
    %convert_element_type3A_66 = arith.sitofp %convert_element_type3A : vector<16x12xi32> to vector<16x12xf32>
    %reduce_sum3A = arith.constant dense<0.000000e+00> : vector<16xf32>
    %reduce_sum3A_67 = vector.multi_reduction <add>, %convert_element_type3A_66, %reduce_sum3A [1] : vector<16x12xf32> to vector<16xf32>
    %min3A = arith.constant 1.200000e+01 : f32
    %min3A_68 = vector.broadcast %min3A : f32 to vector<16xf32>
    %min3A_69 = arith.minimumf %squeeze3A_45, %min3A_68 : vector<16xf32>
    %convert_element_type3A_70 = arith.sitofp %iota3A : vector<16x12xi32> to vector<16x12xf32>
    %broadcast_in_dim3A_71 = vector.shape_cast %min3A_69 : vector<16xf32> to vector<16x1xf32>
    %sub3A = vector.broadcast %broadcast_in_dim3A_71 : vector<16x1xf32> to vector<16x12xf32>
    %sub3A_72 = arith.subf %convert_element_type3A_70, %sub3A : vector<16x12xf32>
    %iota3A_73 = tpu.iota {dimensions = array<i32: 2>} : vector<16x12x12xi32>
    %convert_element_type3A_74 = arith.sitofp %iota3A_73 : vector<16x12x12xi32> to vector<16x12x12xf32>
    %broadcast_in_dim3A_75 = vector.shape_cast %sub3A_72 : vector<16x12xf32> to vector<16x12x1xf32>
    %eq3A_76 = vector.broadcast %broadcast_in_dim3A_75 : vector<16x12x1xf32> to vector<16x12x12xf32>
    %eq3A_77 = arith.cmpf oeq, %convert_element_type3A_74, %eq3A_76 : vector<16x12x12xf32>
    %broadcast_in_dim3A_78 = vector.shape_cast %slice3A_40 : vector<16x12xf32> to vector<16x1x12xf32>
    %jit3A_79 = arith.constant 0.000000e+00 : f32
    %broadcast_in_dim3A_80 = vector.shape_cast %broadcast_in_dim3A_78 : vector<16x1x12xf32> to vector<16x1x12xf32>
    %broadcast_in_dim3A_81 = vector.broadcast %broadcast_in_dim3A_80 : vector<16x1x12xf32> to vector<16x12x12xf32>
    %broadcast_in_dim3A_82 = vector.broadcast %jit3A_79 : f32 to vector<16x12x12xf32>
    %select_n3A_83 = arith.select %eq3A_77, %broadcast_in_dim3A_81, %broadcast_in_dim3A_82 : vector<16x12x12xi1>, vector<16x12x12xf32>
    %reduce_sum3A_84 = arith.constant dense<0.000000e+00> : vector<16x12xf32>
    %reduce_sum3A_85 = vector.multi_reduction <add>, %select_n3A_83, %reduce_sum3A_84 [2] : vector<16x12x12xf32> to vector<16x12xf32>
    %broadcast_in_dim3A_86 = vector.shape_cast %min3A_69 : vector<16xf32> to vector<16x1xf32>
    %lt3A_87 = vector.broadcast %broadcast_in_dim3A_86 : vector<16x1xf32> to vector<16x12xf32>
    %lt3A_88 = arith.cmpf olt, %convert_element_type3A_70, %lt3A_87 : vector<16x12xf32>
    %select_n3A_89 = arith.select %lt3A_88, %slice3A_39, %reduce_sum3A_85 : vector<16x12xi1>, vector<16x12xf32>
    %neg3A = arith.constant 0.000000e+00 : f32
    %neg3A_90 = vector.broadcast %neg3A : f32 to vector<16x12xf32>
    %neg3A_91 = arith.subf %neg3A_90, %select_n3A_89 : vector<16x12xf32>
    %exp3A = math.exp %neg3A_91 : vector<16x12xf32>
    %add3A_92 = arith.constant 1.000000e+00 : f32
    %add3A_93 = vector.broadcast %add3A_92 : f32 to vector<16x12xf32>
    %add3A_94 = arith.addf %add3A_93, %exp3A : vector<16x12xf32>
    %div3A = arith.constant 1.000000e+00 : f32
    %div3A_95 = vector.broadcast %div3A : f32 to vector<16x12xf32>
    %div3A_96 = arith.divf %div3A_95, %add3A_94 : vector<16x12xf32>
    %le3A_97 = arith.constant 3.500000e-01 : f32
    %le3A_98 = vector.broadcast %le3A_97 : f32 to vector<16x12xf32>
    %le3A_99 = arith.cmpf ole, %max3A, %le3A_98 : vector<16x12xf32>
    %and3A_100 = arith.andi %le3A_99, %lt3A_33 : vector<16x12xi1>
    %broadcast_in_dim3A_101 = vector.shape_cast %and3A_58 : vector<16xi1> to vector<16x1xi1>
    %and3A_102 = vector.broadcast %broadcast_in_dim3A_101 : vector<16x1xi1> to vector<16x12xi1>
    %and3A_103 = arith.andi %and3A_100, %and3A_102 : vector<16x12xi1>
    %gt3A_104 = arith.constant 0.000000e+00 : f32
    %gt3A_105 = vector.broadcast %gt3A_104 : f32 to vector<16xf32>
    %gt3A_106 = arith.cmpf ogt, %reduce_sum3A_67, %gt3A_105 : vector<16xf32>
    %broadcast_in_dim3A_107 = vector.shape_cast %gt3A_106 : vector<16xi1> to vector<16x1xi1>
    %and3A_108 = vector.broadcast %broadcast_in_dim3A_107 : vector<16x1xi1> to vector<16x12xi1>
    %and3A_109 = arith.andi %and3A_103, %and3A_108 : vector<16x12xi1>
    %neg3A_110 = arith.constant 0.000000e+00 : f32
    %neg3A_111 = vector.broadcast %neg3A_110 : f32 to vector<16x12xf32>
    %neg3A_112 = arith.subf %neg3A_111, %div3A_96 : vector<16x12xf32>
    %jit3A_113 = arith.constant 0x7F800000 : f32
    %broadcast_in_dim3A_114 = vector.broadcast %jit3A_113 : f32 to vector<16x12xf32>
    %select_n3A_115 = arith.select %and3A_109, %neg3A_112, %broadcast_in_dim3A_114 : vector<16x12xi1>, vector<16x12xf32>
    %broadcast_in_dim3A_116 = vector.shape_cast %select_n3A_115 : vector<16x12xf32> to vector<16x12x1xf32>
    %broadcast_in_dim3A_117 = vector.shape_cast %select_n3A_115 : vector<16x12xf32> to vector<16x1x12xf32>
    %iota3A_118 = tpu.iota {dimensions = array<i32: 1>} : vector<16x12x12xi32>
    %iota3A_119 = tpu.iota {dimensions = array<i32: 2>} : vector<16x12x12xi32>
    %lt3A_120 = vector.broadcast %broadcast_in_dim3A_117 : vector<16x1x12xf32> to vector<16x12x12xf32>
    %lt3A_121 = vector.broadcast %broadcast_in_dim3A_116 : vector<16x12x1xf32> to vector<16x12x12xf32>
    %lt3A_122 = arith.cmpf olt, %lt3A_120, %lt3A_121 : vector<16x12x12xf32>
    %eq3A_123 = vector.broadcast %broadcast_in_dim3A_117 : vector<16x1x12xf32> to vector<16x12x12xf32>
    %eq3A_124 = vector.broadcast %broadcast_in_dim3A_116 : vector<16x12x1xf32> to vector<16x12x12xf32>
    %eq3A_125 = arith.cmpf oeq, %eq3A_123, %eq3A_124 : vector<16x12x12xf32>
    %lt3A_126 = arith.cmpi slt, %iota3A_119, %iota3A_118 : vector<16x12x12xi32>
    %and3A_127 = arith.andi %eq3A_125, %lt3A_126 : vector<16x12x12xi1>
    %or3A = arith.ori %lt3A_122, %and3A_127 : vector<16x12x12xi1>
    %convert_element_type3A_128 = arith.extui %or3A : vector<16x12x12xi1> to vector<16x12x12xi32>
    %convert_element_type3A_129 = arith.sitofp %convert_element_type3A_128 : vector<16x12x12xi32> to vector<16x12x12xf32>
    %reduce_sum3A_130 = arith.constant dense<0.000000e+00> : vector<16x12xf32>
    %reduce_sum3A_131 = vector.multi_reduction <add>, %convert_element_type3A_129, %reduce_sum3A_130 [2] : vector<16x12x12xf32> to vector<16x12xf32>
    %broadcast_in_dim3A_132 = vector.shape_cast %reduce_sum3A_67 : vector<16xf32> to vector<16x1xf32>
    %mul3A = arith.constant 3.000000e+00 : f32
    %mul3A_133 = vector.broadcast %mul3A : f32 to vector<16x1xf32>
    %mul3A_134 = arith.mulf %mul3A_133, %broadcast_in_dim3A_132 : vector<16x1xf32>
    %lt3A_135 = vector.broadcast %mul3A_134 : vector<16x1xf32> to vector<16x12xf32>
    %lt3A_136 = arith.cmpf olt, %reduce_sum3A_131, %lt3A_135 : vector<16x12xf32>
    %and3A_137 = arith.andi %and3A_109, %lt3A_136 : vector<16x12xi1>
    %max3A_138 = arith.constant 0.000000e+00 : f32
    %max3A_139 = vector.broadcast %max3A_138 : f32 to vector<16x12xf32>
    %max3A_140 = arith.maximumf %select_n3A_49, %max3A_139 : vector<16x12xf32>
    %mul3A_141 = arith.constant 1.000000e+00 : f32
    %mul3A_142 = vector.broadcast %mul3A_141 : f32 to vector<16x12xf32>
    %mul3A_143 = arith.mulf %select_n3A_49, %mul3A_142 : vector<16x12xf32>
    %sub3A_144 = arith.subf %max3A_140, %mul3A_143 : vector<16x12xf32>
    %abs3A = math.absf %select_n3A_49 : vector<16x12xf32>
    %neg3A_145 = arith.constant 0.000000e+00 : f32
    %neg3A_146 = vector.broadcast %neg3A_145 : f32 to vector<16x12xf32>
    %neg3A_147 = arith.subf %neg3A_146, %abs3A : vector<16x12xf32>
    %exp3A_148 = math.exp %neg3A_147 : vector<16x12xf32>
    %log1p3A = math.log1p %exp3A_148 : vector<16x12xf32>
    %add3A_149 = arith.addf %sub3A_144, %log1p3A : vector<16x12xf32>
    %mul3A_150 = arith.mulf %add3A_149, %convert_element_type3A_66 : vector<16x12xf32>
    %reduce_sum3A_151 = vector.shape_cast %mul3A_150 : vector<16x12xf32> to vector<1x16x12xf32>
    %reduce_sum3A_152 = arith.constant dense<0.000000e+00> : vector<1xf32>
    %reduce_sum3A_153 = vector.multi_reduction <add>, %reduce_sum3A_151, %reduce_sum3A_152 [1, 2] : vector<1x16x12xf32> to vector<1xf32>
    %reduce_sum3A_154 = vector.shape_cast %reduce_sum3A_153 : vector<1xf32> to vector<1x1x1xf32>
    %reduce_sum3A_155 = vector.extract %reduce_sum3A_154[0, 0, 0] : f32 from vector<1x1x1xf32>
    %max3A_156 = arith.constant 0.000000e+00 : f32
    %max3A_157 = vector.broadcast %max3A_156 : f32 to vector<16x12xf32>
    %max3A_158 = arith.maximumf %select_n3A_89, %max3A_157 : vector<16x12xf32>
    %mul3A_159 = arith.constant 0.000000e+00 : f32
    %mul3A_160 = vector.broadcast %mul3A_159 : f32 to vector<16x12xf32>
    %mul3A_161 = arith.mulf %select_n3A_89, %mul3A_160 : vector<16x12xf32>
    %sub3A_162 = arith.subf %max3A_158, %mul3A_161 : vector<16x12xf32>
    %abs3A_163 = math.absf %select_n3A_89 : vector<16x12xf32>
    %neg3A_164 = arith.constant 0.000000e+00 : f32
    %neg3A_165 = vector.broadcast %neg3A_164 : f32 to vector<16x12xf32>
    %neg3A_166 = arith.subf %neg3A_165, %abs3A_163 : vector<16x12xf32>
    %exp3A_167 = math.exp %neg3A_166 : vector<16x12xf32>
    %log1p3A_168 = math.log1p %exp3A_167 : vector<16x12xf32>
    %add3A_169 = arith.addf %sub3A_162, %log1p3A_168 : vector<16x12xf32>
    %convert_element_type3A_170 = arith.extui %and3A_137 : vector<16x12xi1> to vector<16x12xi32>
    %convert_element_type3A_171 = arith.sitofp %convert_element_type3A_170 : vector<16x12xi32> to vector<16x12xf32>
    %mul3A_172 = arith.mulf %add3A_169, %convert_element_type3A_171 : vector<16x12xf32>
    %reduce_sum3A_173 = vector.shape_cast %mul3A_172 : vector<16x12xf32> to vector<1x16x12xf32>
    %reduce_sum3A_174 = arith.constant dense<0.000000e+00> : vector<1xf32>
    %reduce_sum3A_175 = vector.multi_reduction <add>, %reduce_sum3A_173, %reduce_sum3A_174 [1, 2] : vector<1x16x12xf32> to vector<1xf32>
    %reduce_sum3A_176 = vector.shape_cast %reduce_sum3A_175 : vector<1xf32> to vector<1x1x1xf32>
    %reduce_sum3A_177 = vector.extract %reduce_sum3A_176[0, 0, 0] : f32 from vector<1x1x1xf32>
    %add3A_178 = arith.addf %reduce_sum3A_155, %reduce_sum3A_177 : f32
    %max3A_179 = arith.maximumf %get3A_13, %get3A_18 : vector<16x12xf32>
    %jit3A_180 = arith.constant 1.000000e+00 : f32
    %broadcast_in_dim3A_181 = vector.broadcast %jit3A_180 : f32 to vector<16x12xf32>
    %select_n3A_182 = arith.select %and3A_65, %max3A_179, %broadcast_in_dim3A_181 : vector<16x12xi1>, vector<16x12xf32>
    %slice3A_183 = vector.extract_strided_slice %get3A_23 {offsets = [0, 48], sizes = [16, 12], strides = [1, 1]} : vector<16x144xf32> to vector<16x12xf32>
    %slice3A_184 = vector.extract_strided_slice %get3A_28 {offsets = [0, 48], sizes = [16, 12], strides = [1, 1]} : vector<16x144xf32> to vector<16x12xf32>
    %select_n3A_185 = arith.select %ge3A, %slice3A_183, %slice3A_184 : vector<16x12xi1>, vector<16x12xf32>
    %sub3A_186 = arith.subf %select_n3A_185, %get3A_3 : vector<16x12xf32>
    %abs3A_187 = math.absf %sub3A_186 : vector<16x12xf32>
    %lt3A_188 = arith.constant 1.000000e+00 : f32
    %lt3A_189 = vector.broadcast %lt3A_188 : f32 to vector<16x12xf32>
    %lt3A_190 = arith.cmpf olt, %abs3A_187, %lt3A_189 : vector<16x12xf32>
    %mul3A_191 = arith.constant 5.000000e-01 : f32
    %mul3A_192 = vector.broadcast %mul3A_191 : f32 to vector<16x12xf32>
    %mul3A_193 = arith.mulf %mul3A_192, %sub3A_186 : vector<16x12xf32>
    %mul3A_194 = arith.mulf %mul3A_193, %sub3A_186 : vector<16x12xf32>
    %sub3A_195 = arith.constant 5.000000e-01 : f32
    %sub3A_196 = vector.broadcast %sub3A_195 : f32 to vector<16x12xf32>
    %sub3A_197 = arith.subf %abs3A_187, %sub3A_196 : vector<16x12xf32>
    %select_n3A_198 = arith.select %lt3A_190, %mul3A_194, %sub3A_197 : vector<16x12xi1>, vector<16x12xf32>
    %slice3A_199 = vector.extract_strided_slice %get3A_23 {offsets = [0, 64], sizes = [16, 12], strides = [1, 1]} : vector<16x144xf32> to vector<16x12xf32>
    %slice3A_200 = vector.extract_strided_slice %get3A_28 {offsets = [0, 64], sizes = [16, 12], strides = [1, 1]} : vector<16x144xf32> to vector<16x12xf32>
    %select_n3A_201 = arith.select %ge3A, %slice3A_199, %slice3A_200 : vector<16x12xi1>, vector<16x12xf32>
    %sub3A_202 = arith.subf %select_n3A_201, %get3A_8 : vector<16x12xf32>
    %abs3A_203 = math.absf %sub3A_202 : vector<16x12xf32>
    %lt3A_204 = arith.constant 1.000000e+00 : f32
    %lt3A_205 = vector.broadcast %lt3A_204 : f32 to vector<16x12xf32>
    %lt3A_206 = arith.cmpf olt, %abs3A_203, %lt3A_205 : vector<16x12xf32>
    %mul3A_207 = arith.constant 5.000000e-01 : f32
    %mul3A_208 = vector.broadcast %mul3A_207 : f32 to vector<16x12xf32>
    %mul3A_209 = arith.mulf %mul3A_208, %sub3A_202 : vector<16x12xf32>
    %mul3A_210 = arith.mulf %mul3A_209, %sub3A_202 : vector<16x12xf32>
    %sub3A_211 = arith.constant 5.000000e-01 : f32
    %sub3A_212 = vector.broadcast %sub3A_211 : f32 to vector<16x12xf32>
    %sub3A_213 = arith.subf %abs3A_203, %sub3A_212 : vector<16x12xf32>
    %select_n3A_214 = arith.select %lt3A_206, %mul3A_210, %sub3A_213 : vector<16x12xi1>, vector<16x12xf32>
    %add3A_215 = arith.addf %select_n3A_198, %select_n3A_214 : vector<16x12xf32>
    %slice3A_216 = vector.extract_strided_slice %get3A_23 {offsets = [0, 80], sizes = [16, 12], strides = [1, 1]} : vector<16x144xf32> to vector<16x12xf32>
    %slice3A_217 = vector.extract_strided_slice %get3A_28 {offsets = [0, 80], sizes = [16, 12], strides = [1, 1]} : vector<16x144xf32> to vector<16x12xf32>
    %select_n3A_218 = arith.select %ge3A, %slice3A_216, %slice3A_217 : vector<16x12xi1>, vector<16x12xf32>
    %sub3A_219 = arith.subf %select_n3A_218, %get3A_13 : vector<16x12xf32>
    %abs3A_220 = math.absf %sub3A_219 : vector<16x12xf32>
    %lt3A_221 = arith.constant 1.000000e+00 : f32
    %lt3A_222 = vector.broadcast %lt3A_221 : f32 to vector<16x12xf32>
    %lt3A_223 = arith.cmpf olt, %abs3A_220, %lt3A_222 : vector<16x12xf32>
    %mul3A_224 = arith.constant 5.000000e-01 : f32
    %mul3A_225 = vector.broadcast %mul3A_224 : f32 to vector<16x12xf32>
    %mul3A_226 = arith.mulf %mul3A_225, %sub3A_219 : vector<16x12xf32>
    %mul3A_227 = arith.mulf %mul3A_226, %sub3A_219 : vector<16x12xf32>
    %sub3A_228 = arith.constant 5.000000e-01 : f32
    %sub3A_229 = vector.broadcast %sub3A_228 : f32 to vector<16x12xf32>
    %sub3A_230 = arith.subf %abs3A_220, %sub3A_229 : vector<16x12xf32>
    %select_n3A_231 = arith.select %lt3A_223, %mul3A_227, %sub3A_230 : vector<16x12xi1>, vector<16x12xf32>
    %add3A_232 = arith.addf %add3A_215, %select_n3A_231 : vector<16x12xf32>
    %slice3A_233 = vector.extract_strided_slice %get3A_23 {offsets = [0, 96], sizes = [16, 12], strides = [1, 1]} : vector<16x144xf32> to vector<16x12xf32>
    %slice3A_234 = vector.extract_strided_slice %get3A_28 {offsets = [0, 96], sizes = [16, 12], strides = [1, 1]} : vector<16x144xf32> to vector<16x12xf32>
    %select_n3A_235 = arith.select %ge3A, %slice3A_233, %slice3A_234 : vector<16x12xi1>, vector<16x12xf32>
    %sub3A_236 = arith.subf %select_n3A_235, %get3A_18 : vector<16x12xf32>
    %abs3A_237 = math.absf %sub3A_236 : vector<16x12xf32>
    %lt3A_238 = arith.constant 1.000000e+00 : f32
    %lt3A_239 = vector.broadcast %lt3A_238 : f32 to vector<16x12xf32>
    %lt3A_240 = arith.cmpf olt, %abs3A_237, %lt3A_239 : vector<16x12xf32>
    %mul3A_241 = arith.constant 5.000000e-01 : f32
    %mul3A_242 = vector.broadcast %mul3A_241 : f32 to vector<16x12xf32>
    %mul3A_243 = arith.mulf %mul3A_242, %sub3A_236 : vector<16x12xf32>
    %mul3A_244 = arith.mulf %mul3A_243, %sub3A_236 : vector<16x12xf32>
    %sub3A_245 = arith.constant 5.000000e-01 : f32
    %sub3A_246 = vector.broadcast %sub3A_245 : f32 to vector<16x12xf32>
    %sub3A_247 = arith.subf %abs3A_237, %sub3A_246 : vector<16x12xf32>
    %select_n3A_248 = arith.select %lt3A_240, %mul3A_244, %sub3A_247 : vector<16x12xi1>, vector<16x12xf32>
    %add3A_249 = arith.addf %add3A_232, %select_n3A_248 : vector<16x12xf32>
    %div3A_250 = arith.divf %add3A_249, %select_n3A_182 : vector<16x12xf32>
    %mul3A_251 = arith.mulf %div3A_250, %convert_element_type3A_66 : vector<16x12xf32>
    %reduce_sum3A_252 = vector.shape_cast %mul3A_251 : vector<16x12xf32> to vector<1x16x12xf32>
    %reduce_sum3A_253 = arith.constant dense<0.000000e+00> : vector<1xf32>
    %reduce_sum3A_254 = vector.multi_reduction <add>, %reduce_sum3A_252, %reduce_sum3A_253 [1, 2] : vector<1x16x12xf32> to vector<1xf32>
    %reduce_sum3A_255 = vector.shape_cast %reduce_sum3A_254 : vector<1xf32> to vector<1x1x1xf32>
    %reduce_sum3A_256 = vector.extract %reduce_sum3A_255[0, 0, 0] : f32 from vector<1x1x1xf32>
    %reduce_sum3A_257 = vector.shape_cast %reduce_sum3A_67 : vector<16xf32> to vector<1x16xf32>
    %reduce_sum3A_258 = arith.constant dense<0.000000e+00> : vector<1xf32>
    %reduce_sum3A_259 = vector.multi_reduction <add>, %reduce_sum3A_257, %reduce_sum3A_258 [1] : vector<1x16xf32> to vector<1xf32>
    %reduce_sum3A_260 = vector.shape_cast %reduce_sum3A_259 : vector<1xf32> to vector<1x1xf32>
    %reduce_sum3A_261 = vector.extract %reduce_sum3A_260[0, 0] : f32 from vector<1x1xf32>
    %ge3A_262 = arith.constant 1.000000e+00 : f32
    %ge3A_263 = arith.cmpf oge, %reduce_sum3A_261, %ge3A_262 : f32
    %max3A_264 = arith.constant 1.000000e+00 : f32
    %max3A_265 = arith.maximumf %reduce_sum3A_261, %max3A_264 : f32
    %mul3A_266 = arith.constant 1.000000e+00 : f32
    %mul3A_267 = arith.mulf %mul3A_266, %reduce_sum3A_256 : f32
    %add3A_268 = arith.addf %add3A_178, %mul3A_267 : f32
    %div3A_269 = arith.divf %add3A_268, %max3A_265 : f32
    %jit3A_270 = arith.constant 0.000000e+00 : f32
    %select_n3A_271 = arith.select %ge3A_263, %div3A_269, %jit3A_270 : f32
    %div3A_272 = arith.divf %add3A_178, %max3A_265 : f32
    %jit3A_273 = arith.constant 0.000000e+00 : f32
    %select_n3A_274 = arith.select %ge3A_263, %div3A_272, %jit3A_273 : f32
    %div3A_275 = arith.divf %reduce_sum3A_256, %max3A_265 : f32
    %jit3A_276 = arith.constant 0.000000e+00 : f32
    %select_n3A_277 = arith.select %ge3A_263, %div3A_275, %jit3A_276 : f32
    %jit3A_278 = arith.constant 0.000000e+00 : f32
    %select_n3A_279 = arith.select %ge3A_263, %reduce_sum3A_261, %jit3A_278 : f32
    %iota3A_280 = tpu.iota {dimensions = array<i32: 1>} : vector<8x128xi32>
    %eq3A_281 = arith.constant 0 : i32
    %eq3A_282 = vector.broadcast %eq3A_281 : i32 to vector<8x128xi32>
    %eq3A_283 = arith.cmpi eq, %iota3A_280, %eq3A_282 : vector<8x128xi32>
    %jit3A_284 = arith.constant 0.000000e+00 : f32
    %broadcast_in_dim3A_285 = vector.broadcast %select_n3A_271 : f32 to vector<8x128xf32>
    %broadcast_in_dim3A_286 = vector.broadcast %jit3A_284 : f32 to vector<8x128xf32>
    %select_n3A_287 = arith.select %eq3A_283, %broadcast_in_dim3A_285, %broadcast_in_dim3A_286 : vector<8x128xi1>, vector<8x128xf32>
    %eq3A_288 = arith.constant 1 : i32
    %eq3A_289 = vector.broadcast %eq3A_288 : i32 to vector<8x128xi32>
    %eq3A_290 = arith.cmpi eq, %iota3A_280, %eq3A_289 : vector<8x128xi32>
    %jit3A_291 = arith.constant 0.000000e+00 : f32
    %broadcast_in_dim3A_292 = vector.broadcast %select_n3A_274 : f32 to vector<8x128xf32>
    %broadcast_in_dim3A_293 = vector.broadcast %jit3A_291 : f32 to vector<8x128xf32>
    %select_n3A_294 = arith.select %eq3A_290, %broadcast_in_dim3A_292, %broadcast_in_dim3A_293 : vector<8x128xi1>, vector<8x128xf32>
    %add3A_295 = arith.addf %select_n3A_287, %select_n3A_294 : vector<8x128xf32>
    %eq3A_296 = arith.constant 2 : i32
    %eq3A_297 = vector.broadcast %eq3A_296 : i32 to vector<8x128xi32>
    %eq3A_298 = arith.cmpi eq, %iota3A_280, %eq3A_297 : vector<8x128xi32>
    %jit3A_299 = arith.constant 0.000000e+00 : f32
    %broadcast_in_dim3A_300 = vector.broadcast %select_n3A_277 : f32 to vector<8x128xf32>
    %broadcast_in_dim3A_301 = vector.broadcast %jit3A_299 : f32 to vector<8x128xf32>
    %select_n3A_302 = arith.select %eq3A_298, %broadcast_in_dim3A_300, %broadcast_in_dim3A_301 : vector<8x128xi1>, vector<8x128xf32>
    %add3A_303 = arith.addf %add3A_295, %select_n3A_302 : vector<8x128xf32>
    %eq3A_304 = arith.constant 3 : i32
    %eq3A_305 = vector.broadcast %eq3A_304 : i32 to vector<8x128xi32>
    %eq3A_306 = arith.cmpi eq, %iota3A_280, %eq3A_305 : vector<8x128xi32>
    %jit3A_307 = arith.constant 0.000000e+00 : f32
    %broadcast_in_dim3A_308 = vector.broadcast %select_n3A_279 : f32 to vector<8x128xf32>
    %broadcast_in_dim3A_309 = vector.broadcast %jit3A_307 : f32 to vector<8x128xf32>
    %select_n3A_310 = arith.select %eq3A_306, %broadcast_in_dim3A_308, %broadcast_in_dim3A_309 : vector<8x128xi1>, vector<8x128xf32>
    %add3A_311 = arith.addf %add3A_303, %select_n3A_310 : vector<8x128xf32>
    %swap3A = arith.constant 0 : index
    %swap3A_312 = arith.constant 0 : index
    %swap3A_313 = vector.load %arg2[%swap3A, %swap3A_312] : memref<8x128xf32, #tpu.memory_space<vmem>>, vector<8x128xf32>
    tpu.vector_store %arg2[%swap3A, %swap3A_312], %add3A_311 {strides = array<i32>} : memref<8x128xf32, #tpu.memory_space<vmem>>, vector<8x128xf32>,
    return
  }
}

</mosaic_0001>

<sc_bundles>
// kernel: kernel.4.cloned.1.call-start
scs
__scs_entry_jumppad:
0x0: {  	(pc) =	sbr.rel $0x88, $3  }
0x1: {  	(tag) =	ssettag $0x0;
	lr =	simm.s32 $0x1  }
0x2: {  	[smem:$0x3F9F] =	sst lr;
	_ =	strace $0xD0000000  }
0x3: {  	_ = 	snop  }
0x4: {  	_ = 	snop  }
0x5: {  	_ = 	snop  }
0x6: {  	_ = 	snop  }
0x7: {  	_ = 	snop  }
__scs_overlays_trampoline_lowered:
0x8: {  	[smem:$0x3FAE] =	sst s0  }
0x9: {  	[smem:$0x3FAF] =	sst s1  }
0xa: {  	[smem:$0x3FB0] =	sst s2  }
0xb: {  	[smem:$0x3FB1] =	sst s3  }
0xc: {  	[smem:$0x3FB2] =	sst s4  }
0xd: {  	[smem:$0x3FB3] =	sst s5  }
0xe: {  	[smem:$0x3FB4] =	sst s6  }
0xf: {  	[smem:$0x3FB5] =	sst s7  }
0x10: {  	[smem:$0x3FB6] =	sst s8  }
0x11: {  	[smem:$0x3FB7] =	sst s9;
	s0 =	simm.s32 @!p0 $0x0  }
0x12: {  	s1 =	sld [smem:$0x3F9D];
	s0 =	simm.s32 @p0 $0x1  }
0x13: {  	[smem:$0x3FB8] =	sst s0;
	s0 =	simm.s32 @!p1 $0x0  }
0x14: {  	s2 =	sld [smem:$0x3F9C];
	s0 =	simm.s32 @p1 $0x1  }
0x15: {  	[smem:$0x3FB9] =	sst s0;
	s0 =	simm.s32 @!p2 $0x0  }
0x16: {  	s3 =	sld [smem:$0x3FDB];
	s0 =	simm.s32 @p2 $0x1  }
0x17: {  	s4 =	simm.s32 $0x1BF5;
	[smem:$0x3FBB] =	sst s0  }
0x18: {  	s0 =	sld [smem:$0x3F9E];
	_ =	swait.ge [sflag:s4], $0x0  }
0x19: {  	s7 =	sld [smem:$0x3F9F]  }
0x1a: {  	s8 =	sadd.s32 $0xFFFFE003, lr  }
0x1b: {  	s9 =	sadd.s32 $0xFFFFFEF7, lr;
	s5 =	simm.s32 $0xFFFFFFFF;
	p2 =	slt.u32 s8, $0xFFFFF086  }
0x1c: {  	p1 =	slt.u32 s9, $0xF7A;
	s5 =	simm.s32 @!p2 $0x0  }
0x1d: {  	s5 =	simm.s32 @p1 $0x1;
	p0 =	seq.s32 s7, s2  }
0x1e: {  	s7 =	smul.u32 @!p0 $0xF7A, s2;
	p2 =	seq.s32 @!p0 s5, $0x0  }
0x1f: {  	s9 =	smul.u32 $0xF7A, s1;
	s8 =	simm.s32 @!p0 $0x1BF5;
	p2 =	por !p2, p0  }
0x20: {  	[sflag:s8] =	ssyncset.s32 @!p0 $0xFFFFF086;
	s6 =	sadd.s32 @!p0 s3, s7;
	s7 =	simm.s32 @!p0 $0x108  }
0x21: {  	s3 =	sadd.s32 s3, s9;
	s6 =	sadd.s32 @!p0 $0x88, s6;
	s7 =	simm.s32 @p2 $0x1082  }
0x22: {  	[simem:s7], [sflag:s8] =	dma.local @!p0 [hbm:s6], $0xF7A  }
0x23: {  	s9 =	sor.u32 $0xD0000000, s2;
	s6 =	simm.s32 $0x108;
	_ =	swait.ge @!p0 [sflag:s8], $0x0  }
0x24: {  	s3 =	sadd.s32 $0x88, s3;
	s6 =	simm.s32 @!p1 $0x1082;
	[sflag:s4] =	ssyncset.s32 $0xFFFFF086  }
0x25: {  	[simem:s6], [sflag:s4] =	dma.local [hbm:s3], $0xF7A  }
0x26: {  	[smem:$0x3F9F] =	sst s1;
	(tag) =	ssettag s2;
	_ =	strace s9  }
0x27: {  	s1 =	sld [smem:$0x3FAF]  }
0x28: {  	s2 =	sld [smem:$0x3FB0]  }
0x29: {  	s4 =	sld [smem:$0x3FB2]  }
0x2a: {  	p0 =	seq.s32 s5, $0x0;
	s5 =	sld [smem:$0x3FB3]  }
0x2b: {  	s6 =	sld [smem:$0x3FB4]  }
0x2c: {  	s7 =	sld [smem:$0x3FB5]  }
0x2d: {  	s3 =	simm.s32 $0x108;
	s8 =	sld [smem:$0x3FB6]  }
0x2e: {  	s3 =	simm.s32 @!p0 $0x1082;
	s9 =	sld [smem:$0x3FB7]  }
0x2f: {  	lr =	sadd.s32 s0, s3;
	s0 =	sld [smem:$0x3FAE]  }
0x30: {  	s3 =	sld [smem:$0x3FB1]  }
0x31: {  	[smem:$0x3FBA] =	sst s10  }
0x32: {  	s10 =	sld [smem:$0x3FB8];
	_ =	sdelay $0x3  }
0x33: {  	p0 =	seq.s32 s10, $0x1;
	s10 =	sld [smem:$0x3FBA];
	_ =	sdelay $0x3  }
0x34: {  	[smem:$0x3FBA] =	sst s10  }
0x35: {  	s10 =	sld [smem:$0x3FB9];
	_ =	sdelay $0x3  }
0x36: {  	p1 =	seq.s32 s10, $0x1;
	s10 =	sld [smem:$0x3FBA];
	_ =	sdelay $0x3  }
0x37: {  	[smem:$0x3FBA] =	sst s10  }
0x38: {  	s10 =	sld [smem:$0x3FBB]  }
0x39: {  	_ = 	snop;
	(pc) =	sbr.ind lr, $3  }
0x3a: {  	_ = 	snop  }
0x3b: {  	_ = 	snop  }
0x3c: {  	p2 =	seq.s32 s10, $0x1;
	s10 =	sld [smem:$0x3FBA]  }
0x3d: {  	_ =	shalt  }
0x3e: {  	_ =	shalt  }
0x3f: {  	_ =	shalt  }
0x40: {  	_ =	shalt  }
0x41: {  	_ =	shalt  }
0x42: {  	_ =	shalt  }
0x43: {  	_ =	shalt  }
0x44: {  	_ =	shalt  }
0x45: {  	_ =	shalt  }
0x46: {  	_ =	shalt  }
0x47: {  	_ =	shalt  }
0x48: {  	_ =	shalt  }
0x49: {  	_ =	shalt  }
0x4a: {  	_ =	shalt  }
0x4b: {  	_ =	shalt  }
0x4c: {  	_ =	shalt  }
0x4d: {  	_ =	shalt  }
0x4e: {  	_ =	shalt  }
0x4f: {  	_ =	shalt  }
0x50: {  	_ =	shalt  }
0x51: {  	_ =	shalt  }
0x52: {  	_ =	shalt  }
0x53: {  	_ =	shalt  }
0x54: {  	_ =	shalt  }
0x55: {  	_ =	shalt  }
0x56: {  	_ =	shalt  }
0x57: {  	_ =	shalt  }
0x58: {  	_ =	shalt  }
0x59: {  	_ =	shalt  }
0x5a: {  	_ =	shalt  }
0x5b: {  	_ =	shalt  }
0x5c: {  	_ =	shalt  }
0x5d: {  	_ =	shalt  }
0x5e: {  	_ =	shalt  }
0x5f: {  	_ =	shalt  }
0x60: {  	_ =	shalt  }
0x61: {  	_ =	shalt  }
0x62: {  	_ =	shalt  }
0x63: {  	_ =	shalt  }
0x64: {  	_ =	shalt  }
0x65: {  	_ =	shalt  }
0x66: {  	_ =	shalt  }
0x67: {  	_ =	shalt  }
0x68: {  	_ =	shalt  }
0x69: {  	_ =	shalt  }
0x6a: {  	_ =	shalt  }
0x6b: {  	_ =	shalt  }
0x6c: {  	_ =	shalt  }
0x6d: {  	_ =	shalt  }
0x6e: {  	_ =	shalt  }
0x6f: {  	_ =	shalt  }
0x70: {  	_ =	shalt  }
0x71: {  	_ =	shalt  }
0x72: {  	_ =	shalt  }
0x73: {  	_ =	shalt  }
0x74: {  	_ =	shalt  }
0x75: {  	_ =	shalt  }
0x76: {  	_ =	shalt  }
0x77: {  	_ =	shalt  }
0x78: {  	_ =	shalt  }
0x79: {  	_ =	shalt  }
0x7a: {  	_ =	shalt  }
0x7b: {  	_ =	shalt  }
0x7c: {  	_ =	shalt  }
0x7d: {  	_ =	shalt  }
0x7e: {  	_ =	shalt  }
0x7f: {  	_ =	shalt  }
0x80: {  	_ =	shalt  }
0x81: {  	_ =	shalt  }
0x82: {  	_ =	shalt  }
0x83: {  	_ =	shalt  }
0x84: {  	_ =	shalt  }
0x85: {  	_ =	shalt  }
0x86: {  	_ =	shalt  }
0x87: {  	_ =	shalt  }
.Lfunc_end0:
.L_simem_size_0:
called_computation_lowered:
.L_overlay_start_0:
0x88: {  	s2 =	sld [smem:$0x3FD9]  }
0x89: {  	s3 =	sld [smem:$0x3FFE];
	_ =	sdelay $0x1  }
0x8a: {  	s1 =	srdreg.scid  }
0x8b: {  	s0 =	sand.u32 $0x1, s1  }
0x8c: {  	s16 =	sshll.u32 s0, $0xA;
	s2 =	sadd.s32 s3, s2  }
0x8d: {  	s2 =	sadd.s32 s2, s16  }
0x8e: {  	[smem:$0x3FC6] =	sst s2  }
0x8f: {  	_ = 	snop  }
0x90: {  	(tm) =	ssettm $0x1  }
0x91: {  	s17 =	sld [smem:$0x3FFB];
	_ =	sdelay $0x3  }
0x92: {  	_ =	strace s17  }
0x93: {  	s2 =	sld [smem:$0x3FFC];
	_ =	sdelay $0x3  }
0x94: {  	_ =	strace s2  }
0x95: {  	s2 =	sld [smem:$0x3FFD];
	_ =	sdelay $0x3  }
0x96: {  	_ =	strace s2  }
0x97: {  	_ =	strace $0x8FFFFFFF  }
0x98: {  	s18 =	sld [smem:$0x3FDB];
	_ =	sdelay $0x1  }
0x99: {  	s19 =	simm.s32 $_scs_section_size  }
0x9a: {  	s4 =	simm.s32 $_size__tile_overlayer_lowered;
	s5 =	simm.s32 $_tile_overlayer_lowered  }
0x9b: {  	s22 =	simm.s32 $0x1BFF;
	s21 =	sshll.u32 s5, $0x1;
	s2 =	sadd.s32 s19, s18  }
0x9c: {  	s6 =	simm.s32 $0x0;
	s20 =	sshll.u32 s4, $0x1;
	s4 =	sadd.s32 s21, s2  }
0x9d: {  	[timem:s6], [sflag:s22] =	dma.local [hbm:s4], s20  }
0x9e: {  	_ =	swait.ge [sflag:s22], s20  }
0x9f: {  	s3 =	ssub.s32 $0x0, s20;
	[sflag:s22] =	ssyncset.done $0x0  }
0xa0: {  	[sflag:s22] =	ssyncadd.s32 s3;
	_ =	sdelay $0x1  }
0xa1: {  	s23 =	simm.s32 $0x1B8B  }
0xa2: {  	_ =	swait.ge [sflag:s23], $0x1  }
0xa3: {  	[sflag:s23] =	ssyncset.done $0x0  }
0xa4: {  	s25 =	simm.s32 $0x1B8E;
	s24 =	sld [smem:$0x3FFE];
	[sflag:s23] =	ssyncadd.s32 $0xFFFFFFFF  }
0xa5: {  	s26 =	simm.s32 $execute0_lowered;
	[smem:$0x3FD2] =	sst s25  }
0xa6: {  	s4 =	sshll.u32 s26, $0x1;
	_ =	strace $0x80000046;
	[dreg:$0x1] =	wrdreg $0xFFFFFFFF  }
0xa7: {  	s28 =	simm.s32 $_size_execute0_lowered;
	s2 =	sadd.s32 s2, s4;
	[dreg:$0x0] =	wrdreg $0x0  }
0xa8: {  	s4 =	sshll.u32 s28, $0x1;
	[dreg:$0x2] =	wrdreg s2  }
0xa9: {  	[dreg:$0x3] =	wrdreg s4  }
0xaa: {  	[dreg:$0x4] =	wrdreg $0xC0  }
0xab: {  	_ =	task [dreg:s6], $0x5FFFF  }
0xac: {  	[dreg:$0x1] =	wrdreg $0xFFFFFFFF  }
0xad: {  	[dreg:$0x0] =	wrdreg $0x60  }
0xae: {  	[dreg:$0x2] =	wrdreg s24  }
0xaf: {  	[dreg:$0x3] =	wrdreg $0x9  }
0xb0: {  	_ =	task.clear_ibuf [dreg:s6], $0x4FFFF;
	_ =	strace $0x90000046  }
0xb1: {  	s29 =	simm.s32 $0x9;
	_ =	strace $0x80000048  }
0xb2: {  	_ =	swait.ge [sflag:s29], $0x1  }
0xb3: {  	[sflag:s29] =	ssyncadd.s32 $0xFFFFFFFF  }
0xb4: {  	_ =	strace $0x90000048  }
0xb5: {  	_ =	sfence  }
0xb6: {  	s30 =	sld [smem:$0x0];
	_ =	sdelay $0x2  }
0xb7: {  	s31 =	sshll.u32 s1, $0xD;
	s1 =	sshrl.u32 s1, $0x2  }
0xb8: {  	s3 =	sand.u32 $0x4000, s31;
	s1 =	sadd.s32 s1, s30  }
0xb9: {  	s0 =	sor.u32 s3, s0;
	s1 =	sshll.u32 s1, $0x11  }
0xba: {  	s0 =	sor.u32 s1, s0  }
0xbb: {  	s0 =	sadd.s32 $0x8F2B, s0  }
0xbc: {  	[sflag:s0] =	ssyncadd.remote.s32 $0x1  }
0xbd: {  	_ =	sfence.sel $0xFFFF  }
0xbe: {  	[dreg:$0x0] =	wrdreg $0xFFFFFFFF;
	(pc) =	sbr.abs _section_cstart, $3  }
0xbf: {  	[dreg:$0x1] =	wrdreg $0xFFFFFFFF  }
0xc0: {  	_ =	task.clear_ibuf [dreg:s6], $0x2FFFF;
	_ =	strace $0x9FFFFFFF  }
0xc1: {  	(tm) =	ssettm $0x7FFFFFFF  }
tec
execute0_lowered:
.L_overlay_start_1:
0x0: {  	(tag) =	ssettag $0x1  }
0x1: {  	v0 =	vimm.s32 $0x18100800  }
0x2: {  	v1 =	vimm.s32 $0x38302820;
	vm7 =	vcmask $0xF00;
	vm8 =	vcmask $0x1F10  }
0x3: {  	v2 =	vimm.s32 $0x58504840;
	vm9 =	vcmask $0x2F20;
	v0 =	vunpack.c.0.s8.s32 v0  }
0x4: {  	v3 =	vimm.s32 $0x39312921;
	v4 =	vimm.s32 $0x1A120A02;
	v1 =	vunpack.c.0.s8.s32 v1  }
0x5: {  	v5 =	vimm.s32 $0x59514941;
	v6 =	vimm.s32 $0x3A322A22;
	v0 =	vnsel vm7, $0x58, v0  }
0x6: {  	v0 =	vsel vm8, v1, v0;
	v1 =	vunpack.c.0.s8.s32 v2;
	v2 =	vimm.s32 $0x19110901  }
0x7: {  	vm3 =	vcmask $0x300;
	vm1 =	vcmask $0x704;
	v2 =	vunpack.c.0.s8.s32 v2  }
0x8: {  	vm0 =	vcmask $0xB08;
	vm4 =	vcmask $0x1310;
	v3 =	vunpack.c.0.s8.s32 v3  }
0x9: {  	v4 =	vunpack.c.0.s8.s32 v4;
	v5 =	vunpack.c.0.s8.s32 v5;
	v2 =	vnsel vm7, $0x59, v2  }
0xa: {  	v6 =	vunpack.c.0.s8.s32 v6;
	v0 =	vsel vm9, v1, v0;
	v1 =	vsel vm8, v3, v2  }
0xb: {  	v2 =	vnsel vm7, $0x5A, v4;
	v3 =	vimm.s32 $0x5A524A42;
	v4 =	vimm.s32 $0x8000000C  }
0xc: {  	v1 =	vsel vm9, v5, v1;
	v3 =	vunpack.c.0.s8.s32 v3;
	v4 =	vsel vm3, $0x80000000, v4  }
0xd: {  	v2 =	vsel vm8, v6, v2;
	v5 =	vimm.s32 $0x1B130B03;
	v4 =	vsel vm1, $0x80000001, v4  }
0xe: {  	v2 =	vsel vm9, v3, v2;
	v3 =	vsel vm0, $0x80000002, v4;
	vm0 =	vcmask $0xF0C  }
0xf: {  	vm5 =	vcmask $0x1714;
	v5 =	vunpack.c.0.s8.s32 v5;
	v3 =	vsel vm0, $0x80000003, v3  }
0x10: {  	vm6 =	vcmask $0x1B18;
	vm10 =	vcmask $0x1F1C;
	v3 =	vsel vm4, $0x80000004, v3  }
0x11: {  	v4 =	vnsel vm7, $0x5B, v5;
	v5 =	vimm.s32 $0x3B332B23;
	v3 =	vsel vm5, $0x80000005, v3  }
0x12: {  	v6 =	vimm.s32 $0x5B534B43;
	v5 =	vunpack.c.0.s8.s32 v5;
	v3 =	vsel vm6, $0x80000006, v3  }
0x13: {  	vm12 =	vcmask $0x2320;
	v6 =	vunpack.c.0.s8.s32 v6;
	v3 =	vsel vm10, $0x80000007, v3  }
0x14: {  	vm13 =	vcmask $0x2724;
	v4 =	vsel vm8, v5, v4;
	v5 =	vsel vm12, $0x80000008, v3  }
0x15: {  	v3 =	vsel vm9, v6, v4;
	v4 =	vsel vm13, $0x80000009, v5;
	v5 =	vimm.s32 $0x30201000  }
0x16: {  	v6 =	vunpack.c.0.s8.s32 v5;
	v5 =	vimm.s32 $0x70605040  }
0x17: {  	vm14 =	vcmask $0x2B28;
	vm15 =	vcmask $0x2F2C;
	v8 =	vunpack.c.0.s8.s32 v5  }
0x18: {  	s0 =	srdreg.scid;
	v9 =	vimm.s32 $0x73635343;
	v10 =	vimm.s32 $0x36261606;
	v7 =	vsel vm14, $0x8000000A, v4  }
0x19: {  	s6 =	stileid.u32;
	s3 =	rddreg [dreg:$0x0];
	s2 =	simm.s32 $0x0;
	v5 =	vsel vm15, $0x8000000B, v7;
	v7 =	vand.u32 $0xFF, v8;
	v8 =	vimm.s32 $0x33231303  }
0x1a: {  	s15 =	simm.s32 $0x1D5C0;
	s16 =	simm.s32 $0x3;
	s17 =	simm.s32 $0x2;
	v9 =	vunpack.c.0.s8.s32 v9;
	v6 =	vnsel vm7, $0x80, v6;
	v8 =	vunpack.c.0.s8.s32 v8  }
0x1b: {  	s18 =	simm.s32 $0x1;
	s19 =	simm.s32 $0x1D520;
	s4 =	smul.u32 $0x4E20, s6;
	v10 =	vunpack.c.0.s8.s32 v10;
	v6 =	vsel vm8, v7, v6;
	v7 =	vimm.s32 $0x76665646  }
0x1c: {  	s23 =	simm.s32 $0x11190;
	s24 =	simm.s32 $0x138B0;
	s30 =	smul.u32 $0x90, s6;
	v9 =	vand.u32 $0xFF, v9;
	v11 =	vunpack.c.0.s8.s32 v7;
	v8 =	vnsel vm7, $0x83, v8  }
0x1d: {  	v12 =	vimm.s32 $0x79695949;
	s25 =	simm.s32 $0x1D530;
	s0 =	sand.u32 $0x1, s0;
	s6 =	smul.u32 $0xC, s6;
	v7 =	vsel vm8, v9, v8  }
0x1e: {  	s26 =	simm.s32 $0x0;
	[smem:$0x7FF] =	sst s2;
	s1 =	smul.u32 $0x2710, s0;
	v8 =	vnsel vm7, $0x86, v10;
	v9 =	vimm.s32 $0x39291909;
	v10 =	vand.u32 $0xFF, v11  }
0x1f: {  	s5 =	smul.u32 $0x900, s0;
	_ =	strace $0x80000047;
	s0 =	ssub.s32 $0x2, s0;
	v11 =	vunpack.c.0.s8.s32 v9;
	v9 =	vimm.s32 $0x3A2A1A0A;
	v8 =	vsel vm8, v10, v8  }
0x20: {  	s31 =	sshrl.u32 s0, $0x1;
	s8 =	sadd.s32 s6, s3;
	s1 =	sadd.s32 s1, s4;
	v10 =	vunpack.c.0.s8.s32 v12;
	v13 =	vunpack.c.0.s8.s32 v9;
	v9 =	vimm.s32 $0x7A6A5A4A  }
.Ltmp0:
0x21: {  	s4 =	sadd.s32 s30, s5;
	s0 =	ssub.s32 s0, s31;
	v63 =	vunpack.c.0.s8.s32 v9;
	(pc) =	sbr.rel .LBB2_1-.Ltmp0, $4  }
0x22: {  	s8 =	sadd.s32 $0x800, s8;
	s1 =	sshrl.u32 s1, $0x3;
	s4 =	sshrl.u32 s4, $0x3;
	v11 =	vnsel vm7, $0x89, v11;
	v10 =	vand.u32 $0xFF, v10  }
0x23: {  	s12 =	smax.u32 s0, $0x1;
	s1 =	sadd.s32 s1, s3;
	s9 =	sadd.s32 s4, s3;
	v13 =	vnsel vm7, $0x8A, v13;
	v10 =	vsel vm8, v10, v11;
	v12 =	vand.u32 $0xFF, v63  }
0x24: {  	s3 =	sadd.s32 $0x27B00, s1;
	s4 =	sadd.s32 $0xA00, s1;
	s5 =	sadd.s32 $0xA640, s1;
	v4 =	vimm.f32 $0.0e+00;
	[tilespmem:$0x1FFE0] =	vst v10;
	v10 =	vsel vm8, v12, v13  }
0x25: {  	s6 =	sadd.s32 $0x14280, s1;
	s7 =	sadd.s32 $0x1DEC0, s1;
	s9 =	sadd.s32 $0x31800, s9;
	v9 =	vimm.s32 $0x0;
	vm7 =	vmxor vm7, vm7;
	v11 =	vlaneseq.u32;
	[tilespmem:$0x1FFF0] =	vst v10  }
.LBB2_39:
0x26: {  	v16 =	vimm.f32 $-1.000000000e+00;
	v18 =	vimm.s32 $0x80000000;
	v17 =	vimm.f32 $-2.000000000e+00  }
0x27: {  	v14 =	vimm.f32 $-2.000000000e+00;
	v15 =	vimm.s32 $0x80000000;
	v13 =	vimm.f32 $-1.000000000e+00  }
.LBB2_46:
0x28: {  	(xrf0) =	vmax.scan.msk.f32 $0xffff, v17;
	_ =	sdelay $0x5  }
0x29: {  	v10, _, _ =	vpop (xrf0)  }
0x2a: {  	v10 =	vbroadcast v10, $0xF;
	_ =	sdelay $0x1  }
0x2b: {  	vm0 =	veq.f32 v17, v10  }
0x2c: {  	v12 =	vnsel vm0, $0x80002710, v18  }
0x2d: {  	(xrf0) =	vmin.scan.msk.u32 $0xffff, v12;
	_ =	sdelay $0x5  }
0x2e: {  	v12, _, _ =	vpop (xrf0)  }
0x2f: {  	(v2sf) =	vpush v12, $0xF;
	_ =	sdelay $0xe  }
0x30: {  	s0 =	spop (v2sf)  }
0x31: {  	s0 =	sxor.u32 $0x80000000, s0  }
0x32: {  	v47 =	vmov s0;
	_ =	sdelay $0x3  }
0x33: {  	s21 =	simm.s32 $0x15FD0  }
0x34: {  	s22 =	simm.s32 $0xC350;
	v48 =	vld.idx.msk [tilespmem:v47+s21+$0x0], $0xffff  }
0x35: {  	s31 =	simm.s32 $0xEA70;
	v49 =	vld.idx.msk [tilespmem:v47+s22+$0x0], $0xffff  }
0x36: {  	v19 =	vld.idx.msk [tilespmem:v47+s31+$0x0], $0xffff  }
0x37: {  	v20 =	vld.idx.msk [tilespmem:v47+s23+$0x0], $0xffff  }
0x38: {  	v12 =	vld.idx.msk [tilespmem:v47+s24+$0x0], $0xffff  }
0x39: {  	(xrf0) =	vmax.scan.msk.f32 $0xffff, v48  }
0x3a: {  	(xrf0) =	vmax.scan.msk.f32 $0xffff, v49  }
0x3b: {  	(xrf0) =	vmax.scan.msk.f32 $0xffff, v19  }
0x3c: {  	(xrf0) =	vmax.scan.msk.f32 $0xffff, v20  }
0x3d: {  	(xrf0) =	vmax.scan.msk.f32 $0xffff, v12  }
0x3e: {  	(xrf0) =	vmax.scan.msk.f32 $0xffff, v16  }
0x3f: {  	v50, _, _ =	vpop (xrf0)  }
0x40: {  	v51, _, _ =	vpop (xrf0)  }
0x41: {  	v52, _, _ =	vpop (xrf0)  }
0x42: {  	v53, _, _ =	vpop (xrf0)  }
0x43: {  	v54, _, _ =	vpop (xrf0)  }
0x44: {  	v55, _, _ =	vpop (xrf0)  }
0x45: {  	v20 =	vbroadcast v55, $0xF;
	_ =	sdelay $0x1  }
0x46: {  	v10 =	vnsel vm8, $0x0, v10;
	v12 =	vbroadcast v50, $0xF;
	v20 =	vnsel vm1, $0x0, v20  }
0x47: {  	vm0 =	vcmask $0xB08;
	v10 =	vadd.f32 v20, v10  }
0x48: {  	v16 =	vbroadcast v51, $0xF;
	v12 =	vnsel vm0, $0x0, v12  }
0x49: {  	vm0 =	vcmask $0xF0C;
	v10 =	vadd.f32 v12, v10  }
0x4a: {  	v57 =	vbroadcast v52, $0xF;
	v56 =	vnsel vm0, $0x0, v16  }
0x4b: {  	v10 =	vadd.f32 v56, v10  }
0x4c: {  	v59 =	vbroadcast v53, $0xF;
	v58 =	vnsel vm4, $0x0, v57  }
0x4d: {  	v63 =	vld [tilespmem:$0x1FFE0];
	v10 =	vadd.f32 v58, v10  }
0x4e: {  	p0 =	seq.s32 s30, $0xA;
	v61 =	vbroadcast v54, $0xF;
	v60 =	vnsel vm5, $0x0, v59  }
0x4f: {  	(xrf0) =	vmax.scan.msk.f32 @!p0 $0xffff, v14;
	v10 =	vadd.f32 v60, v10  }
0x50: {  	v62 =	vnsel vm6, $0x0, v61  }
0x51: {  	v10 =	vadd.f32 v62, v10;
	_ =	sdelay $0x3  }
0x52: {  	[tilespmem:v63+s25+$0x0] =	vst.idx.msk $0x7f, v10;
	v10, _, _ =	vpop @!p0 (xrf0)  }
0x53: {  	v10 =	vbroadcast @!p0 v10, $0xF;
	_ =	sdelay $0x1  }
0x54: {  	vm0 =	veq.f32 @!p0 v14, v10  }
0x55: {  	v12 =	vnsel @!p0 vm0, $0x80002710, v15  }
0x56: {  	(xrf0) =	vmin.scan.msk.u32 @!p0 $0xffff, v12;
	_ =	sdelay $0x5  }
0x57: {  	v12, _, _ =	vpop @!p0 (xrf0)  }
0x58: {  	(v2sf) =	vpush @!p0 v12, $0xF;
	_ =	sdelay $0xe  }
0x59: {  	s0 =	spop @!p0 (v2sf)  }
0x5a: {  	s0 =	sxor.u32 @!p0 $0x80000000, s0  }
0x5b: {  	v12 =	vmov @!p0 s0;
	_ =	sdelay $0x3  }
0x5c: {  	s0 =	simm.s32 @!p0 $0x15FD0  }
0x5d: {  	v14 =	vld.idx.msk @!p0 [tilespmem:v12+s0+$0x0], $0xffff;
	s0 =	simm.s32 @!p0 $0xC350  }
0x5e: {  	v15 =	vld.idx.msk @!p0 [tilespmem:v12+s0+$0x0], $0xffff;
	s0 =	simm.s32 @!p0 $0xEA70  }
0x5f: {  	v16 =	vld.idx.msk @!p0 [tilespmem:v12+s0+$0x0], $0xffff  }
0x60: {  	v17 =	vld.idx.msk @!p0 [tilespmem:v12+s23+$0x0], $0xffff  }
0x61: {  	v12 =	vld.idx.msk @!p0 [tilespmem:v12+s24+$0x0], $0xffff  }
0x62: {  	(xrf0) =	vmax.scan.msk.f32 @!p0 $0xffff, v14  }
0x63: {  	(xrf0) =	vmax.scan.msk.f32 @!p0 $0xffff, v15  }
0x64: {  	(xrf0) =	vmax.scan.msk.f32 @!p0 $0xffff, v16  }
0x65: {  	(xrf0) =	vmax.scan.msk.f32 @!p0 $0xffff, v17  }
0x66: {  	(xrf0) =	vmax.scan.msk.f32 @!p0 $0xffff, v12  }
0x67: {  	(xrf0) =	vmax.scan.msk.f32 @!p0 $0xffff, v13  }
0x68: {  	v12, _, _ =	vpop @!p0 (xrf0)  }
0x69: {  	v13, _, _ =	vpop @!p0 (xrf0)  }
0x6a: {  	v14, _, _ =	vpop @!p0 (xrf0)  }
0x6b: {  	v15, _, _ =	vpop @!p0 (xrf0)  }
0x6c: {  	v16, _, _ =	vpop @!p0 (xrf0)  }
0x6d: {  	v17, _, _ =	vpop @!p0 (xrf0)  }
0x6e: {  	v17 =	vbroadcast @!p0 v17, $0xF;
	_ =	sdelay $0x1  }
0x6f: {  	v10 =	vnsel @!p0 vm8, $0x0, v10;
	v12 =	vbroadcast @!p0 v12, $0xF;
	v17 =	vnsel @!p0 vm1, $0x0, v17  }
0x70: {  	vm0 =	vcmask @!p0 $0xB08;
	v10 =	vadd.f32 @!p0 v17, v10  }
0x71: {  	v13 =	vbroadcast @!p0 v13, $0xF;
	v12 =	vnsel @!p0 vm0, $0x0, v12  }
0x72: {  	vm0 =	vcmask @!p0 $0xF0C;
	v10 =	vadd.f32 @!p0 v12, v10  }
0x73: {  	v12 =	vnsel @!p0 vm0, $0x0, v13;
	v13 =	vbroadcast @!p0 v14, $0xF  }
0x74: {  	v10 =	vadd.f32 @!p0 v12, v10  }
0x75: {  	v12 =	vnsel @!p0 vm4, $0x0, v13;
	v13 =	vbroadcast @!p0 v15, $0xF  }
0x76: {  	v10 =	vadd.f32 @!p0 v12, v10  }
0x77: {  	v12 =	vnsel @!p0 vm5, $0x0, v13;
	v13 =	vbroadcast @!p0 v16, $0xF  }
0x78: {  	v10 =	vadd.f32 @!p0 v12, v10  }
0x79: {  	v12 =	vnsel @!p0 vm6, $0x0, v13  }
0x7a: {  	v10 =	vadd.f32 @!p0 v12, v10;
	v12 =	vld @!p0 [tilespmem:$0x1FFF0];
	_ =	sdelay $0x7  }
0x7b: {  	[tilespmem:v12+s25+$0x0] =	vst.idx.msk @!p0 $0x7f, v10  }
.LBB2_47:
0x7c: {  	v10 =	vld [tilespmem:$0x1D520];
	s0 =	scvt.s32.f32 s28;
	_ =	sdelay $0x1  }
0x7d: {  	v13 =	vmov s29;
	v12 =	vmov s0  }
0x7e: {  	v13 =	vnsel vm1, $0x0, v13;
	v12 =	vnsel vm3, $0x0, v12  }
0x7f: {  	s26 =	sadd.s32 $0x1, s26;
	v12 =	vadd.f32 v13, v12  }
0x80: {  	p0 =	sne.s32 s26, s12;
	[tilespmem:$0x1D5A0] =	vst v10  }
.Ltmp1:
0x81: {  	[tilespmem:$0x1D5B0] =	vst v12;
	(pc) =	sbr.rel @!p0 .LBB2_48-.Ltmp1, $4  }
0x82: {  	[hbm4b:s9+s2] =	stream.linear.scatter [tilespmem:s25], [sflag:$0x3], $0x90, $0x38;
	[tilespmem:$0x1D620] =	vst v63  }
0x83: {  	_ =	swait.ge [sflag:s16], $0x90  }
0x84: {  	[sflag:s16] =	ssyncset.done $0x0  }
0x85: {  	[sflag:s16] =	ssyncadd.s32 $0xFFFFFF70  }
.LBB2_1:
0x86: {  	s0 =	simm.s32 $0x9C40  }
0x87: {  	[tilespmem:s0], [sflag:$0x2] =	stream.linear.gather [hbm4b:s3+s2], $0x2710, $0x38;
	[tilespmem:$0x1D620] =	vst v63  }
0x88: {  	_ = 	snop  }
0x89: {  	[tilespmem:s2], [sflag:$0x1] =	stream.linear.gather [hbm4b:s4+s2], $0x2710, $0x38;
	[tilespmem:$0x1D620] =	vst v63  }
0x8a: {  	s29 =	simm.s32 $0x2710  }
0x8b: {  	[tilespmem:s29], [sflag:$0x1] =	stream.linear.gather [hbm4b:s5+s2], $0x2710, $0x38;
	[tilespmem:$0x1D620] =	vst v63  }
0x8c: {  	s30 =	simm.s32 $0x4E20  }
0x8d: {  	[tilespmem:s30], [sflag:$0x1] =	stream.linear.gather [hbm4b:s6+s2], $0x2710, $0x38;
	[tilespmem:$0x1D620] =	vst v63  }
0x8e: {  	s31 =	simm.s32 $0x7530  }
0x8f: {  	[tilespmem:s31], [sflag:$0x1] =	stream.linear.gather [hbm4b:s7+s2], $0x2710, $0x38;
	[tilespmem:$0x1D620] =	vst v63  }
0x90: {  	_ = 	snop  }
0x91: {  	[tilespmem:s15], [sflag:$0x3] =	stream.linear.gather [hbm4b:s8+s2], $0x60, $0x38;
	[tilespmem:$0x1D620] =	vst v63  }
0x92: {  	_ =	swait.ge [sflag:s16], $0x60  }
0x93: {  	[sflag:s16] =	ssyncset.done $0x0  }
0x94: {  	[sflag:s16] =	ssyncadd.s32 $0xFFFFFFA0  }
0x95: {  	_ =	swait.ge [sflag:s17], $0x2710  }
0x96: {  	[sflag:s17] =	ssyncset.done $0x0  }
0x97: {  	[sflag:s17] =	ssyncadd.s32 $0xFFFFD8F0  }
0x98: {  	[tilespmem:$0x1D530] =	vst v4  }
0x99: {  	[tilespmem:$0x1D540] =	vst v4  }
0x9a: {  	[tilespmem:$0x1D550] =	vst v4;
	v13 =	vld [tilespmem:$0xC340]  }
0x9b: {  	[tilespmem:$0x1D560] =	vst v4  }
0x9c: {  	[tilespmem:$0x1D570] =	vst v4  }
0x9d: {  	[tilespmem:$0x1D580] =	vst v4  }
0x9e: {  	[tilespmem:$0x1D590] =	vst v4  }
0x9f: {  	[tilespmem:$0x1D5A0] =	vst v4;
	v13 =	vbroadcast v13, $0xF  }
0xa0: {  	[tilespmem:$0x1D5B0] =	vst v4  }
0xa1: {  	s1 =	simm.s32 $0x0;
	[tilespmem:$0x1D520] =	vst v13  }
0xa2: {  	v13 =	vld [tilespmem:s1+$0x9C80]  }
0xa3: {  	v14 =	vld [tilespmem:s1+$0x9C40];
	_ =	sdelay $0x2  }
0xa4: {  	v15 =	vld [tilespmem:s1+$0x9C50]  }
0xa5: {  	v16 =	vld [tilespmem:s1+$0x9C60];
	v13 =	vsub.f32 $0.0e+00, v13  }
0xa6: {  	v17 =	vld [tilespmem:s1+$0x9C70];
	v14 =	vsub.f32 $0.0e+00, v14  }
0xa7: {  	v13 =	vmul.f32 $1.442695020e+00, v13  }
0xa8: {  	v14 =	vmul.f32 $1.442695020e+00, v14  }
0xa9: {  	v15 =	vsub.f32 $0.0e+00, v15;
	(erf) = vpow2.f32 v13  }
0xaa: {  	v16 =	vsub.f32 $0.0e+00, v16;
	(erf) = vpow2.f32 v14  }
0xab: {  	v15 =	vmul.f32 $1.442695020e+00, v15;
	v13 =	vsub.f32 $0.0e+00, v17  }
0xac: {  	v16 =	vmul.f32 $1.442695020e+00, v16  }
0xad: {  	(erf) = vpow2.f32 v15;
	v13 =	vmul.f32 $1.442695020e+00, v13  }
0xae: {  	(erf) = vpow2.f32 v16  }
0xaf: {  	(erf) = vpow2.f32 v13  }
0xb0: {  	s0 =	simm.s32 $0x50  }
0xb1: {  	v17 =	vld [tilespmem:s0+$0x9C50]  }
0xb2: {  	v15 =	vld [tilespmem:s0+$0x9C40];
	v14 =	vpop (erf)  }
0xb3: {  	v13 =	vld [tilespmem:s0+$0x9C80];
	v16 =	vpop (erf)  }
0xb4: {  	v14 =	vadd.f32 $1.000000000e+00, v14;
	v16 =	vadd.f32 $1.000000000e+00, v16  }
0xb5: {  	v19 =	vld [tilespmem:s0+$0x9C60]  }
0xb6: {  	v17 =	vsub.f32 $0.0e+00, v17;
	v18 =	vpop (erf);
	(erf) = vrcp.f32 v14;
	v14 =	vld [tilespmem:s0+$0x9C70]  }
0xb7: {  	v15 =	vsub.f32 $0.0e+00, v15;
	v18 =	vadd.f32 $1.000000000e+00, v18;
	v20 =	vpop (erf)  }
0xb8: {  	v13 =	vsub.f32 $0.0e+00, v13;
	v20 =	vadd.f32 $1.000000000e+00, v20;
	(erf) = vrcp.f32 v16;
	v16 =	vpop (erf)  }
0xb9: {  	v15 =	vmul.f32 $1.442695020e+00, v15;
	(erf) = vrcp.f32 v18;
	v16 =	vadd.f32 $1.000000000e+00, v16  }
0xba: {  	v63 =	vsub.f32 $0.0e+00, v19;
	v13 =	vmul.f32 $1.442695020e+00, v13;
	(erf) = vrcp.f32 v20  }
0xbb: {  	v14 =	vsub.f32 $0.0e+00, v14;
	(erf) = vrcp.f32 v16;
	v16 =	vmul.f32 $1.442695020e+00, v17  }
0xbc: {  	(erf) = vpow2.f32 v13;
	v13 =	vmul.f32 $1.442695020e+00, v63  }
0xbd: {  	v14 =	vmul.f32 $1.442695020e+00, v14;
	(erf) = vpow2.f32 v15  }
0xbe: {  	(erf) = vpow2.f32 v16  }
0xbf: {  	(erf) = vpow2.f32 v13  }
0xc0: {  	v13 =	vpop (erf);
	(erf) = vpow2.f32 v14  }
0xc1: {  	vm8 =	vgt.f32 v13, $8.000000110e-01;
	vm9 =	vlt.f32 v13, $3.000000120e-01;
	v14 =	vpop (erf)  }
0xc2: {  	vm10 =	vgt.f32 v14, $8.000000110e-01;
	v15 =	vsel vm8, $0x1, v9;
	v16 =	vsel vm9, $0x2, v9;
	v13 =	vpop (erf)  }
0xc3: {  	s10 =	simm.s32 $0xA0;
	s11 =	simm.s32 $0x3C0;
	vm9 =	vlt.f32 v14, $3.000000120e-01;
	vm8 =	vgt.f32 v13, $8.000000110e-01;
	v15 =	vor.u32 v15, v16;
	v14 =	vpop (erf)  }
.LBB2_2:
0xc4: {  	p0 =	sne.s32 s11, $0x9B00;
	v16 =	vld [tilespmem:s10+$0x9C80];
	v17 =	vsel vm10, $0x1, v9;
	vm12 =	vlt.f32 v13, $3.000000120e-01;
	vm13 =	vlt.f32 v14, $3.000000120e-01;
	[tilespmem:s1+$0x1AE50] =	vst v15;
	v13 =	vpop (erf);
	s13 =	smov.u32 s0;
	s0 =	smov.u32 s10  }
0xc5: {  	vm14 =	vgt.f32 v14, $8.000000110e-01;
	v15 =	vld [tilespmem:s0+$0x9C40];
	v18 =	vpop (erf);
	vm11 =	vgt.f32 v13, $8.000000110e-01;
	vm10 =	vlt.f32 v13, $3.000000120e-01  }
0xc6: {  	v19 =	vsel vm9, $0x2, v9;
	v20 =	vsel vm8, $0x1, v9;
	v13 =	vld [tilespmem:s0+$0x9C50];
	v14 =	vadd.f32 $1.000000000e+00, v18;
	v18 =	vpop (erf)  }
0xc7: {  	v23 =	vsel vm12, $0x2, v9;
	v24 =	vsel vm14, $0x1, v9;
	v21 =	vld [tilespmem:s0+$0x9C60];
	v10 =	vadd.f32 $1.000000000e+00, v18;
	v22 =	vpop (erf)  }
0xc8: {  	v25 =	vld [tilespmem:s0+$0x9C70];
	v22 =	vadd.f32 $1.000000000e+00, v22;
	v26 =	vpop (erf);
	(erf) = vrcp.f32 v14;
	v14 =	vsel vm13, $0x2, v9  }
0xc9: {  	v16 =	vsub.f32 $0.0e+00, v16;
	v26 =	vadd.f32 $1.000000000e+00, v26;
	(erf) = vrcp.f32 v10;
	v18 =	vpop (erf)  }
0xca: {  	v15 =	vsub.f32 $0.0e+00, v15;
	v18 =	vadd.f32 $1.000000000e+00, v18;
	(erf) = vrcp.f32 v22  }
0xcb: {  	v13 =	vsub.f32 $0.0e+00, v13;
	v16 =	vmul.f32 $1.442695020e+00, v16;
	(erf) = vrcp.f32 v26  }
0xcc: {  	v15 =	vmul.f32 $1.442695020e+00, v15;
	v21 =	vsub.f32 $0.0e+00, v21;
	(erf) = vrcp.f32 v18  }
0xcd: {  	v13 =	vmul.f32 $1.442695020e+00, v13;
	v18 =	vsub.f32 $0.0e+00, v25;
	(erf) = vpow2.f32 v16  }
0xce: {  	v16 =	vmul.f32 $1.442695020e+00, v21;
	(erf) = vpow2.f32 v15;
	v15 =	vsel vm11, $0x1, v9  }
0xcf: {  	v10 =	vmul.f32 $1.442695020e+00, v18;
	(erf) = vpow2.f32 v13;
	v13 =	vsel vm10, $0x2, v9  }
.Ltmp2:
0xd0: {  	(erf) = vpow2.f32 v16;
	v16 =	vor.u32 v17, v19;
	v17 =	vor.u32 v20, v23;
	(pc) =	sbr.rel @p0 .LBB2_2-.Ltmp2, $4  }
0xd1: {  	v14 =	vor.u32 v24, v14;
	(erf) = vpow2.f32 v10;
	v18 =	vpop (erf);
	[tilespmem:s1+$0x1AE10] =	vst v16;
	v16 =	vor.u32 v15, v13  }
0xd2: {  	vm8 =	vgt.f32 v18, $8.000000110e-01;
	vm9 =	vlt.f32 v18, $3.000000120e-01;
	v15 =	vpop (erf);
	[tilespmem:s1+$0x1AE20] =	vst v17  }
0xd3: {  	s10 =	sshra.s32 s11, $0x2;
	s11 =	sadd.s32 $0x140, s11;
	vm10 =	vgt.f32 v15, $8.000000110e-01;
	v17 =	vsel vm8, $0x1, v9;
	v18 =	vsel vm9, $0x2, v9;
	v13 =	vpop (erf);
	[tilespmem:s1+$0x1AE30] =	vst v14  }
0xd4: {  	vm9 =	vlt.f32 v15, $3.000000120e-01;
	vm8 =	vgt.f32 v13, $8.000000110e-01;
	v15 =	vor.u32 v17, v18;
	v14 =	vpop (erf);
	[tilespmem:s1+$0x1AE40] =	vst v16;
	s1 =	smov.u32 s13  }
0xd5: {  	v16 =	vld [tilespmem:s10+$0x9C80];
	[tilespmem:s1+$0x1AE50] =	vst v15;
	v15 =	vpop (erf)  }
0xd6: {  	v17 =	vld [tilespmem:s10+$0x9C40];
	v18 =	vpop (erf)  }
0xd7: {  	v18 =	vadd.f32 $1.000000000e+00, v18;
	v19 =	vpop (erf)  }
0xd8: {  	v20 =	vld [tilespmem:s10+$0x9C50];
	v19 =	vadd.f32 $1.000000000e+00, v19;
	v21 =	vpop (erf)  }
0xd9: {  	v22 =	vld [tilespmem:s10+$0x9C60];
	v21 =	vadd.f32 $1.000000000e+00, v21;
	v23 =	vpop (erf);
	(erf) = vrcp.f32 v18  }
0xda: {  	v24 =	vld [tilespmem:s10+$0x9C70];
	v16 =	vsub.f32 $0.0e+00, v16;
	v23 =	vadd.f32 $1.000000000e+00, v23;
	(erf) = vrcp.f32 v19;
	v25 =	vpop (erf)  }
0xdb: {  	v17 =	vsub.f32 $0.0e+00, v17;
	v19 =	vadd.f32 $1.000000000e+00, v25;
	(erf) = vrcp.f32 v21  }
0xdc: {  	v16 =	vmul.f32 $1.442695020e+00, v16;
	(erf) = vrcp.f32 v23  }
0xdd: {  	v20 =	vsub.f32 $0.0e+00, v20;
	v17 =	vmul.f32 $1.442695020e+00, v17;
	(erf) = vrcp.f32 v19  }
0xde: {  	v26 =	vsub.f32 $0.0e+00, v22;
	(erf) = vpow2.f32 v16  }
0xdf: {  	v18 =	vsub.f32 $0.0e+00, v24;
	v27 =	vmul.f32 $1.442695020e+00, v20;
	(erf) = vpow2.f32 v17  }
0xe0: {  	v28 =	vmul.f32 $1.442695020e+00, v26  }
0xe1: {  	v18 =	vmul.f32 $1.442695020e+00, v18;
	(erf) = vpow2.f32 v27  }
0xe2: {  	(erf) = vpow2.f32 v28;
	v29 =	vpop (erf)  }
0xe3: {  	v30 =	vsel vm10, $0x1, v9;
	(erf) = vpow2.f32 v18;
	v31 =	vpop (erf)  }
0xe4: {  	vm10 =	vlt.f32 v13, $3.000000120e-01;
	vm11 =	vlt.f32 v14, $3.000000120e-01;
	vm12 =	vgt.f32 v14, $8.000000110e-01;
	v13 =	vpop (erf)  }
0xe5: {  	v14 =	vsel vm9, $0x2, v9;
	vm13 =	vgt.f32 v15, $8.000000110e-01;
	vm14 =	vlt.f32 v15, $3.000000120e-01;
	v15 =	vpop (erf)  }
0xe6: {  	v32 =	vsel vm8, $0x1, v9;
	v33 =	vsel vm10, $0x2, v9;
	v34 =	vsel vm12, $0x1, v9;
	v35 =	vpop (erf)  }
0xe7: {  	v36 =	vsel vm11, $0x2, v9;
	v14 =	vor.u32 v30, v14;
	v37 =	vor.u32 v32, v33;
	v26 =	vpop (erf)  }
0xe8: {  	v24 =	vsel vm13, $0x1, v9;
	v25 =	vsel vm14, $0x2, v9;
	v38 =	vadd.f32 $1.000000000e+00, v26;
	v39 =	vpop (erf)  }
0xe9: {  	v21 =	vor.u32 v34, v36;
	v40 =	vor.u32 v24, v25;
	v20 =	vadd.f32 $1.000000000e+00, v39  }
0xea: {  	vm8 =	vgt.f32 v29, $8.000000110e-01;
	vm9 =	vlt.f32 v29, $3.000000120e-01;
	v41 =	vpop (erf);
	(erf) = vrcp.f32 v38  }
0xeb: {  	vm10 =	vgt.f32 v31, $8.000000110e-01;
	v16 =	vadd.f32 $1.000000000e+00, v41;
	v42 =	vpop (erf);
	(erf) = vrcp.f32 v20  }
0xec: {  	v43 =	vsel vm8, $0x1, v9;
	v44 =	vsel vm9, $0x2, v9;
	v19 =	vadd.f32 $1.000000000e+00, v42;
	v45 =	vpop (erf)  }
0xed: {  	vm8 =	vlt.f32 v31, $3.000000120e-01;
	v46 =	vadd.f32 $1.000000000e+00, v45;
	(erf) = vrcp.f32 v16  }
0xee: {  	vm9 =	vgt.f32 v13, $8.000000110e-01;
	v47 =	vor.u32 v43, v44;
	(erf) = vrcp.f32 v19  }
0xef: {  	v48 =	vsel vm10, $0x1, v9;
	vm10 =	vlt.f32 v13, $3.000000120e-01;
	(erf) = vrcp.f32 v46  }
0xf0: {  	[tilespmem:s1+$0x1AE10] =	vst v14;
	v13 =	vsel vm8, $0x2, v9;
	vm11 =	vlt.f32 v15, $3.000000120e-01;
	vm12 =	vgt.f32 v15, $8.000000110e-01  }
0xf1: {  	[tilespmem:s1+$0x1AE20] =	vst v37;
	v14 =	vsel vm9, $0x1, v9;
	v15 =	vsel vm10, $0x2, v9;
	v13 =	vor.u32 v48, v13  }
0xf2: {  	[tilespmem:s1+$0x1AE30] =	vst v21;
	vm13 =	vgt.f32 v35, $8.000000110e-01;
	vm14 =	vlt.f32 v35, $3.000000120e-01;
	v49 =	vsel vm12, $0x1, v9  }
0xf3: {  	[tilespmem:s1+$0x1AE40] =	vst v40;
	v50 =	vsel vm11, $0x2, v9;
	v51 =	vsel vm13, $0x1, v9;
	v52 =	vsel vm14, $0x2, v9;
	v53 =	vpop (erf)  }
0xf4: {  	[tilespmem:s0+$0x1AE50] =	vst v47;
	v14 =	vor.u32 v14, v15;
	v15 =	vor.u32 v49, v50;
	v54 =	vor.u32 v51, v52;
	v55 =	vpop (erf)  }
0xf5: {  	[tilespmem:s0+$0x1AE10] =	vst v13;
	vm8 =	vgt.f32 v53, $8.000000110e-01;
	vm9 =	vlt.f32 v53, $3.000000120e-01;
	vm10 =	vgt.f32 v55, $8.000000110e-01  }
0xf6: {  	[tilespmem:s0+$0x1AE20] =	vst v14;
	v13 =	vsel vm8, $0x1, v9;
	v56 =	vsel vm9, $0x2, v9;
	v57 =	vpop (erf);
	vm8 =	vlt.f32 v55, $3.000000120e-01  }
0xf7: {  	[tilespmem:s0+$0x1AE30] =	vst v15;
	vm9 =	vgt.f32 v57, $8.000000110e-01;
	v13 =	vor.u32 v13, v56;
	v14 =	vpop (erf);
	v58 =	vsel vm10, $0x1, v9  }
0xf8: {  	[tilespmem:s0+$0x1AE40] =	vst v54;
	vm10 =	vlt.f32 v57, $3.000000120e-01;
	vm11 =	vlt.f32 v14, $3.000000120e-01;
	v15 =	vpop (erf);
	vm12 =	vgt.f32 v14, $8.000000110e-01  }
0xf9: {  	v14 =	vsel vm8, $0x2, v9;
	[tilespmem:s10+$0x1AE50] =	vst v13;
	v13 =	vsel vm9, $0x1, v9;
	vm13 =	vgt.f32 v15, $8.000000110e-01  }
0xfa: {  	vm14 =	vlt.f32 v15, $3.000000120e-01;
	v15 =	vsel vm10, $0x2, v9;
	v14 =	vor.u32 v58, v14  }
0xfb: {  	v59 =	vsel vm12, $0x1, v9;
	v60 =	vsel vm11, $0x2, v9;
	v13 =	vor.u32 v13, v15;
	[tilespmem:s10+$0x1AE10] =	vst v14  }
0xfc: {  	v14 =	vsel vm13, $0x1, v9;
	v15 =	vsel vm14, $0x2, v9;
	v16 =	vor.u32 v59, v60;
	[tilespmem:s10+$0x1AE20] =	vst v13  }
0xfd: {  	v13 =	vor.u32 v14, v15;
	[tilespmem:s10+$0x1AE30] =	vst v16  }
0xfe: {  	[tilespmem:s10+$0x1AE40] =	vst v13  }
0xff: {  	_ =	swait.ge [sflag:s18], $0x2710  }
0x100: {  	[sflag:s18] =	ssyncset.done $0x0  }
0x101: {  	[sflag:s18] =	ssyncadd.s32 $0xFFFFD8F0  }
0x102: {  	_ =	swait.ge [sflag:s18], $0x2710  }
0x103: {  	[sflag:s18] =	ssyncset.done $0x0  }
0x104: {  	[sflag:s18] =	ssyncadd.s32 $0xFFFFD8F0  }
0x105: {  	_ =	swait.ge [sflag:s18], $0x2710  }
0x106: {  	[sflag:s18] =	ssyncset.done $0x0  }
0x107: {  	[sflag:s18] =	ssyncadd.s32 $0xFFFFD8F0  }
0x108: {  	_ =	swait.ge [sflag:s18], $0x2710  }
0x109: {  	[sflag:s18] =	ssyncset.done $0x0  }
0x10a: {  	s0 =	simm.s32 $0x0;
	[sflag:s18] =	ssyncadd.s32 $0xFFFFD8F0  }
0x10b: {  	v13 =	vld [tilespmem:s0+$0x1AE10]  }
0x10c: {  	v14 =	vld [tilespmem:s0+$0x0];
	_ =	sdelay $0x3  }
0x10d: {  	s22 =	simm.s32 $0x0;
	vm8 =	vne.s32 v13, $0x0  }
0x10e: {  	[tilespmem:s22+$0xC350] =	vst.msk vm8, v14  }
0x10f: {  	v14 =	vld [tilespmem:s0+$0x2710];
	_ =	sdelay $0x4  }
0x110: {  	[tilespmem:s22+$0xEA70] =	vst.msk vm8, v14  }
0x111: {  	v14 =	vld [tilespmem:s0+$0x4E20];
	_ =	sdelay $0x4  }
0x112: {  	[tilespmem:s22+$0x11190] =	vst.msk vm8, v14  }
0x113: {  	v14 =	vmpcnt.ones.xlane vm8;
	v15 =	vld [tilespmem:s0+$0x7530];
	_ =	sdelay $0x1  }
0x114: {  	(v2sf) =	vpush v14, $0x0;
	_ =	sdelay $0x2  }
0x115: {  	[tilespmem:s22+$0x138B0] =	vst.msk vm8, v15  }
0x116: {  	v14 =	vld [tilespmem:s0+$0x9C40];
	_ =	sdelay $0x4  }
0x117: {  	[tilespmem:s22+$0x15FD0] =	vst.msk vm8, v14  }
0x118: {  	[tilespmem:s22+$0x186F0] =	vst.msk vm8, v13  }
0x119: {  	v14 =	vld [tilespmem:s0+$0x1AE20]  }
0x11a: {  	v15 =	vld [tilespmem:s0+$0x10];
	_ =	sdelay $0x2  }
0x11b: {  	s29 =	spop (v2sf)  }
0x11c: {  	s30 =	sadd.s32 $0x0, s29;
	vm8 =	vne.s32 v14, $0x0  }
0x11d: {  	[tilespmem:s30+$0xC350] =	vst.msk vm8, v15  }
0x11e: {  	v15 =	vld [tilespmem:s0+$0x2720];
	_ =	sdelay $0x4  }
0x11f: {  	[tilespmem:s30+$0xEA70] =	vst.msk vm8, v15  }
0x120: {  	v15 =	vld [tilespmem:s0+$0x4E30];
	_ =	sdelay $0x2  }
0x121: {  	v13 =	vand.u32 $0x1, v13  }
0x122: {  	vm9 =	veq.s32 v13, $0x1  }
0x123: {  	v13 =	vmpcnt.ones.xlane vm9;
	[tilespmem:s30+$0x11190] =	vst.msk vm8, v15  }
0x124: {  	v15 =	vmpcnt.ones.xlane vm8;
	v61 =	vld [tilespmem:s0+$0x7540]  }
0x125: {  	(v2sf) =	vpush v13, $0x0  }
0x126: {  	(v2sf) =	vpush v15, $0x0;
	_ =	sdelay $0x2  }
0x127: {  	[tilespmem:s30+$0x138B0] =	vst.msk vm8, v61  }
0x128: {  	v13 =	vld [tilespmem:s0+$0x9C50];
	_ =	sdelay $0x4  }
0x129: {  	[tilespmem:s30+$0x15FD0] =	vst.msk vm8, v13  }
0x12a: {  	[tilespmem:s30+$0x186F0] =	vst.msk vm8, v14  }
0x12b: {  	v13 =	vld [tilespmem:s0+$0x1AE30]  }
0x12c: {  	v15 =	vld [tilespmem:s0+$0x20];
	_ =	sdelay $0x1  }
0x12d: {  	s31 =	spop (v2sf)  }
0x12e: {  	s11 =	spop (v2sf)  }
0x12f: {  	s10 =	sadd.s32 s30, s11;
	vm8 =	vne.s32 v13, $0x0  }
0x130: {  	[tilespmem:s10+$0xC350] =	vst.msk vm8, v15  }
0x131: {  	v15 =	vld [tilespmem:s0+$0x2730];
	_ =	sdelay $0x4  }
0x132: {  	[tilespmem:s10+$0xEA70] =	vst.msk vm8, v15  }
0x133: {  	v15 =	vld [tilespmem:s0+$0x4E40];
	_ =	sdelay $0x2  }
0x134: {  	v14 =	vand.u32 $0x1, v14  }
0x135: {  	vm9 =	veq.s32 v14, $0x1  }
0x136: {  	v14 =	vmpcnt.ones.xlane vm9;
	[tilespmem:s10+$0x11190] =	vst.msk vm8, v15  }
0x137: {  	v15 =	vmpcnt.ones.xlane vm8;
	v16 =	vld [tilespmem:s0+$0x7550]  }
0x138: {  	(v2sf) =	vpush v14, $0x0  }
0x139: {  	(v2sf) =	vpush v15, $0x0;
	_ =	sdelay $0x2  }
0x13a: {  	[tilespmem:s10+$0x138B0] =	vst.msk vm8, v16  }
0x13b: {  	v14 =	vld [tilespmem:s0+$0x9C60];
	_ =	sdelay $0x4  }
0x13c: {  	[tilespmem:s10+$0x15FD0] =	vst.msk vm8, v14  }
0x13d: {  	[tilespmem:s10+$0x186F0] =	vst.msk vm8, v13  }
0x13e: {  	v14 =	vld [tilespmem:s0+$0x1AE40]  }
0x13f: {  	v15 =	vld [tilespmem:s0+$0x30];
	_ =	sdelay $0x1  }
0x140: {  	s20 =	spop (v2sf)  }
0x141: {  	s13 =	spop (v2sf)  }
0x142: {  	s10 =	sadd.s32 s10, s13;
	vm8 =	vne.s32 v14, $0x0  }
0x143: {  	[tilespmem:s10+$0xC350] =	vst.msk vm8, v15  }
0x144: {  	v15 =	vld [tilespmem:s0+$0x2740];
	_ =	sdelay $0x4  }
0x145: {  	[tilespmem:s10+$0xEA70] =	vst.msk vm8, v15  }
0x146: {  	v15 =	vld [tilespmem:s0+$0x4E50];
	_ =	sdelay $0x2  }
0x147: {  	v13 =	vand.u32 $0x1, v13  }
0x148: {  	vm9 =	veq.s32 v13, $0x1  }
0x149: {  	v13 =	vmpcnt.ones.xlane vm9;
	[tilespmem:s10+$0x11190] =	vst.msk vm8, v15  }
0x14a: {  	v15 =	vmpcnt.ones.xlane vm8;
	v16 =	vld [tilespmem:s0+$0x7560]  }
0x14b: {  	(v2sf) =	vpush v13, $0x0  }
0x14c: {  	(v2sf) =	vpush v15, $0x0;
	_ =	sdelay $0x2  }
0x14d: {  	[tilespmem:s10+$0x138B0] =	vst.msk vm8, v16  }
0x14e: {  	v13 =	vld [tilespmem:s0+$0x9C70];
	_ =	sdelay $0x4  }
0x14f: {  	[tilespmem:s10+$0x15FD0] =	vst.msk vm8, v13  }
0x150: {  	[tilespmem:s10+$0x186F0] =	vst.msk vm8, v14  }
0x151: {  	v13 =	vld [tilespmem:s0+$0x1AE50]  }
0x152: {  	v15 =	vld [tilespmem:s0+$0x40];
	_ =	sdelay $0x1  }
0x153: {  	s14 =	spop (v2sf)  }
0x154: {  	s21 =	spop (v2sf)  }
0x155: {  	s13 =	sadd.s32 s10, s21;
	vm8 =	vne.s32 v13, $0x0  }
0x156: {  	[tilespmem:s13+$0xC350] =	vst.msk vm8, v15  }
0x157: {  	v15 =	vld [tilespmem:s0+$0x2750]  }
0x158: {  	v14 =	vand.u32 $0x1, v14  }
0x159: {  	vm9 =	veq.s32 v14, $0x1  }
0x15a: {  	v14 =	vmpcnt.ones.xlane vm9;
	v62 =	vand.u32 $0x1, v13  }
0x15b: {  	vm9 =	veq.s32 v62, $0x1;
	v63 =	vmpcnt.ones.xlane vm8  }
0x15c: {  	(v2sf) =	vpush v14, $0x0;
	v14 =	vmpcnt.ones.xlane vm9;
	[tilespmem:s13+$0xEA70] =	vst.msk vm8, v15  }
0x15d: {  	(v2sf) =	vpush v63, $0x0;
	v15 =	vld [tilespmem:s0+$0x4E60]  }
0x15e: {  	(v2sf) =	vpush v14, $0x0;
	_ =	sdelay $0x3  }
0x15f: {  	[tilespmem:s13+$0x11190] =	vst.msk vm8, v15  }
0x160: {  	v14 =	vld [tilespmem:s0+$0x7570];
	_ =	sdelay $0x4  }
0x161: {  	[tilespmem:s13+$0x138B0] =	vst.msk vm8, v14  }
0x162: {  	v14 =	vld [tilespmem:s0+$0x9C80]  }
0x163: {  	s22 =	sadd.s32 $0x0, s31  }
0x164: {  	s29 =	spop (v2sf);
	s0 =	sadd.s32 s20, s22  }
0x165: {  	s31 =	spop (v2sf);
	s30 =	sadd.s32 s14, s0  }
0x166: {  	s1 =	simm.s32 $0x280;
	s20 =	spop (v2sf);
	s14 =	sadd.s32 s29, s30  }
0x167: {  	s10 =	sadd.s32 s13, s31;
	s0 =	simm.s32 $0x140;
	s28 =	sadd.s32 s20, s14;
	[tilespmem:s13+$0x15FD0] =	vst.msk vm8, v14  }
.LBB2_4:
0x168: {  	p0 =	sne.s32 s1, $0x9B00  }
0x169: {  	s29 =	sshra.s32 s0, $0x2;
	[tilespmem:s13+$0x186F0] =	vst.msk vm8, v13;
	s0 =	smov.u32 s1;
	s1 =	sadd.s32 $0x140, s1  }
0x16a: {  	v13 =	vld [tilespmem:s29+$0x1AE10]  }
0x16b: {  	v14 =	vld [tilespmem:s29+$0x0];
	_ =	sdelay $0x3  }
0x16c: {  	vm8 =	vne.s32 v13, $0x0;
	v15 =	vand.u32 $0x1, v13  }
0x16d: {  	[tilespmem:s10+$0xC350] =	vst.msk vm8, v14;
	vm9 =	veq.s32 v15, $0x1;
	v14 =	vmpcnt.ones.xlane vm8  }
0x16e: {  	v15 =	vld [tilespmem:s29+$0x2710];
	v16 =	vmpcnt.ones.xlane vm9  }
0x16f: {  	(v2sf) =	vpush v14, $0x0  }
0x170: {  	(v2sf) =	vpush v16, $0x0;
	_ =	sdelay $0x2  }
0x171: {  	[tilespmem:s10+$0xEA70] =	vst.msk vm8, v15  }
0x172: {  	v14 =	vld [tilespmem:s29+$0x4E20];
	_ =	sdelay $0x4  }
0x173: {  	[tilespmem:s10+$0x11190] =	vst.msk vm8, v14  }
0x174: {  	v14 =	vld [tilespmem:s29+$0x7530];
	_ =	sdelay $0x3  }
0x175: {  	s11 =	spop (v2sf)  }
0x176: {  	[tilespmem:s10+$0x138B0] =	vst.msk vm8, v14;
	s30 =	spop (v2sf)  }
0x177: {  	v14 =	vld [tilespmem:s29+$0x9C40];
	_ =	sdelay $0x4  }
0x178: {  	[tilespmem:s10+$0x15FD0] =	vst.msk vm8, v14  }
0x179: {  	[tilespmem:s10+$0x186F0] =	vst.msk vm8, v13  }
0x17a: {  	v13 =	vld [tilespmem:s29+$0x1AE20]  }
0x17b: {  	v14 =	vld [tilespmem:s29+$0x10];
	_ =	sdelay $0x3  }
0x17c: {  	s11 =	sadd.s32 s10, s11;
	vm8 =	vne.s32 v13, $0x0;
	v15 =	vand.u32 $0x1, v13  }
0x17d: {  	[tilespmem:s11+$0xC350] =	vst.msk vm8, v14;
	vm9 =	veq.s32 v15, $0x1;
	v14 =	vmpcnt.ones.xlane vm8  }
0x17e: {  	v15 =	vld [tilespmem:s29+$0x2720];
	v16 =	vmpcnt.ones.xlane vm9  }
0x17f: {  	(v2sf) =	vpush v14, $0x0  }
0x180: {  	(v2sf) =	vpush v16, $0x0;
	_ =	sdelay $0x2  }
0x181: {  	[tilespmem:s11+$0xEA70] =	vst.msk vm8, v15  }
0x182: {  	v14 =	vld [tilespmem:s29+$0x4E30];
	_ =	sdelay $0x4  }
0x183: {  	[tilespmem:s11+$0x11190] =	vst.msk vm8, v14  }
0x184: {  	v14 =	vld [tilespmem:s29+$0x7540];
	_ =	sdelay $0x3  }
0x185: {  	s13 =	spop (v2sf)  }
0x186: {  	[tilespmem:s11+$0x138B0] =	vst.msk vm8, v14;
	s10 =	spop (v2sf)  }
0x187: {  	v14 =	vld [tilespmem:s29+$0x9C50];
	_ =	sdelay $0x4  }
0x188: {  	[tilespmem:s11+$0x15FD0] =	vst.msk vm8, v14  }
0x189: {  	[tilespmem:s11+$0x186F0] =	vst.msk vm8, v13  }
0x18a: {  	v13 =	vld [tilespmem:s29+$0x1AE30]  }
0x18b: {  	v14 =	vld [tilespmem:s29+$0x20];
	_ =	sdelay $0x3  }
0x18c: {  	s13 =	sadd.s32 s11, s13;
	vm8 =	vne.s32 v13, $0x0;
	v15 =	vand.u32 $0x1, v13  }
0x18d: {  	[tilespmem:s13+$0xC350] =	vst.msk vm8, v14;
	vm9 =	veq.s32 v15, $0x1;
	v14 =	vmpcnt.ones.xlane vm8  }
0x18e: {  	v15 =	vld [tilespmem:s29+$0x2730];
	v16 =	vmpcnt.ones.xlane vm9  }
0x18f: {  	(v2sf) =	vpush v14, $0x0  }
0x190: {  	(v2sf) =	vpush v16, $0x0;
	_ =	sdelay $0x2  }
0x191: {  	[tilespmem:s13+$0xEA70] =	vst.msk vm8, v15  }
0x192: {  	v14 =	vld [tilespmem:s29+$0x4E40];
	_ =	sdelay $0x4  }
0x193: {  	[tilespmem:s13+$0x11190] =	vst.msk vm8, v14  }
0x194: {  	v14 =	vld [tilespmem:s29+$0x7550];
	_ =	sdelay $0x3  }
0x195: {  	s14 =	spop (v2sf)  }
0x196: {  	[tilespmem:s13+$0x138B0] =	vst.msk vm8, v14;
	s11 =	spop (v2sf)  }
0x197: {  	v14 =	vld [tilespmem:s29+$0x9C60];
	_ =	sdelay $0x4  }
0x198: {  	[tilespmem:s13+$0x15FD0] =	vst.msk vm8, v14  }
0x199: {  	[tilespmem:s13+$0x186F0] =	vst.msk vm8, v13  }
0x19a: {  	v13 =	vld [tilespmem:s29+$0x1AE40]  }
0x19b: {  	v14 =	vld [tilespmem:s29+$0x30];
	_ =	sdelay $0x3  }
0x19c: {  	s13 =	sadd.s32 s13, s14;
	vm8 =	vne.s32 v13, $0x0;
	v15 =	vand.u32 $0x1, v13  }
0x19d: {  	[tilespmem:s13+$0xC350] =	vst.msk vm8, v14;
	vm9 =	veq.s32 v15, $0x1;
	v14 =	vmpcnt.ones.xlane vm8  }
0x19e: {  	v15 =	vld [tilespmem:s29+$0x2740];
	v16 =	vmpcnt.ones.xlane vm9  }
0x19f: {  	(v2sf) =	vpush v14, $0x0  }
0x1a0: {  	(v2sf) =	vpush v16, $0x0;
	_ =	sdelay $0x2  }
0x1a1: {  	[tilespmem:s13+$0xEA70] =	vst.msk vm8, v15  }
0x1a2: {  	v14 =	vld [tilespmem:s29+$0x4E50];
	_ =	sdelay $0x4  }
0x1a3: {  	[tilespmem:s13+$0x11190] =	vst.msk vm8, v14  }
0x1a4: {  	v14 =	vld [tilespmem:s29+$0x7560];
	_ =	sdelay $0x3  }
0x1a5: {  	s14 =	spop (v2sf)  }
0x1a6: {  	[tilespmem:s13+$0x138B0] =	vst.msk vm8, v14;
	s20 =	spop (v2sf)  }
0x1a7: {  	v14 =	vld [tilespmem:s29+$0x9C70];
	_ =	sdelay $0x4  }
0x1a8: {  	[tilespmem:s13+$0x15FD0] =	vst.msk vm8, v14  }
0x1a9: {  	[tilespmem:s13+$0x186F0] =	vst.msk vm8, v13  }
0x1aa: {  	v13 =	vld [tilespmem:s29+$0x1AE50]  }
0x1ab: {  	v14 =	vld [tilespmem:s29+$0x40];
	_ =	sdelay $0x3  }
0x1ac: {  	s13 =	sadd.s32 s13, s14;
	vm8 =	vne.s32 v13, $0x0;
	v15 =	vand.u32 $0x1, v13  }
0x1ad: {  	[tilespmem:s13+$0xC350] =	vst.msk vm8, v14;
	vm9 =	veq.s32 v15, $0x1;
	v14 =	vmpcnt.ones.xlane vm8  }
0x1ae: {  	v15 =	vld [tilespmem:s29+$0x2750];
	v16 =	vmpcnt.ones.xlane vm9  }
0x1af: {  	(v2sf) =	vpush v14, $0x0  }
0x1b0: {  	(v2sf) =	vpush v16, $0x0;
	_ =	sdelay $0x2  }
0x1b1: {  	[tilespmem:s13+$0xEA70] =	vst.msk vm8, v15  }
0x1b2: {  	v14 =	vld [tilespmem:s29+$0x4E60];
	_ =	sdelay $0x4  }
0x1b3: {  	[tilespmem:s13+$0x11190] =	vst.msk vm8, v14  }
0x1b4: {  	v14 =	vld [tilespmem:s29+$0x7570];
	_ =	sdelay $0x1  }
0x1b5: {  	s14 =	sadd.s32 s28, s30  }
0x1b6: {  	s10 =	sadd.s32 s10, s14  }
0x1b7: {  	s10 =	sadd.s32 s11, s10;
	s11 =	spop (v2sf)  }
0x1b8: {  	s14 =	sadd.s32 s20, s10;
	[tilespmem:s13+$0x138B0] =	vst.msk vm8, v14;
	s10 =	sadd.s32 s13, s11;
	s11 =	spop (v2sf)  }
0x1b9: {  	v14 =	vld [tilespmem:s29+$0x9C80];
	s28 =	sadd.s32 s11, s14  }
.Ltmp3:
0x1ba: {  	(pc) =	sbr.rel @p0 .LBB2_4-.Ltmp3, $2  }
0x1bb: {  	_ =	sdelay $0x2  }
0x1bc: {  	[tilespmem:s13+$0x15FD0] =	vst.msk vm8, v14  }
0x1bd: {  	s0 =	sshra.s32 s0, $0x2;
	[tilespmem:s13+$0x186F0] =	vst.msk vm8, v13  }
0x1be: {  	v13 =	vld [tilespmem:s0+$0x1AE10]  }
0x1bf: {  	v14 =	vld [tilespmem:s0+$0x0];
	_ =	sdelay $0x3  }
0x1c0: {  	vm8 =	vne.s32 v13, $0x0  }
0x1c1: {  	[tilespmem:s10+$0xC350] =	vst.msk vm8, v14  }
0x1c2: {  	v14 =	vld [tilespmem:s0+$0x2710];
	_ =	sdelay $0x4  }
0x1c3: {  	[tilespmem:s10+$0xEA70] =	vst.msk vm8, v14  }
0x1c4: {  	v14 =	vld [tilespmem:s0+$0x4E20];
	_ =	sdelay $0x4  }
0x1c5: {  	[tilespmem:s10+$0x11190] =	vst.msk vm8, v14  }
0x1c6: {  	v49 =	vmpcnt.ones.xlane vm8;
	v15 =	vld [tilespmem:s0+$0x7530];
	_ =	sdelay $0x1  }
0x1c7: {  	(v2sf) =	vpush v49, $0x0;
	_ =	sdelay $0x2  }
0x1c8: {  	[tilespmem:s10+$0x138B0] =	vst.msk vm8, v15  }
0x1c9: {  	v50 =	vld [tilespmem:s0+$0x9C40];
	_ =	sdelay $0x4  }
0x1ca: {  	[tilespmem:s10+$0x15FD0] =	vst.msk vm8, v50  }
0x1cb: {  	[tilespmem:s10+$0x186F0] =	vst.msk vm8, v13  }
0x1cc: {  	v14 =	vld [tilespmem:s0+$0x1AE20]  }
0x1cd: {  	v15 =	vld [tilespmem:s0+$0x10];
	_ =	sdelay $0x2  }
0x1ce: {  	s1 =	spop (v2sf)  }
0x1cf: {  	s22 =	sadd.s32 s10, s1;
	vm8 =	vne.s32 v14, $0x0  }
0x1d0: {  	[tilespmem:s22+$0xC350] =	vst.msk vm8, v15  }
0x1d1: {  	v15 =	vld [tilespmem:s0+$0x2720];
	_ =	sdelay $0x4  }
0x1d2: {  	[tilespmem:s22+$0xEA70] =	vst.msk vm8, v15  }
0x1d3: {  	v15 =	vld [tilespmem:s0+$0x4E30];
	_ =	sdelay $0x2  }
0x1d4: {  	v13 =	vand.u32 $0x1, v13  }
0x1d5: {  	vm9 =	veq.s32 v13, $0x1  }
0x1d6: {  	v13 =	vmpcnt.ones.xlane vm9;
	[tilespmem:s22+$0x11190] =	vst.msk vm8, v15  }
0x1d7: {  	v51 =	vmpcnt.ones.xlane vm8;
	v16 =	vld [tilespmem:s0+$0x7540]  }
0x1d8: {  	(v2sf) =	vpush v13, $0x0  }
0x1d9: {  	(v2sf) =	vpush v51, $0x0;
	_ =	sdelay $0x2  }
0x1da: {  	[tilespmem:s22+$0x138B0] =	vst.msk vm8, v16  }
0x1db: {  	v52 =	vld [tilespmem:s0+$0x9C50];
	_ =	sdelay $0x4  }
0x1dc: {  	[tilespmem:s22+$0x15FD0] =	vst.msk vm8, v52  }
0x1dd: {  	[tilespmem:s22+$0x186F0] =	vst.msk vm8, v14  }
0x1de: {  	v13 =	vld [tilespmem:s0+$0x1AE30]  }
0x1df: {  	v53 =	vld [tilespmem:s0+$0x20];
	_ =	sdelay $0x1  }
0x1e0: {  	s29 =	spop (v2sf)  }
0x1e1: {  	s11 =	spop (v2sf)  }
0x1e2: {  	s10 =	sadd.s32 s22, s11;
	vm8 =	vne.s32 v13, $0x0  }
0x1e3: {  	[tilespmem:s10+$0xC350] =	vst.msk vm8, v53  }
0x1e4: {  	v15 =	vld [tilespmem:s0+$0x2730];
	_ =	sdelay $0x4  }
0x1e5: {  	[tilespmem:s10+$0xEA70] =	vst.msk vm8, v15  }
0x1e6: {  	v15 =	vld [tilespmem:s0+$0x4E40];
	_ =	sdelay $0x2  }
0x1e7: {  	v14 =	vand.u32 $0x1, v14  }
0x1e8: {  	vm12 =	veq.s32 v14, $0x1  }
0x1e9: {  	v14 =	vmpcnt.ones.xlane vm12;
	[tilespmem:s10+$0x11190] =	vst.msk vm8, v15  }
0x1ea: {  	v54 =	vmpcnt.ones.xlane vm8;
	v16 =	vld [tilespmem:s0+$0x7550]  }
0x1eb: {  	(v2sf) =	vpush v14, $0x0  }
0x1ec: {  	(v2sf) =	vpush v54, $0x0;
	_ =	sdelay $0x2  }
0x1ed: {  	[tilespmem:s10+$0x138B0] =	vst.msk vm8, v16  }
0x1ee: {  	v55 =	vld [tilespmem:s0+$0x9C60];
	_ =	sdelay $0x4  }
0x1ef: {  	[tilespmem:s10+$0x15FD0] =	vst.msk vm8, v55  }
0x1f0: {  	[tilespmem:s10+$0x186F0] =	vst.msk vm8, v13  }
0x1f1: {  	v14 =	vld [tilespmem:s0+$0x1AE40]  }
0x1f2: {  	v56 =	vld [tilespmem:s0+$0x30];
	_ =	sdelay $0x1  }
0x1f3: {  	s30 =	spop (v2sf)  }
0x1f4: {  	s14 =	spop (v2sf)  }
0x1f5: {  	s10 =	sadd.s32 s10, s14;
	vm8 =	vne.s32 v14, $0x0  }
0x1f6: {  	[tilespmem:s10+$0xC350] =	vst.msk vm8, v56  }
0x1f7: {  	v15 =	vld [tilespmem:s0+$0x2740];
	_ =	sdelay $0x4  }
0x1f8: {  	[tilespmem:s10+$0xEA70] =	vst.msk vm8, v15  }
0x1f9: {  	v15 =	vld [tilespmem:s0+$0x4E50];
	_ =	sdelay $0x2  }
0x1fa: {  	v13 =	vand.u32 $0x1, v13  }
0x1fb: {  	vm13 =	veq.s32 v13, $0x1  }
0x1fc: {  	v13 =	vmpcnt.ones.xlane vm13;
	[tilespmem:s10+$0x11190] =	vst.msk vm8, v15  }
0x1fd: {  	v57 =	vmpcnt.ones.xlane vm8;
	v16 =	vld [tilespmem:s0+$0x7560]  }
0x1fe: {  	(v2sf) =	vpush v13, $0x0  }
0x1ff: {  	(v2sf) =	vpush v57, $0x0;
	_ =	sdelay $0x2  }
0x200: {  	[tilespmem:s10+$0x138B0] =	vst.msk vm8, v16  }
0x201: {  	v58 =	vld [tilespmem:s0+$0x9C70];
	_ =	sdelay $0x4  }
0x202: {  	[tilespmem:s10+$0x15FD0] =	vst.msk vm8, v58  }
0x203: {  	[tilespmem:s10+$0x186F0] =	vst.msk vm8, v14  }
0x204: {  	v13 =	vld [tilespmem:s0+$0x1AE50]  }
0x205: {  	v59 =	vld [tilespmem:s0+$0x40];
	_ =	sdelay $0x1  }
0x206: {  	s20 =	spop (v2sf)  }
0x207: {  	s14 =	spop (v2sf)  }
0x208: {  	s10 =	sadd.s32 s10, s14;
	vm8 =	vne.s32 v13, $0x0  }
0x209: {  	[tilespmem:s10+$0xC350] =	vst.msk vm8, v59  }
0x20a: {  	v15 =	vld [tilespmem:s0+$0x2750]  }
0x20b: {  	v14 =	vand.u32 $0x1, v14  }
0x20c: {  	vm14 =	veq.s32 v14, $0x1  }
0x20d: {  	v14 =	vmpcnt.ones.xlane vm14  }
0x20e: {  	v60 =	vmpcnt.ones.xlane vm8  }
0x20f: {  	(v2sf) =	vpush v14, $0x0;
	[tilespmem:s10+$0xEA70] =	vst.msk vm8, v15  }
0x210: {  	(v2sf) =	vpush v60, $0x0;
	v16 =	vld [tilespmem:s0+$0x4E60];
	_ =	sdelay $0x3  }
0x211: {  	v61 =	vand.u32 $0x1, v13  }
0x212: {  	vm15 =	veq.s32 v61, $0x1;
	[tilespmem:s10+$0x11190] =	vst.msk vm8, v16  }
0x213: {  	v14 =	vmpcnt.ones.xlane vm15;
	v62 =	vld [tilespmem:s0+$0x7570];
	_ =	sdelay $0x1  }
0x214: {  	(v2sf) =	vpush v14, $0x0;
	_ =	sdelay $0x2  }
0x215: {  	[tilespmem:s10+$0x138B0] =	vst.msk vm8, v62  }
0x216: {  	v63 =	vld [tilespmem:s0+$0x9C80];
	_ =	sdelay $0x1  }
0x217: {  	s21 =	spop (v2sf)  }
0x218: {  	s22 =	spop (v2sf)  }
0x219: {  	s14 =	sadd.s32 s10, s22  }
0x21a: {  	s1 =	sadd.s32 s28, s29;
	s29 =	sadd.s32 $0xF, s14;
	[tilespmem:s10+$0x15FD0] =	vst.msk vm8, v63  }
0x21b: {  	s31 =	sshra.s32 s29, $0x4;
	[tilespmem:s10+$0x186F0] =	vst.msk vm8, v13  }
0x21c: {  	p0 =	slt.s32 s31, $0x1;
	[tilespmem:s14+$0xC350] =	vst v4  }
.Ltmp4:
0x21d: {  	[tilespmem:s14+$0xEA70] =	vst v4;
	(pc) =	sbr.rel @p0 .LBB2_6-.Ltmp4, $4  }
0x21e: {  	s1 =	sadd.s32 s30, s1;
	[tilespmem:s14+$0x11190] =	vst v4  }
0x21f: {  	s1 =	sadd.s32 s20, s1;
	[tilespmem:s14+$0x138B0] =	vst v4  }
0x220: {  	s30 =	spop (v2sf);
	s0 =	sadd.s32 s21, s1;
	[tilespmem:s14+$0x15FD0] =	vst v4  }
0x221: {  	s28 =	sadd.s32 s30, s0;
	[tilespmem:s14+$0x186F0] =	vst v9  }
0x222: {  	s0 =	simm.s32 $0x0  }
0x223: {  	s1 =	simm.s32 $0x1;
	s10 =	simm.s32 $0x186F0;
	s11 =	simm.s32 $0x15FD0  }
.LBB2_8:
0x224: {  	v13 =	vld [tilespmem:s10+$0x0];
	_ =	sdelay $0x4  }
0x225: {  	v13 =	vand.u32 $0x2, v13  }
0x226: {  	vm8 =	vne.s32 v13, $0x0  }
0x227: {  	v14 =	vmpcnt.ones.xlane vm8;
	_ =	sdelay $0x1  }
0x228: {  	(v2sf) =	vpush v14, $0x0;
	_ =	sdelay $0x6  }
0x229: {  	v13 =	vshrl.u32 v13, $0x1  }
0x22a: {  	(xrf0) =	vadd.scan.msk.s32 $0xffff, v13;
	_ =	sdelay $0x5  }
0x22b: {  	v13 =	vsub.s32 s0, v13;
	v62, _, _ =	vpop (xrf0)  }
0x22c: {  	v13 =	vadd.s32 v13, v62;
	s13 =	spop (v2sf)  }
0x22d: {  	p1 =	sge.s32 s1, s31;
	vm9 =	vlt.s32 v13, $0xC;
	s0 =	sadd.s32 s0, s13  }
0x22e: {  	vm15 =	vlt.s32 v13, $0xF;
	vm8 =	vmand vm8, vm9;
	p2 =	slt.s32 @!p1 s0, $0xC  }
0x22f: {  	v63 =	vld [tilespmem:s11+$0x0];
	v13 =	vnsel vm15, $0xF, v13;
	p1 =	por p1, !p2  }
.Ltmp5:
0x230: {  	_ = 	snop;
	(pc) =	sbr.rel @!p1 .LBB2_8-.Ltmp5, $2  }
0x231: {  	_ =	sdelay $0x2  }
0x232: {  	s1 =	sadd.s32 $0x1, s1;
	s10 =	sadd.s32 $0x10, s10;
	s11 =	sadd.s32 $0x10, s11;
	[tilespmem:v13+s19+$0x0] =	vst.idx.msk vm8, v63  }
.Ltmp6:
0x233: {  	(pc) =	sbr.rel .LBB2_10-.Ltmp6, $4  }
0x234: {  	_ = 	snop  }
0x235: {  	p1 =	slt.s32 s0, $0xC  }
0x236: {  	s0 =	simm.s32 @!p1 $0xC  }
0x237: {  	s29 =	scvt.s32.f32 s0  }
.LBB2_6:
0x238: {  	s29 =	simm.f32 $0.0e+00  }
.LBB2_10:
0x239: {  	_ =	sdelay $0x3  }
0x23a: {  	v13 =	vld.idx.msk [tilespmem:v3+s15+$0x0], $0xffff;
	_ =	sdelay $0x4  }
0x23b: {  	vm8 =	veq.f32 v13, $0.0e+00  }
0x23c: {  	v14 =	vnsel vm8, $0x8000000C, v5  }
0x23d: {  	(xrf0) =	vmin.scan.msk.u32 $0xffff, v14;
	_ =	sdelay $0x5  }
0x23e: {  	v14, _, _ =	vpop (xrf0)  }
0x23f: {  	(v2sf) =	vpush v14, $0xF;
	_ =	sdelay $0xe  }
0x240: {  	s0 =	spop (v2sf)  }
0x241: {  	s30 =	sxor.u32 $0x80000000, s0  }
0x242: {  	p1 =	slt.s32 s30, $0xB  }
0x243: {  	s30 =	simm.s32 @!p1 $0x0  }
0x244: {  	p1 =	slt.s32 s30, $0x1  }
.Ltmp7:
0x245: {  	_ = 	snop;
	(pc) =	sbr.rel @p1 .LBB2_47-.Ltmp7, $4  }
0x246: {  	_ = 	snop  }
0x247: {  	v15 =	vld.idx.msk [tilespmem:v1+s15+$0x0], $0xffff  }
0x248: {  	v18 =	vld.idx.msk [tilespmem:v2+s15+$0x0], $0xffff  }
0x249: {  	v14 =	vld.idx.msk [tilespmem:v0+s15+$0x0], $0xffff  }
0x24a: {  	_ =	sdelay $0x1  }
.Ltmp8:
0x24b: {  	_ = 	snop;
	(pc) =	sbr.rel @p0 .LBB2_12-.Ltmp8, $4  }
0x24c: {  	v17 =	vmul.f32 $5.000000000e-01, v18  }
0x24d: {  	v19 =	vmul.f32 $5.000000000e-01, v13  }
0x24e: {  	v16 =	vsub.f32 v14, v17;
	v17 =	vadd.f32 v17, v14  }
0x24f: {  	v13 =	vmul.f32 v13, v18;
	v14 =	vsub.f32 v15, v19;
	v15 =	vadd.f32 v19, v15  }
0x250: {  	s0 =	simm.s32 $0x11190  }
0x251: {  	v30 =	vbroadcast v16, $0x0;
	s1 =	simm.s32 $0x138B0;
	v18 =	vld [tilespmem:s0+$0x0]  }
0x252: {  	v31 =	vbroadcast v17, $0x0;
	v22 =	vbroadcast v16, $0x1;
	v19 =	vld [tilespmem:s1+$0x0]  }
0x253: {  	v23 =	vbroadcast v17, $0x1;
	v26 =	vbroadcast v16, $0x2  }
0x254: {  	s21 =	simm.s32 $0xC350;
	vm8 =	vmmov vm7;
	v27 =	vbroadcast v17, $0x2;
	v32 =	vbroadcast v14, $0x0  }
0x255: {  	s22 =	simm.s32 $0xEA70;
	vm9 =	vmmov vm7;
	v21 =	vbroadcast v15, $0x0;
	v33 =	vbroadcast v13, $0x0;
	v35 =	vld [tilespmem:s21+$0x0]  }
0x256: {  	p1 =	sne.s32 s30, $0x1;
	v20 =	vimm.f32 $-2.000000000e+00;
	v24 =	vbroadcast v14, $0x1;
	v25 =	vbroadcast v15, $0x1;
	v38 =	vld [tilespmem:s22+$0x0]  }
0x257: {  	p2 =	sgt.u32 s30, $0x2;
	v34 =	vbroadcast v13, $0x1;
	vm8 =	vmneg @p1 vm8;
	v40 =	vmul.f32 v19, v18  }
0x258: {  	v28 =	vbroadcast v14, $0x2;
	vm9 =	vmneg @p2 vm9;
	p2 =	sne.s32 s31, $0x1;
	v18 =	vmul.f32 $5.000000000e-01, v18  }
.Ltmp9:
0x259: {  	v29 =	vbroadcast v15, $0x2;
	v41 =	vmul.f32 $5.000000000e-01, v19;
	v39 =	vadd.f32 v40, v33;
	(pc) =	sbr.rel @!p2 .LBB2_14-.Ltmp9, $4  }
0x25a: {  	v36 =	vbroadcast v13, $0x2;
	v37 =	vadd.f32 v40, v34;
	v53 =	vsub.f32 v35, v18  }
0x25b: {  	v19 =	vimm.s32 $0x0;
	v54 =	vadd.f32 v18, v35;
	v56 =	vsub.f32 v38, v41  }
0x25c: {  	s10 =	sadd.s32 $0xFFFFFFFF, s31;
	v18 =	vimm.f32 $-1.000000000e+00;
	v35 =	vadd.f32 v40, v36;
	v58 =	vadd.f32 v41, v38  }
0x25d: {  	s0 =	simm.s32 $0x186F0;
	s1 =	simm.s32 $0x0;
	p1 =	por $0x0, $0x0;
	v55 =	vmax.f32 v53, v30;
	v57 =	vmin.f32 v54, v31;
	v59 =	vmax.f32 v56, v32  }
0x25e: {  	v38 =	vmin.f32 v58, v21;
	v40 =	vmax.f32 v53, v22;
	v41 =	vmin.f32 v54, v23  }
0x25f: {  	v42 =	vmax.f32 v56, v24;
	v43 =	vmin.f32 v58, v25;
	v44 =	vmax.f32 v53, v26  }
0x260: {  	v45 =	vmin.f32 v54, v27;
	v46 =	vmax.f32 v56, v28;
	v47 =	vmin.f32 v58, v29  }
0x261: {  	vm10 =	vlt.f32 v55, v57;
	v48 =	vsub.f32 v57, v55;
	vm11 =	vlt.f32 v59, v38  }
0x262: {  	vm12 =	vlt.f32 v40, v41;
	v38 =	vsub.f32 v38, v59;
	vm13 =	vlt.f32 v42, v43  }
0x263: {  	v40 =	vsub.f32 v41, v40;
	v53 =	vsub.f32 v43, v42;
	vm14 =	vlt.f32 v44, v45  }
0x264: {  	v54 =	vsub.f32 v45, v44;
	v55 =	vsub.f32 v47, v46;
	v38 =	vmul.f32 v38, v48  }
0x265: {  	vm10 =	vmand vm10, vm11;
	vm11 =	vlt.f32 v46, v47;
	v40 =	vmul.f32 v53, v40  }
0x266: {  	s13 =	simm.s32 $0x111A0;
	v61 =	vld [tilespmem:s0+$0x0];
	v56 =	vmul.f32 v55, v54;
	v41 =	vnsel vm10, $0x0, v38;
	vm10 =	vmand vm12, vm13  }
0x267: {  	s14 =	simm.s32 $0x138C0;
	v57 =	vld [tilespmem:s13+$0x0];
	v39 =	vsub.f32 v39, v41;
	v40 =	vnsel vm10, $0x0, v40;
	vm10 =	vmand vm14, vm11  }
0x268: {  	v58 =	vld [tilespmem:s14+$0x0];
	v37 =	vsub.f32 v37, v40;
	v43 =	vnsel vm10, $0x0, v56  }
0x269: {  	s20 =	simm.s32 $0xC360;
	v35 =	vsub.f32 v35, v43;
	(erf) = vrcp.f32 v39  }
0x26a: {  	s21 =	simm.s32 $0xEA80;
	v62 =	vld [tilespmem:s20+$0x0];
	(erf) = vrcp.f32 v37  }
0x26b: {  	v49 =	vimm.f32 $-1.000000000e+00;
	v63 =	vld [tilespmem:s21+$0x0];
	(erf) = vrcp.f32 v35  }
0x26c: {  	v45 =	vimm.s32 $0x0;
	v47 =	vimm.f32 $-1.000000000e+00;
	v48 =	vimm.f32 $-1.000000000e+00  }
0x26d: {  	v60 =	vand.u32 $0x1, v61;
	v59 =	vmul.f32 v58, v57;
	v42 =	vmul.f32 $5.000000000e-01, v57  }
0x26e: {  	v46 =	vand.u32 $0x2, v61;
	v38 =	vor.u32 s1, v11;
	v44 =	vmul.f32 $5.000000000e-01, v58  }
0x26f: {  	vm10 =	veq.s32 v60, $0x1;
	v39 =	vadd.f32 v59, v33;
	v53 =	vsub.f32 v62, v42  }
0x270: {  	p2 =	sne.s32 s10, $0x1;
	v54 =	vadd.f32 v42, v62;
	vm11 =	vmand vm8, vm10;
	v56 =	vsub.f32 v63, v44  }
.Ltmp10:
0x271: {  	v58 =	vadd.f32 v44, v63;
	vm12 =	vmand vm9, vm10;
	v42 =	vimm.s32 $0x0;
	(pc) =	sbr.rel @!p2 .LBB2_16-.Ltmp10, $4  }
0x272: {  	v44 =	vimm.s32 $0x0;
	v37 =	vadd.f32 v59, v34;
	v35 =	vadd.f32 v59, v36;
	v61 =	vpop (erf)  }
0x273: {  	v55 =	vmax.f32 v53, v30;
	v57 =	vmin.f32 v54, v31;
	v59 =	vmax.f32 v56, v32;
	v62 =	vpop (erf)  }
0x274: {  	s22 =	sadd.s32 $0xFFFFFFFF, s10;
	v50 =	vmul.f32 v61, v41;
	v41 =	vimm.f32 $-2.000000000e+00;
	v63 =	vpop (erf);
	v51 =	vmul.f32 v62, v40  }
0x275: {  	p1 =	por $0x1, $0x1;
	s11 =	simm.s32 $0x186F0;
	s10 =	simm.s32 $0x0;
	v40 =	vimm.f32 $-2.000000000e+00;
	v52 =	vmul.f32 v63, v43;
	v43 =	vimm.f32 $-2.000000000e+00  }
.LBB2_17:
0x276: {  	p2 =	sne.s32 s22, $0x1;
	v60 =	vmin.f32 v58, v21;
	v61 =	vmax.f32 v53, v22;
	v62 =	vmin.f32 v54, v23  }
0x277: {  	v63 =	vnsel vm10, $0xBF800000, v50;
	v12 =	vnsel vm11, $0xBF800000, v51;
	v10 =	vnsel vm12, $0xBF800000, v52  }
0x278: {  	vm10 =	vgt.f32 v63, v40;
	vm11 =	vgt.f32 v12, v41;
	vm12 =	vgt.f32 v10, v43  }
0x279: {  	v40 =	vsel vm10, v63, v40;
	v41 =	vsel vm11, v12, v41;
	v43 =	vsel vm12, v10, v43  }
0x27a: {  	v53 =	vmax.f32 v53, v26;
	v10 =	vmax.f32 v56, v24;
	v12 =	vmin.f32 v58, v25  }
0x27b: {  	v54 =	vmin.f32 v54, v27;
	v56 =	vmax.f32 v56, v28;
	v58 =	vmin.f32 v58, v29  }
0x27c: {  	vm13 =	vlt.f32 v55, v57;
	vm14 =	vlt.f32 v59, v60;
	vm15 =	vlt.f32 v61, v62  }
0x27d: {  	v55 =	vsub.f32 v57, v55;
	v57 =	vsub.f32 v60, v59;
	vm0 =	vlt.f32 v10, v12  }
0x27e: {  	v59 =	vsub.f32 v62, v61;
	vm2 =	vlt.f32 v53, v54;
	v10 =	vsub.f32 v12, v10  }
0x27f: {  	v53 =	vsub.f32 v54, v53;
	v12 =	vmul.f32 v57, v55;
	v54 =	vsub.f32 v58, v56  }
0x280: {  	vm13 =	vmand vm13, vm14;
	vm14 =	vlt.f32 v56, v58;
	v10 =	vmul.f32 v10, v59  }
0x281: {  	vm0 =	vmand vm15, vm0;
	v12 =	vnsel vm13, $0x0, v12;
	v53 =	vmul.f32 v54, v53  }
0x282: {  	s13 =	sadd.s32 $0x10, s13;
	v39 =	vsub.f32 v39, v12;
	v10 =	vnsel vm0, $0x0, v10;
	vm0 =	vmand vm2, vm14  }
0x283: {  	s14 =	sadd.s32 $0x10, s14;
	v37 =	vsub.f32 v37, v10;
	v60 =	vnsel vm0, $0x0, v53;
	vm0 =	vne.s32 v46, $0x0;
	v54 =	vld [tilespmem:s13+$0x0]  }
0x284: {  	s11 =	sadd.s32 $0x10, s11;
	v35 =	vsub.f32 v35, v60;
	vm2 =	vmand vm8, vm0;
	v53 =	vld [tilespmem:s14+$0x0];
	(erf) = vrcp.f32 v39  }
0x285: {  	v39 =	vld [tilespmem:s11+$0x0];
	(erf) = vrcp.f32 v37;
	v37 =	vnsel vm0, $0xBF800000, v50;
	vm0 =	vmand vm9, vm0  }
0x286: {  	(erf) = vrcp.f32 v35;
	v35 =	vnsel vm2, $0xBF800000, v51;
	v46 =	vnsel vm0, $0xBF800000, v52  }
0x287: {  	s20 =	sadd.s32 $0x10, s20;
	v42 =	vsel vm10, v38, v42;
	v44 =	vsel vm11, v38, v44;
	v45 =	vsel vm12, v38, v45  }
0x288: {  	s21 =	sadd.s32 $0x10, s21;
	v47 =	vmax.f32 v47, v37;
	v49 =	vmax.f32 v49, v35;
	v48 =	vmax.f32 v48, v46;
	v50 =	vld [tilespmem:s20+$0x0]  }
0x289: {  	s10 =	sadd.s32 $0x10, s10;
	v51 =	vld [tilespmem:s21+$0x0];
	v35 =	vmul.f32 v53, v54  }
0x28a: {  	v38 =	vor.u32 s10, v11;
	v52 =	vand.u32 $0x1, v39;
	v46 =	vand.u32 $0x2, v39  }
0x28b: {  	v54 =	vmul.f32 $5.000000000e-01, v54;
	v55 =	vmul.f32 $5.000000000e-01, v53;
	v39 =	vadd.f32 v35, v33  }
.Ltmp11:
0x28c: {  	v37 =	vadd.f32 v35, v34;
	v35 =	vadd.f32 v35, v36;
	vm10 =	veq.s32 v52, $0x1;
	(pc) =	sbr.rel @p2 .LBB2_17-.Ltmp11, $4  }
0x28d: {  	vm11 =	vmand vm8, vm10;
	v53 =	vsub.f32 v50, v54;
	v54 =	vadd.f32 v54, v50;
	v50 =	vpop (erf)  }
0x28e: {  	vm12 =	vmand vm9, vm10;
	v56 =	vsub.f32 v51, v55;
	v58 =	vadd.f32 v55, v51;
	v51 =	vpop (erf)  }
0x28f: {  	v50 =	vmul.f32 v50, v12;
	v55 =	vmax.f32 v53, v30;
	v57 =	vmin.f32 v54, v31;
	v12 =	vpop (erf)  }
0x290: {  	s22 =	sadd.s32 $0xFFFFFFFF, s22;
	v51 =	vmul.f32 v51, v10;
	v59 =	vmax.f32 v56, v32;
	v52 =	vmul.f32 v12, v60  }
.LBB2_18:
0x291: {  	v10 =	vmin.f32 v58, v21;
	v12 =	vmax.f32 v53, v22;
	v21 =	vmin.f32 v54, v23  }
0x292: {  	v22 =	vmax.f32 v56, v24;
	v23 =	vmin.f32 v58, v25;
	v24 =	vmax.f32 v53, v26  }
0x293: {  	v25 =	vmin.f32 v54, v27;
	v26 =	vmax.f32 v56, v28;
	v27 =	vmin.f32 v58, v29  }
0x294: {  	vm0 =	vlt.f32 v55, v57;
	v55 =	vsub.f32 v57, v55;
	vm2 =	vlt.f32 v59, v10  }
0x295: {  	s11 =	sadd.s32 @p1 $0x10, s11;
	vm13 =	vlt.f32 v12, v21;
	v10 =	vsub.f32 v10, v59;
	vm14 =	vlt.f32 v22, v23  }
0x296: {  	v12 =	vsub.f32 v21, v12;
	v21 =	vsub.f32 v23, v22;
	vm15 =	vlt.f32 v24, v25;
	s0 =	smov.u32 @p1 s11  }
0x297: {  	v22 =	vsub.f32 v25, v24;
	v23 =	vsub.f32 v27, v26;
	v25 =	vld [tilespmem:s0+$0x0];
	v10 =	vmul.f32 v10, v55  }
0x298: {  	vm0 =	vmand vm0, vm2;
	vm2 =	vlt.f32 v26, v27;
	s0 =	sadd.s32 @p1 $0x10, s10;
	v12 =	vmul.f32 v21, v12  }
0x299: {  	v21 =	vmul.f32 v23, v22;
	s1 =	smov.u32 @p1 s0;
	v10 =	vnsel vm0, $0x0, v10;
	vm0 =	vmand vm13, vm14  }
0x29a: {  	v56 =	vor.u32 s1, v11;
	v12 =	vnsel vm0, $0x0, v12;
	vm0 =	vmand vm15, vm2  }
0x29b: {  	v22 =	vsub.f32 v39, v10;
	v23 =	vsub.f32 v37, v12;
	v21 =	vnsel vm0, $0x0, v21  }
0x29c: {  	v32 =	vand.u32 $0x1, v25;
	v34 =	vand.u32 $0x2, v25;
	v24 =	vsub.f32 v35, v21  }
0x29d: {  	(erf) = vrcp.f32 v22;
	v22 =	vnsel @p1 vm10, $0xBF800000, v50;
	vm14 =	vne.s32 v34, $0x0  }
0x29e: {  	(erf) = vrcp.f32 v23;
	v23 =	vnsel @p1 vm11, $0xBF800000, v51;
	vm0 =	vgt.f32 @p1 v22, v40  }
0x29f: {  	vm11 =	vne.s32 @p1 v46, $0x0;
	vm15 =	vmand vm9, vm14;
	(erf) = vrcp.f32 v24  }
0x2a0: {  	v24 =	vnsel @p1 vm12, $0xBF800000, v52;
	vm2 =	vgt.f32 @p1 v23, v41;
	v22 =	vsel @p1 vm0, v22, v40  }
0x2a1: {  	vm12 =	vmand @p1 vm8, vm11;
	vm13 =	vmand @p1 vm9, vm11;
	v26 =	vnsel @p1 vm11, $0xBF800000, v50  }
0x2a2: {  	v29 =	vsel @p1 vm0, v38, v42;
	vm0 =	veq.s32 v32, $0x1;
	vm10 =	vgt.f32 @p1 v24, v43  }
0x2a3: {  	v23 =	vsel @p1 vm2, v23, v41;
	v27 =	vnsel @p1 vm12, $0xBF800000, v51;
	v28 =	vnsel @p1 vm13, $0xBF800000, v52  }
0x2a4: {  	v30 =	vsel @p1 vm2, v38, v44;
	v26 =	vmax.f32 @p1 v47, v26;
	vm2 =	vmand vm8, vm0  }
0x2a5: {  	vm13 =	vmand vm9, vm0;
	v22 =	vpsel p1, v22, v20;
	vm8 =	vmand vm8, vm14  }
0x2a6: {  	v24 =	vsel @p1 vm10, v24, v43;
	v31 =	vsel @p1 vm10, v38, v45;
	v27 =	vmax.f32 @p1 v49, v27  }
0x2a7: {  	v28 =	vmax.f32 @p1 v48, v28;
	v23 =	vpsel p1, v23, v20;
	v58 =	vpsel p1, v30, v19;
	v33 =	vpop (erf)  }
0x2a8: {  	v26 =	vpsel p1, v26, v18;
	v20 =	vpsel p1, v24, v20;
	v24 =	vpsel p1, v29, v19;
	v25 =	vpop (erf)  }
0x2a9: {  	v59 =	vpsel p1, v31, v19;
	v10 =	vmul.f32 v33, v10;
	v57 =	vpop (erf);
	v12 =	vmul.f32 v25, v12  }
0x2aa: {  	v27 =	vpsel p1, v27, v18;
	v18 =	vpsel p1, v28, v18;
	v21 =	vmul.f32 v57, v21  }
0x2ab: {  	v19 =	vnsel vm0, $0xBF800000, v10;
	v10 =	vnsel vm14, $0xBF800000, v10;
	v60 =	vnsel vm2, $0xBF800000, v12  }
0x2ac: {  	vm0 =	vgt.f32 v19, v22;
	v12 =	vnsel vm8, $0xBF800000, v12;
	v61 =	vnsel vm13, $0xBF800000, v21  }
.Ltmp12:
0x2ad: {  	vm2 =	vgt.f32 v60, v23;
	v25 =	vsel vm0, v19, v22;
	vm10 =	vgt.f32 v61, v20;
	(pc) =	sbr.rel .LBB2_19-.Ltmp12, $4  }
0x2ae: {  	v22 =	vsel vm2, v60, v23;
	v23 =	vsel vm0, v56, v24;
	v62 =	vsel vm2, v56, v58  }
0x2af: {  	v24 =	vmax.f32 v26, v10;
	v19 =	vsel vm10, v61, v20;
	v20 =	vnsel vm15, $0xBF800000, v21  }
0x2b0: {  	v63 =	vsel vm10, v56, v59;
	v21 =	vmax.f32 v27, v12;
	v26 =	vxor.u32 $0x80000000, v23  }
0x2b1: {  	v23 =	vxor.u32 $0x80000000, v62;
	v18 =	vmax.f32 v18, v20;
	v20 =	vxor.u32 $0x80000000, v63  }
.LBB2_12:
0x2b2: {  	v24 =	vimm.f32 $-1.000000000e+00;
	v26 =	vimm.s32 $0x80000000;
	v25 =	vimm.f32 $-2.000000000e+00  }
0x2b3: {  	v22 =	vimm.f32 $-2.000000000e+00;
	v23 =	vimm.s32 $0x80000000;
	v21 =	vimm.f32 $-1.000000000e+00  }
0x2b4: {  	v19 =	vimm.f32 $-2.000000000e+00;
	v20 =	vimm.s32 $0x80000000;
	v18 =	vimm.f32 $-1.000000000e+00  }
.LBB2_19:
0x2b5: {  	(xrf0) =	vmax.scan.msk.f32 $0xffff, v25;
	_ =	sdelay $0x5  }
0x2b6: {  	v10, _, _ =	vpop (xrf0)  }
0x2b7: {  	v10 =	vbroadcast v10, $0xF;
	_ =	sdelay $0x1  }
0x2b8: {  	vm0 =	veq.f32 v25, v10  }
0x2b9: {  	v12 =	vnsel vm0, $0x80002710, v26  }
0x2ba: {  	(xrf0) =	vmin.scan.msk.u32 $0xffff, v12;
	_ =	sdelay $0x5  }
0x2bb: {  	v12, _, _ =	vpop (xrf0)  }
0x2bc: {  	(v2sf) =	vpush v12, $0xF;
	_ =	sdelay $0xe  }
0x2bd: {  	s0 =	spop (v2sf)  }
0x2be: {  	s0 =	sxor.u32 $0x80000000, s0  }
0x2bf: {  	v12 =	vmov s0;
	_ =	sdelay $0x3  }
0x2c0: {  	s20 =	simm.s32 $0x15FD0  }
0x2c1: {  	s21 =	simm.s32 $0xC350;
	v52 =	vld.idx.msk [tilespmem:v12+s20+$0x0], $0xffff  }
0x2c2: {  	s22 =	simm.s32 $0xEA70;
	v53 =	vld.idx.msk [tilespmem:v12+s21+$0x0], $0xffff  }
0x2c3: {  	v27 =	vld.idx.msk [tilespmem:v12+s22+$0x0], $0xffff  }
0x2c4: {  	v28 =	vld.idx.msk [tilespmem:v12+s23+$0x0], $0xffff  }
0x2c5: {  	v12 =	vld.idx.msk [tilespmem:v12+s24+$0x0], $0xffff  }
0x2c6: {  	(xrf0) =	vmax.scan.msk.f32 $0xffff, v52  }
0x2c7: {  	(xrf0) =	vmax.scan.msk.f32 $0xffff, v53  }
0x2c8: {  	(xrf0) =	vmax.scan.msk.f32 $0xffff, v27  }
0x2c9: {  	(xrf0) =	vmax.scan.msk.f32 $0xffff, v28  }
0x2ca: {  	(xrf0) =	vmax.scan.msk.f32 $0xffff, v12  }
0x2cb: {  	p2 =	seq.s32 s30, $0x1;
	(xrf0) =	vmax.scan.msk.f32 $0xffff, v24  }
0x2cc: {  	v12, _, _ =	vpop (xrf0);
	(xrf0) =	vmax.scan.msk.f32 @!p2 $0xffff, v22  }
0x2cd: {  	v54, _, _ =	vpop (xrf0)  }
0x2ce: {  	v55, _, _ =	vpop (xrf0)  }
0x2cf: {  	v56, _, _ =	vpop (xrf0)  }
0x2d0: {  	v57, _, _ =	vpop (xrf0)  }
0x2d1: {  	v58, _, _ =	vpop (xrf0)  }
0x2d2: {  	v29, _, _ =	vpop @!p2 (xrf0)  }
0x2d3: {  	v29 =	vbroadcast @!p2 v29, $0xF;
	_ =	sdelay $0x1  }
0x2d4: {  	vm0 =	veq.f32 @!p2 v22, v29  }
0x2d5: {  	v22 =	vnsel @!p2 vm0, $0x80002710, v23  }
0x2d6: {  	(xrf0) =	vmin.scan.msk.u32 @!p2 $0xffff, v22;
	_ =	sdelay $0x5  }
0x2d7: {  	v22, _, _ =	vpop @!p2 (xrf0)  }
0x2d8: {  	(v2sf) =	vpush @!p2 v22, $0xF;
	_ =	sdelay $0x5  }
0x2d9: {  	v59 =	vbroadcast v58, $0xF  }
0x2da: {  	vm8 =	vmmov $0x1  }
0x2db: {  	v10 =	vnsel vm8, $0x0, v10;
	v12 =	vbroadcast v12, $0xF;
	v22 =	vnsel vm1, $0x0, v59  }
0x2dc: {  	vm0 =	vcmask $0xB08;
	v10 =	vadd.f32 v22, v10  }
0x2dd: {  	v60 =	vbroadcast v54, $0xF;
	v12 =	vnsel vm0, $0x0, v12  }
0x2de: {  	vm0 =	vcmask $0xF0C;
	v10 =	vadd.f32 v12, v10  }
0x2df: {  	v61 =	vbroadcast v55, $0xF;
	v12 =	vnsel vm0, $0x0, v60  }
0x2e0: {  	v10 =	vadd.f32 v12, v10  }
0x2e1: {  	v62 =	vbroadcast v56, $0xF;
	v12 =	vnsel vm4, $0x0, v61  }
0x2e2: {  	v10 =	vadd.f32 v12, v10;
	s0 =	spop @!p2 (v2sf)  }
0x2e3: {  	v63 =	vbroadcast v57, $0xF;
	v12 =	vnsel vm5, $0x0, v62;
	s0 =	sxor.u32 @!p2 $0x80000000, s0  }
0x2e4: {  	v10 =	vadd.f32 v12, v10;
	v12 =	vmov @!p2 s0  }
0x2e5: {  	v22 =	vnsel vm6, $0x0, v63  }
0x2e6: {  	v10 =	vadd.f32 v22, v10;
	_ =	sdelay $0x1  }
0x2e7: {  	[tilespmem:v6+s25+$0x0] =	vst.idx.msk $0x7f, v10;
	s0 =	simm.s32 @!p2 $0x15FD0  }
0x2e8: {  	v10 =	vld.idx.msk @!p2 [tilespmem:v12+s0+$0x0], $0xffff;
	s0 =	simm.s32 @!p2 $0xC350  }
0x2e9: {  	v22 =	vld.idx.msk @!p2 [tilespmem:v12+s0+$0x0], $0xffff;
	s0 =	simm.s32 @!p2 $0xEA70  }
0x2ea: {  	v23 =	vld.idx.msk @!p2 [tilespmem:v12+s0+$0x0], $0xffff;
	s0 =	simm.s32 @!p2 $0x11190  }
0x2eb: {  	v24 =	vld.idx.msk @!p2 [tilespmem:v12+s0+$0x0], $0xffff;
	s0 =	simm.s32 @!p2 $0x138B0  }
0x2ec: {  	v12 =	vld.idx.msk @!p2 [tilespmem:v12+s0+$0x0], $0xffff  }
0x2ed: {  	(xrf0) =	vmax.scan.msk.f32 @!p2 $0xffff, v10  }
0x2ee: {  	(xrf0) =	vmax.scan.msk.f32 @!p2 $0xffff, v22  }
0x2ef: {  	(xrf0) =	vmax.scan.msk.f32 @!p2 $0xffff, v23  }
0x2f0: {  	(xrf0) =	vmax.scan.msk.f32 @!p2 $0xffff, v24  }
0x2f1: {  	p1 =	slt.u32 @!p2 s30, $0x3;
	(xrf0) =	vmax.scan.msk.f32 @!p2 $0xffff, v12  }
0x2f2: {  	p1 =	por p2, p1;
	(xrf0) =	vmax.scan.msk.f32 @!p2 $0xffff, v21  }
0x2f3: {  	v10, _, _ =	vpop @!p2 (xrf0);
	(xrf0) =	vmax.scan.msk.f32 @!p1 $0xffff, v19  }
0x2f4: {  	v12, _, _ =	vpop @!p2 (xrf0)  }
0x2f5: {  	v21, _, _ =	vpop @!p2 (xrf0)  }
0x2f6: {  	v22, _, _ =	vpop @!p2 (xrf0)  }
0x2f7: {  	v23, _, _ =	vpop @!p2 (xrf0)  }
0x2f8: {  	v24, _, _ =	vpop @!p2 (xrf0)  }
0x2f9: {  	v25, _, _ =	vpop @!p1 (xrf0)  }
0x2fa: {  	v25 =	vbroadcast @!p1 v25, $0xF;
	_ =	sdelay $0x1  }
0x2fb: {  	vm0 =	veq.f32 @!p1 v19, v25  }
0x2fc: {  	v19 =	vnsel @!p1 vm0, $0x80002710, v20  }
0x2fd: {  	(xrf0) =	vmin.scan.msk.u32 @!p1 $0xffff, v19;
	_ =	sdelay $0x5  }
0x2fe: {  	v19, _, _ =	vpop @!p1 (xrf0)  }
0x2ff: {  	(v2sf) =	vpush @!p1 v19, $0xF;
	_ =	sdelay $0x3  }
0x300: {  	v19 =	vbroadcast @!p2 v24, $0xF  }
0x301: {  	vm2 =	vcmask @!p2 $0x704;
	vm0 =	vmmov @!p2 $0x1  }
0x302: {  	v10 =	vbroadcast @!p2 v10, $0xF;
	v20 =	vnsel @!p2 vm0, $0x0, v29;
	v19 =	vnsel @!p2 vm2, $0x0, v19  }
0x303: {  	vm0 =	vcmask @!p2 $0xB08;
	v19 =	vadd.f32 @!p2 v19, v20  }
0x304: {  	v12 =	vbroadcast @!p2 v12, $0xF;
	v10 =	vnsel @!p2 vm0, $0x0, v10  }
0x305: {  	vm0 =	vcmask @!p2 $0xF0C;
	v10 =	vadd.f32 @!p2 v10, v19  }
0x306: {  	v12 =	vnsel @!p2 vm0, $0x0, v12;
	v19 =	vbroadcast @!p2 v21, $0xF  }
0x307: {  	vm0 =	vcmask @!p2 $0x1310;
	v10 =	vadd.f32 @!p2 v12, v10  }
0x308: {  	v20 =	vimm.s32 @!p2 $0x71615141;
	v12 =	vnsel @!p2 vm0, $0x0, v19;
	v19 =	vimm.s32 @!p2 $0x31211101  }
0x309: {  	v10 =	vadd.f32 @!p2 v12, v10;
	v12 =	vunpack.c.0.s8.s32 @!p2 v19;
	v19 =	vunpack.c.0.s8.s32 @!p2 v20  }
0x30a: {  	vm2 =	vcmask @!p2 $0xF00;
	vm0 =	vcmask @!p2 $0x1714;
	v20 =	vbroadcast @!p2 v22, $0xF  }
0x30b: {  	v12 =	vnsel @!p2 vm2, $0x81, v12;
	v19 =	vand.u32 @!p2 $0xFF, v19;
	vm2 =	vcmask @!p2 $0x1F10;
	s0 =	spop @!p1 (v2sf)  }
0x30c: {  	v21 =	vbroadcast @!p2 v23, $0xF;
	v20 =	vnsel @!p2 vm0, $0x0, v20;
	v12 =	vsel @!p2 vm2, v19, v12;
	s0 =	sxor.u32 @!p1 $0x80000000, s0  }
0x30d: {  	vm0 =	vcmask @!p2 $0x1B18;
	v10 =	vadd.f32 @!p2 v20, v10;
	v19 =	vmov @!p1 s0  }
0x30e: {  	v20 =	vnsel @!p2 vm0, $0x0, v21  }
0x30f: {  	v10 =	vadd.f32 @!p2 v20, v10  }
0x310: {  	s0 =	simm.s32 @!p2 $0x1D530  }
0x311: {  	[tilespmem:v12+s0+$0x0] =	vst.idx.msk @!p2 $0x7f, v10;
	s0 =	simm.s32 @!p1 $0x15FD0  }
0x312: {  	v10 =	vld.idx.msk @!p1 [tilespmem:v19+s0+$0x0], $0xffff;
	s0 =	simm.s32 @!p1 $0xC350  }
0x313: {  	v12 =	vld.idx.msk @!p1 [tilespmem:v19+s0+$0x0], $0xffff;
	s0 =	simm.s32 @!p1 $0xEA70  }
0x314: {  	v20 =	vld.idx.msk @!p1 [tilespmem:v19+s0+$0x0], $0xffff;
	s0 =	simm.s32 @!p1 $0x11190  }
0x315: {  	v21 =	vld.idx.msk @!p1 [tilespmem:v19+s0+$0x0], $0xffff;
	s0 =	simm.s32 @!p1 $0x138B0  }
0x316: {  	v19 =	vld.idx.msk @!p1 [tilespmem:v19+s0+$0x0], $0xffff  }
0x317: {  	(xrf0) =	vmax.scan.msk.f32 @!p1 $0xffff, v10  }
0x318: {  	(xrf0) =	vmax.scan.msk.f32 @!p1 $0xffff, v12  }
0x319: {  	(xrf0) =	vmax.scan.msk.f32 @!p1 $0xffff, v20  }
0x31a: {  	(xrf0) =	vmax.scan.msk.f32 @!p1 $0xffff, v21  }
0x31b: {  	(xrf0) =	vmax.scan.msk.f32 @!p1 $0xffff, v19  }
0x31c: {  	(xrf0) =	vmax.scan.msk.f32 @!p1 $0xffff, v18  }
0x31d: {  	v10, _, _ =	vpop @!p1 (xrf0)  }
0x31e: {  	v12, _, _ =	vpop @!p1 (xrf0)  }
0x31f: {  	v18, _, _ =	vpop @!p1 (xrf0)  }
0x320: {  	v19, _, _ =	vpop @!p1 (xrf0)  }
0x321: {  	v20, _, _ =	vpop @!p1 (xrf0)  }
0x322: {  	v21, _, _ =	vpop @!p1 (xrf0)  }
0x323: {  	v21 =	vbroadcast @!p1 v21, $0xF  }
0x324: {  	vm0 =	vmmov @!p1 $0x1;
	vm2 =	vcmask @!p1 $0x704  }
0x325: {  	v22 =	vnsel @!p1 vm0, $0x0, v25;
	v10 =	vbroadcast @!p1 v10, $0xF;
	v21 =	vnsel @!p1 vm2, $0x0, v21  }
0x326: {  	vm0 =	vcmask @!p1 $0xB08;
	v21 =	vadd.f32 @!p1 v21, v22  }
0x327: {  	v12 =	vbroadcast @!p1 v12, $0xF;
	v10 =	vnsel @!p1 vm0, $0x0, v10  }
0x328: {  	vm0 =	vcmask @!p1 $0xF0C;
	v10 =	vadd.f32 @!p1 v10, v21  }
0x329: {  	v18 =	vbroadcast @!p1 v18, $0xF;
	v12 =	vnsel @!p1 vm0, $0x0, v12  }
0x32a: {  	vm0 =	vcmask @!p1 $0x1310;
	v10 =	vadd.f32 @!p1 v12, v10  }
0x32b: {  	v21 =	vimm.s32 @!p1 $0x72625242;
	v12 =	vnsel @!p1 vm0, $0x0, v18;
	v18 =	vimm.s32 @!p1 $0x32221202  }
0x32c: {  	v10 =	vadd.f32 @!p1 v12, v10;
	v12 =	vunpack.c.0.s8.s32 @!p1 v18;
	v18 =	vunpack.c.0.s8.s32 @!p1 v21  }
0x32d: {  	v19 =	vbroadcast @!p1 v19, $0xF;
	vm2 =	vcmask @!p1 $0xF00;
	vm0 =	vcmask @!p1 $0x1714  }
0x32e: {  	p2 =	seq.s32 @!p1 s30, $0x3;
	v12 =	vnsel @!p1 vm2, $0x82, v12;
	v18 =	vand.u32 @!p1 $0xFF, v18;
	vm2 =	vcmask @!p1 $0x1F10  }
0x32f: {  	p2 =	por p1, p2;
	v20 =	vbroadcast @!p1 v20, $0xF;
	v19 =	vnsel @!p1 vm0, $0x0, v19;
	v12 =	vsel @!p1 vm2, v18, v12  }
.Ltmp13:
0x330: {  	vm0 =	vcmask @!p1 $0x1B18;
	v10 =	vadd.f32 @!p1 v19, v10;
	(pc) =	sbr.rel @p2 .LBB2_47-.Ltmp13, $4  }
0x331: {  	v18 =	vnsel @!p1 vm0, $0x0, v20  }
0x332: {  	v10 =	vadd.f32 @!p1 v18, v10  }
0x333: {  	s0 =	simm.s32 @!p1 $0x1D530  }
0x334: {  	[tilespmem:v12+s0+$0x0] =	vst.idx.msk @!p1 $0x7f, v10  }
.Ltmp14:
0x335: {  	(pc) =	sbr.rel @p0 .LBB2_21-.Ltmp14, $1  }
0x336: {  	_ =	sdelay $0x3  }
0x337: {  	s0 =	simm.s32 $0x11190;
	v30 =	vbroadcast v16, $0x3  }
0x338: {  	v31 =	vbroadcast v17, $0x3;
	s1 =	simm.s32 $0x138B0;
	v32 =	vbroadcast v14, $0x3;
	v10 =	vld [tilespmem:s0+$0x0]  }
0x339: {  	v21 =	vbroadcast v15, $0x3;
	v33 =	vbroadcast v13, $0x3;
	v12 =	vld [tilespmem:s1+$0x0]  }
0x33a: {  	v22 =	vbroadcast v16, $0x4;
	v23 =	vbroadcast v17, $0x4  }
0x33b: {  	v24 =	vbroadcast v14, $0x4;
	s21 =	simm.s32 $0xC350;
	v25 =	vbroadcast v15, $0x4  }
0x33c: {  	v34 =	vbroadcast v13, $0x4;
	s22 =	simm.s32 $0xEA70;
	v26 =	vbroadcast v16, $0x5;
	v18 =	vld [tilespmem:s21+$0x0]  }
0x33d: {  	vm9 =	vmmov vm7;
	v27 =	vbroadcast v17, $0x5;
	v28 =	vbroadcast v14, $0x5;
	v38 =	vld [tilespmem:s22+$0x0]  }
0x33e: {  	p2 =	sgt.u32 s30, $0x5;
	vm10 =	vmmov vm7;
	v29 =	vbroadcast v15, $0x5;
	v35 =	vmul.f32 v12, v10  }
0x33f: {  	v36 =	vbroadcast v13, $0x5;
	vm10 =	vmneg @p2 vm10;
	p2 =	sne.s32 s31, $0x1;
	v10 =	vmul.f32 $5.000000000e-01, v10  }
.Ltmp15:
0x340: {  	v20 =	vimm.f32 $-2.000000000e+00;
	v12 =	vmul.f32 $5.000000000e-01, v12;
	v39 =	vadd.f32 v35, v33;
	(pc) =	sbr.rel @!p2 .LBB2_23-.Ltmp15, $4  }
0x341: {  	p1 =	sne.s32 s30, $0x4;
	v19 =	vimm.s32 $0x0;
	v37 =	vadd.f32 v35, v34;
	v53 =	vsub.f32 v18, v10  }
0x342: {  	vm9 =	vmneg @p1 vm9;
	v54 =	vadd.f32 v10, v18;
	v56 =	vsub.f32 v38, v12  }
0x343: {  	s10 =	sadd.s32 $0xFFFFFFFF, s31;
	v18 =	vimm.f32 $-1.000000000e+00;
	v35 =	vadd.f32 v35, v36;
	v58 =	vadd.f32 v12, v38  }
0x344: {  	s0 =	simm.s32 $0x186F0;
	s1 =	simm.s32 $0x0;
	p1 =	por $0x0, $0x0;
	v55 =	vmax.f32 v53, v30;
	v57 =	vmin.f32 v54, v31;
	v59 =	vmax.f32 v56, v32  }
0x345: {  	v10 =	vmin.f32 v58, v21;
	v12 =	vmax.f32 v53, v22;
	v38 =	vmin.f32 v54, v23  }
0x346: {  	v40 =	vmax.f32 v56, v24;
	v41 =	vmin.f32 v58, v25;
	v42 =	vmax.f32 v53, v26  }
0x347: {  	v43 =	vmin.f32 v54, v27;
	v44 =	vmax.f32 v56, v28;
	v45 =	vmin.f32 v58, v29  }
0x348: {  	vm0 =	vlt.f32 v55, v57;
	v46 =	vsub.f32 v57, v55;
	vm2 =	vlt.f32 v59, v10  }
0x349: {  	vm11 =	vlt.f32 v12, v38;
	v10 =	vsub.f32 v10, v59;
	vm12 =	vlt.f32 v40, v41  }
0x34a: {  	v12 =	vsub.f32 v38, v12;
	v58 =	vsub.f32 v41, v40;
	vm13 =	vlt.f32 v42, v43  }
0x34b: {  	v59 =	vsub.f32 v43, v42;
	v60 =	vsub.f32 v45, v44;
	v10 =	vmul.f32 v10, v46  }
0x34c: {  	vm0 =	vmand vm0, vm2;
	vm2 =	vlt.f32 v44, v45;
	v12 =	vmul.f32 v58, v12  }
0x34d: {  	s13 =	simm.s32 $0x111A0;
	v61 =	vmul.f32 v60, v59;
	v10 =	vnsel vm0, $0x0, v10;
	vm0 =	vmand vm11, vm12  }
0x34e: {  	s14 =	simm.s32 $0x138C0;
	v62 =	vld [tilespmem:s13+$0x0];
	v39 =	vsub.f32 v39, v10;
	v12 =	vnsel vm0, $0x0, v12;
	vm0 =	vmand vm13, vm2  }
0x34f: {  	v63 =	vld [tilespmem:s14+$0x0];
	v37 =	vsub.f32 v37, v12;
	v41 =	vnsel vm0, $0x0, v61  }
0x350: {  	v48 =	vld [tilespmem:s0+$0x0];
	s20 =	simm.s32 $0xC360;
	v35 =	vsub.f32 v35, v41;
	(erf) = vrcp.f32 v39  }
0x351: {  	s21 =	simm.s32 $0xEA80;
	v49 =	vld [tilespmem:s20+$0x0];
	(erf) = vrcp.f32 v37  }
0x352: {  	v47 =	vimm.f32 $-1.000000000e+00;
	v50 =	vld [tilespmem:s21+$0x0];
	(erf) = vrcp.f32 v35  }
0x353: {  	v38 =	vor.u32 s1, v11;
	v43 =	vimm.f32 $-2.000000000e+00;
	v44 =	vimm.s32 $0x0  }
0x354: {  	v45 =	vimm.s32 $0x0;
	v60 =	vmul.f32 v63, v62;
	v40 =	vmul.f32 $5.000000000e-01, v62  }
0x355: {  	v46 =	vand.u32 $0x2, v48;
	v42 =	vmul.f32 $5.000000000e-01, v63;
	v61 =	vand.u32 $0x1, v48  }
0x356: {  	v48 =	vimm.f32 $-1.000000000e+00;
	v39 =	vadd.f32 v60, v33;
	v53 =	vsub.f32 v49, v40  }
0x357: {  	p2 =	sne.s32 s10, $0x1;
	vm11 =	veq.s32 v61, $0x1;
	v54 =	vadd.f32 v40, v49;
	v56 =	vsub.f32 v50, v42  }
.Ltmp16:
0x358: {  	v58 =	vadd.f32 v42, v50;
	v40 =	vimm.f32 $-2.000000000e+00;
	v42 =	vimm.s32 $0x0;
	(pc) =	sbr.rel @!p2 .LBB2_25-.Ltmp16, $4  }
0x359: {  	v49 =	vimm.f32 $-1.000000000e+00;
	v37 =	vadd.f32 v60, v34;
	vm12 =	vmand vm9, vm11;
	v62 =	vpop (erf)  }
0x35a: {  	vm13 =	vmand vm10, vm11;
	v35 =	vadd.f32 v60, v36;
	v55 =	vmax.f32 v53, v30;
	v63 =	vpop (erf)  }
0x35b: {  	s22 =	sadd.s32 $0xFFFFFFFF, s10;
	v57 =	vmin.f32 v54, v31;
	v59 =	vmax.f32 v56, v32;
	v50 =	vmul.f32 v62, v10;
	v10 =	vpop (erf)  }
0x35c: {  	p1 =	por $0x1, $0x1;
	s11 =	simm.s32 $0x186F0;
	s10 =	simm.s32 $0x0;
	v51 =	vmul.f32 v63, v12;
	v52 =	vmul.f32 v10, v41;
	v41 =	vimm.f32 $-2.000000000e+00  }
.LBB2_26:
0x35d: {  	p2 =	sne.s32 s22, $0x1;
	v10 =	vmin.f32 v58, v21;
	v12 =	vmax.f32 v53, v22;
	v60 =	vmin.f32 v54, v23  }
0x35e: {  	v61 =	vnsel vm11, $0xBF800000, v50;
	v62 =	vnsel vm12, $0xBF800000, v51;
	v63 =	vnsel vm13, $0xBF800000, v52  }
0x35f: {  	vm11 =	vgt.f32 v61, v40;
	vm12 =	vgt.f32 v62, v41;
	vm13 =	vgt.f32 v63, v43  }
0x360: {  	v40 =	vsel vm11, v61, v40;
	v41 =	vsel vm12, v62, v41;
	v43 =	vsel vm13, v63, v43  }
0x361: {  	v53 =	vmax.f32 v53, v26;
	v61 =	vmax.f32 v56, v24;
	v62 =	vmin.f32 v58, v25  }
0x362: {  	v54 =	vmin.f32 v54, v27;
	v56 =	vmax.f32 v56, v28;
	v58 =	vmin.f32 v58, v29  }
0x363: {  	vm0 =	vlt.f32 v55, v57;
	vm2 =	vlt.f32 v59, v10;
	vm14 =	vlt.f32 v12, v60  }
0x364: {  	v55 =	vsub.f32 v57, v55;
	v10 =	vsub.f32 v10, v59;
	vm15 =	vlt.f32 v61, v62  }
0x365: {  	v12 =	vsub.f32 v60, v12;
	vm3 =	vlt.f32 v53, v54;
	v57 =	vsub.f32 v62, v61  }
0x366: {  	v53 =	vsub.f32 v54, v53;
	v10 =	vmul.f32 v10, v55;
	v54 =	vsub.f32 v58, v56  }
0x367: {  	vm0 =	vmand vm0, vm2;
	vm2 =	vlt.f32 v56, v58;
	v12 =	vmul.f32 v57, v12  }
0x368: {  	v10 =	vnsel vm0, $0x0, v10;
	vm0 =	vmand vm14, vm15;
	v53 =	vmul.f32 v54, v53  }
0x369: {  	s13 =	sadd.s32 $0x10, s13;
	v39 =	vsub.f32 v39, v10;
	v12 =	vnsel vm0, $0x0, v12;
	vm0 =	vmand vm3, vm2  }
0x36a: {  	s14 =	sadd.s32 $0x10, s14;
	v37 =	vsub.f32 v37, v12;
	v60 =	vnsel vm0, $0x0, v53;
	vm0 =	vne.s32 v46, $0x0;
	v54 =	vld [tilespmem:s13+$0x0]  }
0x36b: {  	s11 =	sadd.s32 $0x10, s11;
	v35 =	vsub.f32 v35, v60;
	vm2 =	vmand vm9, vm0;
	v53 =	vld [tilespmem:s14+$0x0];
	(erf) = vrcp.f32 v39  }
0x36c: {  	v39 =	vld [tilespmem:s11+$0x0];
	(erf) = vrcp.f32 v37;
	v37 =	vnsel vm0, $0xBF800000, v50;
	vm0 =	vmand vm10, vm0  }
0x36d: {  	(erf) = vrcp.f32 v35;
	v35 =	vnsel vm2, $0xBF800000, v51;
	v46 =	vnsel vm0, $0xBF800000, v52  }
0x36e: {  	s20 =	sadd.s32 $0x10, s20;
	v42 =	vsel vm11, v38, v42;
	v44 =	vsel vm12, v38, v44;
	v45 =	vsel vm13, v38, v45  }
0x36f: {  	s21 =	sadd.s32 $0x10, s21;
	v47 =	vmax.f32 v47, v37;
	v49 =	vmax.f32 v49, v35;
	v48 =	vmax.f32 v48, v46;
	v50 =	vld [tilespmem:s20+$0x0]  }
0x370: {  	s10 =	sadd.s32 $0x10, s10;
	v51 =	vld [tilespmem:s21+$0x0];
	v35 =	vmul.f32 v53, v54  }
0x371: {  	v38 =	vor.u32 s10, v11;
	v52 =	vand.u32 $0x1, v39;
	v46 =	vand.u32 $0x2, v39  }
0x372: {  	v54 =	vmul.f32 $5.000000000e-01, v54;
	v55 =	vmul.f32 $5.000000000e-01, v53;
	v39 =	vadd.f32 v35, v33  }
.Ltmp17:
0x373: {  	v37 =	vadd.f32 v35, v34;
	v35 =	vadd.f32 v35, v36;
	vm11 =	veq.s32 v52, $0x1;
	(pc) =	sbr.rel @p2 .LBB2_26-.Ltmp17, $4  }
0x374: {  	vm12 =	vmand vm9, vm11;
	v53 =	vsub.f32 v50, v54;
	v54 =	vadd.f32 v54, v50;
	v50 =	vpop (erf)  }
0x375: {  	vm13 =	vmand vm10, vm11;
	v56 =	vsub.f32 v51, v55;
	v58 =	vadd.f32 v55, v51;
	v51 =	vpop (erf)  }
0x376: {  	v50 =	vmul.f32 v50, v10;
	v55 =	vmax.f32 v53, v30;
	v57 =	vmin.f32 v54, v31;
	v10 =	vpop (erf)  }
0x377: {  	s22 =	sadd.s32 $0xFFFFFFFF, s22;
	v51 =	vmul.f32 v51, v12;
	v59 =	vmax.f32 v56, v32;
	v52 =	vmul.f32 v10, v60  }
.LBB2_27:
0x378: {  	v10 =	vmin.f32 v58, v21;
	v12 =	vmax.f32 v53, v22  }
0x379: {  	v21 =	vmin.f32 v54, v23;
	v22 =	vmax.f32 v56, v24;
	v23 =	vmin.f32 v58, v25  }
0x37a: {  	v24 =	vmax.f32 v53, v26;
	v25 =	vmin.f32 v54, v27;
	v26 =	vmax.f32 v56, v28  }
0x37b: {  	v27 =	vmin.f32 v58, v29;
	vm0 =	vlt.f32 v55, v57;
	v55 =	vsub.f32 v57, v55  }
0x37c: {  	s11 =	sadd.s32 @p1 $0x10, s11;
	vm2 =	vlt.f32 v59, v10;
	vm3 =	vlt.f32 v12, v21;
	v10 =	vsub.f32 v10, v59  }
0x37d: {  	vm14 =	vlt.f32 v22, v23;
	v12 =	vsub.f32 v21, v12;
	v21 =	vsub.f32 v23, v22;
	s0 =	smov.u32 @p1 s11  }
0x37e: {  	vm15 =	vlt.f32 v24, v25;
	v22 =	vsub.f32 v25, v24;
	v23 =	vsub.f32 v27, v26;
	v25 =	vld [tilespmem:s0+$0x0]  }
0x37f: {  	vm0 =	vmand vm0, vm2;
	s0 =	sadd.s32 @p1 $0x10, s10;
	v10 =	vmul.f32 v10, v55  }
0x380: {  	vm2 =	vlt.f32 v26, v27;
	v12 =	vmul.f32 v21, v12;
	v21 =	vmul.f32 v23, v22;
	s1 =	smov.u32 @p1 s0  }
0x381: {  	v56 =	vor.u32 s1, v11;
	v10 =	vnsel vm0, $0x0, v10;
	vm0 =	vmand vm3, vm14  }
0x382: {  	v22 =	vsub.f32 v39, v10;
	v12 =	vnsel vm0, $0x0, v12;
	vm0 =	vmand vm15, vm2  }
0x383: {  	v23 =	vsub.f32 v37, v12;
	v21 =	vnsel vm0, $0x0, v21;
	v32 =	vand.u32 $0x1, v25  }
0x384: {  	v34 =	vand.u32 $0x2, v25;
	v24 =	vsub.f32 v35, v21;
	(erf) = vrcp.f32 v22  }
0x385: {  	v22 =	vnsel @p1 vm11, $0xBF800000, v50;
	vm11 =	vne.s32 @p1 v46, $0x0;
	(erf) = vrcp.f32 v23  }
0x386: {  	v23 =	vnsel @p1 vm12, $0xBF800000, v51;
	vm0 =	vgt.f32 @p1 v22, v40;
	vm12 =	vmand @p1 vm9, vm11  }
0x387: {  	v26 =	vnsel @p1 vm11, $0xBF800000, v50;
	(erf) = vrcp.f32 v24;
	v24 =	vnsel @p1 vm13, $0xBF800000, v52  }
0x388: {  	vm2 =	vgt.f32 @p1 v23, v41;
	v22 =	vsel @p1 vm0, v22, v40;
	vm13 =	vmand @p1 vm10, vm11  }
0x389: {  	v27 =	vnsel @p1 vm12, $0xBF800000, v51;
	v29 =	vsel @p1 vm0, v38, v42;
	v26 =	vmax.f32 @p1 v47, v26  }
0x38a: {  	vm0 =	veq.s32 v32, $0x1;
	vm11 =	vne.s32 v34, $0x0;
	vm3 =	vgt.f32 @p1 v24, v43  }
0x38b: {  	v23 =	vsel @p1 vm2, v23, v41;
	v28 =	vnsel @p1 vm13, $0xBF800000, v52;
	v30 =	vsel @p1 vm2, v38, v44  }
0x38c: {  	v27 =	vmax.f32 @p1 v49, v27;
	vm2 =	vmand vm9, vm0;
	v22 =	vpsel p1, v22, v20  }
0x38d: {  	v26 =	vpsel p1, v26, v18;
	vm9 =	vmand vm9, vm11;
	v24 =	vsel @p1 vm3, v24, v43  }
0x38e: {  	v31 =	vsel @p1 vm3, v38, v45;
	v28 =	vmax.f32 @p1 v48, v28;
	vm3 =	vmand vm10, vm0  }
0x38f: {  	v23 =	vpsel p1, v23, v20;
	v58 =	vpsel p1, v30, v19;
	v27 =	vpsel p1, v27, v18;
	v33 =	vpop (erf)  }
0x390: {  	vm10 =	vmand vm10, vm11;
	v20 =	vpsel p1, v24, v20;
	v25 =	vpop (erf);
	v10 =	vmul.f32 v33, v10  }
0x391: {  	v24 =	vpsel p1, v29, v19;
	v59 =	vpsel p1, v31, v19;
	v57 =	vpop (erf);
	v12 =	vmul.f32 v25, v12  }
0x392: {  	v18 =	vpsel p1, v28, v18;
	v21 =	vmul.f32 v57, v21;
	v19 =	vnsel vm0, $0xBF800000, v10  }
0x393: {  	v10 =	vnsel vm11, $0xBF800000, v10;
	v60 =	vnsel vm2, $0xBF800000, v12;
	vm0 =	vgt.f32 v19, v22  }
0x394: {  	v12 =	vnsel vm9, $0xBF800000, v12;
	v61 =	vnsel vm3, $0xBF800000, v21;
	vm2 =	vgt.f32 v60, v23  }
.Ltmp18:
0x395: {  	v25 =	vsel vm0, v19, v22;
	vm3 =	vgt.f32 v61, v20;
	v22 =	vsel vm2, v60, v23;
	(pc) =	sbr.rel .LBB2_28-.Ltmp18, $4  }
0x396: {  	v23 =	vsel vm0, v56, v24;
	v62 =	vsel vm2, v56, v58;
	v24 =	vmax.f32 v26, v10  }
0x397: {  	v19 =	vsel vm3, v61, v20;
	v20 =	vnsel vm10, $0xBF800000, v21;
	v63 =	vsel vm3, v56, v59  }
0x398: {  	v21 =	vmax.f32 v27, v12;
	v26 =	vxor.u32 $0x80000000, v23;
	v23 =	vxor.u32 $0x80000000, v62  }
0x399: {  	vm3 =	vcmask $0x300;
	v18 =	vmax.f32 v18, v20;
	v20 =	vxor.u32 $0x80000000, v63  }
.LBB2_21:
0x39a: {  	v24 =	vimm.f32 $-1.000000000e+00;
	v26 =	vimm.s32 $0x80000000;
	v25 =	vimm.f32 $-2.000000000e+00  }
0x39b: {  	v22 =	vimm.f32 $-2.000000000e+00;
	v23 =	vimm.s32 $0x80000000;
	v21 =	vimm.f32 $-1.000000000e+00  }
0x39c: {  	v19 =	vimm.f32 $-2.000000000e+00;
	v20 =	vimm.s32 $0x80000000;
	v18 =	vimm.f32 $-1.000000000e+00  }
.LBB2_28:
0x39d: {  	(xrf0) =	vmax.scan.msk.f32 $0xffff, v25;
	_ =	sdelay $0x5  }
0x39e: {  	v10, _, _ =	vpop (xrf0)  }
0x39f: {  	v10 =	vbroadcast v10, $0xF;
	_ =	sdelay $0x1  }
0x3a0: {  	vm0 =	veq.f32 v25, v10  }
0x3a1: {  	v12 =	vnsel vm0, $0x80002710, v26  }
0x3a2: {  	(xrf0) =	vmin.scan.msk.u32 $0xffff, v12;
	_ =	sdelay $0x5  }
0x3a3: {  	v12, _, _ =	vpop (xrf0)  }
0x3a4: {  	(v2sf) =	vpush v12, $0xF;
	_ =	sdelay $0xe  }
0x3a5: {  	s0 =	spop (v2sf)  }
0x3a6: {  	s0 =	sxor.u32 $0x80000000, s0  }
0x3a7: {  	v12 =	vmov s0;
	_ =	sdelay $0x3  }
0x3a8: {  	s20 =	simm.s32 $0x15FD0  }
0x3a9: {  	s21 =	simm.s32 $0xC350;
	v52 =	vld.idx.msk [tilespmem:v12+s20+$0x0], $0xffff  }
0x3aa: {  	s22 =	simm.s32 $0xEA70;
	v53 =	vld.idx.msk [tilespmem:v12+s21+$0x0], $0xffff  }
0x3ab: {  	v27 =	vld.idx.msk [tilespmem:v12+s22+$0x0], $0xffff  }
0x3ac: {  	v28 =	vld.idx.msk [tilespmem:v12+s23+$0x0], $0xffff  }
0x3ad: {  	v12 =	vld.idx.msk [tilespmem:v12+s24+$0x0], $0xffff  }
0x3ae: {  	(xrf0) =	vmax.scan.msk.f32 $0xffff, v52  }
0x3af: {  	(xrf0) =	vmax.scan.msk.f32 $0xffff, v53  }
0x3b0: {  	(xrf0) =	vmax.scan.msk.f32 $0xffff, v27  }
0x3b1: {  	(xrf0) =	vmax.scan.msk.f32 $0xffff, v28  }
0x3b2: {  	(xrf0) =	vmax.scan.msk.f32 $0xffff, v12  }
0x3b3: {  	p2 =	seq.s32 s30, $0x4;
	(xrf0) =	vmax.scan.msk.f32 $0xffff, v24  }
0x3b4: {  	v12, _, _ =	vpop (xrf0);
	(xrf0) =	vmax.scan.msk.f32 @!p2 $0xffff, v22  }
0x3b5: {  	v54, _, _ =	vpop (xrf0)  }
0x3b6: {  	v55, _, _ =	vpop (xrf0)  }
0x3b7: {  	v56, _, _ =	vpop (xrf0)  }
0x3b8: {  	v57, _, _ =	vpop (xrf0)  }
0x3b9: {  	v58, _, _ =	vpop (xrf0)  }
0x3ba: {  	v29, _, _ =	vpop @!p2 (xrf0)  }
0x3bb: {  	v29 =	vbroadcast @!p2 v29, $0xF;
	_ =	sdelay $0x1  }
0x3bc: {  	vm0 =	veq.f32 @!p2 v22, v29  }
0x3bd: {  	v22 =	vnsel @!p2 vm0, $0x80002710, v23  }
0x3be: {  	(xrf0) =	vmin.scan.msk.u32 @!p2 $0xffff, v22;
	_ =	sdelay $0x5  }
0x3bf: {  	v22, _, _ =	vpop @!p2 (xrf0)  }
0x3c0: {  	(v2sf) =	vpush @!p2 v22, $0xF;
	_ =	sdelay $0x5  }
0x3c1: {  	v59 =	vbroadcast v58, $0xF;
	_ =	sdelay $0x1  }
0x3c2: {  	v10 =	vnsel vm8, $0x0, v10;
	v12 =	vbroadcast v12, $0xF;
	v22 =	vnsel vm1, $0x0, v59  }
0x3c3: {  	vm0 =	vcmask $0xB08;
	v10 =	vadd.f32 v22, v10  }
0x3c4: {  	v60 =	vbroadcast v54, $0xF;
	v12 =	vnsel vm0, $0x0, v12  }
0x3c5: {  	vm0 =	vcmask $0xF0C;
	v10 =	vadd.f32 v12, v10  }
0x3c6: {  	v61 =	vbroadcast v55, $0xF;
	v12 =	vnsel vm0, $0x0, v60  }
0x3c7: {  	v10 =	vadd.f32 v12, v10  }
0x3c8: {  	v62 =	vbroadcast v56, $0xF;
	v12 =	vnsel vm4, $0x0, v61  }
0x3c9: {  	v10 =	vadd.f32 v12, v10;
	s0 =	spop @!p2 (v2sf)  }
0x3ca: {  	v63 =	vbroadcast v57, $0xF;
	v12 =	vnsel vm5, $0x0, v62;
	s0 =	sxor.u32 @!p2 $0x80000000, s0  }
0x3cb: {  	v10 =	vadd.f32 v12, v10;
	v12 =	vmov @!p2 s0  }
0x3cc: {  	v22 =	vnsel vm6, $0x0, v63  }
0x3cd: {  	v10 =	vadd.f32 v22, v10;
	_ =	sdelay $0x1  }
0x3ce: {  	[tilespmem:v7+s25+$0x0] =	vst.idx.msk $0x7f, v10;
	s0 =	simm.s32 @!p2 $0x15FD0  }
0x3cf: {  	v10 =	vld.idx.msk @!p2 [tilespmem:v12+s0+$0x0], $0xffff;
	s0 =	simm.s32 @!p2 $0xC350  }
0x3d0: {  	v22 =	vld.idx.msk @!p2 [tilespmem:v12+s0+$0x0], $0xffff;
	s0 =	simm.s32 @!p2 $0xEA70  }
0x3d1: {  	v23 =	vld.idx.msk @!p2 [tilespmem:v12+s0+$0x0], $0xffff;
	s0 =	simm.s32 @!p2 $0x11190  }
0x3d2: {  	v24 =	vld.idx.msk @!p2 [tilespmem:v12+s0+$0x0], $0xffff;
	s0 =	simm.s32 @!p2 $0x138B0  }
0x3d3: {  	v12 =	vld.idx.msk @!p2 [tilespmem:v12+s0+$0x0], $0xffff  }
0x3d4: {  	(xrf0) =	vmax.scan.msk.f32 @!p2 $0xffff, v10  }
0x3d5: {  	(xrf0) =	vmax.scan.msk.f32 @!p2 $0xffff, v22  }
0x3d6: {  	(xrf0) =	vmax.scan.msk.f32 @!p2 $0xffff, v23  }
0x3d7: {  	(xrf0) =	vmax.scan.msk.f32 @!p2 $0xffff, v24  }
0x3d8: {  	p1 =	slt.u32 @!p2 s30, $0x6;
	(xrf0) =	vmax.scan.msk.f32 @!p2 $0xffff, v12  }
0x3d9: {  	p1 =	por p2, p1;
	(xrf0) =	vmax.scan.msk.f32 @!p2 $0xffff, v21  }
0x3da: {  	v10, _, _ =	vpop @!p2 (xrf0);
	(xrf0) =	vmax.scan.msk.f32 @!p1 $0xffff, v19  }
0x3db: {  	v12, _, _ =	vpop @!p2 (xrf0)  }
0x3dc: {  	v21, _, _ =	vpop @!p2 (xrf0)  }
0x3dd: {  	v22, _, _ =	vpop @!p2 (xrf0)  }
0x3de: {  	v23, _, _ =	vpop @!p2 (xrf0)  }
0x3df: {  	v24, _, _ =	vpop @!p2 (xrf0)  }
0x3e0: {  	v25, _, _ =	vpop @!p1 (xrf0)  }
0x3e1: {  	v25 =	vbroadcast @!p1 v25, $0xF;
	_ =	sdelay $0x1  }
0x3e2: {  	vm0 =	veq.f32 @!p1 v19, v25  }
0x3e3: {  	v19 =	vnsel @!p1 vm0, $0x80002710, v20  }
0x3e4: {  	(xrf0) =	vmin.scan.msk.u32 @!p1 $0xffff, v19;
	_ =	sdelay $0x5  }
0x3e5: {  	v19, _, _ =	vpop @!p1 (xrf0)  }
0x3e6: {  	(v2sf) =	vpush @!p1 v19, $0xF;
	_ =	sdelay $0x3  }
0x3e7: {  	v19 =	vbroadcast @!p2 v24, $0xF  }
0x3e8: {  	vm2 =	vcmask @!p2 $0x704;
	vm0 =	vmmov @!p2 $0x1  }
0x3e9: {  	v10 =	vbroadcast @!p2 v10, $0xF;
	v20 =	vnsel @!p2 vm0, $0x0, v29;
	v19 =	vnsel @!p2 vm2, $0x0, v19  }
0x3ea: {  	vm0 =	vcmask @!p2 $0xB08;
	v19 =	vadd.f32 @!p2 v19, v20  }
0x3eb: {  	v12 =	vbroadcast @!p2 v12, $0xF;
	v10 =	vnsel @!p2 vm0, $0x0, v10  }
0x3ec: {  	vm0 =	vcmask @!p2 $0xF0C;
	v10 =	vadd.f32 @!p2 v10, v19  }
0x3ed: {  	v12 =	vnsel @!p2 vm0, $0x0, v12;
	v19 =	vbroadcast @!p2 v21, $0xF  }
0x3ee: {  	vm0 =	vcmask @!p2 $0x1310;
	v10 =	vadd.f32 @!p2 v12, v10  }
0x3ef: {  	v20 =	vimm.s32 @!p2 $0x74645444;
	v12 =	vnsel @!p2 vm0, $0x0, v19;
	v19 =	vimm.s32 @!p2 $0x34241404  }
0x3f0: {  	v10 =	vadd.f32 @!p2 v12, v10;
	v12 =	vunpack.c.0.s8.s32 @!p2 v19;
	v19 =	vunpack.c.0.s8.s32 @!p2 v20  }
0x3f1: {  	vm2 =	vcmask @!p2 $0xF00;
	vm0 =	vcmask @!p2 $0x1714;
	v20 =	vbroadcast @!p2 v22, $0xF  }
0x3f2: {  	v12 =	vnsel @!p2 vm2, $0x84, v12;
	v19 =	vand.u32 @!p2 $0xFF, v19;
	vm2 =	vcmask @!p2 $0x1F10;
	s0 =	spop @!p1 (v2sf)  }
0x3f3: {  	v21 =	vbroadcast @!p2 v23, $0xF;
	v20 =	vnsel @!p2 vm0, $0x0, v20;
	v12 =	vsel @!p2 vm2, v19, v12;
	s0 =	sxor.u32 @!p1 $0x80000000, s0  }
0x3f4: {  	vm0 =	vcmask @!p2 $0x1B18;
	v10 =	vadd.f32 @!p2 v20, v10;
	v19 =	vmov @!p1 s0  }
0x3f5: {  	v20 =	vnsel @!p2 vm0, $0x0, v21  }
0x3f6: {  	v10 =	vadd.f32 @!p2 v20, v10  }
0x3f7: {  	s0 =	simm.s32 @!p2 $0x1D530  }
0x3f8: {  	[tilespmem:v12+s0+$0x0] =	vst.idx.msk @!p2 $0x7f, v10;
	s0 =	simm.s32 @!p1 $0x15FD0  }
0x3f9: {  	v10 =	vld.idx.msk @!p1 [tilespmem:v19+s0+$0x0], $0xffff;
	s0 =	simm.s32 @!p1 $0xC350  }
0x3fa: {  	v12 =	vld.idx.msk @!p1 [tilespmem:v19+s0+$0x0], $0xffff;
	s0 =	simm.s32 @!p1 $0xEA70  }
0x3fb: {  	v20 =	vld.idx.msk @!p1 [tilespmem:v19+s0+$0x0], $0xffff;
	s0 =	simm.s32 @!p1 $0x11190  }
0x3fc: {  	v21 =	vld.idx.msk @!p1 [tilespmem:v19+s0+$0x0], $0xffff;
	s0 =	simm.s32 @!p1 $0x138B0  }
0x3fd: {  	v19 =	vld.idx.msk @!p1 [tilespmem:v19+s0+$0x0], $0xffff  }
0x3fe: {  	(xrf0) =	vmax.scan.msk.f32 @!p1 $0xffff, v10  }
0x3ff: {  	(xrf0) =	vmax.scan.msk.f32 @!p1 $0xffff, v12  }
0x400: {  	(xrf0) =	vmax.scan.msk.f32 @!p1 $0xffff, v20  }
0x401: {  	(xrf0) =	vmax.scan.msk.f32 @!p1 $0xffff, v21  }
0x402: {  	(xrf0) =	vmax.scan.msk.f32 @!p1 $0xffff, v19  }
0x403: {  	(xrf0) =	vmax.scan.msk.f32 @!p1 $0xffff, v18  }
0x404: {  	v10, _, _ =	vpop @!p1 (xrf0)  }
0x405: {  	v12, _, _ =	vpop @!p1 (xrf0)  }
0x406: {  	v18, _, _ =	vpop @!p1 (xrf0)  }
0x407: {  	v19, _, _ =	vpop @!p1 (xrf0)  }
0x408: {  	v20, _, _ =	vpop @!p1 (xrf0)  }
0x409: {  	v21, _, _ =	vpop @!p1 (xrf0)  }
0x40a: {  	v21 =	vbroadcast @!p1 v21, $0xF  }
0x40b: {  	vm0 =	vmmov @!p1 $0x1;
	vm2 =	vcmask @!p1 $0x704  }
0x40c: {  	v22 =	vnsel @!p1 vm0, $0x0, v25;
	v10 =	vbroadcast @!p1 v10, $0xF;
	v21 =	vnsel @!p1 vm2, $0x0, v21  }
0x40d: {  	vm0 =	vcmask @!p1 $0xB08;
	v21 =	vadd.f32 @!p1 v21, v22  }
0x40e: {  	v12 =	vbroadcast @!p1 v12, $0xF;
	v10 =	vnsel @!p1 vm0, $0x0, v10  }
0x40f: {  	vm0 =	vcmask @!p1 $0xF0C;
	v10 =	vadd.f32 @!p1 v10, v21  }
0x410: {  	v18 =	vbroadcast @!p1 v18, $0xF;
	v12 =	vnsel @!p1 vm0, $0x0, v12  }
0x411: {  	vm0 =	vcmask @!p1 $0x1310;
	v10 =	vadd.f32 @!p1 v12, v10  }
0x412: {  	v21 =	vimm.s32 @!p1 $0x75655545;
	v12 =	vnsel @!p1 vm0, $0x0, v18;
	v18 =	vimm.s32 @!p1 $0x35251505  }
0x413: {  	v10 =	vadd.f32 @!p1 v12, v10;
	v12 =	vunpack.c.0.s8.s32 @!p1 v18;
	v18 =	vunpack.c.0.s8.s32 @!p1 v21  }
0x414: {  	v19 =	vbroadcast @!p1 v19, $0xF;
	vm2 =	vcmask @!p1 $0xF00;
	vm0 =	vcmask @!p1 $0x1714  }
0x415: {  	p2 =	seq.s32 @!p1 s30, $0x6;
	v12 =	vnsel @!p1 vm2, $0x85, v12;
	v18 =	vand.u32 @!p1 $0xFF, v18;
	vm2 =	vcmask @!p1 $0x1F10  }
0x416: {  	p2 =	por p1, p2;
	v20 =	vbroadcast @!p1 v20, $0xF;
	v19 =	vnsel @!p1 vm0, $0x0, v19;
	v12 =	vsel @!p1 vm2, v18, v12  }
.Ltmp19:
0x417: {  	vm0 =	vcmask @!p1 $0x1B18;
	v10 =	vadd.f32 @!p1 v19, v10;
	(pc) =	sbr.rel @p2 .LBB2_47-.Ltmp19, $4  }
0x418: {  	v18 =	vnsel @!p1 vm0, $0x0, v20  }
0x419: {  	v10 =	vadd.f32 @!p1 v18, v10  }
0x41a: {  	s0 =	simm.s32 @!p1 $0x1D530  }
0x41b: {  	[tilespmem:v12+s0+$0x0] =	vst.idx.msk @!p1 $0x7f, v10  }
.Ltmp20:
0x41c: {  	(pc) =	sbr.rel @p0 .LBB2_30-.Ltmp20, $1  }
0x41d: {  	_ =	sdelay $0x3  }
0x41e: {  	s0 =	simm.s32 $0x11190;
	v30 =	vbroadcast v16, $0x6  }
0x41f: {  	v31 =	vbroadcast v17, $0x6;
	s1 =	simm.s32 $0x138B0;
	v32 =	vbroadcast v14, $0x6;
	v10 =	vld [tilespmem:s0+$0x0]  }
0x420: {  	v21 =	vbroadcast v15, $0x6;
	v33 =	vbroadcast v13, $0x6;
	v12 =	vld [tilespmem:s1+$0x0]  }
0x421: {  	v22 =	vbroadcast v16, $0x7;
	v23 =	vbroadcast v17, $0x7  }
0x422: {  	v24 =	vbroadcast v14, $0x7;
	s21 =	simm.s32 $0xC350;
	v25 =	vbroadcast v15, $0x7  }
0x423: {  	v34 =	vbroadcast v13, $0x7;
	s22 =	simm.s32 $0xEA70;
	v26 =	vbroadcast v16, $0x8;
	v18 =	vld [tilespmem:s21+$0x0]  }
0x424: {  	vm9 =	vmmov vm7;
	v27 =	vbroadcast v17, $0x8;
	v28 =	vbroadcast v14, $0x8;
	v38 =	vld [tilespmem:s22+$0x0]  }
0x425: {  	p2 =	sgt.u32 s30, $0x8;
	vm10 =	vmmov vm7;
	v29 =	vbroadcast v15, $0x8;
	v35 =	vmul.f32 v12, v10  }
0x426: {  	v36 =	vbroadcast v13, $0x8;
	vm10 =	vmneg @p2 vm10;
	p2 =	sne.s32 s31, $0x1;
	v10 =	vmul.f32 $5.000000000e-01, v10  }
.Ltmp21:
0x427: {  	v20 =	vimm.f32 $-2.000000000e+00;
	v12 =	vmul.f32 $5.000000000e-01, v12;
	v39 =	vadd.f32 v35, v33;
	(pc) =	sbr.rel @!p2 .LBB2_32-.Ltmp21, $4  }
0x428: {  	p1 =	sne.s32 s30, $0x7;
	v19 =	vimm.s32 $0x0;
	v37 =	vadd.f32 v35, v34;
	v53 =	vsub.f32 v18, v10  }
0x429: {  	vm9 =	vmneg @p1 vm9;
	v54 =	vadd.f32 v10, v18;
	v56 =	vsub.f32 v38, v12  }
0x42a: {  	s10 =	sadd.s32 $0xFFFFFFFF, s31;
	v18 =	vimm.f32 $-1.000000000e+00;
	v35 =	vadd.f32 v35, v36;
	v58 =	vadd.f32 v12, v38  }
0x42b: {  	s0 =	simm.s32 $0x186F0;
	s1 =	simm.s32 $0x0;
	p1 =	por $0x0, $0x0;
	v55 =	vmax.f32 v53, v30;
	v57 =	vmin.f32 v54, v31;
	v59 =	vmax.f32 v56, v32  }
0x42c: {  	v10 =	vmin.f32 v58, v21;
	v12 =	vmax.f32 v53, v22;
	v38 =	vmin.f32 v54, v23  }
0x42d: {  	v40 =	vmax.f32 v56, v24;
	v41 =	vmin.f32 v58, v25;
	v42 =	vmax.f32 v53, v26  }
0x42e: {  	v43 =	vmin.f32 v54, v27;
	v44 =	vmax.f32 v56, v28;
	v45 =	vmin.f32 v58, v29  }
0x42f: {  	vm0 =	vlt.f32 v55, v57;
	v46 =	vsub.f32 v57, v55;
	vm2 =	vlt.f32 v59, v10  }
0x430: {  	vm3 =	vlt.f32 v12, v38;
	v10 =	vsub.f32 v10, v59;
	vm11 =	vlt.f32 v40, v41  }
0x431: {  	v12 =	vsub.f32 v38, v12;
	v58 =	vsub.f32 v41, v40;
	vm12 =	vlt.f32 v42, v43  }
0x432: {  	v59 =	vsub.f32 v43, v42;
	v60 =	vsub.f32 v45, v44;
	v10 =	vmul.f32 v10, v46  }
0x433: {  	vm0 =	vmand vm0, vm2;
	vm2 =	vlt.f32 v44, v45;
	v12 =	vmul.f32 v58, v12  }
0x434: {  	s13 =	simm.s32 $0x111A0;
	v61 =	vmul.f32 v60, v59;
	v10 =	vnsel vm0, $0x0, v10;
	vm0 =	vmand vm3, vm11  }
0x435: {  	s14 =	simm.s32 $0x138C0;
	v62 =	vld [tilespmem:s13+$0x0];
	v39 =	vsub.f32 v39, v10;
	v12 =	vnsel vm0, $0x0, v12;
	vm0 =	vmand vm12, vm2  }
0x436: {  	v63 =	vld [tilespmem:s14+$0x0];
	v37 =	vsub.f32 v37, v12;
	v41 =	vnsel vm0, $0x0, v61  }
0x437: {  	v48 =	vld [tilespmem:s0+$0x0];
	s20 =	simm.s32 $0xC360;
	v35 =	vsub.f32 v35, v41;
	(erf) = vrcp.f32 v39  }
0x438: {  	s21 =	simm.s32 $0xEA80;
	v49 =	vld [tilespmem:s20+$0x0];
	(erf) = vrcp.f32 v37  }
0x439: {  	v47 =	vimm.f32 $-1.000000000e+00;
	v50 =	vld [tilespmem:s21+$0x0];
	(erf) = vrcp.f32 v35  }
0x43a: {  	v38 =	vor.u32 s1, v11;
	v43 =	vimm.f32 $-2.000000000e+00;
	v44 =	vimm.s32 $0x0  }
0x43b: {  	v45 =	vimm.s32 $0x0;
	v60 =	vmul.f32 v63, v62;
	v40 =	vmul.f32 $5.000000000e-01, v62  }
0x43c: {  	v46 =	vand.u32 $0x2, v48;
	v42 =	vmul.f32 $5.000000000e-01, v63;
	v61 =	vand.u32 $0x1, v48  }
0x43d: {  	v48 =	vimm.f32 $-1.000000000e+00;
	v39 =	vadd.f32 v60, v33;
	v53 =	vsub.f32 v49, v40  }
0x43e: {  	p2 =	sne.s32 s10, $0x1;
	vm11 =	veq.s32 v61, $0x1;
	v54 =	vadd.f32 v40, v49;
	v56 =	vsub.f32 v50, v42  }
.Ltmp22:
0x43f: {  	v58 =	vadd.f32 v42, v50;
	v40 =	vimm.f32 $-2.000000000e+00;
	v42 =	vimm.s32 $0x0;
	(pc) =	sbr.rel @!p2 .LBB2_34-.Ltmp22, $4  }
0x440: {  	v49 =	vimm.f32 $-1.000000000e+00;
	v37 =	vadd.f32 v60, v34;
	vm12 =	vmand vm9, vm11;
	v62 =	vpop (erf)  }
0x441: {  	vm13 =	vmand vm10, vm11;
	v35 =	vadd.f32 v60, v36;
	v55 =	vmax.f32 v53, v30;
	v63 =	vpop (erf)  }
0x442: {  	s22 =	sadd.s32 $0xFFFFFFFF, s10;
	v57 =	vmin.f32 v54, v31;
	v59 =	vmax.f32 v56, v32;
	v50 =	vmul.f32 v62, v10;
	v10 =	vpop (erf)  }
0x443: {  	p1 =	por $0x1, $0x1;
	s11 =	simm.s32 $0x186F0;
	s10 =	simm.s32 $0x0;
	v51 =	vmul.f32 v63, v12;
	v52 =	vmul.f32 v10, v41;
	v41 =	vimm.f32 $-2.000000000e+00  }
.LBB2_35:
0x444: {  	p2 =	sne.s32 s22, $0x1;
	v10 =	vmin.f32 v58, v21;
	v12 =	vmax.f32 v53, v22;
	v60 =	vmin.f32 v54, v23  }
0x445: {  	v61 =	vnsel vm11, $0xBF800000, v50;
	v62 =	vnsel vm12, $0xBF800000, v51;
	v63 =	vnsel vm13, $0xBF800000, v52  }
0x446: {  	vm11 =	vgt.f32 v61, v40;
	vm12 =	vgt.f32 v62, v41;
	vm13 =	vgt.f32 v63, v43  }
0x447: {  	v40 =	vsel vm11, v61, v40;
	v41 =	vsel vm12, v62, v41;
	v43 =	vsel vm13, v63, v43  }
0x448: {  	v53 =	vmax.f32 v53, v26;
	v61 =	vmax.f32 v56, v24;
	v62 =	vmin.f32 v58, v25  }
0x449: {  	v54 =	vmin.f32 v54, v27;
	v56 =	vmax.f32 v56, v28;
	v58 =	vmin.f32 v58, v29  }
0x44a: {  	vm0 =	vlt.f32 v55, v57;
	vm2 =	vlt.f32 v59, v10;
	vm3 =	vlt.f32 v12, v60  }
0x44b: {  	v55 =	vsub.f32 v57, v55;
	v10 =	vsub.f32 v10, v59;
	vm14 =	vlt.f32 v61, v62  }
0x44c: {  	v12 =	vsub.f32 v60, v12;
	vm15 =	vlt.f32 v53, v54;
	v57 =	vsub.f32 v62, v61  }
0x44d: {  	v53 =	vsub.f32 v54, v53;
	v10 =	vmul.f32 v10, v55;
	v54 =	vsub.f32 v58, v56  }
0x44e: {  	vm0 =	vmand vm0, vm2;
	vm2 =	vlt.f32 v56, v58;
	v12 =	vmul.f32 v57, v12  }
0x44f: {  	v10 =	vnsel vm0, $0x0, v10;
	vm0 =	vmand vm3, vm14;
	v53 =	vmul.f32 v54, v53  }
0x450: {  	s13 =	sadd.s32 $0x10, s13;
	v39 =	vsub.f32 v39, v10;
	v12 =	vnsel vm0, $0x0, v12;
	vm0 =	vmand vm15, vm2  }
0x451: {  	s14 =	sadd.s32 $0x10, s14;
	v37 =	vsub.f32 v37, v12;
	v60 =	vnsel vm0, $0x0, v53;
	vm0 =	vne.s32 v46, $0x0;
	v54 =	vld [tilespmem:s13+$0x0]  }
0x452: {  	s11 =	sadd.s32 $0x10, s11;
	v35 =	vsub.f32 v35, v60;
	vm2 =	vmand vm9, vm0;
	v53 =	vld [tilespmem:s14+$0x0];
	(erf) = vrcp.f32 v39  }
0x453: {  	v39 =	vld [tilespmem:s11+$0x0];
	(erf) = vrcp.f32 v37;
	v37 =	vnsel vm0, $0xBF800000, v50;
	vm0 =	vmand vm10, vm0  }
0x454: {  	(erf) = vrcp.f32 v35;
	v35 =	vnsel vm2, $0xBF800000, v51;
	v46 =	vnsel vm0, $0xBF800000, v52  }
0x455: {  	s20 =	sadd.s32 $0x10, s20;
	v42 =	vsel vm11, v38, v42;
	v44 =	vsel vm12, v38, v44;
	v45 =	vsel vm13, v38, v45  }
0x456: {  	s21 =	sadd.s32 $0x10, s21;
	v47 =	vmax.f32 v47, v37;
	v49 =	vmax.f32 v49, v35;
	v48 =	vmax.f32 v48, v46;
	v50 =	vld [tilespmem:s20+$0x0]  }
0x457: {  	s10 =	sadd.s32 $0x10, s10;
	v51 =	vld [tilespmem:s21+$0x0];
	v35 =	vmul.f32 v53, v54  }
0x458: {  	v38 =	vor.u32 s10, v11;
	v52 =	vand.u32 $0x1, v39;
	v46 =	vand.u32 $0x2, v39  }
0x459: {  	v54 =	vmul.f32 $5.000000000e-01, v54;
	v55 =	vmul.f32 $5.000000000e-01, v53;
	v39 =	vadd.f32 v35, v33  }
.Ltmp23:
0x45a: {  	v37 =	vadd.f32 v35, v34;
	v35 =	vadd.f32 v35, v36;
	vm11 =	veq.s32 v52, $0x1;
	(pc) =	sbr.rel @p2 .LBB2_35-.Ltmp23, $4  }
0x45b: {  	vm12 =	vmand vm9, vm11;
	v53 =	vsub.f32 v50, v54;
	v54 =	vadd.f32 v54, v50;
	v50 =	vpop (erf)  }
0x45c: {  	vm13 =	vmand vm10, vm11;
	v56 =	vsub.f32 v51, v55;
	v58 =	vadd.f32 v55, v51;
	v51 =	vpop (erf)  }
0x45d: {  	v50 =	vmul.f32 v50, v10;
	v55 =	vmax.f32 v53, v30;
	v57 =	vmin.f32 v54, v31;
	v10 =	vpop (erf)  }
0x45e: {  	s22 =	sadd.s32 $0xFFFFFFFF, s22;
	v51 =	vmul.f32 v51, v12;
	v59 =	vmax.f32 v56, v32;
	v52 =	vmul.f32 v10, v60  }
.LBB2_36:
0x45f: {  	v10 =	vmin.f32 v58, v21;
	v12 =	vmax.f32 v53, v22  }
0x460: {  	v21 =	vmin.f32 v54, v23;
	v22 =	vmax.f32 v56, v24;
	v23 =	vmin.f32 v58, v25  }
0x461: {  	v24 =	vmax.f32 v53, v26;
	v25 =	vmin.f32 v54, v27;
	v26 =	vmax.f32 v56, v28  }
0x462: {  	v27 =	vmin.f32 v58, v29;
	vm0 =	vlt.f32 v55, v57;
	v55 =	vsub.f32 v57, v55  }
0x463: {  	s11 =	sadd.s32 @p1 $0x10, s11;
	vm2 =	vlt.f32 v59, v10;
	vm3 =	vlt.f32 v12, v21;
	v10 =	vsub.f32 v10, v59  }
0x464: {  	vm14 =	vlt.f32 v22, v23;
	v12 =	vsub.f32 v21, v12;
	v21 =	vsub.f32 v23, v22;
	s0 =	smov.u32 @p1 s11  }
0x465: {  	vm15 =	vlt.f32 v24, v25;
	v22 =	vsub.f32 v25, v24;
	v23 =	vsub.f32 v27, v26;
	v25 =	vld [tilespmem:s0+$0x0]  }
0x466: {  	vm0 =	vmand vm0, vm2;
	s0 =	sadd.s32 @p1 $0x10, s10;
	v10 =	vmul.f32 v10, v55  }
0x467: {  	vm2 =	vlt.f32 v26, v27;
	v12 =	vmul.f32 v21, v12;
	v21 =	vmul.f32 v23, v22;
	s1 =	smov.u32 @p1 s0  }
0x468: {  	v56 =	vor.u32 s1, v11;
	v10 =	vnsel vm0, $0x0, v10;
	vm0 =	vmand vm3, vm14  }
0x469: {  	v22 =	vsub.f32 v39, v10;
	v12 =	vnsel vm0, $0x0, v12;
	vm0 =	vmand vm15, vm2  }
0x46a: {  	v23 =	vsub.f32 v37, v12;
	v21 =	vnsel vm0, $0x0, v21;
	v32 =	vand.u32 $0x1, v25  }
0x46b: {  	v34 =	vand.u32 $0x2, v25;
	v24 =	vsub.f32 v35, v21;
	(erf) = vrcp.f32 v22  }
0x46c: {  	v22 =	vnsel @p1 vm11, $0xBF800000, v50;
	vm11 =	vne.s32 @p1 v46, $0x0;
	(erf) = vrcp.f32 v23  }
0x46d: {  	v23 =	vnsel @p1 vm12, $0xBF800000, v51;
	vm0 =	vgt.f32 @p1 v22, v40;
	vm12 =	vmand @p1 vm9, vm11  }
0x46e: {  	v26 =	vnsel @p1 vm11, $0xBF800000, v50;
	(erf) = vrcp.f32 v24;
	v24 =	vnsel @p1 vm13, $0xBF800000, v52  }
0x46f: {  	vm2 =	vgt.f32 @p1 v23, v41;
	v22 =	vsel @p1 vm0, v22, v40;
	vm13 =	vmand @p1 vm10, vm11  }
0x470: {  	v27 =	vnsel @p1 vm12, $0xBF800000, v51;
	v29 =	vsel @p1 vm0, v38, v42;
	v26 =	vmax.f32 @p1 v47, v26  }
0x471: {  	vm0 =	veq.s32 v32, $0x1;
	vm11 =	vne.s32 v34, $0x0;
	vm3 =	vgt.f32 @p1 v24, v43  }
0x472: {  	v23 =	vsel @p1 vm2, v23, v41;
	v28 =	vnsel @p1 vm13, $0xBF800000, v52;
	v30 =	vsel @p1 vm2, v38, v44  }
0x473: {  	v27 =	vmax.f32 @p1 v49, v27;
	vm2 =	vmand vm9, vm0;
	v22 =	vpsel p1, v22, v20  }
0x474: {  	v26 =	vpsel p1, v26, v18;
	vm9 =	vmand vm9, vm11;
	v24 =	vsel @p1 vm3, v24, v43  }
0x475: {  	v31 =	vsel @p1 vm3, v38, v45;
	v28 =	vmax.f32 @p1 v48, v28;
	vm3 =	vmand vm10, vm0  }
0x476: {  	v23 =	vpsel p1, v23, v20;
	v58 =	vpsel p1, v30, v19;
	v27 =	vpsel p1, v27, v18;
	v33 =	vpop (erf)  }
0x477: {  	vm10 =	vmand vm10, vm11;
	v20 =	vpsel p1, v24, v20;
	v25 =	vpop (erf);
	v10 =	vmul.f32 v33, v10  }
0x478: {  	v24 =	vpsel p1, v29, v19;
	v59 =	vpsel p1, v31, v19;
	v57 =	vpop (erf);
	v12 =	vmul.f32 v25, v12  }
0x479: {  	v18 =	vpsel p1, v28, v18;
	v21 =	vmul.f32 v57, v21;
	v19 =	vnsel vm0, $0xBF800000, v10  }
0x47a: {  	v10 =	vnsel vm11, $0xBF800000, v10;
	v60 =	vnsel vm2, $0xBF800000, v12;
	vm0 =	vgt.f32 v19, v22  }
0x47b: {  	v12 =	vnsel vm9, $0xBF800000, v12;
	v61 =	vnsel vm3, $0xBF800000, v21;
	vm2 =	vgt.f32 v60, v23  }
.Ltmp24:
0x47c: {  	v25 =	vsel vm0, v19, v22;
	vm3 =	vgt.f32 v61, v20;
	v22 =	vsel vm2, v60, v23;
	(pc) =	sbr.rel .LBB2_37-.Ltmp24, $4  }
0x47d: {  	v23 =	vsel vm0, v56, v24;
	v62 =	vsel vm2, v56, v58;
	v24 =	vmax.f32 v26, v10  }
0x47e: {  	v19 =	vsel vm3, v61, v20;
	v20 =	vnsel vm10, $0xBF800000, v21;
	v63 =	vsel vm3, v56, v59  }
0x47f: {  	v21 =	vmax.f32 v27, v12;
	v26 =	vxor.u32 $0x80000000, v23;
	v23 =	vxor.u32 $0x80000000, v62  }
0x480: {  	vm3 =	vcmask $0x300;
	v18 =	vmax.f32 v18, v20;
	v20 =	vxor.u32 $0x80000000, v63  }
.LBB2_30:
0x481: {  	v24 =	vimm.f32 $-1.000000000e+00;
	v26 =	vimm.s32 $0x80000000;
	v25 =	vimm.f32 $-2.000000000e+00  }
0x482: {  	v22 =	vimm.f32 $-2.000000000e+00;
	v23 =	vimm.s32 $0x80000000;
	v21 =	vimm.f32 $-1.000000000e+00  }
0x483: {  	v19 =	vimm.f32 $-2.000000000e+00;
	v20 =	vimm.s32 $0x80000000;
	v18 =	vimm.f32 $-1.000000000e+00  }
.LBB2_37:
0x484: {  	(xrf0) =	vmax.scan.msk.f32 $0xffff, v25;
	_ =	sdelay $0x5  }
0x485: {  	v10, _, _ =	vpop (xrf0)  }
0x486: {  	v10 =	vbroadcast v10, $0xF;
	_ =	sdelay $0x1  }
0x487: {  	vm0 =	veq.f32 v25, v10  }
0x488: {  	v12 =	vnsel vm0, $0x80002710, v26  }
0x489: {  	(xrf0) =	vmin.scan.msk.u32 $0xffff, v12;
	_ =	sdelay $0x5  }
0x48a: {  	v12, _, _ =	vpop (xrf0)  }
0x48b: {  	(v2sf) =	vpush v12, $0xF;
	_ =	sdelay $0xe  }
0x48c: {  	s0 =	spop (v2sf)  }
0x48d: {  	s0 =	sxor.u32 $0x80000000, s0  }
0x48e: {  	v12 =	vmov s0;
	_ =	sdelay $0x3  }
0x48f: {  	s20 =	simm.s32 $0x15FD0  }
0x490: {  	s21 =	simm.s32 $0xC350;
	v52 =	vld.idx.msk [tilespmem:v12+s20+$0x0], $0xffff  }
0x491: {  	s22 =	simm.s32 $0xEA70;
	v53 =	vld.idx.msk [tilespmem:v12+s21+$0x0], $0xffff  }
0x492: {  	v27 =	vld.idx.msk [tilespmem:v12+s22+$0x0], $0xffff  }
0x493: {  	v28 =	vld.idx.msk [tilespmem:v12+s23+$0x0], $0xffff  }
0x494: {  	v12 =	vld.idx.msk [tilespmem:v12+s24+$0x0], $0xffff  }
0x495: {  	(xrf0) =	vmax.scan.msk.f32 $0xffff, v52  }
0x496: {  	(xrf0) =	vmax.scan.msk.f32 $0xffff, v53  }
0x497: {  	(xrf0) =	vmax.scan.msk.f32 $0xffff, v27  }
0x498: {  	(xrf0) =	vmax.scan.msk.f32 $0xffff, v28  }
0x499: {  	(xrf0) =	vmax.scan.msk.f32 $0xffff, v12  }
0x49a: {  	p2 =	seq.s32 s30, $0x7;
	(xrf0) =	vmax.scan.msk.f32 $0xffff, v24  }
0x49b: {  	v12, _, _ =	vpop (xrf0);
	(xrf0) =	vmax.scan.msk.f32 @!p2 $0xffff, v22  }
0x49c: {  	v54, _, _ =	vpop (xrf0)  }
0x49d: {  	v55, _, _ =	vpop (xrf0)  }
0x49e: {  	v56, _, _ =	vpop (xrf0)  }
0x49f: {  	v57, _, _ =	vpop (xrf0)  }
0x4a0: {  	v58, _, _ =	vpop (xrf0)  }
0x4a1: {  	v29, _, _ =	vpop @!p2 (xrf0)  }
0x4a2: {  	v29 =	vbroadcast @!p2 v29, $0xF;
	_ =	sdelay $0x1  }
0x4a3: {  	vm0 =	veq.f32 @!p2 v22, v29  }
0x4a4: {  	v22 =	vnsel @!p2 vm0, $0x80002710, v23  }
0x4a5: {  	(xrf0) =	vmin.scan.msk.u32 @!p2 $0xffff, v22;
	_ =	sdelay $0x5  }
0x4a6: {  	v22, _, _ =	vpop @!p2 (xrf0)  }
0x4a7: {  	(v2sf) =	vpush @!p2 v22, $0xF;
	_ =	sdelay $0x5  }
0x4a8: {  	v59 =	vbroadcast v58, $0xF;
	_ =	sdelay $0x1  }
0x4a9: {  	v10 =	vnsel vm8, $0x0, v10;
	v12 =	vbroadcast v12, $0xF;
	v22 =	vnsel vm1, $0x0, v59  }
0x4aa: {  	vm0 =	vcmask $0xB08;
	v10 =	vadd.f32 v22, v10  }
0x4ab: {  	v60 =	vbroadcast v54, $0xF;
	v12 =	vnsel vm0, $0x0, v12  }
0x4ac: {  	vm0 =	vcmask $0xF0C;
	v10 =	vadd.f32 v12, v10  }
0x4ad: {  	v61 =	vbroadcast v55, $0xF;
	v12 =	vnsel vm0, $0x0, v60  }
0x4ae: {  	v10 =	vadd.f32 v12, v10  }
0x4af: {  	v62 =	vbroadcast v56, $0xF;
	v12 =	vnsel vm4, $0x0, v61  }
0x4b0: {  	v10 =	vadd.f32 v12, v10;
	s0 =	spop @!p2 (v2sf)  }
0x4b1: {  	v63 =	vbroadcast v57, $0xF;
	v12 =	vnsel vm5, $0x0, v62;
	s0 =	sxor.u32 @!p2 $0x80000000, s0  }
0x4b2: {  	v10 =	vadd.f32 v12, v10;
	v12 =	vmov @!p2 s0  }
0x4b3: {  	v22 =	vnsel vm6, $0x0, v63  }
0x4b4: {  	v10 =	vadd.f32 v22, v10;
	_ =	sdelay $0x1  }
0x4b5: {  	[tilespmem:v8+s25+$0x0] =	vst.idx.msk $0x7f, v10;
	s0 =	simm.s32 @!p2 $0x15FD0  }
0x4b6: {  	v10 =	vld.idx.msk @!p2 [tilespmem:v12+s0+$0x0], $0xffff;
	s0 =	simm.s32 @!p2 $0xC350  }
0x4b7: {  	v22 =	vld.idx.msk @!p2 [tilespmem:v12+s0+$0x0], $0xffff;
	s0 =	simm.s32 @!p2 $0xEA70  }
0x4b8: {  	v23 =	vld.idx.msk @!p2 [tilespmem:v12+s0+$0x0], $0xffff;
	s0 =	simm.s32 @!p2 $0x11190  }
0x4b9: {  	v24 =	vld.idx.msk @!p2 [tilespmem:v12+s0+$0x0], $0xffff;
	s0 =	simm.s32 @!p2 $0x138B0  }
0x4ba: {  	v12 =	vld.idx.msk @!p2 [tilespmem:v12+s0+$0x0], $0xffff  }
0x4bb: {  	(xrf0) =	vmax.scan.msk.f32 @!p2 $0xffff, v10  }
0x4bc: {  	(xrf0) =	vmax.scan.msk.f32 @!p2 $0xffff, v22  }
0x4bd: {  	(xrf0) =	vmax.scan.msk.f32 @!p2 $0xffff, v23  }
0x4be: {  	(xrf0) =	vmax.scan.msk.f32 @!p2 $0xffff, v24  }
0x4bf: {  	p1 =	slt.u32 @!p2 s30, $0x9;
	(xrf0) =	vmax.scan.msk.f32 @!p2 $0xffff, v12  }
0x4c0: {  	p1 =	por p2, p1;
	(xrf0) =	vmax.scan.msk.f32 @!p2 $0xffff, v21  }
0x4c1: {  	v10, _, _ =	vpop @!p2 (xrf0);
	(xrf0) =	vmax.scan.msk.f32 @!p1 $0xffff, v19  }
0x4c2: {  	v12, _, _ =	vpop @!p2 (xrf0)  }
0x4c3: {  	v21, _, _ =	vpop @!p2 (xrf0)  }
0x4c4: {  	v22, _, _ =	vpop @!p2 (xrf0)  }
0x4c5: {  	v23, _, _ =	vpop @!p2 (xrf0)  }
0x4c6: {  	v24, _, _ =	vpop @!p2 (xrf0)  }
0x4c7: {  	v25, _, _ =	vpop @!p1 (xrf0)  }
0x4c8: {  	v25 =	vbroadcast @!p1 v25, $0xF;
	_ =	sdelay $0x1  }
0x4c9: {  	vm0 =	veq.f32 @!p1 v19, v25  }
0x4ca: {  	v19 =	vnsel @!p1 vm0, $0x80002710, v20  }
0x4cb: {  	(xrf0) =	vmin.scan.msk.u32 @!p1 $0xffff, v19;
	_ =	sdelay $0x5  }
0x4cc: {  	v19, _, _ =	vpop @!p1 (xrf0)  }
0x4cd: {  	(v2sf) =	vpush @!p1 v19, $0xF;
	_ =	sdelay $0x3  }
0x4ce: {  	v19 =	vbroadcast @!p2 v24, $0xF  }
0x4cf: {  	vm2 =	vcmask @!p2 $0x704;
	vm0 =	vmmov @!p2 $0x1  }
0x4d0: {  	v10 =	vbroadcast @!p2 v10, $0xF;
	v20 =	vnsel @!p2 vm0, $0x0, v29;
	v19 =	vnsel @!p2 vm2, $0x0, v19  }
0x4d1: {  	vm0 =	vcmask @!p2 $0xB08;
	v19 =	vadd.f32 @!p2 v19, v20  }
0x4d2: {  	v12 =	vbroadcast @!p2 v12, $0xF;
	v10 =	vnsel @!p2 vm0, $0x0, v10  }
0x4d3: {  	vm0 =	vcmask @!p2 $0xF0C;
	v10 =	vadd.f32 @!p2 v10, v19  }
0x4d4: {  	v12 =	vnsel @!p2 vm0, $0x0, v12;
	v19 =	vbroadcast @!p2 v21, $0xF  }
0x4d5: {  	vm0 =	vcmask @!p2 $0x1310;
	v10 =	vadd.f32 @!p2 v12, v10  }
0x4d6: {  	v20 =	vimm.s32 @!p2 $0x77675747;
	v12 =	vnsel @!p2 vm0, $0x0, v19;
	v19 =	vimm.s32 @!p2 $0x37271707  }
0x4d7: {  	v10 =	vadd.f32 @!p2 v12, v10;
	v12 =	vunpack.c.0.s8.s32 @!p2 v19;
	v19 =	vunpack.c.0.s8.s32 @!p2 v20  }
0x4d8: {  	vm2 =	vcmask @!p2 $0xF00;
	vm0 =	vcmask @!p2 $0x1714;
	v20 =	vbroadcast @!p2 v22, $0xF  }
0x4d9: {  	v12 =	vnsel @!p2 vm2, $0x87, v12;
	v19 =	vand.u32 @!p2 $0xFF, v19;
	vm2 =	vcmask @!p2 $0x1F10;
	s0 =	spop @!p1 (v2sf)  }
0x4da: {  	v21 =	vbroadcast @!p2 v23, $0xF;
	v20 =	vnsel @!p2 vm0, $0x0, v20;
	v12 =	vsel @!p2 vm2, v19, v12;
	s0 =	sxor.u32 @!p1 $0x80000000, s0  }
0x4db: {  	vm0 =	vcmask @!p2 $0x1B18;
	v10 =	vadd.f32 @!p2 v20, v10;
	v19 =	vmov @!p1 s0  }
0x4dc: {  	v20 =	vnsel @!p2 vm0, $0x0, v21  }
0x4dd: {  	v10 =	vadd.f32 @!p2 v20, v10  }
0x4de: {  	s0 =	simm.s32 @!p2 $0x1D530  }
0x4df: {  	[tilespmem:v12+s0+$0x0] =	vst.idx.msk @!p2 $0x7f, v10;
	s0 =	simm.s32 @!p1 $0x15FD0  }
0x4e0: {  	v10 =	vld.idx.msk @!p1 [tilespmem:v19+s0+$0x0], $0xffff;
	s0 =	simm.s32 @!p1 $0xC350  }
0x4e1: {  	v12 =	vld.idx.msk @!p1 [tilespmem:v19+s0+$0x0], $0xffff;
	s0 =	simm.s32 @!p1 $0xEA70  }
0x4e2: {  	v20 =	vld.idx.msk @!p1 [tilespmem:v19+s0+$0x0], $0xffff;
	s0 =	simm.s32 @!p1 $0x11190  }
0x4e3: {  	v21 =	vld.idx.msk @!p1 [tilespmem:v19+s0+$0x0], $0xffff;
	s0 =	simm.s32 @!p1 $0x138B0  }
0x4e4: {  	v19 =	vld.idx.msk @!p1 [tilespmem:v19+s0+$0x0], $0xffff  }
0x4e5: {  	(xrf0) =	vmax.scan.msk.f32 @!p1 $0xffff, v10  }
0x4e6: {  	(xrf0) =	vmax.scan.msk.f32 @!p1 $0xffff, v12  }
0x4e7: {  	(xrf0) =	vmax.scan.msk.f32 @!p1 $0xffff, v20  }
0x4e8: {  	(xrf0) =	vmax.scan.msk.f32 @!p1 $0xffff, v21  }
0x4e9: {  	(xrf0) =	vmax.scan.msk.f32 @!p1 $0xffff, v19  }
0x4ea: {  	(xrf0) =	vmax.scan.msk.f32 @!p1 $0xffff, v18  }
0x4eb: {  	v10, _, _ =	vpop @!p1 (xrf0)  }
0x4ec: {  	v12, _, _ =	vpop @!p1 (xrf0)  }
0x4ed: {  	v18, _, _ =	vpop @!p1 (xrf0)  }
0x4ee: {  	v19, _, _ =	vpop @!p1 (xrf0)  }
0x4ef: {  	v20, _, _ =	vpop @!p1 (xrf0)  }
0x4f0: {  	v21, _, _ =	vpop @!p1 (xrf0)  }
0x4f1: {  	v21 =	vbroadcast @!p1 v21, $0xF  }
0x4f2: {  	vm0 =	vmmov @!p1 $0x1;
	vm2 =	vcmask @!p1 $0x704  }
0x4f3: {  	v22 =	vnsel @!p1 vm0, $0x0, v25;
	v10 =	vbroadcast @!p1 v10, $0xF;
	v21 =	vnsel @!p1 vm2, $0x0, v21  }
0x4f4: {  	vm0 =	vcmask @!p1 $0xB08;
	v21 =	vadd.f32 @!p1 v21, v22  }
0x4f5: {  	v12 =	vbroadcast @!p1 v12, $0xF;
	v10 =	vnsel @!p1 vm0, $0x0, v10  }
0x4f6: {  	vm0 =	vcmask @!p1 $0xF0C;
	v10 =	vadd.f32 @!p1 v10, v21  }
0x4f7: {  	v18 =	vbroadcast @!p1 v18, $0xF;
	v12 =	vnsel @!p1 vm0, $0x0, v12  }
0x4f8: {  	vm0 =	vcmask @!p1 $0x1310;
	v10 =	vadd.f32 @!p1 v12, v10  }
0x4f9: {  	v21 =	vimm.s32 @!p1 $0x78685848;
	v12 =	vnsel @!p1 vm0, $0x0, v18;
	v18 =	vimm.s32 @!p1 $0x38281808  }
0x4fa: {  	v10 =	vadd.f32 @!p1 v12, v10;
	v12 =	vunpack.c.0.s8.s32 @!p1 v18;
	v18 =	vunpack.c.0.s8.s32 @!p1 v21  }
0x4fb: {  	v19 =	vbroadcast @!p1 v19, $0xF;
	vm2 =	vcmask @!p1 $0xF00;
	vm0 =	vcmask @!p1 $0x1714  }
0x4fc: {  	p2 =	seq.s32 @!p1 s30, $0x9;
	v12 =	vnsel @!p1 vm2, $0x88, v12;
	v18 =	vand.u32 @!p1 $0xFF, v18;
	vm2 =	vcmask @!p1 $0x1F10  }
0x4fd: {  	p2 =	por p1, p2;
	v20 =	vbroadcast @!p1 v20, $0xF;
	v19 =	vnsel @!p1 vm0, $0x0, v19;
	v12 =	vsel @!p1 vm2, v18, v12  }
.Ltmp25:
0x4fe: {  	vm0 =	vcmask @!p1 $0x1B18;
	v10 =	vadd.f32 @!p1 v19, v10;
	(pc) =	sbr.rel @p2 .LBB2_47-.Ltmp25, $4  }
0x4ff: {  	v18 =	vnsel @!p1 vm0, $0x0, v20  }
0x500: {  	v10 =	vadd.f32 @!p1 v18, v10  }
0x501: {  	s0 =	simm.s32 @!p1 $0x1D530  }
0x502: {  	[tilespmem:v12+s0+$0x0] =	vst.idx.msk @!p1 $0x7f, v10  }
.Ltmp26:
0x503: {  	(pc) =	sbr.rel @p0 .LBB2_39-.Ltmp26, $1  }
0x504: {  	_ =	sdelay $0x3  }
0x505: {  	s0 =	simm.s32 $0x11190  }
0x506: {  	v18 =	vbroadcast v16, $0x9;
	s1 =	simm.s32 $0x138B0;
	v19 =	vbroadcast v17, $0x9;
	v36 =	vld [tilespmem:s0+$0x0]  }
0x507: {  	v20 =	vbroadcast v14, $0x9;
	v21 =	vbroadcast v15, $0x9;
	p1 =	sne.s32 s31, $0x1;
	v37 =	vld [tilespmem:s1+$0x0]  }
.Ltmp27:
0x508: {  	v25 =	vbroadcast v13, $0x9;
	v22 =	vbroadcast v16, $0xA;
	(pc) =	sbr.rel @!p1 .LBB2_41-.Ltmp27, $4  }
0x509: {  	v17 =	vbroadcast v17, $0xA;
	v23 =	vbroadcast v14, $0xA  }
0x50a: {  	vm9 =	vmmov vm7;
	v24 =	vbroadcast v15, $0xA;
	s22 =	simm.s32 $0xC350;
	v16 =	vbroadcast v13, $0xA  }
0x50b: {  	p0 =	sne.s32 s30, $0xA;
	v15 =	vimm.f32 $-2.000000000e+00;
	v13 =	vimm.s32 $0x0;
	s10 =	simm.s32 $0xEA70;
	v14 =	vimm.f32 $-1.000000000e+00;
	s1 =	simm.s32 $0x186F0;
	v38 =	vld [tilespmem:s22+$0x0]  }
0x50c: {  	vm9 =	vmneg @p0 vm9;
	s0 =	simm.s32 $0x0;
	v39 =	vld [tilespmem:s10+$0x0];
	s10 =	sadd.s32 $0xFFFFFFFF, s31;
	p0 =	por $0x0, $0x0;
	v40 =	vmul.f32 $5.000000000e-01, v36;
	v41 =	vmul.f32 $5.000000000e-01, v37  }
0x50d: {  	_ =	sdelay $0x1  }
0x50e: {  	v12 =	vmul.f32 v37, v36  }
0x50f: {  	v10 =	vsub.f32 v38, v40  }
0x510: {  	v29 =	vadd.f32 v12, v25;
	v26 =	vadd.f32 v40, v38  }
0x511: {  	v27 =	vsub.f32 v39, v41;
	v28 =	vadd.f32 v41, v39;
	v30 =	vmax.f32 v10, v18  }
0x512: {  	v31 =	vmin.f32 v26, v19;
	v10 =	vmax.f32 v10, v22;
	v26 =	vmin.f32 v26, v17  }
0x513: {  	s13 =	simm.s32 $0x111A0;
	v32 =	vmax.f32 v27, v20;
	v33 =	vmin.f32 v28, v21;
	v27 =	vmax.f32 v27, v23  }
0x514: {  	s14 =	simm.s32 $0x138C0;
	v36 =	vld [tilespmem:s13+$0x0];
	v28 =	vmin.f32 v28, v24;
	v34 =	vsub.f32 v31, v30;
	v35 =	vsub.f32 v33, v32  }
0x515: {  	v37 =	vld [tilespmem:s14+$0x0];
	vm0 =	vlt.f32 v30, v31;
	v30 =	vsub.f32 v26, v10;
	v31 =	vsub.f32 v28, v27  }
0x516: {  	vm3 =	vlt.f32 v10, v26;
	vm2 =	vlt.f32 v32, v33;
	v10 =	vmul.f32 v35, v34  }
0x517: {  	vm10 =	vlt.f32 v27, v28;
	vm0 =	vmand vm0, vm2;
	v35 =	vld [tilespmem:s1+$0x0];
	v26 =	vmul.f32 v31, v30  }
0x518: {  	v32 =	vnsel vm0, $0x0, v10;
	vm0 =	vmand vm3, vm10;
	v10 =	vadd.f32 v12, v16  }
0x519: {  	s20 =	simm.s32 $0xC360;
	p1 =	sne.s32 s10, $0x1;
	v12 =	vsub.f32 v29, v32;
	v34 =	vnsel vm0, $0x0, v26  }
.Ltmp28:
0x51a: {  	s21 =	simm.s32 $0xEA80;
	v38 =	vld [tilespmem:s20+$0x0];
	v40 =	vmul.f32 $5.000000000e-01, v36;
	v41 =	vmul.f32 $5.000000000e-01, v37;
	v10 =	vsub.f32 v10, v34;
	(pc) =	sbr.rel @!p1 .LBB2_43-.Ltmp28, $4  }
0x51b: {  	v39 =	vld [tilespmem:s21+$0x0];
	v27 =	vimm.f32 $-2.000000000e+00;
	v28 =	vimm.s32 $0x0;
	(erf) = vrcp.f32 v12  }
0x51c: {  	v33 =	vimm.f32 $-1.000000000e+00;
	v12 =	vand.u32 $0x2, v35;
	(erf) = vrcp.f32 v10  }
0x51d: {  	s22 =	sadd.s32 $0xFFFFFFFF, s10;
	v30 =	vimm.f32 $-1.000000000e+00;
	v31 =	vimm.s32 $0x0;
	vm10 =	vne.s32 v12, $0x0  }
0x51e: {  	p0 =	por $0x1, $0x1;
	s11 =	simm.s32 $0x186F0;
	s10 =	simm.s32 $0x0;
	v29 =	vor.u32 s0, v11;
	v26 =	vimm.f32 $-2.000000000e+00;
	vm11 =	vmand vm9, vm10  }
.LBB2_44:
0x51f: {  	p1 =	sne.s32 s22, $0x1;
	v10 =	vsub.f32 v38, v40;
	v12 =	vmul.f32 v37, v36;
	v35 =	vand.u32 $0x1, v35  }
0x520: {  	v36 =	vadd.f32 v40, v38;
	v37 =	vsub.f32 v39, v41;
	vm12 =	veq.s32 v35, $0x1  }
0x521: {  	v35 =	vadd.f32 v41, v39;
	v38 =	vadd.f32 v12, v25;
	vm0 =	vmand vm9, vm12  }
0x522: {  	v39 =	vmax.f32 v10, v18;
	v40 =	vmin.f32 v36, v19;
	v41 =	vmax.f32 v37, v20  }
0x523: {  	v10 =	vmax.f32 v10, v22;
	v36 =	vmin.f32 v36, v17;
	v42 =	vmin.f32 v35, v21  }
0x524: {  	vm2 =	vlt.f32 v39, v40;
	v37 =	vmax.f32 v37, v23;
	v35 =	vmin.f32 v35, v24;
	v43 =	vpop (erf)  }
0x525: {  	v39 =	vsub.f32 v40, v39;
	vm13 =	vlt.f32 v10, v36;
	vm3 =	vlt.f32 v41, v42;
	v40 =	vpop (erf)  }
0x526: {  	v41 =	vsub.f32 v42, v41;
	v42 =	vmul.f32 v43, v32;
	v40 =	vmul.f32 v40, v34  }
0x527: {  	v10 =	vsub.f32 v36, v10;
	vm14 =	vlt.f32 v37, v35;
	v32 =	vsub.f32 v35, v37  }
0x528: {  	vm2 =	vmand vm2, vm3;
	v34 =	vnsel vm12, $0xBF800000, v42;
	v36 =	vnsel vm0, $0xBF800000, v40  }
0x529: {  	s11 =	sadd.s32 $0x10, s11;
	v37 =	vmul.f32 v41, v39;
	vm0 =	vgt.f32 v34, v26;
	vm3 =	vgt.f32 v36, v27  }
0x52a: {  	s13 =	sadd.s32 $0x10, s13;
	v10 =	vmul.f32 v32, v10;
	v26 =	vsel vm0, v34, v26;
	v35 =	vld [tilespmem:s11+$0x0];
	v27 =	vsel vm3, v36, v27  }
0x52b: {  	s14 =	sadd.s32 $0x10, s14;
	v12 =	vadd.f32 v12, v16;
	v32 =	vnsel vm2, $0x0, v37;
	vm2 =	vmand vm13, vm14;
	v36 =	vld [tilespmem:s13+$0x0]  }
0x52c: {  	s20 =	sadd.s32 $0x10, s20;
	v41 =	vsub.f32 v38, v32;
	v34 =	vnsel vm2, $0x0, v10;
	v10 =	vnsel vm10, $0xBF800000, v42;
	v37 =	vld [tilespmem:s14+$0x0]  }
.Ltmp29:
0x52d: {  	s21 =	sadd.s32 $0x10, s21;
	v40 =	vnsel vm11, $0xBF800000, v40;
	v28 =	vsel vm0, v29, v28;
	v12 =	vsub.f32 v12, v34;
	v38 =	vld [tilespmem:s20+$0x0];
	(pc) =	sbr.rel @p1 .LBB2_44-.Ltmp29, $4  }
0x52e: {  	v30 =	vmax.f32 v30, v10;
	v31 =	vsel vm3, v29, v31;
	v39 =	vld [tilespmem:s21+$0x0];
	(erf) = vrcp.f32 v41  }
0x52f: {  	v33 =	vmax.f32 v33, v40;
	v10 =	vand.u32 $0x2, v35;
	(erf) = vrcp.f32 v12  }
0x530: {  	s10 =	sadd.s32 $0x10, s10;
	v40 =	vmul.f32 $5.000000000e-01, v36;
	vm10 =	vne.s32 v10, $0x0  }
0x531: {  	s22 =	sadd.s32 $0xFFFFFFFF, s22;
	v29 =	vor.u32 s10, v11;
	v41 =	vmul.f32 $5.000000000e-01, v37;
	vm11 =	vmand vm9, vm10  }
.LBB2_45:
0x532: {  	v10 =	vsub.f32 v38, v40;
	v12 =	vmul.f32 v37, v36  }
0x533: {  	v54 =	vadd.f32 v40, v38;
	v55 =	vsub.f32 v39, v41  }
0x534: {  	v56 =	vadd.f32 v41, v39;
	v25 =	vadd.f32 v12, v25;
	v18 =	vmax.f32 v10, v18  }
0x535: {  	v19 =	vmin.f32 v54, v19;
	v10 =	vmax.f32 v10, v22;
	v17 =	vmin.f32 v54, v17  }
0x536: {  	v20 =	vmax.f32 v55, v20;
	v21 =	vmin.f32 v56, v21;
	v57 =	vmax.f32 v55, v23  }
0x537: {  	v58 =	vmin.f32 v56, v24;
	v59 =	vsub.f32 v19, v18;
	v60 =	vsub.f32 v21, v20  }
0x538: {  	vm0 =	vlt.f32 v18, v19;
	v18 =	vsub.f32 v17, v10;
	v19 =	vsub.f32 v58, v57  }
0x539: {  	vm3 =	vlt.f32 v10, v17;
	vm2 =	vlt.f32 v20, v21;
	v10 =	vmul.f32 v60, v59  }
0x53a: {  	vm12 =	vlt.f32 v57, v58;
	vm0 =	vmand vm0, vm2;
	v17 =	vmul.f32 v19, v18  }
0x53b: {  	v12 =	vadd.f32 v12, v16;
	v10 =	vnsel vm0, $0x0, v10;
	vm0 =	vmand vm3, vm12  }
0x53c: {  	v16 =	vsub.f32 v25, v10;
	v17 =	vnsel vm0, $0x0, v17  }
0x53d: {  	v12 =	vsub.f32 v12, v17  }
0x53e: {  	v18 =	vpop @p0 (erf);
	(erf) = vrcp.f32 v16  }
0x53f: {  	v19 =	vpop @p0 (erf);
	v16 =	vand.u32 @p0 $0x1, v35;
	(erf) = vrcp.f32 v12  }
0x540: {  	s11 =	sadd.s32 @p0 $0x10, s11;
	v18 =	vmul.f32 @p0 v18, v32;
	vm0 =	veq.s32 @p0 v16, $0x1;
	v12 =	vmul.f32 @p0 v19, v34  }
0x541: {  	s1 =	smov.u32 @p0 s11;
	vm2 =	vmand @p0 vm9, vm0  }
0x542: {  	v16 =	vld [tilespmem:s1+$0x0];
	s1 =	sadd.s32 @p0 $0x10, s10;
	v19 =	vnsel @p0 vm0, $0xBF800000, v18;
	v18 =	vnsel @p0 vm10, $0xBF800000, v18;
	v20 =	vnsel @p0 vm2, $0xBF800000, v12  }
0x543: {  	s0 =	smov.u32 @p0 s1;
	vm0 =	vgt.f32 @p0 v19, v26;
	v12 =	vnsel @p0 vm11, $0xBF800000, v12;
	v18 =	vmax.f32 @p0 v30, v18  }
0x544: {  	v62 =	vor.u32 s0, v11;
	vm2 =	vgt.f32 @p0 v20, v27;
	v19 =	vsel @p0 vm0, v19, v26  }
0x545: {  	v21 =	vsel @p0 vm0, v29, v28;
	v12 =	vmax.f32 @p0 v33, v12;
	v20 =	vsel @p0 vm2, v20, v27  }
0x546: {  	v18 =	vpsel p0, v18, v14;
	v23 =	vsel @p0 vm2, v29, v31;
	v19 =	vpsel p0, v19, v15  }
0x547: {  	v21 =	vpsel p0, v21, v13;
	v12 =	vpsel p0, v12, v14;
	v61 =	vand.u32 $0x2, v16;
	v63 =	vpop (erf)  }
0x548: {  	v15 =	vpsel p0, v20, v15;
	v16 =	vand.u32 $0x1, v16;
	v20 =	vpop (erf);
	v10 =	vmul.f32 v63, v10  }
0x549: {  	vm0 =	vne.s32 v61, $0x0;
	vm3 =	veq.s32 v16, $0x1;
	v16 =	vmul.f32 v20, v17  }
0x54a: {  	vm2 =	vmand vm9, vm0;
	vm9 =	vmand vm9, vm3;
	v17 =	vnsel vm3, $0xBF800000, v10  }
.Ltmp30:
0x54b: {  	v13 =	vpsel p0, v23, v13;
	v20 =	vnsel vm9, $0xBF800000, v16;
	vm3 =	vgt.f32 v17, v19;
	(pc) =	sbr.rel .LBB2_46-.Ltmp30, $4  }
0x54c: {  	v10 =	vnsel vm0, $0xBF800000, v10;
	vm9 =	vgt.f32 v20, v15;
	v17 =	vsel vm3, v17, v19  }
0x54d: {  	v19 =	vnsel vm2, $0xBF800000, v16;
	v16 =	vmax.f32 v18, v10;
	v14 =	vsel vm9, v20, v15  }
0x54e: {  	v15 =	vsel vm3, v62, v21;
	v10 =	vsel vm9, v62, v13;
	v13 =	vmax.f32 v12, v19  }
0x54f: {  	vm3 =	vcmask $0x300;
	v18 =	vxor.u32 $0x80000000, v15;
	v15 =	vxor.u32 $0x80000000, v10  }
.LBB2_14:
.Ltmp31:
0x550: {  	(pc) =	sbr.rel .LBB2_18-.Ltmp31, $4  }
0x551: {  	_ = 	snop  }
0x552: {  	v40 =	vimm.f32 $-2.000000000e+00;
	v41 =	vimm.f32 $-2.000000000e+00;
	v43 =	vimm.f32 $-2.000000000e+00  }
0x553: {  	v42 =	vimm.s32 $0x0;
	v44 =	vimm.s32 $0x0;
	v45 =	vimm.s32 $0x0  }
0x554: {  	s11 =	simm.s32 $0x186F0;
	v47 =	vimm.f32 $-1.000000000e+00;
	v49 =	vimm.f32 $-1.000000000e+00;
	v48 =	vimm.f32 $-1.000000000e+00;
	s10 =	simm.s32 $0x0  }
.LBB2_16:
.Ltmp32:
0x555: {  	(pc) =	sbr.rel .LBB2_18-.Ltmp32, $4  }
0x556: {  	_ = 	snop  }
0x557: {  	v40 =	vimm.f32 $-2.000000000e+00;
	v41 =	vimm.f32 $-2.000000000e+00;
	v43 =	vimm.f32 $-2.000000000e+00  }
0x558: {  	v42 =	vimm.s32 $0x0;
	v44 =	vimm.s32 $0x0;
	v45 =	vimm.s32 $0x0  }
0x559: {  	s11 =	simm.s32 $0x186F0;
	v47 =	vimm.f32 $-1.000000000e+00;
	v49 =	vimm.f32 $-1.000000000e+00;
	v48 =	vimm.f32 $-1.000000000e+00;
	s10 =	simm.s32 $0x0  }
.LBB2_23:
.Ltmp33:
0x55a: {  	(pc) =	sbr.rel .LBB2_27-.Ltmp33, $4  }
0x55b: {  	_ = 	snop  }
0x55c: {  	v40 =	vimm.f32 $-2.000000000e+00;
	v41 =	vimm.f32 $-2.000000000e+00;
	v43 =	vimm.f32 $-2.000000000e+00  }
0x55d: {  	v42 =	vimm.s32 $0x0;
	v44 =	vimm.s32 $0x0;
	v45 =	vimm.s32 $0x0  }
0x55e: {  	s11 =	simm.s32 $0x186F0;
	v47 =	vimm.f32 $-1.000000000e+00;
	v49 =	vimm.f32 $-1.000000000e+00;
	v48 =	vimm.f32 $-1.000000000e+00;
	s10 =	simm.s32 $0x0  }
.LBB2_25:
.Ltmp34:
0x55f: {  	(pc) =	sbr.rel .LBB2_27-.Ltmp34, $4  }
0x560: {  	_ = 	snop  }
0x561: {  	v40 =	vimm.f32 $-2.000000000e+00;
	v41 =	vimm.f32 $-2.000000000e+00;
	v43 =	vimm.f32 $-2.000000000e+00  }
0x562: {  	v42 =	vimm.s32 $0x0;
	v44 =	vimm.s32 $0x0;
	v45 =	vimm.s32 $0x0  }
0x563: {  	s11 =	simm.s32 $0x186F0;
	v47 =	vimm.f32 $-1.000000000e+00;
	v49 =	vimm.f32 $-1.000000000e+00;
	v48 =	vimm.f32 $-1.000000000e+00;
	s10 =	simm.s32 $0x0  }
.LBB2_32:
.Ltmp35:
0x564: {  	(pc) =	sbr.rel .LBB2_36-.Ltmp35, $4  }
0x565: {  	_ = 	snop  }
0x566: {  	v40 =	vimm.f32 $-2.000000000e+00;
	v41 =	vimm.f32 $-2.000000000e+00;
	v43 =	vimm.f32 $-2.000000000e+00  }
0x567: {  	v42 =	vimm.s32 $0x0;
	v44 =	vimm.s32 $0x0;
	v45 =	vimm.s32 $0x0  }
0x568: {  	s11 =	simm.s32 $0x186F0;
	v47 =	vimm.f32 $-1.000000000e+00;
	v49 =	vimm.f32 $-1.000000000e+00;
	v48 =	vimm.f32 $-1.000000000e+00;
	s10 =	simm.s32 $0x0  }
.LBB2_34:
.Ltmp36:
0x569: {  	(pc) =	sbr.rel .LBB2_36-.Ltmp36, $4  }
0x56a: {  	_ = 	snop  }
0x56b: {  	v40 =	vimm.f32 $-2.000000000e+00;
	v41 =	vimm.f32 $-2.000000000e+00;
	v43 =	vimm.f32 $-2.000000000e+00  }
0x56c: {  	v42 =	vimm.s32 $0x0;
	v44 =	vimm.s32 $0x0;
	v45 =	vimm.s32 $0x0  }
0x56d: {  	s11 =	simm.s32 $0x186F0;
	v47 =	vimm.f32 $-1.000000000e+00;
	v49 =	vimm.f32 $-1.000000000e+00;
	v48 =	vimm.f32 $-1.000000000e+00;
	s10 =	simm.s32 $0x0  }
.LBB2_41:
.Ltmp37:
0x56e: {  	(pc) =	sbr.rel .LBB2_45-.Ltmp37, $3  }
0x56f: {  	_ =	sdelay $0x1  }
0x570: {  	v26 =	vimm.f32 $-2.000000000e+00;
	v27 =	vimm.f32 $-2.000000000e+00;
	v28 =	vimm.s32 $0x0  }
0x571: {  	s11 =	simm.s32 $0x186F0;
	v30 =	vimm.f32 $-1.000000000e+00;
	v31 =	vimm.s32 $0x0;
	v33 =	vimm.f32 $-1.000000000e+00;
	s10 =	simm.s32 $0x0  }
.LBB2_43:
.Ltmp38:
0x572: {  	(pc) =	sbr.rel .LBB2_45-.Ltmp38, $3  }
0x573: {  	_ =	sdelay $0x1  }
0x574: {  	v26 =	vimm.f32 $-2.000000000e+00;
	v27 =	vimm.f32 $-2.000000000e+00;
	v28 =	vimm.s32 $0x0  }
0x575: {  	s11 =	simm.s32 $0x186F0;
	v30 =	vimm.f32 $-1.000000000e+00;
	v31 =	vimm.s32 $0x0;
	v33 =	vimm.f32 $-1.000000000e+00;
	s10 =	simm.s32 $0x0  }
.LBB2_48:
0x576: {  	_ =	sfence.sel $0x180000  }
0x577: {  	[bflag:$0x0] =	sbarrier.arrive $0xFFFF  }
0x578: {  	_ =	strace $0x90000047  }
0x579: {  	s0 =	stileid.u32;
	[bflag:$0x2] =	sbarrier.arrive $0xFFFF  }
0x57a: {  	p0 =	sne.s32 s0, $0x0;
	s0 =	rddreg [dreg:$0x1]  }
0x57b: {  	s0 =	sadd.s32 @!p0 $0x100000, s0  }
0x57c: {  	[sflag:s0] =	ssyncadd.tile.s32 @!p0 $0x1;
	_ =	shalt  }
.Lfunc_end2:
_tile_overlayer_lowered:
.L_overlay_start_2:
0x57d: {  	(tag) =	ssettag $0x2  }
0x57e: {  	s0 =	rddreg [dreg:$0x0];
	s2 =	stileid.u32  }
0x57f: {  	s1 =	rddreg [dreg:$0x1];
	p0 =	sne.s32 s2, $0x0  }
0x580: {  	s3 =	rddreg [dreg:$0x2];
	[bflag:$0x3] =	sbarrier.arrive $0xFFFF;
	s2 =	simm.s32 @!p0 $0x1C03  }
0x581: {  	[timem:s3], [sflag:s2] =	dma.local @!p0 [hbm:s0], s1  }
0x582: {  	s0 =	simm.s32 @!p0 $0x3  }
0x583: {  	_ =	swait.ge @!p0 [sflag:s0], s1  }
0x584: {  	s1 =	ssub.s32 @!p0 $0x0, s1;
	[sflag:s0] =	ssyncset.done @!p0 $0x0  }
0x585: {  	[sflag:s0] =	ssyncadd.s32 @!p0 s1  }
0x586: {  	[bflag:$0x3] =	sbarrier.arrive $0xFFFF  }
0x587: {  	_ =	shalt  }

</sc_bundles>
